<compile_context>
chip_gen: v7x
topology: tpu7x:2x2x1
jax: 0.10.2.dev20260603
libtpu: 0.0.44.dev20260713+nightly
codegen_flags: <defaults>
</compile_context>

<pallas_src>
import functools

import jax
import jax.numpy as jnp
from jax import lax
from jax.experimental import pallas as pl
from jax.experimental.pallas import tpu as pltpu
from jax.experimental.pallas import tpu_sc as plsc

B = 8
L = 10000
E = 160000
H = 128

NC = 2
NS = 16
CHUNK = 128
CHUNKS_PER_TILE = 80
E_PAD = NS * CHUNKS_PER_TILE * CHUNK
L_PAD = 10240
ROWS_PER_TILE = 640
B_PER_CORE = B // NC

_RB = 2000
_GRID = (B * L) // _RB

_INV_SQRT2 = 0.7071067811865476


def _gelu(x):
    return 0.5 * x * (1.0 + lax.erf(x * _INV_SQRT2))



def _node_head(x, wcg_ref, bcg_ref, bb1_ref, s3_ref):
    sww = s3_ref[0, 0]
    swb = s3_ref[0, 1]
    sbb = s3_ref[0, 2]
    r = lax.rsqrt((x * x) * sww + (2.0 * x) * swb + (sbb + 1e-5))
    h = (x * r) * wcg_ref[...] + r * bcg_ref[...] + bb1_ref[...]
    return _gelu(h)


def _phase1_body(x_ref, wcg_ref, bcg_ref, bb1_ref, s3_ref, out_ref):
    out_ref[...] = _node_head(x_ref[...], wcg_ref, bcg_ref, bb1_ref,
                              s3_ref).astype(jnp.bfloat16)


def _phase1(x2d, wcg, bcg, ln1_b, s3):
    full = lambda i: (0, 0)
    row = lambda i: (i, 0)
    return pl.pallas_call(
        _phase1_body,
        grid=(_GRID,),
        in_specs=[
            pl.BlockSpec((_RB, 1), row),
            pl.BlockSpec((1, H), full),
            pl.BlockSpec((1, H), full),
            pl.BlockSpec((1, H), full),
            pl.BlockSpec((1, 3), full),
        ],
        out_specs=pl.BlockSpec((_RB, H), row),
        out_shape=jax.ShapeDtypeStruct((B * L, H), jnp.bfloat16),
    )(x2d, wcg, bcg, ln1_b, s3)



HH = H // 2


NSLOT = 4


def _make_sc_body(call_base, with_deg, bpc):
    def body(msg_hbm, src_hbm, dst_hbm, zerosh_hbm, zeros16_hbm, ones16_hbm,
             *rest):
        if with_deg:
            agg_hbm, deg_hbm = rest[0], rest[1]
            scr = rest[2:]
        else:
            agg_hbm = rest[0]
            deg_hbm = None
            scr = rest[1:]
        (src_v, sabs_v, dst_v, gbuf_v, zerosh_v, zeros16_v, ones16_v,
         gsem_a, ssem_a, agg_sh, deg_sh) = scr
        gsems = [gsem_a.at[t] for t in range(NSLOT)]
        ssems = [ssem_a.at[t] for t in range(NSLOT)]
        c = lax.axis_index("c")
        s = lax.axis_index("s")
        row0 = s * ROWS_PER_TILE
        n_last = L - (NS - 1) * ROWS_PER_TILE

        pltpu.sync_copy(src_hbm.at[s], src_v)
        pltpu.sync_copy(dst_hbm.at[s], dst_v)
        pltpu.sync_copy(zerosh_hbm, zerosh_v)
        pltpu.sync_copy(zeros16_hbm, zeros16_v)
        pltpu.sync_copy(ones16_hbm, ones16_v)

        if with_deg:
            @pl.when(c == 0)
            def _deg():
                for j in range(5):
                    pltpu.sync_copy(zeros16_v,
                                    deg_sh.at[pl.ds(row0 + j * CHUNK, CHUNK)])
                plsc.subcore_barrier()

                def deg_chunk(i, carry):
                    pltpu.sync_copy(ones16_v, deg_sh.at[dst_v.at[i]], add=True)
                    return carry
                lax.fori_loop(0, CHUNKS_PER_TILE, deg_chunk, 0)
                plsc.subcore_barrier()

                @pl.when(s < NS - 1)
                def _():
                    pltpu.sync_copy(deg_sh.at[pl.ds(row0, ROWS_PER_TILE)],
                                    deg_hbm.at[pl.ds(row0, ROWS_PER_TILE)])

                @pl.when(s == NS - 1)
                def _():
                    pltpu.sync_copy(deg_sh.at[pl.ds(row0, n_last)],
                                    deg_hbm.at[pl.ds(row0, n_last)])

        for bb in range(bpc):
            b = c * B_PER_CORE + call_base + bb
            bo = c * bpc + bb

            for j in range(5):
                pltpu.sync_copy(zerosh_v,
                                agg_sh.at[pl.ds(row0 + j * CHUNK, CHUNK)])

            boff = (b * L).astype(jnp.int32)

            def absrow(i, carry):
                for k in range(CHUNK // 16):
                    sabs_v[i, pl.ds(k * 16, 16)] = (
                        src_v[i, pl.ds(k * 16, 16)] + boff)
                return carry
            lax.fori_loop(0, CHUNKS_PER_TILE, absrow, 0)
            plsc.subcore_barrier()

            def _slot(t):
                return gbuf_v.at[pl.ds(t * CHUNK, CHUNK)]

            def _gissue(j, t):
                pltpu.async_copy(msg_hbm.at[sabs_v.at[j]], _slot(t), gsems[t])

            def _gwait(j, t):
                pltpu.make_async_copy(msg_hbm.at[sabs_v.at[j]], _slot(t),
                                      gsems[t]).wait()

            def _sissue(j, t):
                pltpu.async_copy(_slot(t), agg_sh.at[dst_v.at[j]], ssems[t],
                                 add=True)

            def _swait(j, t):
                pltpu.make_async_copy(_slot(t), agg_sh.at[dst_v.at[j]],
                                      ssems[t]).wait()

            for t in range(NSLOT):
                _gissue(t, t)

            def edge_step(i, carry):
                base = i * NSLOT
                for t in range(NSLOT):
                    _gwait(base + t, t)
                    _sissue(base + t, t)

                @pl.when(i < CHUNKS_PER_TILE // NSLOT - 1)
                def _():
                    for t in range(NSLOT):
                        _swait(base + t, t)
                        _gissue(base + NSLOT + t, t)
                return carry
            lax.fori_loop(0, CHUNKS_PER_TILE // NSLOT, edge_step, 0)
            for t in range(NSLOT):
                _swait(CHUNKS_PER_TILE - NSLOT + t, t)
            plsc.subcore_barrier()

            hbase = bo * L + row0

            @pl.when(s < NS - 1)
            def _():
                pltpu.sync_copy(agg_sh.at[pl.ds(row0, ROWS_PER_TILE)],
                                agg_hbm.at[pl.ds(hbase, ROWS_PER_TILE)])

            @pl.when(s == NS - 1)
            def _():
                pltpu.sync_copy(agg_sh.at[pl.ds(row0, n_last)],
                                agg_hbm.at[pl.ds(hbase, n_last)])

            plsc.subcore_barrier()
    return body


def _phase2(msgbf, src_tiles, dst_tiles, zerosh, zeros16, ones16,
            call_base, with_deg, bpc):
    mesh = plsc.VectorSubcoreMesh(core_axis_name="c", subcore_axis_name="s")
    out_type = [jax.ShapeDtypeStruct((NC * bpc * L, H), jnp.bfloat16)]
    if with_deg:
        out_type.append(jax.ShapeDtypeStruct((L, 16), jnp.float32))
    f = pl.kernel(
        _make_sc_body(call_base, with_deg, bpc),
        out_type=out_type,
        mesh=mesh,
        scratch_types=[
            pltpu.VMEM((CHUNKS_PER_TILE, CHUNK), jnp.int32),
            pltpu.VMEM((CHUNKS_PER_TILE, CHUNK), jnp.int32),
            pltpu.VMEM((CHUNKS_PER_TILE, CHUNK), jnp.int32),
            pltpu.VMEM((NSLOT * CHUNK, H), jnp.bfloat16),
            pltpu.VMEM((CHUNK, H), jnp.bfloat16),
            pltpu.VMEM((CHUNK, 16), jnp.float32),
            pltpu.VMEM((CHUNK, 16), jnp.float32),
            pltpu.SemaphoreType.DMA((NSLOT,)),
            pltpu.SemaphoreType.DMA((NSLOT,)),
            pltpu.VMEM_SHARED((L_PAD, H), jnp.bfloat16),
            pltpu.VMEM_SHARED((L_PAD, 16), jnp.float32),
        ],
        compiler_params=pltpu.CompilerParams(use_tc_tiling_on_sc=False),
    )
    return f(msgbf, src_tiles, dst_tiles, zerosh, zeros16, ones16)



def _phase3_body(x_ref, agg_ref, deg_ref,
                 wcg_ref, bcg_ref, bb1_ref, s3_ref,
                 uwh_ref, uwa_ref, ub_ref,
                 f2w_ref, f2b_ref, g2_ref, bb2_ref,
                 ow_ref, ob_ref, sk_ref, out_ref):
    x = x_ref[...]
    h = _node_head(x, wcg_ref, bcg_ref, bb1_ref, s3_ref)

    invdeg = 1.0 / jnp.maximum(deg_ref[...], 1.0)
    m = jnp.dot(agg_ref[...], uwa_ref[...], preferred_element_type=jnp.float32)
    u = (jnp.dot(h.astype(jnp.bfloat16), uwh_ref[...],
                 preferred_element_type=jnp.float32)
         + m * invdeg + ub_ref[...])
    u = _gelu(u)

    h2 = jnp.dot(u.astype(jnp.bfloat16), f2w_ref[...],
                 preferred_element_type=jnp.float32) + f2b_ref[...]
    mu2 = jnp.mean(h2, axis=-1, keepdims=True)
    var2 = jnp.mean((h2 - mu2) ** 2, axis=-1, keepdims=True)
    h2 = (h2 - mu2) * lax.rsqrt(var2 + 1e-5) * g2_ref[...] + bb2_ref[...]
    h2 = h2 + u
    h2 = _gelu(h2)

    refined = jnp.sum(h2 * ow_ref[...], axis=-1, keepdims=True) + ob_ref[...]
    alpha = jax.nn.sigmoid(sk_ref[...])
    out_ref[...] = alpha * refined + (1.0 - alpha) * x


def _phase3(x2d, agg, deg2d, wcg, bcg, ln1_b, s3,
            upd_wh, upd_wa, upd_b, fc2_w, fc2_b, ln2_g, ln2_b,
            out_w_row, out_b, skip_w2d):
    rows = x2d.shape[0]
    full = lambda i: (0, 0)
    row = lambda i: (i, 0)
    return pl.pallas_call(
        _phase3_body,
        grid=(rows // _RB,),
        in_specs=[
            pl.BlockSpec((_RB, 1), row),
            pl.BlockSpec((_RB, H), row),
            pl.BlockSpec((_RB, 1), lambda i: (i % (L // _RB), 0)),
            pl.BlockSpec((1, H), full),
            pl.BlockSpec((1, H), full),
            pl.BlockSpec((1, H), full),
            pl.BlockSpec((1, 3), full),
            pl.BlockSpec((H, H), full),
            pl.BlockSpec((H, H), full),
            pl.BlockSpec((1, H), full),
            pl.BlockSpec((H, H), full),
            pl.BlockSpec((1, H), full),
            pl.BlockSpec((1, H), full),
            pl.BlockSpec((1, H), full),
            pl.BlockSpec((1, H), full),
            pl.BlockSpec((1, 1), full),
            pl.BlockSpec((1, 1), full),
        ],
        out_specs=pl.BlockSpec((_RB, 1), row),
        out_shape=jax.ShapeDtypeStruct((rows, 1), jnp.float32),
    )(x2d, agg, deg2d, wcg, bcg, ln1_b, s3,
      upd_wh, upd_wa, upd_b, fc2_w, fc2_b, ln2_g, ln2_b,
      out_w_row, out_b, skip_w2d)



def kernel(logits, edge_index, fc1_w, fc1_b, ln1_g, ln1_b, msg_w, msg_b,
           upd_w, upd_b, fc2_w, fc2_b, ln2_g, ln2_b, out_w, out_b, skip_w):
    x2d = logits.reshape(B * L, 1)
    r = lambda v: v.reshape(1, H)

    w0 = fc1_w.reshape(H)
    wz = w0 - jnp.mean(w0)
    bz = fc1_b - jnp.mean(fc1_b)
    s3 = jnp.stack([jnp.mean(wz * wz), jnp.mean(wz * bz),
                    jnp.mean(bz * bz)]).reshape(1, 3)
    wcg = (wz * ln1_g).reshape(1, H)
    bcg = (bz * ln1_g).reshape(1, H)

    h_flat = _phase1(x2d, wcg, bcg, r(ln1_b), s3)

    src = edge_index[0]
    dst = edge_index[1]
    pad = E_PAD - E
    src_p = jnp.concatenate([src, jnp.zeros((pad,), jnp.int32)])
    dst_p = jnp.concatenate([dst, jnp.full((pad,), L, jnp.int32)])
    src_tiles = src_p.reshape(NS, CHUNKS_PER_TILE, CHUNK)
    dst_tiles = dst_p.reshape(NS, CHUNKS_PER_TILE, CHUNK)

    zerosh = jnp.zeros((CHUNK, H), jnp.bfloat16)
    zeros16 = jnp.zeros((CHUNK, 16), jnp.float32)
    ones16 = jnp.ones((CHUNK, 16), jnp.float32)

    aggA, deg16 = _phase2(h_flat, src_tiles, dst_tiles,
                          zerosh, zeros16, ones16,
                          call_base=0, with_deg=True, bpc=2)
    (aggB,) = _phase2(h_flat, src_tiles, dst_tiles,
                      zerosh, zeros16, ones16,
                      call_base=2, with_deg=False, bpc=2)
    deg2d = deg16[:, :1]

    uwh = upd_w[:H].astype(jnp.bfloat16)
    uwa = (msg_w @ upd_w[H:]).astype(jnp.bfloat16)
    ub = (msg_b @ upd_w[H:] + upd_b).reshape(1, H)

    xA = jnp.concatenate([x2d[:2 * L], x2d[4 * L:6 * L]], axis=0)
    xB = jnp.concatenate([x2d[2 * L:4 * L], x2d[6 * L:]], axis=0)

    common = (wcg, bcg, r(ln1_b), s3, uwh, uwa, ub,
              fc2_w.astype(jnp.bfloat16), r(fc2_b), r(ln2_g), r(ln2_b),
              out_w.reshape(1, H), out_b.reshape(1, 1), skip_w.reshape(1, 1))
    refA = _phase3(xA, aggA, deg2d, *common)
    refB = _phase3(xB, aggB, deg2d, *common)

    refined = jnp.concatenate(
        [refA[:2 * L], refB[:2 * L], refA[2 * L:], refB[2 * L:]], axis=0)
    return refined.reshape(B, L)

# --- scband reference (transcript-rebuilt; emitter-appended) ---
"""Pipeline reference for scband-label-gnnlayer-5076651344322 (READ-ONLY COPY).

The authoritative reference and input builder live on the scoring server;
editing this copy changes nothing except your own understanding.
"""

import jax, jax.numpy as jnp
import numpy as np

B = 8
L = 10000
E = 160000
H = 128


def _layer_norm(x, g, b):
    mu = jnp.mean(x, axis=-1, keepdims=True)
    var = jnp.mean((x - mu) ** 2, axis=-1, keepdims=True)
    return (x - mu) / jnp.sqrt(var + 1e-5) * g + b


def setup_inputs(seed: int = 0) -> dict:
    key = jax.random.key(seed)
    ks = jax.random.split(key, 16)
    logits = jax.random.normal(ks[0], (B, L), dtype=jnp.float32)
    edge_index = jax.random.randint(ks[1], (2, E), 0, L, dtype=jnp.int32)
    s = 0.02
    fc1_w = jax.random.normal(ks[2], (1, H), dtype=jnp.float32) * s
    fc1_b = jnp.zeros((H,), dtype=jnp.float32)
    ln1_g = jnp.ones((H,), dtype=jnp.float32)
    ln1_b = jnp.zeros((H,), dtype=jnp.float32)
    msg_w = jax.random.normal(ks[3], (H, H), dtype=jnp.float32) * s
    msg_b = jnp.zeros((H,), dtype=jnp.float32)
    upd_w = jax.random.normal(ks[4], (2 * H, H), dtype=jnp.float32) * s
    upd_b = jnp.zeros((H,), dtype=jnp.float32)
    fc2_w = jax.random.normal(ks[5], (H, H), dtype=jnp.float32) * s
    fc2_b = jnp.zeros((H,), dtype=jnp.float32)
    ln2_g = jnp.ones((H,), dtype=jnp.float32)
    ln2_b = jnp.zeros((H,), dtype=jnp.float32)
    out_w = jax.random.normal(ks[6], (H, 1), dtype=jnp.float32) * s
    out_b = jnp.zeros((1,), dtype=jnp.float32)
    skip_w = jnp.asarray(0.5, dtype=jnp.float32)
    return {
        "logits": logits, "edge_index": edge_index,
        "fc1_w": fc1_w, "fc1_b": fc1_b, "ln1_g": ln1_g, "ln1_b": ln1_b,
        "msg_w": msg_w, "msg_b": msg_b, "upd_w": upd_w, "upd_b": upd_b,
        "fc2_w": fc2_w, "fc2_b": fc2_b, "ln2_g": ln2_g, "ln2_b": ln2_b,
        "out_w": out_w, "out_b": out_b, "skip_w": skip_w,
    }


def reference(logits, edge_index, fc1_w, fc1_b, ln1_g, ln1_b, msg_w, msg_b,
              upd_w, upd_b, fc2_w, fc2_b, ln2_g, ln2_b, out_w, out_b, skip_w):
    original_logits = logits
    x = logits[..., None]
    h = x @ fc1_w + fc1_b
    h = _layer_norm(h, ln1_g, ln1_b)
    h = jax.nn.gelu(h, approximate=False)
    # message passing (dropout is identity at p=0.0 / eval)
    msg_in = h @ msg_w + msg_b
    src = edge_index[0]
    dst = edge_index[1]
    src_features = msg_in[:, src, :]                      # gather (B, E, H)
    agg = jnp.zeros_like(h).at[:, dst, :].add(src_features)  # scatter-add
    deg = jnp.zeros((L,), dtype=jnp.float32).at[dst].add(1.0)
    deg = jnp.clip(deg, 1.0, None)[None, :, None]
    agg = agg / deg
    h = jnp.concatenate([h, agg], axis=-1) @ upd_w + upd_b
    h = jax.nn.gelu(h, approximate=False)
    h2 = h @ fc2_w + fc2_b
    h2 = _layer_norm(h2, ln2_g, ln2_b)
    h2 = h2 + h
    h2 = jax.nn.gelu(h2, approximate=False)
    refined = (h2 @ out_w + out_b)[..., 0]
    alpha = jax.nn.sigmoid(skip_w)
    return alpha * refined + (1.0 - alpha) * original_logits

if __name__ == "__main__":
    import jax
    _d = setup_inputs()
    print(jax.jit(kernel)(*tuple(_d.values())))

</pallas_src>

<mosaic_0001>
#map = affine_map<(d0, d1) -> (0, 0)>
#map1 = affine_map<(d0, d1) -> (0, 0, 0)>
module attributes {stable_mosaic.version = 14 : i64} {
  func.func @body(%arg0: i32, %arg1: i32, %arg2: memref<80000x128xbf16, #tpu.memory_space<hbm>>, %arg3: memref<16x80x128xi32, #tpu.memory_space<hbm>>, %arg4: memref<16x80x128xi32, #tpu.memory_space<hbm>>, %arg5: memref<128x128xbf16, #tpu.memory_space<hbm>>, %arg6: memref<128x16xf32, #tpu.memory_space<hbm>>, %arg7: memref<128x16xf32, #tpu.memory_space<hbm>>, %arg8: memref<40000x128xbf16, #tpu.memory_space<hbm>>, %arg9: memref<10000x16xf32, #tpu.memory_space<hbm>>, %arg10: memref<80x128xi32, #tpu.memory_space<vmem>>, %arg11: memref<80x128xi32, #tpu.memory_space<vmem>>, %arg12: memref<80x128xi32, #tpu.memory_space<vmem>>, %arg13: memref<512x128xbf16, #tpu.memory_space<vmem>>, %arg14: memref<128x128xbf16, #tpu.memory_space<vmem>>, %arg15: memref<128x16xf32, #tpu.memory_space<vmem>>, %arg16: memref<128x16xf32, #tpu.memory_space<vmem>>, %arg17: memref<4x!tpu.dma_semaphore, #tpu.memory_space<semaphore_mem>>, %arg18: memref<4x!tpu.dma_semaphore, #tpu.memory_space<semaphore_mem>>, %arg19: memref<10240x128xbf16, #tpu.memory_space<vmem_shared>>, %arg20: memref<10240x16xf32, #tpu.memory_space<vmem_shared>>) attributes {dimension_semantics = [#tpu.dimension_semantics<core_parallel>, #tpu.dimension_semantics<subcore_parallel>], iteration_bounds = array<i64: 2, 16>, scalar_prefetch = 0 : i64, scratch_operands = 11 : i64, tpu.core_type = #tpu.core_type<sc_vector_subcore>, window_params = [{transform_indices = #map}, {transform_indices = #map1}, {transform_indices = #map1}, {transform_indices = #map}, {transform_indices = #map}, {transform_indices = #map}, {transform_indices = #map}, {transform_indices = #map}]} {
    %mul3A = arith.constant 640 : i32
    %mul3A_0 = arith.muli %arg1, %mul3A : i32
    "tpu.region"() ({
      %run_scoped3A = tpu.sem_alloc : memref<!tpu.dma_semaphore, #tpu.memory_space<semaphore_mem>>
      %dma_start3A_321 = arith.constant 0 : i32
      %dma_start3A_322 = arith.constant 0 : i32
      %dma_start3A_323 = tpu.memref_slice %arg3[%arg1, %dma_start3A_321, %dma_start3A_322] : memref<16x80x128xi32, #tpu.memory_space<hbm>> -> memref<1x80x128xi32, #tpu.memory_space<hbm>>
      %dma_start3A_324 = tpu.memref_squeeze %dma_start3A_323 : memref<1x80x128xi32, #tpu.memory_space<hbm>> -> memref<80x128xi32, #tpu.memory_space<hbm>>
      %dma_start3A_325 = arith.constant 0 : i32
      %dma_start3A_326 = arith.constant 0 : i32
      %dma_start3A_327 = tpu.memref_slice %arg3[%arg1, %dma_start3A_325, %dma_start3A_326] : memref<16x80x128xi32, #tpu.memory_space<hbm>> -> memref<1x80x128xi32, #tpu.memory_space<hbm>>
      %dma_start3A_328 = tpu.memref_squeeze %dma_start3A_327 : memref<1x80x128xi32, #tpu.memory_space<hbm>> -> memref<80x128xi32, #tpu.memory_space<hbm>>
      tpu.enqueue_dma source(%dma_start3A_328 : memref<80x128xi32, #tpu.memory_space<hbm>>) target(%arg10 : memref<80x128xi32, #tpu.memory_space<vmem>>) target_semaphore(%run_scoped3A : memref<!tpu.dma_semaphore, #tpu.memory_space<semaphore_mem>>)
      %dma_wait3A_329 = arith.constant 0 : i32
      %dma_wait3A_330 = arith.constant 0 : i32
      %dma_wait3A_331 = tpu.memref_slice %arg3[%arg1, %dma_wait3A_329, %dma_wait3A_330] : memref<16x80x128xi32, #tpu.memory_space<hbm>> -> memref<1x80x128xi32, #tpu.memory_space<hbm>>
      %dma_wait3A_332 = tpu.memref_squeeze %dma_wait3A_331 : memref<1x80x128xi32, #tpu.memory_space<hbm>> -> memref<80x128xi32, #tpu.memory_space<hbm>>
      %dma_wait3A_333 = arith.constant 0 : i32
      %dma_wait3A_334 = arith.constant 0 : i32
      %dma_wait3A_335 = tpu.memref_slice %arg3[%arg1, %dma_wait3A_333, %dma_wait3A_334] : memref<16x80x128xi32, #tpu.memory_space<hbm>> -> memref<1x80x128xi32, #tpu.memory_space<hbm>>
      %dma_wait3A_336 = tpu.memref_squeeze %dma_wait3A_335 : memref<1x80x128xi32, #tpu.memory_space<hbm>> -> memref<80x128xi32, #tpu.memory_space<hbm>>
      tpu.wait_dma2 semaphore(%run_scoped3A : memref<!tpu.dma_semaphore, #tpu.memory_space<semaphore_mem>>) src(%dma_wait3A_336 : memref<80x128xi32, #tpu.memory_space<hbm>>) dst(%arg10 : memref<80x128xi32, #tpu.memory_space<vmem>>)
      tpu.yield
    }) : () -> ()
    "tpu.region"() ({
      %run_scoped3A = tpu.sem_alloc : memref<!tpu.dma_semaphore, #tpu.memory_space<semaphore_mem>>
      %dma_start3A_321 = arith.constant 0 : i32
      %dma_start3A_322 = arith.constant 0 : i32
      %dma_start3A_323 = tpu.memref_slice %arg4[%arg1, %dma_start3A_321, %dma_start3A_322] : memref<16x80x128xi32, #tpu.memory_space<hbm>> -> memref<1x80x128xi32, #tpu.memory_space<hbm>>
      %dma_start3A_324 = tpu.memref_squeeze %dma_start3A_323 : memref<1x80x128xi32, #tpu.memory_space<hbm>> -> memref<80x128xi32, #tpu.memory_space<hbm>>
      %dma_start3A_325 = arith.constant 0 : i32
      %dma_start3A_326 = arith.constant 0 : i32
      %dma_start3A_327 = tpu.memref_slice %arg4[%arg1, %dma_start3A_325, %dma_start3A_326] : memref<16x80x128xi32, #tpu.memory_space<hbm>> -> memref<1x80x128xi32, #tpu.memory_space<hbm>>
      %dma_start3A_328 = tpu.memref_squeeze %dma_start3A_327 : memref<1x80x128xi32, #tpu.memory_space<hbm>> -> memref<80x128xi32, #tpu.memory_space<hbm>>
      tpu.enqueue_dma source(%dma_start3A_328 : memref<80x128xi32, #tpu.memory_space<hbm>>) target(%arg12 : memref<80x128xi32, #tpu.memory_space<vmem>>) target_semaphore(%run_scoped3A : memref<!tpu.dma_semaphore, #tpu.memory_space<semaphore_mem>>)
      %dma_wait3A_329 = arith.constant 0 : i32
      %dma_wait3A_330 = arith.constant 0 : i32
      %dma_wait3A_331 = tpu.memref_slice %arg4[%arg1, %dma_wait3A_329, %dma_wait3A_330] : memref<16x80x128xi32, #tpu.memory_space<hbm>> -> memref<1x80x128xi32, #tpu.memory_space<hbm>>
      %dma_wait3A_332 = tpu.memref_squeeze %dma_wait3A_331 : memref<1x80x128xi32, #tpu.memory_space<hbm>> -> memref<80x128xi32, #tpu.memory_space<hbm>>
      %dma_wait3A_333 = arith.constant 0 : i32
      %dma_wait3A_334 = arith.constant 0 : i32
      %dma_wait3A_335 = tpu.memref_slice %arg4[%arg1, %dma_wait3A_333, %dma_wait3A_334] : memref<16x80x128xi32, #tpu.memory_space<hbm>> -> memref<1x80x128xi32, #tpu.memory_space<hbm>>
      %dma_wait3A_336 = tpu.memref_squeeze %dma_wait3A_335 : memref<1x80x128xi32, #tpu.memory_space<hbm>> -> memref<80x128xi32, #tpu.memory_space<hbm>>
      tpu.wait_dma2 semaphore(%run_scoped3A : memref<!tpu.dma_semaphore, #tpu.memory_space<semaphore_mem>>) src(%dma_wait3A_336 : memref<80x128xi32, #tpu.memory_space<hbm>>) dst(%arg12 : memref<80x128xi32, #tpu.memory_space<vmem>>)
      tpu.yield
    }) : () -> ()
    "tpu.region"() ({
      %run_scoped3A = tpu.sem_alloc : memref<!tpu.dma_semaphore, #tpu.memory_space<semaphore_mem>>
      tpu.enqueue_dma source(%arg5 : memref<128x128xbf16, #tpu.memory_space<hbm>>) target(%arg14 : memref<128x128xbf16, #tpu.memory_space<vmem>>) target_semaphore(%run_scoped3A : memref<!tpu.dma_semaphore, #tpu.memory_space<semaphore_mem>>)
      tpu.wait_dma2 semaphore(%run_scoped3A : memref<!tpu.dma_semaphore, #tpu.memory_space<semaphore_mem>>) src(%arg5 : memref<128x128xbf16, #tpu.memory_space<hbm>>) dst(%arg14 : memref<128x128xbf16, #tpu.memory_space<vmem>>)
      tpu.yield
    }) : () -> ()
    "tpu.region"() ({
      %run_scoped3A = tpu.sem_alloc : memref<!tpu.dma_semaphore, #tpu.memory_space<semaphore_mem>>
      tpu.enqueue_dma source(%arg6 : memref<128x16xf32, #tpu.memory_space<hbm>>) target(%arg15 : memref<128x16xf32, #tpu.memory_space<vmem>>) target_semaphore(%run_scoped3A : memref<!tpu.dma_semaphore, #tpu.memory_space<semaphore_mem>>)
      tpu.wait_dma2 semaphore(%run_scoped3A : memref<!tpu.dma_semaphore, #tpu.memory_space<semaphore_mem>>) src(%arg6 : memref<128x16xf32, #tpu.memory_space<hbm>>) dst(%arg15 : memref<128x16xf32, #tpu.memory_space<vmem>>)
      tpu.yield
    }) : () -> ()
    "tpu.region"() ({
      %run_scoped3A = tpu.sem_alloc : memref<!tpu.dma_semaphore, #tpu.memory_space<semaphore_mem>>
      tpu.enqueue_dma source(%arg7 : memref<128x16xf32, #tpu.memory_space<hbm>>) target(%arg16 : memref<128x16xf32, #tpu.memory_space<vmem>>) target_semaphore(%run_scoped3A : memref<!tpu.dma_semaphore, #tpu.memory_space<semaphore_mem>>)
      tpu.wait_dma2 semaphore(%run_scoped3A : memref<!tpu.dma_semaphore, #tpu.memory_space<semaphore_mem>>) src(%arg7 : memref<128x16xf32, #tpu.memory_space<hbm>>) dst(%arg16 : memref<128x16xf32, #tpu.memory_space<vmem>>)
      tpu.yield
    }) : () -> ()
    %eq3A = arith.constant 0 : i32
    %eq3A_1 = arith.cmpi eq, %arg0, %eq3A : i32
    %convert_element_type3A = arith.extui %eq3A_1 : i1 to i32
    %cond3A = arith.constant 0 : i32
    %cond3A_2 = arith.cmpi ne, %convert_element_type3A, %cond3A : i32
    scf.if %cond3A_2 {
      %add3A_321 = arith.constant 0 : i32
      %add3A_322 = arith.addi %mul3A_0, %add3A_321 : i32
      "tpu.region"() ({
        %run_scoped3A = tpu.sem_alloc : memref<!tpu.dma_semaphore, #tpu.memory_space<semaphore_mem>>
        %dma_start3A_349 = arith.constant 0 : i32
        %dma_start3A_350 = tpu.memref_slice %arg20[%add3A_322, %dma_start3A_349] : memref<10240x16xf32, #tpu.memory_space<vmem_shared>> -> memref<128x16xf32, #tpu.memory_space<vmem_shared>>
        %dma_start3A_351 = arith.constant 0 : i32
        %dma_start3A_352 = tpu.memref_slice %arg20[%add3A_322, %dma_start3A_351] : memref<10240x16xf32, #tpu.memory_space<vmem_shared>> -> memref<128x16xf32, #tpu.memory_space<vmem_shared>>
        tpu.enqueue_dma source(%arg15 : memref<128x16xf32, #tpu.memory_space<vmem>>) target(%dma_start3A_352 : memref<128x16xf32, #tpu.memory_space<vmem_shared>>) target_semaphore(%run_scoped3A : memref<!tpu.dma_semaphore, #tpu.memory_space<semaphore_mem>>)
        %dma_wait3A_353 = arith.constant 0 : i32
        %dma_wait3A_354 = tpu.memref_slice %arg20[%add3A_322, %dma_wait3A_353] : memref<10240x16xf32, #tpu.memory_space<vmem_shared>> -> memref<128x16xf32, #tpu.memory_space<vmem_shared>>
        %dma_wait3A_355 = arith.constant 0 : i32
        %dma_wait3A_356 = tpu.memref_slice %arg20[%add3A_322, %dma_wait3A_355] : memref<10240x16xf32, #tpu.memory_space<vmem_shared>> -> memref<128x16xf32, #tpu.memory_space<vmem_shared>>
        tpu.wait_dma2 semaphore(%run_scoped3A : memref<!tpu.dma_semaphore, #tpu.memory_space<semaphore_mem>>) src(%arg15 : memref<128x16xf32, #tpu.memory_space<vmem>>) dst(%dma_wait3A_356 : memref<128x16xf32, #tpu.memory_space<vmem_shared>>)
        tpu.yield
      }) : () -> ()
      %add3A_323 = arith.constant 128 : i32
      %add3A_324 = arith.addi %mul3A_0, %add3A_323 : i32
      "tpu.region"() ({
        %run_scoped3A = tpu.sem_alloc : memref<!tpu.dma_semaphore, #tpu.memory_space<semaphore_mem>>
        %dma_start3A_349 = arith.constant 0 : i32
        %dma_start3A_350 = tpu.memref_slice %arg20[%add3A_324, %dma_start3A_349] : memref<10240x16xf32, #tpu.memory_space<vmem_shared>> -> memref<128x16xf32, #tpu.memory_space<vmem_shared>>
        %dma_start3A_351 = arith.constant 0 : i32
        %dma_start3A_352 = tpu.memref_slice %arg20[%add3A_324, %dma_start3A_351] : memref<10240x16xf32, #tpu.memory_space<vmem_shared>> -> memref<128x16xf32, #tpu.memory_space<vmem_shared>>
        tpu.enqueue_dma source(%arg15 : memref<128x16xf32, #tpu.memory_space<vmem>>) target(%dma_start3A_352 : memref<128x16xf32, #tpu.memory_space<vmem_shared>>) target_semaphore(%run_scoped3A : memref<!tpu.dma_semaphore, #tpu.memory_space<semaphore_mem>>)
        %dma_wait3A_353 = arith.constant 0 : i32
        %dma_wait3A_354 = tpu.memref_slice %arg20[%add3A_324, %dma_wait3A_353] : memref<10240x16xf32, #tpu.memory_space<vmem_shared>> -> memref<128x16xf32, #tpu.memory_space<vmem_shared>>
        %dma_wait3A_355 = arith.constant 0 : i32
        %dma_wait3A_356 = tpu.memref_slice %arg20[%add3A_324, %dma_wait3A_355] : memref<10240x16xf32, #tpu.memory_space<vmem_shared>> -> memref<128x16xf32, #tpu.memory_space<vmem_shared>>
        tpu.wait_dma2 semaphore(%run_scoped3A : memref<!tpu.dma_semaphore, #tpu.memory_space<semaphore_mem>>) src(%arg15 : memref<128x16xf32, #tpu.memory_space<vmem>>) dst(%dma_wait3A_356 : memref<128x16xf32, #tpu.memory_space<vmem_shared>>)
        tpu.yield
      }) : () -> ()
      %add3A_325 = arith.constant 256 : i32
      %add3A_326 = arith.addi %mul3A_0, %add3A_325 : i32
      "tpu.region"() ({
        %run_scoped3A = tpu.sem_alloc : memref<!tpu.dma_semaphore, #tpu.memory_space<semaphore_mem>>
        %dma_start3A_349 = arith.constant 0 : i32
        %dma_start3A_350 = tpu.memref_slice %arg20[%add3A_326, %dma_start3A_349] : memref<10240x16xf32, #tpu.memory_space<vmem_shared>> -> memref<128x16xf32, #tpu.memory_space<vmem_shared>>
        %dma_start3A_351 = arith.constant 0 : i32
        %dma_start3A_352 = tpu.memref_slice %arg20[%add3A_326, %dma_start3A_351] : memref<10240x16xf32, #tpu.memory_space<vmem_shared>> -> memref<128x16xf32, #tpu.memory_space<vmem_shared>>
        tpu.enqueue_dma source(%arg15 : memref<128x16xf32, #tpu.memory_space<vmem>>) target(%dma_start3A_352 : memref<128x16xf32, #tpu.memory_space<vmem_shared>>) target_semaphore(%run_scoped3A : memref<!tpu.dma_semaphore, #tpu.memory_space<semaphore_mem>>)
        %dma_wait3A_353 = arith.constant 0 : i32
        %dma_wait3A_354 = tpu.memref_slice %arg20[%add3A_326, %dma_wait3A_353] : memref<10240x16xf32, #tpu.memory_space<vmem_shared>> -> memref<128x16xf32, #tpu.memory_space<vmem_shared>>
        %dma_wait3A_355 = arith.constant 0 : i32
        %dma_wait3A_356 = tpu.memref_slice %arg20[%add3A_326, %dma_wait3A_355] : memref<10240x16xf32, #tpu.memory_space<vmem_shared>> -> memref<128x16xf32, #tpu.memory_space<vmem_shared>>
        tpu.wait_dma2 semaphore(%run_scoped3A : memref<!tpu.dma_semaphore, #tpu.memory_space<semaphore_mem>>) src(%arg15 : memref<128x16xf32, #tpu.memory_space<vmem>>) dst(%dma_wait3A_356 : memref<128x16xf32, #tpu.memory_space<vmem_shared>>)
        tpu.yield
      }) : () -> ()
      %add3A_327 = arith.constant 384 : i32
      %add3A_328 = arith.addi %mul3A_0, %add3A_327 : i32
      "tpu.region"() ({
        %run_scoped3A = tpu.sem_alloc : memref<!tpu.dma_semaphore, #tpu.memory_space<semaphore_mem>>
        %dma_start3A_349 = arith.constant 0 : i32
        %dma_start3A_350 = tpu.memref_slice %arg20[%add3A_328, %dma_start3A_349] : memref<10240x16xf32, #tpu.memory_space<vmem_shared>> -> memref<128x16xf32, #tpu.memory_space<vmem_shared>>
        %dma_start3A_351 = arith.constant 0 : i32
        %dma_start3A_352 = tpu.memref_slice %arg20[%add3A_328, %dma_start3A_351] : memref<10240x16xf32, #tpu.memory_space<vmem_shared>> -> memref<128x16xf32, #tpu.memory_space<vmem_shared>>
        tpu.enqueue_dma source(%arg15 : memref<128x16xf32, #tpu.memory_space<vmem>>) target(%dma_start3A_352 : memref<128x16xf32, #tpu.memory_space<vmem_shared>>) target_semaphore(%run_scoped3A : memref<!tpu.dma_semaphore, #tpu.memory_space<semaphore_mem>>)
        %dma_wait3A_353 = arith.constant 0 : i32
        %dma_wait3A_354 = tpu.memref_slice %arg20[%add3A_328, %dma_wait3A_353] : memref<10240x16xf32, #tpu.memory_space<vmem_shared>> -> memref<128x16xf32, #tpu.memory_space<vmem_shared>>
        %dma_wait3A_355 = arith.constant 0 : i32
        %dma_wait3A_356 = tpu.memref_slice %arg20[%add3A_328, %dma_wait3A_355] : memref<10240x16xf32, #tpu.memory_space<vmem_shared>> -> memref<128x16xf32, #tpu.memory_space<vmem_shared>>
        tpu.wait_dma2 semaphore(%run_scoped3A : memref<!tpu.dma_semaphore, #tpu.memory_space<semaphore_mem>>) src(%arg15 : memref<128x16xf32, #tpu.memory_space<vmem>>) dst(%dma_wait3A_356 : memref<128x16xf32, #tpu.memory_space<vmem_shared>>)
        tpu.yield
      }) : () -> ()
      %add3A_329 = arith.constant 512 : i32
      %add3A_330 = arith.addi %mul3A_0, %add3A_329 : i32
      "tpu.region"() ({
        %run_scoped3A = tpu.sem_alloc : memref<!tpu.dma_semaphore, #tpu.memory_space<semaphore_mem>>
        %dma_start3A_349 = arith.constant 0 : i32
        %dma_start3A_350 = tpu.memref_slice %arg20[%add3A_330, %dma_start3A_349] : memref<10240x16xf32, #tpu.memory_space<vmem_shared>> -> memref<128x16xf32, #tpu.memory_space<vmem_shared>>
        %dma_start3A_351 = arith.constant 0 : i32
        %dma_start3A_352 = tpu.memref_slice %arg20[%add3A_330, %dma_start3A_351] : memref<10240x16xf32, #tpu.memory_space<vmem_shared>> -> memref<128x16xf32, #tpu.memory_space<vmem_shared>>
        tpu.enqueue_dma source(%arg15 : memref<128x16xf32, #tpu.memory_space<vmem>>) target(%dma_start3A_352 : memref<128x16xf32, #tpu.memory_space<vmem_shared>>) target_semaphore(%run_scoped3A : memref<!tpu.dma_semaphore, #tpu.memory_space<semaphore_mem>>)
        %dma_wait3A_353 = arith.constant 0 : i32
        %dma_wait3A_354 = tpu.memref_slice %arg20[%add3A_330, %dma_wait3A_353] : memref<10240x16xf32, #tpu.memory_space<vmem_shared>> -> memref<128x16xf32, #tpu.memory_space<vmem_shared>>
        %dma_wait3A_355 = arith.constant 0 : i32
        %dma_wait3A_356 = tpu.memref_slice %arg20[%add3A_330, %dma_wait3A_355] : memref<10240x16xf32, #tpu.memory_space<vmem_shared>> -> memref<128x16xf32, #tpu.memory_space<vmem_shared>>
        tpu.wait_dma2 semaphore(%run_scoped3A : memref<!tpu.dma_semaphore, #tpu.memory_space<semaphore_mem>>) src(%arg15 : memref<128x16xf32, #tpu.memory_space<vmem>>) dst(%dma_wait3A_356 : memref<128x16xf32, #tpu.memory_space<vmem_shared>>)
        tpu.yield
      }) : () -> ()
      %barrier3A_331 = arith.constant 0 : index
      tpu.barrier barrier_id(%barrier3A_331)
      %scan3A_332 = arith.constant 0 : i32
      %scan3A_333 = arith.constant 0 : i32
      %scan3A_334 = arith.constant 80 : i32
      %scan3A_335 = arith.addi %scan3A_333, %scan3A_334 : i32
      %scan3A_336 = arith.constant 1 : i32
      scf.for %scan3A_349 = %scan3A_333 to %scan3A_335 step %scan3A_336  : i32 {
        "tpu.region"() ({
          %run_scoped3A = tpu.sem_alloc : memref<!tpu.dma_semaphore, #tpu.memory_space<semaphore_mem>>
          %dma_start3A_350 = arith.constant 0 : i32
          %dma_start3A_351 = tpu.memref_slice %arg12[%scan3A_349, %dma_start3A_350] : memref<80x128xi32, #tpu.memory_space<vmem>> -> memref<1x128xi32, #tpu.memory_space<vmem>>
          %dma_start3A_352 = tpu.memref_squeeze %dma_start3A_351 : memref<1x128xi32, #tpu.memory_space<vmem>> -> memref<128xi32, #tpu.memory_space<vmem>>
          %dma_start3A_353 = arith.constant 0 : i32
          %dma_start3A_354 = arith.constant 0 : i32
          %dma_start3A_355 = tpu.memref_slice %arg20[%dma_start3A_353, %dma_start3A_354] : memref<10240x16xf32, #tpu.memory_space<vmem_shared>> -> memref<10240x16xf32, #tpu.memory_space<vmem_shared>>
          tpu.enqueue_indirect_dma source(%arg16 : memref<128x16xf32, #tpu.memory_space<vmem>>) target(%dma_start3A_355 : memref<10240x16xf32, #tpu.memory_space<vmem_shared>>) offsets(%dma_start3A_352 : memref<128xi32, #tpu.memory_space<vmem>>) semaphore(%run_scoped3A : memref<!tpu.dma_semaphore, #tpu.memory_space<semaphore_mem>>) {add = true}
          %dma_wait3A_356 = arith.constant 0 : i32
          %dma_wait3A_357 = tpu.memref_slice %arg12[%scan3A_349, %dma_wait3A_356] : memref<80x128xi32, #tpu.memory_space<vmem>> -> memref<1x128xi32, #tpu.memory_space<vmem>>
          %dma_wait3A_358 = tpu.memref_squeeze %dma_wait3A_357 : memref<1x128xi32, #tpu.memory_space<vmem>> -> memref<128xi32, #tpu.memory_space<vmem>>
          %dma_wait3A_359 = arith.constant 0 : i32
          %dma_wait3A_360 = arith.constant 0 : i32
          %dma_wait3A_361 = tpu.memref_slice %arg20[%dma_wait3A_359, %dma_wait3A_360] : memref<10240x16xf32, #tpu.memory_space<vmem_shared>> -> memref<10240x16xf32, #tpu.memory_space<vmem_shared>>
          tpu.wait_indirect_dma semaphore(%run_scoped3A : memref<!tpu.dma_semaphore, #tpu.memory_space<semaphore_mem>>) src(%arg16 : memref<128x16xf32, #tpu.memory_space<vmem>>) dst(%dma_wait3A_361 : memref<10240x16xf32, #tpu.memory_space<vmem_shared>>)
          tpu.yield
        }) : () -> ()
      }
      %scan3A_337 = arith.constant 80 : i32
      %barrier3A_338 = arith.constant 0 : index
      tpu.barrier barrier_id(%barrier3A_338)
      %lt3A_339 = arith.constant 15 : i32
      %lt3A_340 = arith.cmpi slt, %arg1, %lt3A_339 : i32
      %convert_element_type3A_341 = arith.extui %lt3A_340 : i1 to i32
      %cond3A_342 = arith.constant 0 : i32
      %cond3A_343 = arith.cmpi ne, %convert_element_type3A_341, %cond3A_342 : i32
      scf.if %cond3A_343 {
        "tpu.region"() ({
          %run_scoped3A = tpu.sem_alloc : memref<!tpu.dma_semaphore, #tpu.memory_space<semaphore_mem>>
          %dma_start3A_349 = arith.constant 0 : i32
          %dma_start3A_350 = tpu.memref_slice %arg9[%mul3A_0, %dma_start3A_349] : memref<10000x16xf32, #tpu.memory_space<hbm>> -> memref<640x16xf32, #tpu.memory_space<hbm>>
          %dma_start3A_351 = arith.constant 0 : i32
          %dma_start3A_352 = tpu.memref_slice %arg20[%mul3A_0, %dma_start3A_351] : memref<10240x16xf32, #tpu.memory_space<vmem_shared>> -> memref<640x16xf32, #tpu.memory_space<vmem_shared>>
          tpu.enqueue_dma source(%dma_start3A_352 : memref<640x16xf32, #tpu.memory_space<vmem_shared>>) target(%dma_start3A_350 : memref<640x16xf32, #tpu.memory_space<hbm>>) target_semaphore(%run_scoped3A : memref<!tpu.dma_semaphore, #tpu.memory_space<semaphore_mem>>)
          %dma_wait3A_353 = arith.constant 0 : i32
          %dma_wait3A_354 = tpu.memref_slice %arg9[%mul3A_0, %dma_wait3A_353] : memref<10000x16xf32, #tpu.memory_space<hbm>> -> memref<640x16xf32, #tpu.memory_space<hbm>>
          %dma_wait3A_355 = arith.constant 0 : i32
          %dma_wait3A_356 = tpu.memref_slice %arg20[%mul3A_0, %dma_wait3A_355] : memref<10240x16xf32, #tpu.memory_space<vmem_shared>> -> memref<640x16xf32, #tpu.memory_space<vmem_shared>>
          tpu.wait_dma2 semaphore(%run_scoped3A : memref<!tpu.dma_semaphore, #tpu.memory_space<semaphore_mem>>) src(%dma_wait3A_356 : memref<640x16xf32, #tpu.memory_space<vmem_shared>>) dst(%dma_wait3A_354 : memref<640x16xf32, #tpu.memory_space<hbm>>)
          tpu.yield
        }) : () -> ()
      } else {
      }
      %eq3A_344 = arith.constant 15 : i32
      %eq3A_345 = arith.cmpi eq, %arg1, %eq3A_344 : i32
      %convert_element_type3A_346 = arith.extui %eq3A_345 : i1 to i32
      %cond3A_347 = arith.constant 0 : i32
      %cond3A_348 = arith.cmpi ne, %convert_element_type3A_346, %cond3A_347 : i32
      scf.if %cond3A_348 {
        "tpu.region"() ({
          %run_scoped3A = tpu.sem_alloc : memref<!tpu.dma_semaphore, #tpu.memory_space<semaphore_mem>>
          %dma_start3A_349 = arith.constant 0 : i32
          %dma_start3A_350 = tpu.memref_slice %arg9[%mul3A_0, %dma_start3A_349] : memref<10000x16xf32, #tpu.memory_space<hbm>> -> memref<400x16xf32, #tpu.memory_space<hbm>>
          %dma_start3A_351 = arith.constant 0 : i32
          %dma_start3A_352 = tpu.memref_slice %arg20[%mul3A_0, %dma_start3A_351] : memref<10240x16xf32, #tpu.memory_space<vmem_shared>> -> memref<400x16xf32, #tpu.memory_space<vmem_shared>>
          tpu.enqueue_dma source(%dma_start3A_352 : memref<400x16xf32, #tpu.memory_space<vmem_shared>>) target(%dma_start3A_350 : memref<400x16xf32, #tpu.memory_space<hbm>>) target_semaphore(%run_scoped3A : memref<!tpu.dma_semaphore, #tpu.memory_space<semaphore_mem>>)
          %dma_wait3A_353 = arith.constant 0 : i32
          %dma_wait3A_354 = tpu.memref_slice %arg9[%mul3A_0, %dma_wait3A_353] : memref<10000x16xf32, #tpu.memory_space<hbm>> -> memref<400x16xf32, #tpu.memory_space<hbm>>
          %dma_wait3A_355 = arith.constant 0 : i32
          %dma_wait3A_356 = tpu.memref_slice %arg20[%mul3A_0, %dma_wait3A_355] : memref<10240x16xf32, #tpu.memory_space<vmem_shared>> -> memref<400x16xf32, #tpu.memory_space<vmem_shared>>
          tpu.wait_dma2 semaphore(%run_scoped3A : memref<!tpu.dma_semaphore, #tpu.memory_space<semaphore_mem>>) src(%dma_wait3A_356 : memref<400x16xf32, #tpu.memory_space<vmem_shared>>) dst(%dma_wait3A_354 : memref<400x16xf32, #tpu.memory_space<hbm>>)
          tpu.yield
        }) : () -> ()
      } else {
      }
    } else {
    }
    %mul3A_3 = arith.constant 4 : i32
    %mul3A_4 = arith.muli %arg0, %mul3A_3 : i32
    %add3A = arith.constant 0 : i32
    %add3A_5 = arith.addi %mul3A_4, %add3A : i32
    %add3A_6 = arith.constant 0 : i32
    %add3A_7 = arith.addi %add3A_5, %add3A_6 : i32
    %mul3A_8 = arith.constant 2 : i32
    %mul3A_9 = arith.muli %arg0, %mul3A_8 : i32
    %add3A_10 = arith.constant 0 : i32
    %add3A_11 = arith.addi %mul3A_9, %add3A_10 : i32
    %add3A_12 = arith.constant 0 : i32
    %add3A_13 = arith.addi %mul3A_0, %add3A_12 : i32
    "tpu.region"() ({
      %run_scoped3A = tpu.sem_alloc : memref<!tpu.dma_semaphore, #tpu.memory_space<semaphore_mem>>
      %dma_start3A_321 = arith.constant 0 : i32
      %dma_start3A_322 = tpu.memref_slice %arg19[%add3A_13, %dma_start3A_321] : memref<10240x128xbf16, #tpu.memory_space<vmem_shared>> -> memref<128x128xbf16, #tpu.memory_space<vmem_shared>>
      %dma_start3A_323 = arith.constant 0 : i32
      %dma_start3A_324 = tpu.memref_slice %arg19[%add3A_13, %dma_start3A_323] : memref<10240x128xbf16, #tpu.memory_space<vmem_shared>> -> memref<128x128xbf16, #tpu.memory_space<vmem_shared>>
      tpu.enqueue_dma source(%arg14 : memref<128x128xbf16, #tpu.memory_space<vmem>>) target(%dma_start3A_324 : memref<128x128xbf16, #tpu.memory_space<vmem_shared>>) target_semaphore(%run_scoped3A : memref<!tpu.dma_semaphore, #tpu.memory_space<semaphore_mem>>)
      %dma_wait3A_325 = arith.constant 0 : i32
      %dma_wait3A_326 = tpu.memref_slice %arg19[%add3A_13, %dma_wait3A_325] : memref<10240x128xbf16, #tpu.memory_space<vmem_shared>> -> memref<128x128xbf16, #tpu.memory_space<vmem_shared>>
      %dma_wait3A_327 = arith.constant 0 : i32
      %dma_wait3A_328 = tpu.memref_slice %arg19[%add3A_13, %dma_wait3A_327] : memref<10240x128xbf16, #tpu.memory_space<vmem_shared>> -> memref<128x128xbf16, #tpu.memory_space<vmem_shared>>
      tpu.wait_dma2 semaphore(%run_scoped3A : memref<!tpu.dma_semaphore, #tpu.memory_space<semaphore_mem>>) src(%arg14 : memref<128x128xbf16, #tpu.memory_space<vmem>>) dst(%dma_wait3A_328 : memref<128x128xbf16, #tpu.memory_space<vmem_shared>>)
      tpu.yield
    }) : () -> ()
    %add3A_14 = arith.constant 128 : i32
    %add3A_15 = arith.addi %mul3A_0, %add3A_14 : i32
    "tpu.region"() ({
      %run_scoped3A = tpu.sem_alloc : memref<!tpu.dma_semaphore, #tpu.memory_space<semaphore_mem>>
      %dma_start3A_321 = arith.constant 0 : i32
      %dma_start3A_322 = tpu.memref_slice %arg19[%add3A_15, %dma_start3A_321] : memref<10240x128xbf16, #tpu.memory_space<vmem_shared>> -> memref<128x128xbf16, #tpu.memory_space<vmem_shared>>
      %dma_start3A_323 = arith.constant 0 : i32
      %dma_start3A_324 = tpu.memref_slice %arg19[%add3A_15, %dma_start3A_323] : memref<10240x128xbf16, #tpu.memory_space<vmem_shared>> -> memref<128x128xbf16, #tpu.memory_space<vmem_shared>>
      tpu.enqueue_dma source(%arg14 : memref<128x128xbf16, #tpu.memory_space<vmem>>) target(%dma_start3A_324 : memref<128x128xbf16, #tpu.memory_space<vmem_shared>>) target_semaphore(%run_scoped3A : memref<!tpu.dma_semaphore, #tpu.memory_space<semaphore_mem>>)
      %dma_wait3A_325 = arith.constant 0 : i32
      %dma_wait3A_326 = tpu.memref_slice %arg19[%add3A_15, %dma_wait3A_325] : memref<10240x128xbf16, #tpu.memory_space<vmem_shared>> -> memref<128x128xbf16, #tpu.memory_space<vmem_shared>>
      %dma_wait3A_327 = arith.constant 0 : i32
      %dma_wait3A_328 = tpu.memref_slice %arg19[%add3A_15, %dma_wait3A_327] : memref<10240x128xbf16, #tpu.memory_space<vmem_shared>> -> memref<128x128xbf16, #tpu.memory_space<vmem_shared>>
      tpu.wait_dma2 semaphore(%run_scoped3A : memref<!tpu.dma_semaphore, #tpu.memory_space<semaphore_mem>>) src(%arg14 : memref<128x128xbf16, #tpu.memory_space<vmem>>) dst(%dma_wait3A_328 : memref<128x128xbf16, #tpu.memory_space<vmem_shared>>)
      tpu.yield
    }) : () -> ()
    %add3A_16 = arith.constant 256 : i32
    %add3A_17 = arith.addi %mul3A_0, %add3A_16 : i32
    "tpu.region"() ({
      %run_scoped3A = tpu.sem_alloc : memref<!tpu.dma_semaphore, #tpu.memory_space<semaphore_mem>>
      %dma_start3A_321 = arith.constant 0 : i32
      %dma_start3A_322 = tpu.memref_slice %arg19[%add3A_17, %dma_start3A_321] : memref<10240x128xbf16, #tpu.memory_space<vmem_shared>> -> memref<128x128xbf16, #tpu.memory_space<vmem_shared>>
      %dma_start3A_323 = arith.constant 0 : i32
      %dma_start3A_324 = tpu.memref_slice %arg19[%add3A_17, %dma_start3A_323] : memref<10240x128xbf16, #tpu.memory_space<vmem_shared>> -> memref<128x128xbf16, #tpu.memory_space<vmem_shared>>
      tpu.enqueue_dma source(%arg14 : memref<128x128xbf16, #tpu.memory_space<vmem>>) target(%dma_start3A_324 : memref<128x128xbf16, #tpu.memory_space<vmem_shared>>) target_semaphore(%run_scoped3A : memref<!tpu.dma_semaphore, #tpu.memory_space<semaphore_mem>>)
      %dma_wait3A_325 = arith.constant 0 : i32
      %dma_wait3A_326 = tpu.memref_slice %arg19[%add3A_17, %dma_wait3A_325] : memref<10240x128xbf16, #tpu.memory_space<vmem_shared>> -> memref<128x128xbf16, #tpu.memory_space<vmem_shared>>
      %dma_wait3A_327 = arith.constant 0 : i32
      %dma_wait3A_328 = tpu.memref_slice %arg19[%add3A_17, %dma_wait3A_327] : memref<10240x128xbf16, #tpu.memory_space<vmem_shared>> -> memref<128x128xbf16, #tpu.memory_space<vmem_shared>>
      tpu.wait_dma2 semaphore(%run_scoped3A : memref<!tpu.dma_semaphore, #tpu.memory_space<semaphore_mem>>) src(%arg14 : memref<128x128xbf16, #tpu.memory_space<vmem>>) dst(%dma_wait3A_328 : memref<128x128xbf16, #tpu.memory_space<vmem_shared>>)
      tpu.yield
    }) : () -> ()
    %add3A_18 = arith.constant 384 : i32
    %add3A_19 = arith.addi %mul3A_0, %add3A_18 : i32
    "tpu.region"() ({
      %run_scoped3A = tpu.sem_alloc : memref<!tpu.dma_semaphore, #tpu.memory_space<semaphore_mem>>
      %dma_start3A_321 = arith.constant 0 : i32
      %dma_start3A_322 = tpu.memref_slice %arg19[%add3A_19, %dma_start3A_321] : memref<10240x128xbf16, #tpu.memory_space<vmem_shared>> -> memref<128x128xbf16, #tpu.memory_space<vmem_shared>>
      %dma_start3A_323 = arith.constant 0 : i32
      %dma_start3A_324 = tpu.memref_slice %arg19[%add3A_19, %dma_start3A_323] : memref<10240x128xbf16, #tpu.memory_space<vmem_shared>> -> memref<128x128xbf16, #tpu.memory_space<vmem_shared>>
      tpu.enqueue_dma source(%arg14 : memref<128x128xbf16, #tpu.memory_space<vmem>>) target(%dma_start3A_324 : memref<128x128xbf16, #tpu.memory_space<vmem_shared>>) target_semaphore(%run_scoped3A : memref<!tpu.dma_semaphore, #tpu.memory_space<semaphore_mem>>)
      %dma_wait3A_325 = arith.constant 0 : i32
      %dma_wait3A_326 = tpu.memref_slice %arg19[%add3A_19, %dma_wait3A_325] : memref<10240x128xbf16, #tpu.memory_space<vmem_shared>> -> memref<128x128xbf16, #tpu.memory_space<vmem_shared>>
      %dma_wait3A_327 = arith.constant 0 : i32
      %dma_wait3A_328 = tpu.memref_slice %arg19[%add3A_19, %dma_wait3A_327] : memref<10240x128xbf16, #tpu.memory_space<vmem_shared>> -> memref<128x128xbf16, #tpu.memory_space<vmem_shared>>
      tpu.wait_dma2 semaphore(%run_scoped3A : memref<!tpu.dma_semaphore, #tpu.memory_space<semaphore_mem>>) src(%arg14 : memref<128x128xbf16, #tpu.memory_space<vmem>>) dst(%dma_wait3A_328 : memref<128x128xbf16, #tpu.memory_space<vmem_shared>>)
      tpu.yield
    }) : () -> ()
    %add3A_20 = arith.constant 512 : i32
    %add3A_21 = arith.addi %mul3A_0, %add3A_20 : i32
    "tpu.region"() ({
      %run_scoped3A = tpu.sem_alloc : memref<!tpu.dma_semaphore, #tpu.memory_space<semaphore_mem>>
      %dma_start3A_321 = arith.constant 0 : i32
      %dma_start3A_322 = tpu.memref_slice %arg19[%add3A_21, %dma_start3A_321] : memref<10240x128xbf16, #tpu.memory_space<vmem_shared>> -> memref<128x128xbf16, #tpu.memory_space<vmem_shared>>
      %dma_start3A_323 = arith.constant 0 : i32
      %dma_start3A_324 = tpu.memref_slice %arg19[%add3A_21, %dma_start3A_323] : memref<10240x128xbf16, #tpu.memory_space<vmem_shared>> -> memref<128x128xbf16, #tpu.memory_space<vmem_shared>>
      tpu.enqueue_dma source(%arg14 : memref<128x128xbf16, #tpu.memory_space<vmem>>) target(%dma_start3A_324 : memref<128x128xbf16, #tpu.memory_space<vmem_shared>>) target_semaphore(%run_scoped3A : memref<!tpu.dma_semaphore, #tpu.memory_space<semaphore_mem>>)
      %dma_wait3A_325 = arith.constant 0 : i32
      %dma_wait3A_326 = tpu.memref_slice %arg19[%add3A_21, %dma_wait3A_325] : memref<10240x128xbf16, #tpu.memory_space<vmem_shared>> -> memref<128x128xbf16, #tpu.memory_space<vmem_shared>>
      %dma_wait3A_327 = arith.constant 0 : i32
      %dma_wait3A_328 = tpu.memref_slice %arg19[%add3A_21, %dma_wait3A_327] : memref<10240x128xbf16, #tpu.memory_space<vmem_shared>> -> memref<128x128xbf16, #tpu.memory_space<vmem_shared>>
      tpu.wait_dma2 semaphore(%run_scoped3A : memref<!tpu.dma_semaphore, #tpu.memory_space<semaphore_mem>>) src(%arg14 : memref<128x128xbf16, #tpu.memory_space<vmem>>) dst(%dma_wait3A_328 : memref<128x128xbf16, #tpu.memory_space<vmem_shared>>)
      tpu.yield
    }) : () -> ()
    %mul3A_22 = arith.constant 10000 : i32
    %mul3A_23 = arith.muli %add3A_7, %mul3A_22 : i32
    %scan3A = arith.constant 0 : i32
    %scan3A_24 = arith.constant 0 : i32
    %scan3A_25 = arith.constant 80 : i32
    %scan3A_26 = arith.addi %scan3A_24, %scan3A_25 : i32
    %scan3A_27 = arith.constant 1 : i32
    scf.for %scan3A_321 = %scan3A_24 to %scan3A_26 step %scan3A_27  : i32 {
      %get3A = arith.index_cast %scan3A_321 : i32 to index
      %get3A_322 = arith.constant 0 : index
      %get3A_323 = tpu.vector_load %arg10[%get3A, %get3A_322] {strides = array<i32>} : memref<80x128xi32, #tpu.memory_space<vmem>>, vector<1x16xi32>,
      %get3A_324 = vector.shape_cast %get3A_323 : vector<1x16xi32> to vector<16xi32>
      %add3A_325 = vector.broadcast %mul3A_23 : i32 to vector<16xi32>
      %add3A_326 = arith.addi %get3A_324, %add3A_325 : vector<16xi32>
      %swap3A = arith.index_cast %scan3A_321 : i32 to index
      %swap3A_327 = arith.constant 0 : index
      %swap3A_328 = tpu.vector_load %arg11[%swap3A, %swap3A_327] {strides = array<i32>} : memref<80x128xi32, #tpu.memory_space<vmem>>, vector<1x16xi32>,
      %swap3A_329 = vector.shape_cast %swap3A_328 : vector<1x16xi32> to vector<16xi32>
      %swap3A_330 = vector.shape_cast %add3A_326 : vector<16xi32> to vector<1x16xi32>
      tpu.vector_store %arg11[%swap3A, %swap3A_327], %swap3A_330 {strides = array<i32>} : memref<80x128xi32, #tpu.memory_space<vmem>>, vector<1x16xi32>,
      %get3A_331 = arith.index_cast %scan3A_321 : i32 to index
      %get3A_332 = arith.constant 16 : index
      %get3A_333 = tpu.vector_load %arg10[%get3A_331, %get3A_332] {strides = array<i32>} : memref<80x128xi32, #tpu.memory_space<vmem>>, vector<1x16xi32>,
      %get3A_334 = vector.shape_cast %get3A_333 : vector<1x16xi32> to vector<16xi32>
      %add3A_335 = vector.broadcast %mul3A_23 : i32 to vector<16xi32>
      %add3A_336 = arith.addi %get3A_334, %add3A_335 : vector<16xi32>
      %swap3A_337 = arith.index_cast %scan3A_321 : i32 to index
      %swap3A_338 = arith.constant 16 : index
      %swap3A_339 = tpu.vector_load %arg11[%swap3A_337, %swap3A_338] {strides = array<i32>} : memref<80x128xi32, #tpu.memory_space<vmem>>, vector<1x16xi32>,
      %swap3A_340 = vector.shape_cast %swap3A_339 : vector<1x16xi32> to vector<16xi32>
      %swap3A_341 = vector.shape_cast %add3A_336 : vector<16xi32> to vector<1x16xi32>
      tpu.vector_store %arg11[%swap3A_337, %swap3A_338], %swap3A_341 {strides = array<i32>} : memref<80x128xi32, #tpu.memory_space<vmem>>, vector<1x16xi32>,
      %get3A_342 = arith.index_cast %scan3A_321 : i32 to index
      %get3A_343 = arith.constant 32 : index
      %get3A_344 = tpu.vector_load %arg10[%get3A_342, %get3A_343] {strides = array<i32>} : memref<80x128xi32, #tpu.memory_space<vmem>>, vector<1x16xi32>,
      %get3A_345 = vector.shape_cast %get3A_344 : vector<1x16xi32> to vector<16xi32>
      %add3A_346 = vector.broadcast %mul3A_23 : i32 to vector<16xi32>
      %add3A_347 = arith.addi %get3A_345, %add3A_346 : vector<16xi32>
      %swap3A_348 = arith.index_cast %scan3A_321 : i32 to index
      %swap3A_349 = arith.constant 32 : index
      %swap3A_350 = tpu.vector_load %arg11[%swap3A_348, %swap3A_349] {strides = array<i32>} : memref<80x128xi32, #tpu.memory_space<vmem>>, vector<1x16xi32>,
      %swap3A_351 = vector.shape_cast %swap3A_350 : vector<1x16xi32> to vector<16xi32>
      %swap3A_352 = vector.shape_cast %add3A_347 : vector<16xi32> to vector<1x16xi32>
      tpu.vector_store %arg11[%swap3A_348, %swap3A_349], %swap3A_352 {strides = array<i32>} : memref<80x128xi32, #tpu.memory_space<vmem>>, vector<1x16xi32>,
      %get3A_353 = arith.index_cast %scan3A_321 : i32 to index
      %get3A_354 = arith.constant 48 : index
      %get3A_355 = tpu.vector_load %arg10[%get3A_353, %get3A_354] {strides = array<i32>} : memref<80x128xi32, #tpu.memory_space<vmem>>, vector<1x16xi32>,
      %get3A_356 = vector.shape_cast %get3A_355 : vector<1x16xi32> to vector<16xi32>
      %add3A_357 = vector.broadcast %mul3A_23 : i32 to vector<16xi32>
      %add3A_358 = arith.addi %get3A_356, %add3A_357 : vector<16xi32>
      %swap3A_359 = arith.index_cast %scan3A_321 : i32 to index
      %swap3A_360 = arith.constant 48 : index
      %swap3A_361 = tpu.vector_load %arg11[%swap3A_359, %swap3A_360] {strides = array<i32>} : memref<80x128xi32, #tpu.memory_space<vmem>>, vector<1x16xi32>,
      %swap3A_362 = vector.shape_cast %swap3A_361 : vector<1x16xi32> to vector<16xi32>
      %swap3A_363 = vector.shape_cast %add3A_358 : vector<16xi32> to vector<1x16xi32>
      tpu.vector_store %arg11[%swap3A_359, %swap3A_360], %swap3A_363 {strides = array<i32>} : memref<80x128xi32, #tpu.memory_space<vmem>>, vector<1x16xi32>,
      %get3A_364 = arith.index_cast %scan3A_321 : i32 to index
      %get3A_365 = arith.constant 64 : index
      %get3A_366 = tpu.vector_load %arg10[%get3A_364, %get3A_365] {strides = array<i32>} : memref<80x128xi32, #tpu.memory_space<vmem>>, vector<1x16xi32>,
      %get3A_367 = vector.shape_cast %get3A_366 : vector<1x16xi32> to vector<16xi32>
      %add3A_368 = vector.broadcast %mul3A_23 : i32 to vector<16xi32>
      %add3A_369 = arith.addi %get3A_367, %add3A_368 : vector<16xi32>
      %swap3A_370 = arith.index_cast %scan3A_321 : i32 to index
      %swap3A_371 = arith.constant 64 : index
      %swap3A_372 = tpu.vector_load %arg11[%swap3A_370, %swap3A_371] {strides = array<i32>} : memref<80x128xi32, #tpu.memory_space<vmem>>, vector<1x16xi32>,
      %swap3A_373 = vector.shape_cast %swap3A_372 : vector<1x16xi32> to vector<16xi32>
      %swap3A_374 = vector.shape_cast %add3A_369 : vector<16xi32> to vector<1x16xi32>
      tpu.vector_store %arg11[%swap3A_370, %swap3A_371], %swap3A_374 {strides = array<i32>} : memref<80x128xi32, #tpu.memory_space<vmem>>, vector<1x16xi32>,
      %get3A_375 = arith.index_cast %scan3A_321 : i32 to index
      %get3A_376 = arith.constant 80 : index
      %get3A_377 = tpu.vector_load %arg10[%get3A_375, %get3A_376] {strides = array<i32>} : memref<80x128xi32, #tpu.memory_space<vmem>>, vector<1x16xi32>,
      %get3A_378 = vector.shape_cast %get3A_377 : vector<1x16xi32> to vector<16xi32>
      %add3A_379 = vector.broadcast %mul3A_23 : i32 to vector<16xi32>
      %add3A_380 = arith.addi %get3A_378, %add3A_379 : vector<16xi32>
      %swap3A_381 = arith.index_cast %scan3A_321 : i32 to index
      %swap3A_382 = arith.constant 80 : index
      %swap3A_383 = tpu.vector_load %arg11[%swap3A_381, %swap3A_382] {strides = array<i32>} : memref<80x128xi32, #tpu.memory_space<vmem>>, vector<1x16xi32>,
      %swap3A_384 = vector.shape_cast %swap3A_383 : vector<1x16xi32> to vector<16xi32>
      %swap3A_385 = vector.shape_cast %add3A_380 : vector<16xi32> to vector<1x16xi32>
      tpu.vector_store %arg11[%swap3A_381, %swap3A_382], %swap3A_385 {strides = array<i32>} : memref<80x128xi32, #tpu.memory_space<vmem>>, vector<1x16xi32>,
      %get3A_386 = arith.index_cast %scan3A_321 : i32 to index
      %get3A_387 = arith.constant 96 : index
      %get3A_388 = tpu.vector_load %arg10[%get3A_386, %get3A_387] {strides = array<i32>} : memref<80x128xi32, #tpu.memory_space<vmem>>, vector<1x16xi32>,
      %get3A_389 = vector.shape_cast %get3A_388 : vector<1x16xi32> to vector<16xi32>
      %add3A_390 = vector.broadcast %mul3A_23 : i32 to vector<16xi32>
      %add3A_391 = arith.addi %get3A_389, %add3A_390 : vector<16xi32>
      %swap3A_392 = arith.index_cast %scan3A_321 : i32 to index
      %swap3A_393 = arith.constant 96 : index
      %swap3A_394 = tpu.vector_load %arg11[%swap3A_392, %swap3A_393] {strides = array<i32>} : memref<80x128xi32, #tpu.memory_space<vmem>>, vector<1x16xi32>,
      %swap3A_395 = vector.shape_cast %swap3A_394 : vector<1x16xi32> to vector<16xi32>
      %swap3A_396 = vector.shape_cast %add3A_391 : vector<16xi32> to vector<1x16xi32>
      tpu.vector_store %arg11[%swap3A_392, %swap3A_393], %swap3A_396 {strides = array<i32>} : memref<80x128xi32, #tpu.memory_space<vmem>>, vector<1x16xi32>,
      %get3A_397 = arith.index_cast %scan3A_321 : i32 to index
      %get3A_398 = arith.constant 112 : index
      %get3A_399 = tpu.vector_load %arg10[%get3A_397, %get3A_398] {strides = array<i32>} : memref<80x128xi32, #tpu.memory_space<vmem>>, vector<1x16xi32>,
      %get3A_400 = vector.shape_cast %get3A_399 : vector<1x16xi32> to vector<16xi32>
      %add3A_401 = vector.broadcast %mul3A_23 : i32 to vector<16xi32>
      %add3A_402 = arith.addi %get3A_400, %add3A_401 : vector<16xi32>
      %swap3A_403 = arith.index_cast %scan3A_321 : i32 to index
      %swap3A_404 = arith.constant 112 : index
      %swap3A_405 = tpu.vector_load %arg11[%swap3A_403, %swap3A_404] {strides = array<i32>} : memref<80x128xi32, #tpu.memory_space<vmem>>, vector<1x16xi32>,
      %swap3A_406 = vector.shape_cast %swap3A_405 : vector<1x16xi32> to vector<16xi32>
      %swap3A_407 = vector.shape_cast %add3A_402 : vector<16xi32> to vector<1x16xi32>
      tpu.vector_store %arg11[%swap3A_403, %swap3A_404], %swap3A_407 {strides = array<i32>} : memref<80x128xi32, #tpu.memory_space<vmem>>, vector<1x16xi32>,
    }
    %scan3A_28 = arith.constant 80 : i32
    %barrier3A = arith.constant 0 : index
    tpu.barrier barrier_id(%barrier3A)
    %dma_start3A = arith.constant 0 : i32
    %dma_start3A_29 = arith.constant 0 : i32
    %dma_start3A_30 = arith.constant 0 : i32
    %dma_start3A_31 = arith.constant 0 : i32
    %dma_start3A_32 = tpu.memref_slice %arg13[%dma_start3A_30, %dma_start3A_31] : memref<512x128xbf16, #tpu.memory_space<vmem>> -> memref<128x128xbf16, #tpu.memory_space<vmem>>
    %dma_start3A_33 = arith.constant 0 : i32
    %dma_start3A_34 = tpu.memref_slice %arg11[%dma_start3A, %dma_start3A_33] : memref<80x128xi32, #tpu.memory_space<vmem>> -> memref<1x128xi32, #tpu.memory_space<vmem>>
    %dma_start3A_35 = tpu.memref_squeeze %dma_start3A_34 : memref<1x128xi32, #tpu.memory_space<vmem>> -> memref<128xi32, #tpu.memory_space<vmem>>
    %dma_start3A_36 = arith.constant 0 : i32
    %dma_start3A_37 = arith.constant 0 : i32
    %dma_start3A_38 = tpu.memref_slice %arg2[%dma_start3A_36, %dma_start3A_37] : memref<80000x128xbf16, #tpu.memory_space<hbm>> -> memref<80000x128xbf16, #tpu.memory_space<hbm>>
    %dma_start3A_39 = tpu.memref_slice %arg17[%dma_start3A_29] : memref<4x!tpu.dma_semaphore, #tpu.memory_space<semaphore_mem>> -> memref<1x!tpu.dma_semaphore, #tpu.memory_space<semaphore_mem>>
    %dma_start3A_40 = tpu.memref_squeeze %dma_start3A_39 : memref<1x!tpu.dma_semaphore, #tpu.memory_space<semaphore_mem>> -> memref<!tpu.dma_semaphore, #tpu.memory_space<semaphore_mem>>
    tpu.enqueue_indirect_dma source(%dma_start3A_38 : memref<80000x128xbf16, #tpu.memory_space<hbm>>) target(%dma_start3A_32 : memref<128x128xbf16, #tpu.memory_space<vmem>>) offsets(%dma_start3A_35 : memref<128xi32, #tpu.memory_space<vmem>>) semaphore(%dma_start3A_40 : memref<!tpu.dma_semaphore, #tpu.memory_space<semaphore_mem>>)
    %dma_start3A_41 = arith.constant 1 : i32
    %dma_start3A_42 = arith.constant 1 : i32
    %dma_start3A_43 = arith.constant 128 : i32
    %dma_start3A_44 = arith.constant 0 : i32
    %dma_start3A_45 = tpu.memref_slice %arg13[%dma_start3A_43, %dma_start3A_44] : memref<512x128xbf16, #tpu.memory_space<vmem>> -> memref<128x128xbf16, #tpu.memory_space<vmem>>
    %dma_start3A_46 = arith.constant 0 : i32
    %dma_start3A_47 = tpu.memref_slice %arg11[%dma_start3A_41, %dma_start3A_46] : memref<80x128xi32, #tpu.memory_space<vmem>> -> memref<1x128xi32, #tpu.memory_space<vmem>>
    %dma_start3A_48 = tpu.memref_squeeze %dma_start3A_47 : memref<1x128xi32, #tpu.memory_space<vmem>> -> memref<128xi32, #tpu.memory_space<vmem>>
    %dma_start3A_49 = arith.constant 0 : i32
    %dma_start3A_50 = arith.constant 0 : i32
    %dma_start3A_51 = tpu.memref_slice %arg2[%dma_start3A_49, %dma_start3A_50] : memref<80000x128xbf16, #tpu.memory_space<hbm>> -> memref<80000x128xbf16, #tpu.memory_space<hbm>>
    %dma_start3A_52 = tpu.memref_slice %arg17[%dma_start3A_42] : memref<4x!tpu.dma_semaphore, #tpu.memory_space<semaphore_mem>> -> memref<1x!tpu.dma_semaphore, #tpu.memory_space<semaphore_mem>>
    %dma_start3A_53 = tpu.memref_squeeze %dma_start3A_52 : memref<1x!tpu.dma_semaphore, #tpu.memory_space<semaphore_mem>> -> memref<!tpu.dma_semaphore, #tpu.memory_space<semaphore_mem>>
    tpu.enqueue_indirect_dma source(%dma_start3A_51 : memref<80000x128xbf16, #tpu.memory_space<hbm>>) target(%dma_start3A_45 : memref<128x128xbf16, #tpu.memory_space<vmem>>) offsets(%dma_start3A_48 : memref<128xi32, #tpu.memory_space<vmem>>) semaphore(%dma_start3A_53 : memref<!tpu.dma_semaphore, #tpu.memory_space<semaphore_mem>>)
    %dma_start3A_54 = arith.constant 2 : i32
    %dma_start3A_55 = arith.constant 2 : i32
    %dma_start3A_56 = arith.constant 256 : i32
    %dma_start3A_57 = arith.constant 0 : i32
    %dma_start3A_58 = tpu.memref_slice %arg13[%dma_start3A_56, %dma_start3A_57] : memref<512x128xbf16, #tpu.memory_space<vmem>> -> memref<128x128xbf16, #tpu.memory_space<vmem>>
    %dma_start3A_59 = arith.constant 0 : i32
    %dma_start3A_60 = tpu.memref_slice %arg11[%dma_start3A_54, %dma_start3A_59] : memref<80x128xi32, #tpu.memory_space<vmem>> -> memref<1x128xi32, #tpu.memory_space<vmem>>
    %dma_start3A_61 = tpu.memref_squeeze %dma_start3A_60 : memref<1x128xi32, #tpu.memory_space<vmem>> -> memref<128xi32, #tpu.memory_space<vmem>>
    %dma_start3A_62 = arith.constant 0 : i32
    %dma_start3A_63 = arith.constant 0 : i32
    %dma_start3A_64 = tpu.memref_slice %arg2[%dma_start3A_62, %dma_start3A_63] : memref<80000x128xbf16, #tpu.memory_space<hbm>> -> memref<80000x128xbf16, #tpu.memory_space<hbm>>
    %dma_start3A_65 = tpu.memref_slice %arg17[%dma_start3A_55] : memref<4x!tpu.dma_semaphore, #tpu.memory_space<semaphore_mem>> -> memref<1x!tpu.dma_semaphore, #tpu.memory_space<semaphore_mem>>
    %dma_start3A_66 = tpu.memref_squeeze %dma_start3A_65 : memref<1x!tpu.dma_semaphore, #tpu.memory_space<semaphore_mem>> -> memref<!tpu.dma_semaphore, #tpu.memory_space<semaphore_mem>>
    tpu.enqueue_indirect_dma source(%dma_start3A_64 : memref<80000x128xbf16, #tpu.memory_space<hbm>>) target(%dma_start3A_58 : memref<128x128xbf16, #tpu.memory_space<vmem>>) offsets(%dma_start3A_61 : memref<128xi32, #tpu.memory_space<vmem>>) semaphore(%dma_start3A_66 : memref<!tpu.dma_semaphore, #tpu.memory_space<semaphore_mem>>)
    %dma_start3A_67 = arith.constant 3 : i32
    %dma_start3A_68 = arith.constant 3 : i32
    %dma_start3A_69 = arith.constant 384 : i32
    %dma_start3A_70 = arith.constant 0 : i32
    %dma_start3A_71 = tpu.memref_slice %arg13[%dma_start3A_69, %dma_start3A_70] : memref<512x128xbf16, #tpu.memory_space<vmem>> -> memref<128x128xbf16, #tpu.memory_space<vmem>>
    %dma_start3A_72 = arith.constant 0 : i32
    %dma_start3A_73 = tpu.memref_slice %arg11[%dma_start3A_67, %dma_start3A_72] : memref<80x128xi32, #tpu.memory_space<vmem>> -> memref<1x128xi32, #tpu.memory_space<vmem>>
    %dma_start3A_74 = tpu.memref_squeeze %dma_start3A_73 : memref<1x128xi32, #tpu.memory_space<vmem>> -> memref<128xi32, #tpu.memory_space<vmem>>
    %dma_start3A_75 = arith.constant 0 : i32
    %dma_start3A_76 = arith.constant 0 : i32
    %dma_start3A_77 = tpu.memref_slice %arg2[%dma_start3A_75, %dma_start3A_76] : memref<80000x128xbf16, #tpu.memory_space<hbm>> -> memref<80000x128xbf16, #tpu.memory_space<hbm>>
    %dma_start3A_78 = tpu.memref_slice %arg17[%dma_start3A_68] : memref<4x!tpu.dma_semaphore, #tpu.memory_space<semaphore_mem>> -> memref<1x!tpu.dma_semaphore, #tpu.memory_space<semaphore_mem>>
    %dma_start3A_79 = tpu.memref_squeeze %dma_start3A_78 : memref<1x!tpu.dma_semaphore, #tpu.memory_space<semaphore_mem>> -> memref<!tpu.dma_semaphore, #tpu.memory_space<semaphore_mem>>
    tpu.enqueue_indirect_dma source(%dma_start3A_77 : memref<80000x128xbf16, #tpu.memory_space<hbm>>) target(%dma_start3A_71 : memref<128x128xbf16, #tpu.memory_space<vmem>>) offsets(%dma_start3A_74 : memref<128xi32, #tpu.memory_space<vmem>>) semaphore(%dma_start3A_79 : memref<!tpu.dma_semaphore, #tpu.memory_space<semaphore_mem>>)
    %scan3A_80 = arith.constant 0 : i32
    %scan3A_81 = arith.constant 0 : i32
    %scan3A_82 = arith.constant 0 : i32
    %scan3A_83 = arith.constant 1 : i32
    %scan3A_84 = arith.constant 1 : i32
    %scan3A_85 = arith.constant 2 : i32
    %scan3A_86 = arith.constant 2 : i32
    %scan3A_87 = arith.constant 3 : i32
    %scan3A_88 = arith.constant 3 : i32
    %scan3A_89 = arith.constant 0 : i32
    %scan3A_90 = arith.constant 20 : i32
    %scan3A_91 = arith.addi %scan3A_89, %scan3A_90 : i32
    %scan3A_92 = arith.constant 1 : i32
    scf.for %scan3A_321 = %scan3A_89 to %scan3A_91 step %scan3A_92  : i32 {
      %mul3A_322 = arith.constant 4 : i32
      %mul3A_323 = arith.muli %scan3A_321, %mul3A_322 : i32
      %add3A_324 = arith.constant 0 : i32
      %add3A_325 = arith.addi %mul3A_323, %add3A_324 : i32
      %dma_wait3A_326 = arith.constant 0 : i32
      %dma_wait3A_327 = arith.constant 0 : i32
      %dma_wait3A_328 = tpu.memref_slice %arg13[%dma_wait3A_326, %dma_wait3A_327] : memref<512x128xbf16, #tpu.memory_space<vmem>> -> memref<128x128xbf16, #tpu.memory_space<vmem>>
      %dma_wait3A_329 = arith.constant 0 : i32
      %dma_wait3A_330 = tpu.memref_slice %arg11[%add3A_325, %dma_wait3A_329] : memref<80x128xi32, #tpu.memory_space<vmem>> -> memref<1x128xi32, #tpu.memory_space<vmem>>
      %dma_wait3A_331 = tpu.memref_squeeze %dma_wait3A_330 : memref<1x128xi32, #tpu.memory_space<vmem>> -> memref<128xi32, #tpu.memory_space<vmem>>
      %dma_wait3A_332 = arith.constant 0 : i32
      %dma_wait3A_333 = arith.constant 0 : i32
      %dma_wait3A_334 = tpu.memref_slice %arg2[%dma_wait3A_332, %dma_wait3A_333] : memref<80000x128xbf16, #tpu.memory_space<hbm>> -> memref<80000x128xbf16, #tpu.memory_space<hbm>>
      %dma_wait3A_335 = tpu.memref_slice %arg17[%scan3A_81] : memref<4x!tpu.dma_semaphore, #tpu.memory_space<semaphore_mem>> -> memref<1x!tpu.dma_semaphore, #tpu.memory_space<semaphore_mem>>
      %dma_wait3A_336 = tpu.memref_squeeze %dma_wait3A_335 : memref<1x!tpu.dma_semaphore, #tpu.memory_space<semaphore_mem>> -> memref<!tpu.dma_semaphore, #tpu.memory_space<semaphore_mem>>
      tpu.wait_indirect_dma semaphore(%dma_wait3A_336 : memref<!tpu.dma_semaphore, #tpu.memory_space<semaphore_mem>>) src(%dma_wait3A_334 : memref<80000x128xbf16, #tpu.memory_space<hbm>>) dst(%dma_wait3A_328 : memref<128x128xbf16, #tpu.memory_space<vmem>>)
      %add3A_337 = arith.constant 0 : i32
      %add3A_338 = arith.addi %mul3A_323, %add3A_337 : i32
      %dma_start3A_339 = arith.constant 0 : i32
      %dma_start3A_340 = arith.constant 0 : i32
      %dma_start3A_341 = tpu.memref_slice %arg13[%dma_start3A_339, %dma_start3A_340] : memref<512x128xbf16, #tpu.memory_space<vmem>> -> memref<128x128xbf16, #tpu.memory_space<vmem>>
      %dma_start3A_342 = arith.constant 0 : i32
      %dma_start3A_343 = tpu.memref_slice %arg12[%add3A_338, %dma_start3A_342] : memref<80x128xi32, #tpu.memory_space<vmem>> -> memref<1x128xi32, #tpu.memory_space<vmem>>
      %dma_start3A_344 = tpu.memref_squeeze %dma_start3A_343 : memref<1x128xi32, #tpu.memory_space<vmem>> -> memref<128xi32, #tpu.memory_space<vmem>>
      %dma_start3A_345 = arith.constant 0 : i32
      %dma_start3A_346 = arith.constant 0 : i32
      %dma_start3A_347 = tpu.memref_slice %arg19[%dma_start3A_345, %dma_start3A_346] : memref<10240x128xbf16, #tpu.memory_space<vmem_shared>> -> memref<10240x128xbf16, #tpu.memory_space<vmem_shared>>
      %dma_start3A_348 = tpu.memref_slice %arg18[%scan3A_82] : memref<4x!tpu.dma_semaphore, #tpu.memory_space<semaphore_mem>> -> memref<1x!tpu.dma_semaphore, #tpu.memory_space<semaphore_mem>>
      %dma_start3A_349 = tpu.memref_squeeze %dma_start3A_348 : memref<1x!tpu.dma_semaphore, #tpu.memory_space<semaphore_mem>> -> memref<!tpu.dma_semaphore, #tpu.memory_space<semaphore_mem>>
      tpu.enqueue_indirect_dma source(%dma_start3A_341 : memref<128x128xbf16, #tpu.memory_space<vmem>>) target(%dma_start3A_347 : memref<10240x128xbf16, #tpu.memory_space<vmem_shared>>) offsets(%dma_start3A_344 : memref<128xi32, #tpu.memory_space<vmem>>) semaphore(%dma_start3A_349 : memref<!tpu.dma_semaphore, #tpu.memory_space<semaphore_mem>>) {add = true}
      %add3A_350 = arith.constant 1 : i32
      %add3A_351 = arith.addi %mul3A_323, %add3A_350 : i32
      %dma_wait3A_352 = arith.constant 128 : i32
      %dma_wait3A_353 = arith.constant 0 : i32
      %dma_wait3A_354 = tpu.memref_slice %arg13[%dma_wait3A_352, %dma_wait3A_353] : memref<512x128xbf16, #tpu.memory_space<vmem>> -> memref<128x128xbf16, #tpu.memory_space<vmem>>
      %dma_wait3A_355 = arith.constant 0 : i32
      %dma_wait3A_356 = tpu.memref_slice %arg11[%add3A_351, %dma_wait3A_355] : memref<80x128xi32, #tpu.memory_space<vmem>> -> memref<1x128xi32, #tpu.memory_space<vmem>>
      %dma_wait3A_357 = tpu.memref_squeeze %dma_wait3A_356 : memref<1x128xi32, #tpu.memory_space<vmem>> -> memref<128xi32, #tpu.memory_space<vmem>>
      %dma_wait3A_358 = arith.constant 0 : i32
      %dma_wait3A_359 = arith.constant 0 : i32
      %dma_wait3A_360 = tpu.memref_slice %arg2[%dma_wait3A_358, %dma_wait3A_359] : memref<80000x128xbf16, #tpu.memory_space<hbm>> -> memref<80000x128xbf16, #tpu.memory_space<hbm>>
      %dma_wait3A_361 = tpu.memref_slice %arg17[%scan3A_83] : memref<4x!tpu.dma_semaphore, #tpu.memory_space<semaphore_mem>> -> memref<1x!tpu.dma_semaphore, #tpu.memory_space<semaphore_mem>>
      %dma_wait3A_362 = tpu.memref_squeeze %dma_wait3A_361 : memref<1x!tpu.dma_semaphore, #tpu.memory_space<semaphore_mem>> -> memref<!tpu.dma_semaphore, #tpu.memory_space<semaphore_mem>>
      tpu.wait_indirect_dma semaphore(%dma_wait3A_362 : memref<!tpu.dma_semaphore, #tpu.memory_space<semaphore_mem>>) src(%dma_wait3A_360 : memref<80000x128xbf16, #tpu.memory_space<hbm>>) dst(%dma_wait3A_354 : memref<128x128xbf16, #tpu.memory_space<vmem>>)
      %add3A_363 = arith.constant 1 : i32
      %add3A_364 = arith.addi %mul3A_323, %add3A_363 : i32
      %dma_start3A_365 = arith.constant 128 : i32
      %dma_start3A_366 = arith.constant 0 : i32
      %dma_start3A_367 = tpu.memref_slice %arg13[%dma_start3A_365, %dma_start3A_366] : memref<512x128xbf16, #tpu.memory_space<vmem>> -> memref<128x128xbf16, #tpu.memory_space<vmem>>
      %dma_start3A_368 = arith.constant 0 : i32
      %dma_start3A_369 = tpu.memref_slice %arg12[%add3A_364, %dma_start3A_368] : memref<80x128xi32, #tpu.memory_space<vmem>> -> memref<1x128xi32, #tpu.memory_space<vmem>>
      %dma_start3A_370 = tpu.memref_squeeze %dma_start3A_369 : memref<1x128xi32, #tpu.memory_space<vmem>> -> memref<128xi32, #tpu.memory_space<vmem>>
      %dma_start3A_371 = arith.constant 0 : i32
      %dma_start3A_372 = arith.constant 0 : i32
      %dma_start3A_373 = tpu.memref_slice %arg19[%dma_start3A_371, %dma_start3A_372] : memref<10240x128xbf16, #tpu.memory_space<vmem_shared>> -> memref<10240x128xbf16, #tpu.memory_space<vmem_shared>>
      %dma_start3A_374 = tpu.memref_slice %arg18[%scan3A_84] : memref<4x!tpu.dma_semaphore, #tpu.memory_space<semaphore_mem>> -> memref<1x!tpu.dma_semaphore, #tpu.memory_space<semaphore_mem>>
      %dma_start3A_375 = tpu.memref_squeeze %dma_start3A_374 : memref<1x!tpu.dma_semaphore, #tpu.memory_space<semaphore_mem>> -> memref<!tpu.dma_semaphore, #tpu.memory_space<semaphore_mem>>
      tpu.enqueue_indirect_dma source(%dma_start3A_367 : memref<128x128xbf16, #tpu.memory_space<vmem>>) target(%dma_start3A_373 : memref<10240x128xbf16, #tpu.memory_space<vmem_shared>>) offsets(%dma_start3A_370 : memref<128xi32, #tpu.memory_space<vmem>>) semaphore(%dma_start3A_375 : memref<!tpu.dma_semaphore, #tpu.memory_space<semaphore_mem>>) {add = true}
      %add3A_376 = arith.constant 2 : i32
      %add3A_377 = arith.addi %mul3A_323, %add3A_376 : i32
      %dma_wait3A_378 = arith.constant 256 : i32
      %dma_wait3A_379 = arith.constant 0 : i32
      %dma_wait3A_380 = tpu.memref_slice %arg13[%dma_wait3A_378, %dma_wait3A_379] : memref<512x128xbf16, #tpu.memory_space<vmem>> -> memref<128x128xbf16, #tpu.memory_space<vmem>>
      %dma_wait3A_381 = arith.constant 0 : i32
      %dma_wait3A_382 = tpu.memref_slice %arg11[%add3A_377, %dma_wait3A_381] : memref<80x128xi32, #tpu.memory_space<vmem>> -> memref<1x128xi32, #tpu.memory_space<vmem>>
      %dma_wait3A_383 = tpu.memref_squeeze %dma_wait3A_382 : memref<1x128xi32, #tpu.memory_space<vmem>> -> memref<128xi32, #tpu.memory_space<vmem>>
      %dma_wait3A_384 = arith.constant 0 : i32
      %dma_wait3A_385 = arith.constant 0 : i32
      %dma_wait3A_386 = tpu.memref_slice %arg2[%dma_wait3A_384, %dma_wait3A_385] : memref<80000x128xbf16, #tpu.memory_space<hbm>> -> memref<80000x128xbf16, #tpu.memory_space<hbm>>
      %dma_wait3A_387 = tpu.memref_slice %arg17[%scan3A_85] : memref<4x!tpu.dma_semaphore, #tpu.memory_space<semaphore_mem>> -> memref<1x!tpu.dma_semaphore, #tpu.memory_space<semaphore_mem>>
      %dma_wait3A_388 = tpu.memref_squeeze %dma_wait3A_387 : memref<1x!tpu.dma_semaphore, #tpu.memory_space<semaphore_mem>> -> memref<!tpu.dma_semaphore, #tpu.memory_space<semaphore_mem>>
      tpu.wait_indirect_dma semaphore(%dma_wait3A_388 : memref<!tpu.dma_semaphore, #tpu.memory_space<semaphore_mem>>) src(%dma_wait3A_386 : memref<80000x128xbf16, #tpu.memory_space<hbm>>) dst(%dma_wait3A_380 : memref<128x128xbf16, #tpu.memory_space<vmem>>)
      %add3A_389 = arith.constant 2 : i32
      %add3A_390 = arith.addi %mul3A_323, %add3A_389 : i32
      %dma_start3A_391 = arith.constant 256 : i32
      %dma_start3A_392 = arith.constant 0 : i32
      %dma_start3A_393 = tpu.memref_slice %arg13[%dma_start3A_391, %dma_start3A_392] : memref<512x128xbf16, #tpu.memory_space<vmem>> -> memref<128x128xbf16, #tpu.memory_space<vmem>>
      %dma_start3A_394 = arith.constant 0 : i32
      %dma_start3A_395 = tpu.memref_slice %arg12[%add3A_390, %dma_start3A_394] : memref<80x128xi32, #tpu.memory_space<vmem>> -> memref<1x128xi32, #tpu.memory_space<vmem>>
      %dma_start3A_396 = tpu.memref_squeeze %dma_start3A_395 : memref<1x128xi32, #tpu.memory_space<vmem>> -> memref<128xi32, #tpu.memory_space<vmem>>
      %dma_start3A_397 = arith.constant 0 : i32
      %dma_start3A_398 = arith.constant 0 : i32
      %dma_start3A_399 = tpu.memref_slice %arg19[%dma_start3A_397, %dma_start3A_398] : memref<10240x128xbf16, #tpu.memory_space<vmem_shared>> -> memref<10240x128xbf16, #tpu.memory_space<vmem_shared>>
      %dma_start3A_400 = tpu.memref_slice %arg18[%scan3A_86] : memref<4x!tpu.dma_semaphore, #tpu.memory_space<semaphore_mem>> -> memref<1x!tpu.dma_semaphore, #tpu.memory_space<semaphore_mem>>
      %dma_start3A_401 = tpu.memref_squeeze %dma_start3A_400 : memref<1x!tpu.dma_semaphore, #tpu.memory_space<semaphore_mem>> -> memref<!tpu.dma_semaphore, #tpu.memory_space<semaphore_mem>>
      tpu.enqueue_indirect_dma source(%dma_start3A_393 : memref<128x128xbf16, #tpu.memory_space<vmem>>) target(%dma_start3A_399 : memref<10240x128xbf16, #tpu.memory_space<vmem_shared>>) offsets(%dma_start3A_396 : memref<128xi32, #tpu.memory_space<vmem>>) semaphore(%dma_start3A_401 : memref<!tpu.dma_semaphore, #tpu.memory_space<semaphore_mem>>) {add = true}
      %add3A_402 = arith.constant 3 : i32
      %add3A_403 = arith.addi %mul3A_323, %add3A_402 : i32
      %dma_wait3A_404 = arith.constant 384 : i32
      %dma_wait3A_405 = arith.constant 0 : i32
      %dma_wait3A_406 = tpu.memref_slice %arg13[%dma_wait3A_404, %dma_wait3A_405] : memref<512x128xbf16, #tpu.memory_space<vmem>> -> memref<128x128xbf16, #tpu.memory_space<vmem>>
      %dma_wait3A_407 = arith.constant 0 : i32
      %dma_wait3A_408 = tpu.memref_slice %arg11[%add3A_403, %dma_wait3A_407] : memref<80x128xi32, #tpu.memory_space<vmem>> -> memref<1x128xi32, #tpu.memory_space<vmem>>
      %dma_wait3A_409 = tpu.memref_squeeze %dma_wait3A_408 : memref<1x128xi32, #tpu.memory_space<vmem>> -> memref<128xi32, #tpu.memory_space<vmem>>
      %dma_wait3A_410 = arith.constant 0 : i32
      %dma_wait3A_411 = arith.constant 0 : i32
      %dma_wait3A_412 = tpu.memref_slice %arg2[%dma_wait3A_410, %dma_wait3A_411] : memref<80000x128xbf16, #tpu.memory_space<hbm>> -> memref<80000x128xbf16, #tpu.memory_space<hbm>>
      %dma_wait3A_413 = tpu.memref_slice %arg17[%scan3A_87] : memref<4x!tpu.dma_semaphore, #tpu.memory_space<semaphore_mem>> -> memref<1x!tpu.dma_semaphore, #tpu.memory_space<semaphore_mem>>
      %dma_wait3A_414 = tpu.memref_squeeze %dma_wait3A_413 : memref<1x!tpu.dma_semaphore, #tpu.memory_space<semaphore_mem>> -> memref<!tpu.dma_semaphore, #tpu.memory_space<semaphore_mem>>
      tpu.wait_indirect_dma semaphore(%dma_wait3A_414 : memref<!tpu.dma_semaphore, #tpu.memory_space<semaphore_mem>>) src(%dma_wait3A_412 : memref<80000x128xbf16, #tpu.memory_space<hbm>>) dst(%dma_wait3A_406 : memref<128x128xbf16, #tpu.memory_space<vmem>>)
      %add3A_415 = arith.constant 3 : i32
      %add3A_416 = arith.addi %mul3A_323, %add3A_415 : i32
      %dma_start3A_417 = arith.constant 384 : i32
      %dma_start3A_418 = arith.constant 0 : i32
      %dma_start3A_419 = tpu.memref_slice %arg13[%dma_start3A_417, %dma_start3A_418] : memref<512x128xbf16, #tpu.memory_space<vmem>> -> memref<128x128xbf16, #tpu.memory_space<vmem>>
      %dma_start3A_420 = arith.constant 0 : i32
      %dma_start3A_421 = tpu.memref_slice %arg12[%add3A_416, %dma_start3A_420] : memref<80x128xi32, #tpu.memory_space<vmem>> -> memref<1x128xi32, #tpu.memory_space<vmem>>
      %dma_start3A_422 = tpu.memref_squeeze %dma_start3A_421 : memref<1x128xi32, #tpu.memory_space<vmem>> -> memref<128xi32, #tpu.memory_space<vmem>>
      %dma_start3A_423 = arith.constant 0 : i32
      %dma_start3A_424 = arith.constant 0 : i32
      %dma_start3A_425 = tpu.memref_slice %arg19[%dma_start3A_423, %dma_start3A_424] : memref<10240x128xbf16, #tpu.memory_space<vmem_shared>> -> memref<10240x128xbf16, #tpu.memory_space<vmem_shared>>
      %dma_start3A_426 = tpu.memref_slice %arg18[%scan3A_88] : memref<4x!tpu.dma_semaphore, #tpu.memory_space<semaphore_mem>> -> memref<1x!tpu.dma_semaphore, #tpu.memory_space<semaphore_mem>>
      %dma_start3A_427 = tpu.memref_squeeze %dma_start3A_426 : memref<1x!tpu.dma_semaphore, #tpu.memory_space<semaphore_mem>> -> memref<!tpu.dma_semaphore, #tpu.memory_space<semaphore_mem>>
      tpu.enqueue_indirect_dma source(%dma_start3A_419 : memref<128x128xbf16, #tpu.memory_space<vmem>>) target(%dma_start3A_425 : memref<10240x128xbf16, #tpu.memory_space<vmem_shared>>) offsets(%dma_start3A_422 : memref<128xi32, #tpu.memory_space<vmem>>) semaphore(%dma_start3A_427 : memref<!tpu.dma_semaphore, #tpu.memory_space<semaphore_mem>>) {add = true}
      %lt3A_428 = arith.constant 19 : i32
      %lt3A_429 = arith.cmpi slt, %scan3A_321, %lt3A_428 : i32
      %convert_element_type3A_430 = arith.extui %lt3A_429 : i1 to i32
      %cond3A_431 = arith.constant 0 : i32
      %cond3A_432 = arith.cmpi ne, %convert_element_type3A_430, %cond3A_431 : i32
      scf.if %cond3A_432 {
        %add3A_433 = arith.constant 0 : i32
        %add3A_434 = arith.addi %mul3A_323, %add3A_433 : i32
        %dma_wait3A_435 = arith.constant 0 : i32
        %dma_wait3A_436 = arith.constant 0 : i32
        %dma_wait3A_437 = tpu.memref_slice %arg13[%dma_wait3A_435, %dma_wait3A_436] : memref<512x128xbf16, #tpu.memory_space<vmem>> -> memref<128x128xbf16, #tpu.memory_space<vmem>>
        %dma_wait3A_438 = arith.constant 0 : i32
        %dma_wait3A_439 = tpu.memref_slice %arg12[%add3A_434, %dma_wait3A_438] : memref<80x128xi32, #tpu.memory_space<vmem>> -> memref<1x128xi32, #tpu.memory_space<vmem>>
        %dma_wait3A_440 = tpu.memref_squeeze %dma_wait3A_439 : memref<1x128xi32, #tpu.memory_space<vmem>> -> memref<128xi32, #tpu.memory_space<vmem>>
        %dma_wait3A_441 = arith.constant 0 : i32
        %dma_wait3A_442 = arith.constant 0 : i32
        %dma_wait3A_443 = tpu.memref_slice %arg19[%dma_wait3A_441, %dma_wait3A_442] : memref<10240x128xbf16, #tpu.memory_space<vmem_shared>> -> memref<10240x128xbf16, #tpu.memory_space<vmem_shared>>
        %dma_wait3A_444 = tpu.memref_slice %arg18[%scan3A_82] : memref<4x!tpu.dma_semaphore, #tpu.memory_space<semaphore_mem>> -> memref<1x!tpu.dma_semaphore, #tpu.memory_space<semaphore_mem>>
        %dma_wait3A_445 = tpu.memref_squeeze %dma_wait3A_444 : memref<1x!tpu.dma_semaphore, #tpu.memory_space<semaphore_mem>> -> memref<!tpu.dma_semaphore, #tpu.memory_space<semaphore_mem>>
        tpu.wait_indirect_dma semaphore(%dma_wait3A_445 : memref<!tpu.dma_semaphore, #tpu.memory_space<semaphore_mem>>) src(%dma_wait3A_437 : memref<128x128xbf16, #tpu.memory_space<vmem>>) dst(%dma_wait3A_443 : memref<10240x128xbf16, #tpu.memory_space<vmem_shared>>)
        %add3A_446 = arith.constant 4 : i32
        %add3A_447 = arith.addi %mul3A_323, %add3A_446 : i32
        %add3A_448 = arith.constant 0 : i32
        %add3A_449 = arith.addi %add3A_447, %add3A_448 : i32
        %dma_start3A_450 = arith.constant 0 : i32
        %dma_start3A_451 = arith.constant 0 : i32
        %dma_start3A_452 = tpu.memref_slice %arg13[%dma_start3A_450, %dma_start3A_451] : memref<512x128xbf16, #tpu.memory_space<vmem>> -> memref<128x128xbf16, #tpu.memory_space<vmem>>
        %dma_start3A_453 = arith.constant 0 : i32
        %dma_start3A_454 = tpu.memref_slice %arg11[%add3A_449, %dma_start3A_453] : memref<80x128xi32, #tpu.memory_space<vmem>> -> memref<1x128xi32, #tpu.memory_space<vmem>>
        %dma_start3A_455 = tpu.memref_squeeze %dma_start3A_454 : memref<1x128xi32, #tpu.memory_space<vmem>> -> memref<128xi32, #tpu.memory_space<vmem>>
        %dma_start3A_456 = arith.constant 0 : i32
        %dma_start3A_457 = arith.constant 0 : i32
        %dma_start3A_458 = tpu.memref_slice %arg2[%dma_start3A_456, %dma_start3A_457] : memref<80000x128xbf16, #tpu.memory_space<hbm>> -> memref<80000x128xbf16, #tpu.memory_space<hbm>>
        %dma_start3A_459 = tpu.memref_slice %arg17[%scan3A_81] : memref<4x!tpu.dma_semaphore, #tpu.memory_space<semaphore_mem>> -> memref<1x!tpu.dma_semaphore, #tpu.memory_space<semaphore_mem>>
        %dma_start3A_460 = tpu.memref_squeeze %dma_start3A_459 : memref<1x!tpu.dma_semaphore, #tpu.memory_space<semaphore_mem>> -> memref<!tpu.dma_semaphore, #tpu.memory_space<semaphore_mem>>
        tpu.enqueue_indirect_dma source(%dma_start3A_458 : memref<80000x128xbf16, #tpu.memory_space<hbm>>) target(%dma_start3A_452 : memref<128x128xbf16, #tpu.memory_space<vmem>>) offsets(%dma_start3A_455 : memref<128xi32, #tpu.memory_space<vmem>>) semaphore(%dma_start3A_460 : memref<!tpu.dma_semaphore, #tpu.memory_space<semaphore_mem>>)
        %add3A_461 = arith.constant 1 : i32
        %add3A_462 = arith.addi %mul3A_323, %add3A_461 : i32
        %dma_wait3A_463 = arith.constant 128 : i32
        %dma_wait3A_464 = arith.constant 0 : i32
        %dma_wait3A_465 = tpu.memref_slice %arg13[%dma_wait3A_463, %dma_wait3A_464] : memref<512x128xbf16, #tpu.memory_space<vmem>> -> memref<128x128xbf16, #tpu.memory_space<vmem>>
        %dma_wait3A_466 = arith.constant 0 : i32
        %dma_wait3A_467 = tpu.memref_slice %arg12[%add3A_462, %dma_wait3A_466] : memref<80x128xi32, #tpu.memory_space<vmem>> -> memref<1x128xi32, #tpu.memory_space<vmem>>
        %dma_wait3A_468 = tpu.memref_squeeze %dma_wait3A_467 : memref<1x128xi32, #tpu.memory_space<vmem>> -> memref<128xi32, #tpu.memory_space<vmem>>
        %dma_wait3A_469 = arith.constant 0 : i32
        %dma_wait3A_470 = arith.constant 0 : i32
        %dma_wait3A_471 = tpu.memref_slice %arg19[%dma_wait3A_469, %dma_wait3A_470] : memref<10240x128xbf16, #tpu.memory_space<vmem_shared>> -> memref<10240x128xbf16, #tpu.memory_space<vmem_shared>>
        %dma_wait3A_472 = tpu.memref_slice %arg18[%scan3A_84] : memref<4x!tpu.dma_semaphore, #tpu.memory_space<semaphore_mem>> -> memref<1x!tpu.dma_semaphore, #tpu.memory_space<semaphore_mem>>
        %dma_wait3A_473 = tpu.memref_squeeze %dma_wait3A_472 : memref<1x!tpu.dma_semaphore, #tpu.memory_space<semaphore_mem>> -> memref<!tpu.dma_semaphore, #tpu.memory_space<semaphore_mem>>
        tpu.wait_indirect_dma semaphore(%dma_wait3A_473 : memref<!tpu.dma_semaphore, #tpu.memory_space<semaphore_mem>>) src(%dma_wait3A_465 : memref<128x128xbf16, #tpu.memory_space<vmem>>) dst(%dma_wait3A_471 : memref<10240x128xbf16, #tpu.memory_space<vmem_shared>>)
        %add3A_474 = arith.constant 4 : i32
        %add3A_475 = arith.addi %mul3A_323, %add3A_474 : i32
        %add3A_476 = arith.constant 1 : i32
        %add3A_477 = arith.addi %add3A_475, %add3A_476 : i32
        %dma_start3A_478 = arith.constant 128 : i32
        %dma_start3A_479 = arith.constant 0 : i32
        %dma_start3A_480 = tpu.memref_slice %arg13[%dma_start3A_478, %dma_start3A_479] : memref<512x128xbf16, #tpu.memory_space<vmem>> -> memref<128x128xbf16, #tpu.memory_space<vmem>>
        %dma_start3A_481 = arith.constant 0 : i32
        %dma_start3A_482 = tpu.memref_slice %arg11[%add3A_477, %dma_start3A_481] : memref<80x128xi32, #tpu.memory_space<vmem>> -> memref<1x128xi32, #tpu.memory_space<vmem>>
        %dma_start3A_483 = tpu.memref_squeeze %dma_start3A_482 : memref<1x128xi32, #tpu.memory_space<vmem>> -> memref<128xi32, #tpu.memory_space<vmem>>
        %dma_start3A_484 = arith.constant 0 : i32
        %dma_start3A_485 = arith.constant 0 : i32
        %dma_start3A_486 = tpu.memref_slice %arg2[%dma_start3A_484, %dma_start3A_485] : memref<80000x128xbf16, #tpu.memory_space<hbm>> -> memref<80000x128xbf16, #tpu.memory_space<hbm>>
        %dma_start3A_487 = tpu.memref_slice %arg17[%scan3A_83] : memref<4x!tpu.dma_semaphore, #tpu.memory_space<semaphore_mem>> -> memref<1x!tpu.dma_semaphore, #tpu.memory_space<semaphore_mem>>
        %dma_start3A_488 = tpu.memref_squeeze %dma_start3A_487 : memref<1x!tpu.dma_semaphore, #tpu.memory_space<semaphore_mem>> -> memref<!tpu.dma_semaphore, #tpu.memory_space<semaphore_mem>>
        tpu.enqueue_indirect_dma source(%dma_start3A_486 : memref<80000x128xbf16, #tpu.memory_space<hbm>>) target(%dma_start3A_480 : memref<128x128xbf16, #tpu.memory_space<vmem>>) offsets(%dma_start3A_483 : memref<128xi32, #tpu.memory_space<vmem>>) semaphore(%dma_start3A_488 : memref<!tpu.dma_semaphore, #tpu.memory_space<semaphore_mem>>)
        %add3A_489 = arith.constant 2 : i32
        %add3A_490 = arith.addi %mul3A_323, %add3A_489 : i32
        %dma_wait3A_491 = arith.constant 256 : i32
        %dma_wait3A_492 = arith.constant 0 : i32
        %dma_wait3A_493 = tpu.memref_slice %arg13[%dma_wait3A_491, %dma_wait3A_492] : memref<512x128xbf16, #tpu.memory_space<vmem>> -> memref<128x128xbf16, #tpu.memory_space<vmem>>
        %dma_wait3A_494 = arith.constant 0 : i32
        %dma_wait3A_495 = tpu.memref_slice %arg12[%add3A_490, %dma_wait3A_494] : memref<80x128xi32, #tpu.memory_space<vmem>> -> memref<1x128xi32, #tpu.memory_space<vmem>>
        %dma_wait3A_496 = tpu.memref_squeeze %dma_wait3A_495 : memref<1x128xi32, #tpu.memory_space<vmem>> -> memref<128xi32, #tpu.memory_space<vmem>>
        %dma_wait3A_497 = arith.constant 0 : i32
        %dma_wait3A_498 = arith.constant 0 : i32
        %dma_wait3A_499 = tpu.memref_slice %arg19[%dma_wait3A_497, %dma_wait3A_498] : memref<10240x128xbf16, #tpu.memory_space<vmem_shared>> -> memref<10240x128xbf16, #tpu.memory_space<vmem_shared>>
        %dma_wait3A_500 = tpu.memref_slice %arg18[%scan3A_86] : memref<4x!tpu.dma_semaphore, #tpu.memory_space<semaphore_mem>> -> memref<1x!tpu.dma_semaphore, #tpu.memory_space<semaphore_mem>>
        %dma_wait3A_501 = tpu.memref_squeeze %dma_wait3A_500 : memref<1x!tpu.dma_semaphore, #tpu.memory_space<semaphore_mem>> -> memref<!tpu.dma_semaphore, #tpu.memory_space<semaphore_mem>>
        tpu.wait_indirect_dma semaphore(%dma_wait3A_501 : memref<!tpu.dma_semaphore, #tpu.memory_space<semaphore_mem>>) src(%dma_wait3A_493 : memref<128x128xbf16, #tpu.memory_space<vmem>>) dst(%dma_wait3A_499 : memref<10240x128xbf16, #tpu.memory_space<vmem_shared>>)
        %add3A_502 = arith.constant 4 : i32
        %add3A_503 = arith.addi %mul3A_323, %add3A_502 : i32
        %add3A_504 = arith.constant 2 : i32
        %add3A_505 = arith.addi %add3A_503, %add3A_504 : i32
        %dma_start3A_506 = arith.constant 256 : i32
        %dma_start3A_507 = arith.constant 0 : i32
        %dma_start3A_508 = tpu.memref_slice %arg13[%dma_start3A_506, %dma_start3A_507] : memref<512x128xbf16, #tpu.memory_space<vmem>> -> memref<128x128xbf16, #tpu.memory_space<vmem>>
        %dma_start3A_509 = arith.constant 0 : i32
        %dma_start3A_510 = tpu.memref_slice %arg11[%add3A_505, %dma_start3A_509] : memref<80x128xi32, #tpu.memory_space<vmem>> -> memref<1x128xi32, #tpu.memory_space<vmem>>
        %dma_start3A_511 = tpu.memref_squeeze %dma_start3A_510 : memref<1x128xi32, #tpu.memory_space<vmem>> -> memref<128xi32, #tpu.memory_space<vmem>>
        %dma_start3A_512 = arith.constant 0 : i32
        %dma_start3A_513 = arith.constant 0 : i32
        %dma_start3A_514 = tpu.memref_slice %arg2[%dma_start3A_512, %dma_start3A_513] : memref<80000x128xbf16, #tpu.memory_space<hbm>> -> memref<80000x128xbf16, #tpu.memory_space<hbm>>
        %dma_start3A_515 = tpu.memref_slice %arg17[%scan3A_85] : memref<4x!tpu.dma_semaphore, #tpu.memory_space<semaphore_mem>> -> memref<1x!tpu.dma_semaphore, #tpu.memory_space<semaphore_mem>>
        %dma_start3A_516 = tpu.memref_squeeze %dma_start3A_515 : memref<1x!tpu.dma_semaphore, #tpu.memory_space<semaphore_mem>> -> memref<!tpu.dma_semaphore, #tpu.memory_space<semaphore_mem>>
        tpu.enqueue_indirect_dma source(%dma_start3A_514 : memref<80000x128xbf16, #tpu.memory_space<hbm>>) target(%dma_start3A_508 : memref<128x128xbf16, #tpu.memory_space<vmem>>) offsets(%dma_start3A_511 : memref<128xi32, #tpu.memory_space<vmem>>) semaphore(%dma_start3A_516 : memref<!tpu.dma_semaphore, #tpu.memory_space<semaphore_mem>>)
        %add3A_517 = arith.constant 3 : i32
        %add3A_518 = arith.addi %mul3A_323, %add3A_517 : i32
        %dma_wait3A_519 = arith.constant 384 : i32
        %dma_wait3A_520 = arith.constant 0 : i32
        %dma_wait3A_521 = tpu.memref_slice %arg13[%dma_wait3A_519, %dma_wait3A_520] : memref<512x128xbf16, #tpu.memory_space<vmem>> -> memref<128x128xbf16, #tpu.memory_space<vmem>>
        %dma_wait3A_522 = arith.constant 0 : i32
        %dma_wait3A_523 = tpu.memref_slice %arg12[%add3A_518, %dma_wait3A_522] : memref<80x128xi32, #tpu.memory_space<vmem>> -> memref<1x128xi32, #tpu.memory_space<vmem>>
        %dma_wait3A_524 = tpu.memref_squeeze %dma_wait3A_523 : memref<1x128xi32, #tpu.memory_space<vmem>> -> memref<128xi32, #tpu.memory_space<vmem>>
        %dma_wait3A_525 = arith.constant 0 : i32
        %dma_wait3A_526 = arith.constant 0 : i32
        %dma_wait3A_527 = tpu.memref_slice %arg19[%dma_wait3A_525, %dma_wait3A_526] : memref<10240x128xbf16, #tpu.memory_space<vmem_shared>> -> memref<10240x128xbf16, #tpu.memory_space<vmem_shared>>
        %dma_wait3A_528 = tpu.memref_slice %arg18[%scan3A_88] : memref<4x!tpu.dma_semaphore, #tpu.memory_space<semaphore_mem>> -> memref<1x!tpu.dma_semaphore, #tpu.memory_space<semaphore_mem>>
        %dma_wait3A_529 = tpu.memref_squeeze %dma_wait3A_528 : memref<1x!tpu.dma_semaphore, #tpu.memory_space<semaphore_mem>> -> memref<!tpu.dma_semaphore, #tpu.memory_space<semaphore_mem>>
        tpu.wait_indirect_dma semaphore(%dma_wait3A_529 : memref<!tpu.dma_semaphore, #tpu.memory_space<semaphore_mem>>) src(%dma_wait3A_521 : memref<128x128xbf16, #tpu.memory_space<vmem>>) dst(%dma_wait3A_527 : memref<10240x128xbf16, #tpu.memory_space<vmem_shared>>)
        %add3A_530 = arith.constant 4 : i32
        %add3A_531 = arith.addi %mul3A_323, %add3A_530 : i32
        %add3A_532 = arith.constant 3 : i32
        %add3A_533 = arith.addi %add3A_531, %add3A_532 : i32
        %dma_start3A_534 = arith.constant 384 : i32
        %dma_start3A_535 = arith.constant 0 : i32
        %dma_start3A_536 = tpu.memref_slice %arg13[%dma_start3A_534, %dma_start3A_535] : memref<512x128xbf16, #tpu.memory_space<vmem>> -> memref<128x128xbf16, #tpu.memory_space<vmem>>
        %dma_start3A_537 = arith.constant 0 : i32
        %dma_start3A_538 = tpu.memref_slice %arg11[%add3A_533, %dma_start3A_537] : memref<80x128xi32, #tpu.memory_space<vmem>> -> memref<1x128xi32, #tpu.memory_space<vmem>>
        %dma_start3A_539 = tpu.memref_squeeze %dma_start3A_538 : memref<1x128xi32, #tpu.memory_space<vmem>> -> memref<128xi32, #tpu.memory_space<vmem>>
        %dma_start3A_540 = arith.constant 0 : i32
        %dma_start3A_541 = arith.constant 0 : i32
        %dma_start3A_542 = tpu.memref_slice %arg2[%dma_start3A_540, %dma_start3A_541] : memref<80000x128xbf16, #tpu.memory_space<hbm>> -> memref<80000x128xbf16, #tpu.memory_space<hbm>>
        %dma_start3A_543 = tpu.memref_slice %arg17[%scan3A_87] : memref<4x!tpu.dma_semaphore, #tpu.memory_space<semaphore_mem>> -> memref<1x!tpu.dma_semaphore, #tpu.memory_space<semaphore_mem>>
        %dma_start3A_544 = tpu.memref_squeeze %dma_start3A_543 : memref<1x!tpu.dma_semaphore, #tpu.memory_space<semaphore_mem>> -> memref<!tpu.dma_semaphore, #tpu.memory_space<semaphore_mem>>
        tpu.enqueue_indirect_dma source(%dma_start3A_542 : memref<80000x128xbf16, #tpu.memory_space<hbm>>) target(%dma_start3A_536 : memref<128x128xbf16, #tpu.memory_space<vmem>>) offsets(%dma_start3A_539 : memref<128xi32, #tpu.memory_space<vmem>>) semaphore(%dma_start3A_544 : memref<!tpu.dma_semaphore, #tpu.memory_space<semaphore_mem>>)
      } else {
      }
    }
    %scan3A_93 = arith.constant 20 : i32
    %dma_wait3A = arith.constant 76 : i32
    %dma_wait3A_94 = arith.constant 0 : i32
    %dma_wait3A_95 = arith.constant 0 : i32
    %dma_wait3A_96 = arith.constant 0 : i32
    %dma_wait3A_97 = tpu.memref_slice %arg13[%dma_wait3A_95, %dma_wait3A_96] : memref<512x128xbf16, #tpu.memory_space<vmem>> -> memref<128x128xbf16, #tpu.memory_space<vmem>>
    %dma_wait3A_98 = arith.constant 0 : i32
    %dma_wait3A_99 = tpu.memref_slice %arg12[%dma_wait3A, %dma_wait3A_98] : memref<80x128xi32, #tpu.memory_space<vmem>> -> memref<1x128xi32, #tpu.memory_space<vmem>>
    %dma_wait3A_100 = tpu.memref_squeeze %dma_wait3A_99 : memref<1x128xi32, #tpu.memory_space<vmem>> -> memref<128xi32, #tpu.memory_space<vmem>>
    %dma_wait3A_101 = arith.constant 0 : i32
    %dma_wait3A_102 = arith.constant 0 : i32
    %dma_wait3A_103 = tpu.memref_slice %arg19[%dma_wait3A_101, %dma_wait3A_102] : memref<10240x128xbf16, #tpu.memory_space<vmem_shared>> -> memref<10240x128xbf16, #tpu.memory_space<vmem_shared>>
    %dma_wait3A_104 = tpu.memref_slice %arg18[%dma_wait3A_94] : memref<4x!tpu.dma_semaphore, #tpu.memory_space<semaphore_mem>> -> memref<1x!tpu.dma_semaphore, #tpu.memory_space<semaphore_mem>>
    %dma_wait3A_105 = tpu.memref_squeeze %dma_wait3A_104 : memref<1x!tpu.dma_semaphore, #tpu.memory_space<semaphore_mem>> -> memref<!tpu.dma_semaphore, #tpu.memory_space<semaphore_mem>>
    tpu.wait_indirect_dma semaphore(%dma_wait3A_105 : memref<!tpu.dma_semaphore, #tpu.memory_space<semaphore_mem>>) src(%dma_wait3A_97 : memref<128x128xbf16, #tpu.memory_space<vmem>>) dst(%dma_wait3A_103 : memref<10240x128xbf16, #tpu.memory_space<vmem_shared>>)
    %dma_wait3A_106 = arith.constant 77 : i32
    %dma_wait3A_107 = arith.constant 1 : i32
    %dma_wait3A_108 = arith.constant 128 : i32
    %dma_wait3A_109 = arith.constant 0 : i32
    %dma_wait3A_110 = tpu.memref_slice %arg13[%dma_wait3A_108, %dma_wait3A_109] : memref<512x128xbf16, #tpu.memory_space<vmem>> -> memref<128x128xbf16, #tpu.memory_space<vmem>>
    %dma_wait3A_111 = arith.constant 0 : i32
    %dma_wait3A_112 = tpu.memref_slice %arg12[%dma_wait3A_106, %dma_wait3A_111] : memref<80x128xi32, #tpu.memory_space<vmem>> -> memref<1x128xi32, #tpu.memory_space<vmem>>
    %dma_wait3A_113 = tpu.memref_squeeze %dma_wait3A_112 : memref<1x128xi32, #tpu.memory_space<vmem>> -> memref<128xi32, #tpu.memory_space<vmem>>
    %dma_wait3A_114 = arith.constant 0 : i32
    %dma_wait3A_115 = arith.constant 0 : i32
    %dma_wait3A_116 = tpu.memref_slice %arg19[%dma_wait3A_114, %dma_wait3A_115] : memref<10240x128xbf16, #tpu.memory_space<vmem_shared>> -> memref<10240x128xbf16, #tpu.memory_space<vmem_shared>>
    %dma_wait3A_117 = tpu.memref_slice %arg18[%dma_wait3A_107] : memref<4x!tpu.dma_semaphore, #tpu.memory_space<semaphore_mem>> -> memref<1x!tpu.dma_semaphore, #tpu.memory_space<semaphore_mem>>
    %dma_wait3A_118 = tpu.memref_squeeze %dma_wait3A_117 : memref<1x!tpu.dma_semaphore, #tpu.memory_space<semaphore_mem>> -> memref<!tpu.dma_semaphore, #tpu.memory_space<semaphore_mem>>
    tpu.wait_indirect_dma semaphore(%dma_wait3A_118 : memref<!tpu.dma_semaphore, #tpu.memory_space<semaphore_mem>>) src(%dma_wait3A_110 : memref<128x128xbf16, #tpu.memory_space<vmem>>) dst(%dma_wait3A_116 : memref<10240x128xbf16, #tpu.memory_space<vmem_shared>>)
    %dma_wait3A_119 = arith.constant 78 : i32
    %dma_wait3A_120 = arith.constant 2 : i32
    %dma_wait3A_121 = arith.constant 256 : i32
    %dma_wait3A_122 = arith.constant 0 : i32
    %dma_wait3A_123 = tpu.memref_slice %arg13[%dma_wait3A_121, %dma_wait3A_122] : memref<512x128xbf16, #tpu.memory_space<vmem>> -> memref<128x128xbf16, #tpu.memory_space<vmem>>
    %dma_wait3A_124 = arith.constant 0 : i32
    %dma_wait3A_125 = tpu.memref_slice %arg12[%dma_wait3A_119, %dma_wait3A_124] : memref<80x128xi32, #tpu.memory_space<vmem>> -> memref<1x128xi32, #tpu.memory_space<vmem>>
    %dma_wait3A_126 = tpu.memref_squeeze %dma_wait3A_125 : memref<1x128xi32, #tpu.memory_space<vmem>> -> memref<128xi32, #tpu.memory_space<vmem>>
    %dma_wait3A_127 = arith.constant 0 : i32
    %dma_wait3A_128 = arith.constant 0 : i32
    %dma_wait3A_129 = tpu.memref_slice %arg19[%dma_wait3A_127, %dma_wait3A_128] : memref<10240x128xbf16, #tpu.memory_space<vmem_shared>> -> memref<10240x128xbf16, #tpu.memory_space<vmem_shared>>
    %dma_wait3A_130 = tpu.memref_slice %arg18[%dma_wait3A_120] : memref<4x!tpu.dma_semaphore, #tpu.memory_space<semaphore_mem>> -> memref<1x!tpu.dma_semaphore, #tpu.memory_space<semaphore_mem>>
    %dma_wait3A_131 = tpu.memref_squeeze %dma_wait3A_130 : memref<1x!tpu.dma_semaphore, #tpu.memory_space<semaphore_mem>> -> memref<!tpu.dma_semaphore, #tpu.memory_space<semaphore_mem>>
    tpu.wait_indirect_dma semaphore(%dma_wait3A_131 : memref<!tpu.dma_semaphore, #tpu.memory_space<semaphore_mem>>) src(%dma_wait3A_123 : memref<128x128xbf16, #tpu.memory_space<vmem>>) dst(%dma_wait3A_129 : memref<10240x128xbf16, #tpu.memory_space<vmem_shared>>)
    %dma_wait3A_132 = arith.constant 79 : i32
    %dma_wait3A_133 = arith.constant 3 : i32
    %dma_wait3A_134 = arith.constant 384 : i32
    %dma_wait3A_135 = arith.constant 0 : i32
    %dma_wait3A_136 = tpu.memref_slice %arg13[%dma_wait3A_134, %dma_wait3A_135] : memref<512x128xbf16, #tpu.memory_space<vmem>> -> memref<128x128xbf16, #tpu.memory_space<vmem>>
    %dma_wait3A_137 = arith.constant 0 : i32
    %dma_wait3A_138 = tpu.memref_slice %arg12[%dma_wait3A_132, %dma_wait3A_137] : memref<80x128xi32, #tpu.memory_space<vmem>> -> memref<1x128xi32, #tpu.memory_space<vmem>>
    %dma_wait3A_139 = tpu.memref_squeeze %dma_wait3A_138 : memref<1x128xi32, #tpu.memory_space<vmem>> -> memref<128xi32, #tpu.memory_space<vmem>>
    %dma_wait3A_140 = arith.constant 0 : i32
    %dma_wait3A_141 = arith.constant 0 : i32
    %dma_wait3A_142 = tpu.memref_slice %arg19[%dma_wait3A_140, %dma_wait3A_141] : memref<10240x128xbf16, #tpu.memory_space<vmem_shared>> -> memref<10240x128xbf16, #tpu.memory_space<vmem_shared>>
    %dma_wait3A_143 = tpu.memref_slice %arg18[%dma_wait3A_133] : memref<4x!tpu.dma_semaphore, #tpu.memory_space<semaphore_mem>> -> memref<1x!tpu.dma_semaphore, #tpu.memory_space<semaphore_mem>>
    %dma_wait3A_144 = tpu.memref_squeeze %dma_wait3A_143 : memref<1x!tpu.dma_semaphore, #tpu.memory_space<semaphore_mem>> -> memref<!tpu.dma_semaphore, #tpu.memory_space<semaphore_mem>>
    tpu.wait_indirect_dma semaphore(%dma_wait3A_144 : memref<!tpu.dma_semaphore, #tpu.memory_space<semaphore_mem>>) src(%dma_wait3A_136 : memref<128x128xbf16, #tpu.memory_space<vmem>>) dst(%dma_wait3A_142 : memref<10240x128xbf16, #tpu.memory_space<vmem_shared>>)
    %barrier3A_145 = arith.constant 0 : index
    tpu.barrier barrier_id(%barrier3A_145)
    %mul3A_146 = arith.constant 10000 : i32
    %mul3A_147 = arith.muli %add3A_11, %mul3A_146 : i32
    %add3A_148 = arith.addi %mul3A_147, %mul3A_0 : i32
    %lt3A = arith.constant 15 : i32
    %lt3A_149 = arith.cmpi slt, %arg1, %lt3A : i32
    %convert_element_type3A_150 = arith.extui %lt3A_149 : i1 to i32
    %cond3A_151 = arith.constant 0 : i32
    %cond3A_152 = arith.cmpi ne, %convert_element_type3A_150, %cond3A_151 : i32
    scf.if %cond3A_152 {
      "tpu.region"() ({
        %run_scoped3A = tpu.sem_alloc : memref<!tpu.dma_semaphore, #tpu.memory_space<semaphore_mem>>
        %dma_start3A_321 = arith.constant 0 : i32
        %dma_start3A_322 = tpu.memref_slice %arg8[%add3A_148, %dma_start3A_321] : memref<40000x128xbf16, #tpu.memory_space<hbm>> -> memref<640x128xbf16, #tpu.memory_space<hbm>>
        %dma_start3A_323 = arith.constant 0 : i32
        %dma_start3A_324 = tpu.memref_slice %arg19[%mul3A_0, %dma_start3A_323] : memref<10240x128xbf16, #tpu.memory_space<vmem_shared>> -> memref<640x128xbf16, #tpu.memory_space<vmem_shared>>
        tpu.enqueue_dma source(%dma_start3A_324 : memref<640x128xbf16, #tpu.memory_space<vmem_shared>>) target(%dma_start3A_322 : memref<640x128xbf16, #tpu.memory_space<hbm>>) target_semaphore(%run_scoped3A : memref<!tpu.dma_semaphore, #tpu.memory_space<semaphore_mem>>)
        %dma_wait3A_325 = arith.constant 0 : i32
        %dma_wait3A_326 = tpu.memref_slice %arg8[%add3A_148, %dma_wait3A_325] : memref<40000x128xbf16, #tpu.memory_space<hbm>> -> memref<640x128xbf16, #tpu.memory_space<hbm>>
        %dma_wait3A_327 = arith.constant 0 : i32
        %dma_wait3A_328 = tpu.memref_slice %arg19[%mul3A_0, %dma_wait3A_327] : memref<10240x128xbf16, #tpu.memory_space<vmem_shared>> -> memref<640x128xbf16, #tpu.memory_space<vmem_shared>>
        tpu.wait_dma2 semaphore(%run_scoped3A : memref<!tpu.dma_semaphore, #tpu.memory_space<semaphore_mem>>) src(%dma_wait3A_328 : memref<640x128xbf16, #tpu.memory_space<vmem_shared>>) dst(%dma_wait3A_326 : memref<640x128xbf16, #tpu.memory_space<hbm>>)
        tpu.yield
      }) : () -> ()
    } else {
    }
    %eq3A_153 = arith.constant 15 : i32
    %eq3A_154 = arith.cmpi eq, %arg1, %eq3A_153 : i32
    %convert_element_type3A_155 = arith.extui %eq3A_154 : i1 to i32
    %cond3A_156 = arith.constant 0 : i32
    %cond3A_157 = arith.cmpi ne, %convert_element_type3A_155, %cond3A_156 : i32
    scf.if %cond3A_157 {
      "tpu.region"() ({
        %run_scoped3A = tpu.sem_alloc : memref<!tpu.dma_semaphore, #tpu.memory_space<semaphore_mem>>
        %dma_start3A_321 = arith.constant 0 : i32
        %dma_start3A_322 = tpu.memref_slice %arg8[%add3A_148, %dma_start3A_321] : memref<40000x128xbf16, #tpu.memory_space<hbm>> -> memref<400x128xbf16, #tpu.memory_space<hbm>>
        %dma_start3A_323 = arith.constant 0 : i32
        %dma_start3A_324 = tpu.memref_slice %arg19[%mul3A_0, %dma_start3A_323] : memref<10240x128xbf16, #tpu.memory_space<vmem_shared>> -> memref<400x128xbf16, #tpu.memory_space<vmem_shared>>
        tpu.enqueue_dma source(%dma_start3A_324 : memref<400x128xbf16, #tpu.memory_space<vmem_shared>>) target(%dma_start3A_322 : memref<400x128xbf16, #tpu.memory_space<hbm>>) target_semaphore(%run_scoped3A : memref<!tpu.dma_semaphore, #tpu.memory_space<semaphore_mem>>)
        %dma_wait3A_325 = arith.constant 0 : i32
        %dma_wait3A_326 = tpu.memref_slice %arg8[%add3A_148, %dma_wait3A_325] : memref<40000x128xbf16, #tpu.memory_space<hbm>> -> memref<400x128xbf16, #tpu.memory_space<hbm>>
        %dma_wait3A_327 = arith.constant 0 : i32
        %dma_wait3A_328 = tpu.memref_slice %arg19[%mul3A_0, %dma_wait3A_327] : memref<10240x128xbf16, #tpu.memory_space<vmem_shared>> -> memref<400x128xbf16, #tpu.memory_space<vmem_shared>>
        tpu.wait_dma2 semaphore(%run_scoped3A : memref<!tpu.dma_semaphore, #tpu.memory_space<semaphore_mem>>) src(%dma_wait3A_328 : memref<400x128xbf16, #tpu.memory_space<vmem_shared>>) dst(%dma_wait3A_326 : memref<400x128xbf16, #tpu.memory_space<hbm>>)
        tpu.yield
      }) : () -> ()
    } else {
    }
    %barrier3A_158 = arith.constant 0 : index
    tpu.barrier barrier_id(%barrier3A_158)
    %mul3A_159 = arith.constant 4 : i32
    %mul3A_160 = arith.muli %arg0, %mul3A_159 : i32
    %add3A_161 = arith.constant 0 : i32
    %add3A_162 = arith.addi %mul3A_160, %add3A_161 : i32
    %add3A_163 = arith.constant 1 : i32
    %add3A_164 = arith.addi %add3A_162, %add3A_163 : i32
    %mul3A_165 = arith.constant 2 : i32
    %mul3A_166 = arith.muli %arg0, %mul3A_165 : i32
    %add3A_167 = arith.constant 1 : i32
    %add3A_168 = arith.addi %mul3A_166, %add3A_167 : i32
    %add3A_169 = arith.constant 0 : i32
    %add3A_170 = arith.addi %mul3A_0, %add3A_169 : i32
    "tpu.region"() ({
      %run_scoped3A = tpu.sem_alloc : memref<!tpu.dma_semaphore, #tpu.memory_space<semaphore_mem>>
      %dma_start3A_321 = arith.constant 0 : i32
      %dma_start3A_322 = tpu.memref_slice %arg19[%add3A_170, %dma_start3A_321] : memref<10240x128xbf16, #tpu.memory_space<vmem_shared>> -> memref<128x128xbf16, #tpu.memory_space<vmem_shared>>
      %dma_start3A_323 = arith.constant 0 : i32
      %dma_start3A_324 = tpu.memref_slice %arg19[%add3A_170, %dma_start3A_323] : memref<10240x128xbf16, #tpu.memory_space<vmem_shared>> -> memref<128x128xbf16, #tpu.memory_space<vmem_shared>>
      tpu.enqueue_dma source(%arg14 : memref<128x128xbf16, #tpu.memory_space<vmem>>) target(%dma_start3A_324 : memref<128x128xbf16, #tpu.memory_space<vmem_shared>>) target_semaphore(%run_scoped3A : memref<!tpu.dma_semaphore, #tpu.memory_space<semaphore_mem>>)
      %dma_wait3A_325 = arith.constant 0 : i32
      %dma_wait3A_326 = tpu.memref_slice %arg19[%add3A_170, %dma_wait3A_325] : memref<10240x128xbf16, #tpu.memory_space<vmem_shared>> -> memref<128x128xbf16, #tpu.memory_space<vmem_shared>>
      %dma_wait3A_327 = arith.constant 0 : i32
      %dma_wait3A_328 = tpu.memref_slice %arg19[%add3A_170, %dma_wait3A_327] : memref<10240x128xbf16, #tpu.memory_space<vmem_shared>> -> memref<128x128xbf16, #tpu.memory_space<vmem_shared>>
      tpu.wait_dma2 semaphore(%run_scoped3A : memref<!tpu.dma_semaphore, #tpu.memory_space<semaphore_mem>>) src(%arg14 : memref<128x128xbf16, #tpu.memory_space<vmem>>) dst(%dma_wait3A_328 : memref<128x128xbf16, #tpu.memory_space<vmem_shared>>)
      tpu.yield
    }) : () -> ()
    %add3A_171 = arith.constant 128 : i32
    %add3A_172 = arith.addi %mul3A_0, %add3A_171 : i32
    "tpu.region"() ({
      %run_scoped3A = tpu.sem_alloc : memref<!tpu.dma_semaphore, #tpu.memory_space<semaphore_mem>>
      %dma_start3A_321 = arith.constant 0 : i32
      %dma_start3A_322 = tpu.memref_slice %arg19[%add3A_172, %dma_start3A_321] : memref<10240x128xbf16, #tpu.memory_space<vmem_shared>> -> memref<128x128xbf16, #tpu.memory_space<vmem_shared>>
      %dma_start3A_323 = arith.constant 0 : i32
      %dma_start3A_324 = tpu.memref_slice %arg19[%add3A_172, %dma_start3A_323] : memref<10240x128xbf16, #tpu.memory_space<vmem_shared>> -> memref<128x128xbf16, #tpu.memory_space<vmem_shared>>
      tpu.enqueue_dma source(%arg14 : memref<128x128xbf16, #tpu.memory_space<vmem>>) target(%dma_start3A_324 : memref<128x128xbf16, #tpu.memory_space<vmem_shared>>) target_semaphore(%run_scoped3A : memref<!tpu.dma_semaphore, #tpu.memory_space<semaphore_mem>>)
      %dma_wait3A_325 = arith.constant 0 : i32
      %dma_wait3A_326 = tpu.memref_slice %arg19[%add3A_172, %dma_wait3A_325] : memref<10240x128xbf16, #tpu.memory_space<vmem_shared>> -> memref<128x128xbf16, #tpu.memory_space<vmem_shared>>
      %dma_wait3A_327 = arith.constant 0 : i32
      %dma_wait3A_328 = tpu.memref_slice %arg19[%add3A_172, %dma_wait3A_327] : memref<10240x128xbf16, #tpu.memory_space<vmem_shared>> -> memref<128x128xbf16, #tpu.memory_space<vmem_shared>>
      tpu.wait_dma2 semaphore(%run_scoped3A : memref<!tpu.dma_semaphore, #tpu.memory_space<semaphore_mem>>) src(%arg14 : memref<128x128xbf16, #tpu.memory_space<vmem>>) dst(%dma_wait3A_328 : memref<128x128xbf16, #tpu.memory_space<vmem_shared>>)
      tpu.yield
    }) : () -> ()
    %add3A_173 = arith.constant 256 : i32
    %add3A_174 = arith.addi %mul3A_0, %add3A_173 : i32
    "tpu.region"() ({
      %run_scoped3A = tpu.sem_alloc : memref<!tpu.dma_semaphore, #tpu.memory_space<semaphore_mem>>
      %dma_start3A_321 = arith.constant 0 : i32
      %dma_start3A_322 = tpu.memref_slice %arg19[%add3A_174, %dma_start3A_321] : memref<10240x128xbf16, #tpu.memory_space<vmem_shared>> -> memref<128x128xbf16, #tpu.memory_space<vmem_shared>>
      %dma_start3A_323 = arith.constant 0 : i32
      %dma_start3A_324 = tpu.memref_slice %arg19[%add3A_174, %dma_start3A_323] : memref<10240x128xbf16, #tpu.memory_space<vmem_shared>> -> memref<128x128xbf16, #tpu.memory_space<vmem_shared>>
      tpu.enqueue_dma source(%arg14 : memref<128x128xbf16, #tpu.memory_space<vmem>>) target(%dma_start3A_324 : memref<128x128xbf16, #tpu.memory_space<vmem_shared>>) target_semaphore(%run_scoped3A : memref<!tpu.dma_semaphore, #tpu.memory_space<semaphore_mem>>)
      %dma_wait3A_325 = arith.constant 0 : i32
      %dma_wait3A_326 = tpu.memref_slice %arg19[%add3A_174, %dma_wait3A_325] : memref<10240x128xbf16, #tpu.memory_space<vmem_shared>> -> memref<128x128xbf16, #tpu.memory_space<vmem_shared>>
      %dma_wait3A_327 = arith.constant 0 : i32
      %dma_wait3A_328 = tpu.memref_slice %arg19[%add3A_174, %dma_wait3A_327] : memref<10240x128xbf16, #tpu.memory_space<vmem_shared>> -> memref<128x128xbf16, #tpu.memory_space<vmem_shared>>
      tpu.wait_dma2 semaphore(%run_scoped3A : memref<!tpu.dma_semaphore, #tpu.memory_space<semaphore_mem>>) src(%arg14 : memref<128x128xbf16, #tpu.memory_space<vmem>>) dst(%dma_wait3A_328 : memref<128x128xbf16, #tpu.memory_space<vmem_shared>>)
      tpu.yield
    }) : () -> ()
    %add3A_175 = arith.constant 384 : i32
    %add3A_176 = arith.addi %mul3A_0, %add3A_175 : i32
    "tpu.region"() ({
      %run_scoped3A = tpu.sem_alloc : memref<!tpu.dma_semaphore, #tpu.memory_space<semaphore_mem>>
      %dma_start3A_321 = arith.constant 0 : i32
      %dma_start3A_322 = tpu.memref_slice %arg19[%add3A_176, %dma_start3A_321] : memref<10240x128xbf16, #tpu.memory_space<vmem_shared>> -> memref<128x128xbf16, #tpu.memory_space<vmem_shared>>
      %dma_start3A_323 = arith.constant 0 : i32
      %dma_start3A_324 = tpu.memref_slice %arg19[%add3A_176, %dma_start3A_323] : memref<10240x128xbf16, #tpu.memory_space<vmem_shared>> -> memref<128x128xbf16, #tpu.memory_space<vmem_shared>>
      tpu.enqueue_dma source(%arg14 : memref<128x128xbf16, #tpu.memory_space<vmem>>) target(%dma_start3A_324 : memref<128x128xbf16, #tpu.memory_space<vmem_shared>>) target_semaphore(%run_scoped3A : memref<!tpu.dma_semaphore, #tpu.memory_space<semaphore_mem>>)
      %dma_wait3A_325 = arith.constant 0 : i32
      %dma_wait3A_326 = tpu.memref_slice %arg19[%add3A_176, %dma_wait3A_325] : memref<10240x128xbf16, #tpu.memory_space<vmem_shared>> -> memref<128x128xbf16, #tpu.memory_space<vmem_shared>>
      %dma_wait3A_327 = arith.constant 0 : i32
      %dma_wait3A_328 = tpu.memref_slice %arg19[%add3A_176, %dma_wait3A_327] : memref<10240x128xbf16, #tpu.memory_space<vmem_shared>> -> memref<128x128xbf16, #tpu.memory_space<vmem_shared>>
      tpu.wait_dma2 semaphore(%run_scoped3A : memref<!tpu.dma_semaphore, #tpu.memory_space<semaphore_mem>>) src(%arg14 : memref<128x128xbf16, #tpu.memory_space<vmem>>) dst(%dma_wait3A_328 : memref<128x128xbf16, #tpu.memory_space<vmem_shared>>)
      tpu.yield
    }) : () -> ()
    %add3A_177 = arith.constant 512 : i32
    %add3A_178 = arith.addi %mul3A_0, %add3A_177 : i32
    "tpu.region"() ({
      %run_scoped3A = tpu.sem_alloc : memref<!tpu.dma_semaphore, #tpu.memory_space<semaphore_mem>>
      %dma_start3A_321 = arith.constant 0 : i32
      %dma_start3A_322 = tpu.memref_slice %arg19[%add3A_178, %dma_start3A_321] : memref<10240x128xbf16, #tpu.memory_space<vmem_shared>> -> memref<128x128xbf16, #tpu.memory_space<vmem_shared>>
      %dma_start3A_323 = arith.constant 0 : i32
      %dma_start3A_324 = tpu.memref_slice %arg19[%add3A_178, %dma_start3A_323] : memref<10240x128xbf16, #tpu.memory_space<vmem_shared>> -> memref<128x128xbf16, #tpu.memory_space<vmem_shared>>
      tpu.enqueue_dma source(%arg14 : memref<128x128xbf16, #tpu.memory_space<vmem>>) target(%dma_start3A_324 : memref<128x128xbf16, #tpu.memory_space<vmem_shared>>) target_semaphore(%run_scoped3A : memref<!tpu.dma_semaphore, #tpu.memory_space<semaphore_mem>>)
      %dma_wait3A_325 = arith.constant 0 : i32
      %dma_wait3A_326 = tpu.memref_slice %arg19[%add3A_178, %dma_wait3A_325] : memref<10240x128xbf16, #tpu.memory_space<vmem_shared>> -> memref<128x128xbf16, #tpu.memory_space<vmem_shared>>
      %dma_wait3A_327 = arith.constant 0 : i32
      %dma_wait3A_328 = tpu.memref_slice %arg19[%add3A_178, %dma_wait3A_327] : memref<10240x128xbf16, #tpu.memory_space<vmem_shared>> -> memref<128x128xbf16, #tpu.memory_space<vmem_shared>>
      tpu.wait_dma2 semaphore(%run_scoped3A : memref<!tpu.dma_semaphore, #tpu.memory_space<semaphore_mem>>) src(%arg14 : memref<128x128xbf16, #tpu.memory_space<vmem>>) dst(%dma_wait3A_328 : memref<128x128xbf16, #tpu.memory_space<vmem_shared>>)
      tpu.yield
    }) : () -> ()
    %mul3A_179 = arith.constant 10000 : i32
    %mul3A_180 = arith.muli %add3A_164, %mul3A_179 : i32
    %scan3A_181 = arith.constant 0 : i32
    %scan3A_182 = arith.constant 0 : i32
    %scan3A_183 = arith.constant 80 : i32
    %scan3A_184 = arith.addi %scan3A_182, %scan3A_183 : i32
    %scan3A_185 = arith.constant 1 : i32
    scf.for %scan3A_321 = %scan3A_182 to %scan3A_184 step %scan3A_185  : i32 {
      %get3A = arith.index_cast %scan3A_321 : i32 to index
      %get3A_322 = arith.constant 0 : index
      %get3A_323 = tpu.vector_load %arg10[%get3A, %get3A_322] {strides = array<i32>} : memref<80x128xi32, #tpu.memory_space<vmem>>, vector<1x16xi32>,
      %get3A_324 = vector.shape_cast %get3A_323 : vector<1x16xi32> to vector<16xi32>
      %add3A_325 = vector.broadcast %mul3A_180 : i32 to vector<16xi32>
      %add3A_326 = arith.addi %get3A_324, %add3A_325 : vector<16xi32>
      %swap3A = arith.index_cast %scan3A_321 : i32 to index
      %swap3A_327 = arith.constant 0 : index
      %swap3A_328 = tpu.vector_load %arg11[%swap3A, %swap3A_327] {strides = array<i32>} : memref<80x128xi32, #tpu.memory_space<vmem>>, vector<1x16xi32>,
      %swap3A_329 = vector.shape_cast %swap3A_328 : vector<1x16xi32> to vector<16xi32>
      %swap3A_330 = vector.shape_cast %add3A_326 : vector<16xi32> to vector<1x16xi32>
      tpu.vector_store %arg11[%swap3A, %swap3A_327], %swap3A_330 {strides = array<i32>} : memref<80x128xi32, #tpu.memory_space<vmem>>, vector<1x16xi32>,
      %get3A_331 = arith.index_cast %scan3A_321 : i32 to index
      %get3A_332 = arith.constant 16 : index
      %get3A_333 = tpu.vector_load %arg10[%get3A_331, %get3A_332] {strides = array<i32>} : memref<80x128xi32, #tpu.memory_space<vmem>>, vector<1x16xi32>,
      %get3A_334 = vector.shape_cast %get3A_333 : vector<1x16xi32> to vector<16xi32>
      %add3A_335 = vector.broadcast %mul3A_180 : i32 to vector<16xi32>
      %add3A_336 = arith.addi %get3A_334, %add3A_335 : vector<16xi32>
      %swap3A_337 = arith.index_cast %scan3A_321 : i32 to index
      %swap3A_338 = arith.constant 16 : index
      %swap3A_339 = tpu.vector_load %arg11[%swap3A_337, %swap3A_338] {strides = array<i32>} : memref<80x128xi32, #tpu.memory_space<vmem>>, vector<1x16xi32>,
      %swap3A_340 = vector.shape_cast %swap3A_339 : vector<1x16xi32> to vector<16xi32>
      %swap3A_341 = vector.shape_cast %add3A_336 : vector<16xi32> to vector<1x16xi32>
      tpu.vector_store %arg11[%swap3A_337, %swap3A_338], %swap3A_341 {strides = array<i32>} : memref<80x128xi32, #tpu.memory_space<vmem>>, vector<1x16xi32>,
      %get3A_342 = arith.index_cast %scan3A_321 : i32 to index
      %get3A_343 = arith.constant 32 : index
      %get3A_344 = tpu.vector_load %arg10[%get3A_342, %get3A_343] {strides = array<i32>} : memref<80x128xi32, #tpu.memory_space<vmem>>, vector<1x16xi32>,
      %get3A_345 = vector.shape_cast %get3A_344 : vector<1x16xi32> to vector<16xi32>
      %add3A_346 = vector.broadcast %mul3A_180 : i32 to vector<16xi32>
      %add3A_347 = arith.addi %get3A_345, %add3A_346 : vector<16xi32>
      %swap3A_348 = arith.index_cast %scan3A_321 : i32 to index
      %swap3A_349 = arith.constant 32 : index
      %swap3A_350 = tpu.vector_load %arg11[%swap3A_348, %swap3A_349] {strides = array<i32>} : memref<80x128xi32, #tpu.memory_space<vmem>>, vector<1x16xi32>,
      %swap3A_351 = vector.shape_cast %swap3A_350 : vector<1x16xi32> to vector<16xi32>
      %swap3A_352 = vector.shape_cast %add3A_347 : vector<16xi32> to vector<1x16xi32>
      tpu.vector_store %arg11[%swap3A_348, %swap3A_349], %swap3A_352 {strides = array<i32>} : memref<80x128xi32, #tpu.memory_space<vmem>>, vector<1x16xi32>,
      %get3A_353 = arith.index_cast %scan3A_321 : i32 to index
      %get3A_354 = arith.constant 48 : index
      %get3A_355 = tpu.vector_load %arg10[%get3A_353, %get3A_354] {strides = array<i32>} : memref<80x128xi32, #tpu.memory_space<vmem>>, vector<1x16xi32>,
      %get3A_356 = vector.shape_cast %get3A_355 : vector<1x16xi32> to vector<16xi32>
      %add3A_357 = vector.broadcast %mul3A_180 : i32 to vector<16xi32>
      %add3A_358 = arith.addi %get3A_356, %add3A_357 : vector<16xi32>
      %swap3A_359 = arith.index_cast %scan3A_321 : i32 to index
      %swap3A_360 = arith.constant 48 : index
      %swap3A_361 = tpu.vector_load %arg11[%swap3A_359, %swap3A_360] {strides = array<i32>} : memref<80x128xi32, #tpu.memory_space<vmem>>, vector<1x16xi32>,
      %swap3A_362 = vector.shape_cast %swap3A_361 : vector<1x16xi32> to vector<16xi32>
      %swap3A_363 = vector.shape_cast %add3A_358 : vector<16xi32> to vector<1x16xi32>
      tpu.vector_store %arg11[%swap3A_359, %swap3A_360], %swap3A_363 {strides = array<i32>} : memref<80x128xi32, #tpu.memory_space<vmem>>, vector<1x16xi32>,
      %get3A_364 = arith.index_cast %scan3A_321 : i32 to index
      %get3A_365 = arith.constant 64 : index
      %get3A_366 = tpu.vector_load %arg10[%get3A_364, %get3A_365] {strides = array<i32>} : memref<80x128xi32, #tpu.memory_space<vmem>>, vector<1x16xi32>,
      %get3A_367 = vector.shape_cast %get3A_366 : vector<1x16xi32> to vector<16xi32>
      %add3A_368 = vector.broadcast %mul3A_180 : i32 to vector<16xi32>
      %add3A_369 = arith.addi %get3A_367, %add3A_368 : vector<16xi32>
      %swap3A_370 = arith.index_cast %scan3A_321 : i32 to index
      %swap3A_371 = arith.constant 64 : index
      %swap3A_372 = tpu.vector_load %arg11[%swap3A_370, %swap3A_371] {strides = array<i32>} : memref<80x128xi32, #tpu.memory_space<vmem>>, vector<1x16xi32>,
      %swap3A_373 = vector.shape_cast %swap3A_372 : vector<1x16xi32> to vector<16xi32>
      %swap3A_374 = vector.shape_cast %add3A_369 : vector<16xi32> to vector<1x16xi32>
      tpu.vector_store %arg11[%swap3A_370, %swap3A_371], %swap3A_374 {strides = array<i32>} : memref<80x128xi32, #tpu.memory_space<vmem>>, vector<1x16xi32>,
      %get3A_375 = arith.index_cast %scan3A_321 : i32 to index
      %get3A_376 = arith.constant 80 : index
      %get3A_377 = tpu.vector_load %arg10[%get3A_375, %get3A_376] {strides = array<i32>} : memref<80x128xi32, #tpu.memory_space<vmem>>, vector<1x16xi32>,
      %get3A_378 = vector.shape_cast %get3A_377 : vector<1x16xi32> to vector<16xi32>
      %add3A_379 = vector.broadcast %mul3A_180 : i32 to vector<16xi32>
      %add3A_380 = arith.addi %get3A_378, %add3A_379 : vector<16xi32>
      %swap3A_381 = arith.index_cast %scan3A_321 : i32 to index
      %swap3A_382 = arith.constant 80 : index
      %swap3A_383 = tpu.vector_load %arg11[%swap3A_381, %swap3A_382] {strides = array<i32>} : memref<80x128xi32, #tpu.memory_space<vmem>>, vector<1x16xi32>,
      %swap3A_384 = vector.shape_cast %swap3A_383 : vector<1x16xi32> to vector<16xi32>
      %swap3A_385 = vector.shape_cast %add3A_380 : vector<16xi32> to vector<1x16xi32>
      tpu.vector_store %arg11[%swap3A_381, %swap3A_382], %swap3A_385 {strides = array<i32>} : memref<80x128xi32, #tpu.memory_space<vmem>>, vector<1x16xi32>,
      %get3A_386 = arith.index_cast %scan3A_321 : i32 to index
      %get3A_387 = arith.constant 96 : index
      %get3A_388 = tpu.vector_load %arg10[%get3A_386, %get3A_387] {strides = array<i32>} : memref<80x128xi32, #tpu.memory_space<vmem>>, vector<1x16xi32>,
      %get3A_389 = vector.shape_cast %get3A_388 : vector<1x16xi32> to vector<16xi32>
      %add3A_390 = vector.broadcast %mul3A_180 : i32 to vector<16xi32>
      %add3A_391 = arith.addi %get3A_389, %add3A_390 : vector<16xi32>
      %swap3A_392 = arith.index_cast %scan3A_321 : i32 to index
      %swap3A_393 = arith.constant 96 : index
      %swap3A_394 = tpu.vector_load %arg11[%swap3A_392, %swap3A_393] {strides = array<i32>} : memref<80x128xi32, #tpu.memory_space<vmem>>, vector<1x16xi32>,
      %swap3A_395 = vector.shape_cast %swap3A_394 : vector<1x16xi32> to vector<16xi32>
      %swap3A_396 = vector.shape_cast %add3A_391 : vector<16xi32> to vector<1x16xi32>
      tpu.vector_store %arg11[%swap3A_392, %swap3A_393], %swap3A_396 {strides = array<i32>} : memref<80x128xi32, #tpu.memory_space<vmem>>, vector<1x16xi32>,
      %get3A_397 = arith.index_cast %scan3A_321 : i32 to index
      %get3A_398 = arith.constant 112 : index
      %get3A_399 = tpu.vector_load %arg10[%get3A_397, %get3A_398] {strides = array<i32>} : memref<80x128xi32, #tpu.memory_space<vmem>>, vector<1x16xi32>,
      %get3A_400 = vector.shape_cast %get3A_399 : vector<1x16xi32> to vector<16xi32>
      %add3A_401 = vector.broadcast %mul3A_180 : i32 to vector<16xi32>
      %add3A_402 = arith.addi %get3A_400, %add3A_401 : vector<16xi32>
      %swap3A_403 = arith.index_cast %scan3A_321 : i32 to index
      %swap3A_404 = arith.constant 112 : index
      %swap3A_405 = tpu.vector_load %arg11[%swap3A_403, %swap3A_404] {strides = array<i32>} : memref<80x128xi32, #tpu.memory_space<vmem>>, vector<1x16xi32>,
      %swap3A_406 = vector.shape_cast %swap3A_405 : vector<1x16xi32> to vector<16xi32>
      %swap3A_407 = vector.shape_cast %add3A_402 : vector<16xi32> to vector<1x16xi32>
      tpu.vector_store %arg11[%swap3A_403, %swap3A_404], %swap3A_407 {strides = array<i32>} : memref<80x128xi32, #tpu.memory_space<vmem>>, vector<1x16xi32>,
    }
    %scan3A_186 = arith.constant 80 : i32
    %barrier3A_187 = arith.constant 0 : index
    tpu.barrier barrier_id(%barrier3A_187)
    %dma_start3A_188 = arith.constant 0 : i32
    %dma_start3A_189 = arith.constant 0 : i32
    %dma_start3A_190 = arith.constant 0 : i32
    %dma_start3A_191 = arith.constant 0 : i32
    %dma_start3A_192 = tpu.memref_slice %arg13[%dma_start3A_190, %dma_start3A_191] : memref<512x128xbf16, #tpu.memory_space<vmem>> -> memref<128x128xbf16, #tpu.memory_space<vmem>>
    %dma_start3A_193 = arith.constant 0 : i32
    %dma_start3A_194 = tpu.memref_slice %arg11[%dma_start3A_188, %dma_start3A_193] : memref<80x128xi32, #tpu.memory_space<vmem>> -> memref<1x128xi32, #tpu.memory_space<vmem>>
    %dma_start3A_195 = tpu.memref_squeeze %dma_start3A_194 : memref<1x128xi32, #tpu.memory_space<vmem>> -> memref<128xi32, #tpu.memory_space<vmem>>
    %dma_start3A_196 = arith.constant 0 : i32
    %dma_start3A_197 = arith.constant 0 : i32
    %dma_start3A_198 = tpu.memref_slice %arg2[%dma_start3A_196, %dma_start3A_197] : memref<80000x128xbf16, #tpu.memory_space<hbm>> -> memref<80000x128xbf16, #tpu.memory_space<hbm>>
    %dma_start3A_199 = tpu.memref_slice %arg17[%dma_start3A_189] : memref<4x!tpu.dma_semaphore, #tpu.memory_space<semaphore_mem>> -> memref<1x!tpu.dma_semaphore, #tpu.memory_space<semaphore_mem>>
    %dma_start3A_200 = tpu.memref_squeeze %dma_start3A_199 : memref<1x!tpu.dma_semaphore, #tpu.memory_space<semaphore_mem>> -> memref<!tpu.dma_semaphore, #tpu.memory_space<semaphore_mem>>
    tpu.enqueue_indirect_dma source(%dma_start3A_198 : memref<80000x128xbf16, #tpu.memory_space<hbm>>) target(%dma_start3A_192 : memref<128x128xbf16, #tpu.memory_space<vmem>>) offsets(%dma_start3A_195 : memref<128xi32, #tpu.memory_space<vmem>>) semaphore(%dma_start3A_200 : memref<!tpu.dma_semaphore, #tpu.memory_space<semaphore_mem>>)
    %dma_start3A_201 = arith.constant 1 : i32
    %dma_start3A_202 = arith.constant 1 : i32
    %dma_start3A_203 = arith.constant 128 : i32
    %dma_start3A_204 = arith.constant 0 : i32
    %dma_start3A_205 = tpu.memref_slice %arg13[%dma_start3A_203, %dma_start3A_204] : memref<512x128xbf16, #tpu.memory_space<vmem>> -> memref<128x128xbf16, #tpu.memory_space<vmem>>
    %dma_start3A_206 = arith.constant 0 : i32
    %dma_start3A_207 = tpu.memref_slice %arg11[%dma_start3A_201, %dma_start3A_206] : memref<80x128xi32, #tpu.memory_space<vmem>> -> memref<1x128xi32, #tpu.memory_space<vmem>>
    %dma_start3A_208 = tpu.memref_squeeze %dma_start3A_207 : memref<1x128xi32, #tpu.memory_space<vmem>> -> memref<128xi32, #tpu.memory_space<vmem>>
    %dma_start3A_209 = arith.constant 0 : i32
    %dma_start3A_210 = arith.constant 0 : i32
    %dma_start3A_211 = tpu.memref_slice %arg2[%dma_start3A_209, %dma_start3A_210] : memref<80000x128xbf16, #tpu.memory_space<hbm>> -> memref<80000x128xbf16, #tpu.memory_space<hbm>>
    %dma_start3A_212 = tpu.memref_slice %arg17[%dma_start3A_202] : memref<4x!tpu.dma_semaphore, #tpu.memory_space<semaphore_mem>> -> memref<1x!tpu.dma_semaphore, #tpu.memory_space<semaphore_mem>>
    %dma_start3A_213 = tpu.memref_squeeze %dma_start3A_212 : memref<1x!tpu.dma_semaphore, #tpu.memory_space<semaphore_mem>> -> memref<!tpu.dma_semaphore, #tpu.memory_space<semaphore_mem>>
    tpu.enqueue_indirect_dma source(%dma_start3A_211 : memref<80000x128xbf16, #tpu.memory_space<hbm>>) target(%dma_start3A_205 : memref<128x128xbf16, #tpu.memory_space<vmem>>) offsets(%dma_start3A_208 : memref<128xi32, #tpu.memory_space<vmem>>) semaphore(%dma_start3A_213 : memref<!tpu.dma_semaphore, #tpu.memory_space<semaphore_mem>>)
    %dma_start3A_214 = arith.constant 2 : i32
    %dma_start3A_215 = arith.constant 2 : i32
    %dma_start3A_216 = arith.constant 256 : i32
    %dma_start3A_217 = arith.constant 0 : i32
    %dma_start3A_218 = tpu.memref_slice %arg13[%dma_start3A_216, %dma_start3A_217] : memref<512x128xbf16, #tpu.memory_space<vmem>> -> memref<128x128xbf16, #tpu.memory_space<vmem>>
    %dma_start3A_219 = arith.constant 0 : i32
    %dma_start3A_220 = tpu.memref_slice %arg11[%dma_start3A_214, %dma_start3A_219] : memref<80x128xi32, #tpu.memory_space<vmem>> -> memref<1x128xi32, #tpu.memory_space<vmem>>
    %dma_start3A_221 = tpu.memref_squeeze %dma_start3A_220 : memref<1x128xi32, #tpu.memory_space<vmem>> -> memref<128xi32, #tpu.memory_space<vmem>>
    %dma_start3A_222 = arith.constant 0 : i32
    %dma_start3A_223 = arith.constant 0 : i32
    %dma_start3A_224 = tpu.memref_slice %arg2[%dma_start3A_222, %dma_start3A_223] : memref<80000x128xbf16, #tpu.memory_space<hbm>> -> memref<80000x128xbf16, #tpu.memory_space<hbm>>
    %dma_start3A_225 = tpu.memref_slice %arg17[%dma_start3A_215] : memref<4x!tpu.dma_semaphore, #tpu.memory_space<semaphore_mem>> -> memref<1x!tpu.dma_semaphore, #tpu.memory_space<semaphore_mem>>
    %dma_start3A_226 = tpu.memref_squeeze %dma_start3A_225 : memref<1x!tpu.dma_semaphore, #tpu.memory_space<semaphore_mem>> -> memref<!tpu.dma_semaphore, #tpu.memory_space<semaphore_mem>>
    tpu.enqueue_indirect_dma source(%dma_start3A_224 : memref<80000x128xbf16, #tpu.memory_space<hbm>>) target(%dma_start3A_218 : memref<128x128xbf16, #tpu.memory_space<vmem>>) offsets(%dma_start3A_221 : memref<128xi32, #tpu.memory_space<vmem>>) semaphore(%dma_start3A_226 : memref<!tpu.dma_semaphore, #tpu.memory_space<semaphore_mem>>)
    %dma_start3A_227 = arith.constant 3 : i32
    %dma_start3A_228 = arith.constant 3 : i32
    %dma_start3A_229 = arith.constant 384 : i32
    %dma_start3A_230 = arith.constant 0 : i32
    %dma_start3A_231 = tpu.memref_slice %arg13[%dma_start3A_229, %dma_start3A_230] : memref<512x128xbf16, #tpu.memory_space<vmem>> -> memref<128x128xbf16, #tpu.memory_space<vmem>>
    %dma_start3A_232 = arith.constant 0 : i32
    %dma_start3A_233 = tpu.memref_slice %arg11[%dma_start3A_227, %dma_start3A_232] : memref<80x128xi32, #tpu.memory_space<vmem>> -> memref<1x128xi32, #tpu.memory_space<vmem>>
    %dma_start3A_234 = tpu.memref_squeeze %dma_start3A_233 : memref<1x128xi32, #tpu.memory_space<vmem>> -> memref<128xi32, #tpu.memory_space<vmem>>
    %dma_start3A_235 = arith.constant 0 : i32
    %dma_start3A_236 = arith.constant 0 : i32
    %dma_start3A_237 = tpu.memref_slice %arg2[%dma_start3A_235, %dma_start3A_236] : memref<80000x128xbf16, #tpu.memory_space<hbm>> -> memref<80000x128xbf16, #tpu.memory_space<hbm>>
    %dma_start3A_238 = tpu.memref_slice %arg17[%dma_start3A_228] : memref<4x!tpu.dma_semaphore, #tpu.memory_space<semaphore_mem>> -> memref<1x!tpu.dma_semaphore, #tpu.memory_space<semaphore_mem>>
    %dma_start3A_239 = tpu.memref_squeeze %dma_start3A_238 : memref<1x!tpu.dma_semaphore, #tpu.memory_space<semaphore_mem>> -> memref<!tpu.dma_semaphore, #tpu.memory_space<semaphore_mem>>
    tpu.enqueue_indirect_dma source(%dma_start3A_237 : memref<80000x128xbf16, #tpu.memory_space<hbm>>) target(%dma_start3A_231 : memref<128x128xbf16, #tpu.memory_space<vmem>>) offsets(%dma_start3A_234 : memref<128xi32, #tpu.memory_space<vmem>>) semaphore(%dma_start3A_239 : memref<!tpu.dma_semaphore, #tpu.memory_space<semaphore_mem>>)
    %scan3A_240 = arith.constant 0 : i32
    %scan3A_241 = arith.constant 0 : i32
    %scan3A_242 = arith.constant 0 : i32
    %scan3A_243 = arith.constant 1 : i32
    %scan3A_244 = arith.constant 1 : i32
    %scan3A_245 = arith.constant 2 : i32
    %scan3A_246 = arith.constant 2 : i32
    %scan3A_247 = arith.constant 3 : i32
    %scan3A_248 = arith.constant 3 : i32
    %scan3A_249 = arith.constant 0 : i32
    %scan3A_250 = arith.constant 20 : i32
    %scan3A_251 = arith.addi %scan3A_249, %scan3A_250 : i32
    %scan3A_252 = arith.constant 1 : i32
    scf.for %scan3A_321 = %scan3A_249 to %scan3A_251 step %scan3A_252  : i32 {
      %mul3A_322 = arith.constant 4 : i32
      %mul3A_323 = arith.muli %scan3A_321, %mul3A_322 : i32
      %add3A_324 = arith.constant 0 : i32
      %add3A_325 = arith.addi %mul3A_323, %add3A_324 : i32
      %dma_wait3A_326 = arith.constant 0 : i32
      %dma_wait3A_327 = arith.constant 0 : i32
      %dma_wait3A_328 = tpu.memref_slice %arg13[%dma_wait3A_326, %dma_wait3A_327] : memref<512x128xbf16, #tpu.memory_space<vmem>> -> memref<128x128xbf16, #tpu.memory_space<vmem>>
      %dma_wait3A_329 = arith.constant 0 : i32
      %dma_wait3A_330 = tpu.memref_slice %arg11[%add3A_325, %dma_wait3A_329] : memref<80x128xi32, #tpu.memory_space<vmem>> -> memref<1x128xi32, #tpu.memory_space<vmem>>
      %dma_wait3A_331 = tpu.memref_squeeze %dma_wait3A_330 : memref<1x128xi32, #tpu.memory_space<vmem>> -> memref<128xi32, #tpu.memory_space<vmem>>
      %dma_wait3A_332 = arith.constant 0 : i32
      %dma_wait3A_333 = arith.constant 0 : i32
      %dma_wait3A_334 = tpu.memref_slice %arg2[%dma_wait3A_332, %dma_wait3A_333] : memref<80000x128xbf16, #tpu.memory_space<hbm>> -> memref<80000x128xbf16, #tpu.memory_space<hbm>>
      %dma_wait3A_335 = tpu.memref_slice %arg17[%scan3A_241] : memref<4x!tpu.dma_semaphore, #tpu.memory_space<semaphore_mem>> -> memref<1x!tpu.dma_semaphore, #tpu.memory_space<semaphore_mem>>
      %dma_wait3A_336 = tpu.memref_squeeze %dma_wait3A_335 : memref<1x!tpu.dma_semaphore, #tpu.memory_space<semaphore_mem>> -> memref<!tpu.dma_semaphore, #tpu.memory_space<semaphore_mem>>
      tpu.wait_indirect_dma semaphore(%dma_wait3A_336 : memref<!tpu.dma_semaphore, #tpu.memory_space<semaphore_mem>>) src(%dma_wait3A_334 : memref<80000x128xbf16, #tpu.memory_space<hbm>>) dst(%dma_wait3A_328 : memref<128x128xbf16, #tpu.memory_space<vmem>>)
      %add3A_337 = arith.constant 0 : i32
      %add3A_338 = arith.addi %mul3A_323, %add3A_337 : i32
      %dma_start3A_339 = arith.constant 0 : i32
      %dma_start3A_340 = arith.constant 0 : i32
      %dma_start3A_341 = tpu.memref_slice %arg13[%dma_start3A_339, %dma_start3A_340] : memref<512x128xbf16, #tpu.memory_space<vmem>> -> memref<128x128xbf16, #tpu.memory_space<vmem>>
      %dma_start3A_342 = arith.constant 0 : i32
      %dma_start3A_343 = tpu.memref_slice %arg12[%add3A_338, %dma_start3A_342] : memref<80x128xi32, #tpu.memory_space<vmem>> -> memref<1x128xi32, #tpu.memory_space<vmem>>
      %dma_start3A_344 = tpu.memref_squeeze %dma_start3A_343 : memref<1x128xi32, #tpu.memory_space<vmem>> -> memref<128xi32, #tpu.memory_space<vmem>>
      %dma_start3A_345 = arith.constant 0 : i32
      %dma_start3A_346 = arith.constant 0 : i32
      %dma_start3A_347 = tpu.memref_slice %arg19[%dma_start3A_345, %dma_start3A_346] : memref<10240x128xbf16, #tpu.memory_space<vmem_shared>> -> memref<10240x128xbf16, #tpu.memory_space<vmem_shared>>
      %dma_start3A_348 = tpu.memref_slice %arg18[%scan3A_242] : memref<4x!tpu.dma_semaphore, #tpu.memory_space<semaphore_mem>> -> memref<1x!tpu.dma_semaphore, #tpu.memory_space<semaphore_mem>>
      %dma_start3A_349 = tpu.memref_squeeze %dma_start3A_348 : memref<1x!tpu.dma_semaphore, #tpu.memory_space<semaphore_mem>> -> memref<!tpu.dma_semaphore, #tpu.memory_space<semaphore_mem>>
      tpu.enqueue_indirect_dma source(%dma_start3A_341 : memref<128x128xbf16, #tpu.memory_space<vmem>>) target(%dma_start3A_347 : memref<10240x128xbf16, #tpu.memory_space<vmem_shared>>) offsets(%dma_start3A_344 : memref<128xi32, #tpu.memory_space<vmem>>) semaphore(%dma_start3A_349 : memref<!tpu.dma_semaphore, #tpu.memory_space<semaphore_mem>>) {add = true}
      %add3A_350 = arith.constant 1 : i32
      %add3A_351 = arith.addi %mul3A_323, %add3A_350 : i32
      %dma_wait3A_352 = arith.constant 128 : i32
      %dma_wait3A_353 = arith.constant 0 : i32
      %dma_wait3A_354 = tpu.memref_slice %arg13[%dma_wait3A_352, %dma_wait3A_353] : memref<512x128xbf16, #tpu.memory_space<vmem>> -> memref<128x128xbf16, #tpu.memory_space<vmem>>
      %dma_wait3A_355 = arith.constant 0 : i32
      %dma_wait3A_356 = tpu.memref_slice %arg11[%add3A_351, %dma_wait3A_355] : memref<80x128xi32, #tpu.memory_space<vmem>> -> memref<1x128xi32, #tpu.memory_space<vmem>>
      %dma_wait3A_357 = tpu.memref_squeeze %dma_wait3A_356 : memref<1x128xi32, #tpu.memory_space<vmem>> -> memref<128xi32, #tpu.memory_space<vmem>>
      %dma_wait3A_358 = arith.constant 0 : i32
      %dma_wait3A_359 = arith.constant 0 : i32
      %dma_wait3A_360 = tpu.memref_slice %arg2[%dma_wait3A_358, %dma_wait3A_359] : memref<80000x128xbf16, #tpu.memory_space<hbm>> -> memref<80000x128xbf16, #tpu.memory_space<hbm>>
      %dma_wait3A_361 = tpu.memref_slice %arg17[%scan3A_243] : memref<4x!tpu.dma_semaphore, #tpu.memory_space<semaphore_mem>> -> memref<1x!tpu.dma_semaphore, #tpu.memory_space<semaphore_mem>>
      %dma_wait3A_362 = tpu.memref_squeeze %dma_wait3A_361 : memref<1x!tpu.dma_semaphore, #tpu.memory_space<semaphore_mem>> -> memref<!tpu.dma_semaphore, #tpu.memory_space<semaphore_mem>>
      tpu.wait_indirect_dma semaphore(%dma_wait3A_362 : memref<!tpu.dma_semaphore, #tpu.memory_space<semaphore_mem>>) src(%dma_wait3A_360 : memref<80000x128xbf16, #tpu.memory_space<hbm>>) dst(%dma_wait3A_354 : memref<128x128xbf16, #tpu.memory_space<vmem>>)
      %add3A_363 = arith.constant 1 : i32
      %add3A_364 = arith.addi %mul3A_323, %add3A_363 : i32
      %dma_start3A_365 = arith.constant 128 : i32
      %dma_start3A_366 = arith.constant 0 : i32
      %dma_start3A_367 = tpu.memref_slice %arg13[%dma_start3A_365, %dma_start3A_366] : memref<512x128xbf16, #tpu.memory_space<vmem>> -> memref<128x128xbf16, #tpu.memory_space<vmem>>
      %dma_start3A_368 = arith.constant 0 : i32
      %dma_start3A_369 = tpu.memref_slice %arg12[%add3A_364, %dma_start3A_368] : memref<80x128xi32, #tpu.memory_space<vmem>> -> memref<1x128xi32, #tpu.memory_space<vmem>>
      %dma_start3A_370 = tpu.memref_squeeze %dma_start3A_369 : memref<1x128xi32, #tpu.memory_space<vmem>> -> memref<128xi32, #tpu.memory_space<vmem>>
      %dma_start3A_371 = arith.constant 0 : i32
      %dma_start3A_372 = arith.constant 0 : i32
      %dma_start3A_373 = tpu.memref_slice %arg19[%dma_start3A_371, %dma_start3A_372] : memref<10240x128xbf16, #tpu.memory_space<vmem_shared>> -> memref<10240x128xbf16, #tpu.memory_space<vmem_shared>>
      %dma_start3A_374 = tpu.memref_slice %arg18[%scan3A_244] : memref<4x!tpu.dma_semaphore, #tpu.memory_space<semaphore_mem>> -> memref<1x!tpu.dma_semaphore, #tpu.memory_space<semaphore_mem>>
      %dma_start3A_375 = tpu.memref_squeeze %dma_start3A_374 : memref<1x!tpu.dma_semaphore, #tpu.memory_space<semaphore_mem>> -> memref<!tpu.dma_semaphore, #tpu.memory_space<semaphore_mem>>
      tpu.enqueue_indirect_dma source(%dma_start3A_367 : memref<128x128xbf16, #tpu.memory_space<vmem>>) target(%dma_start3A_373 : memref<10240x128xbf16, #tpu.memory_space<vmem_shared>>) offsets(%dma_start3A_370 : memref<128xi32, #tpu.memory_space<vmem>>) semaphore(%dma_start3A_375 : memref<!tpu.dma_semaphore, #tpu.memory_space<semaphore_mem>>) {add = true}
      %add3A_376 = arith.constant 2 : i32
      %add3A_377 = arith.addi %mul3A_323, %add3A_376 : i32
      %dma_wait3A_378 = arith.constant 256 : i32
      %dma_wait3A_379 = arith.constant 0 : i32
      %dma_wait3A_380 = tpu.memref_slice %arg13[%dma_wait3A_378, %dma_wait3A_379] : memref<512x128xbf16, #tpu.memory_space<vmem>> -> memref<128x128xbf16, #tpu.memory_space<vmem>>
      %dma_wait3A_381 = arith.constant 0 : i32
      %dma_wait3A_382 = tpu.memref_slice %arg11[%add3A_377, %dma_wait3A_381] : memref<80x128xi32, #tpu.memory_space<vmem>> -> memref<1x128xi32, #tpu.memory_space<vmem>>
      %dma_wait3A_383 = tpu.memref_squeeze %dma_wait3A_382 : memref<1x128xi32, #tpu.memory_space<vmem>> -> memref<128xi32, #tpu.memory_space<vmem>>
      %dma_wait3A_384 = arith.constant 0 : i32
      %dma_wait3A_385 = arith.constant 0 : i32
      %dma_wait3A_386 = tpu.memref_slice %arg2[%dma_wait3A_384, %dma_wait3A_385] : memref<80000x128xbf16, #tpu.memory_space<hbm>> -> memref<80000x128xbf16, #tpu.memory_space<hbm>>
      %dma_wait3A_387 = tpu.memref_slice %arg17[%scan3A_245] : memref<4x!tpu.dma_semaphore, #tpu.memory_space<semaphore_mem>> -> memref<1x!tpu.dma_semaphore, #tpu.memory_space<semaphore_mem>>
      %dma_wait3A_388 = tpu.memref_squeeze %dma_wait3A_387 : memref<1x!tpu.dma_semaphore, #tpu.memory_space<semaphore_mem>> -> memref<!tpu.dma_semaphore, #tpu.memory_space<semaphore_mem>>
      tpu.wait_indirect_dma semaphore(%dma_wait3A_388 : memref<!tpu.dma_semaphore, #tpu.memory_space<semaphore_mem>>) src(%dma_wait3A_386 : memref<80000x128xbf16, #tpu.memory_space<hbm>>) dst(%dma_wait3A_380 : memref<128x128xbf16, #tpu.memory_space<vmem>>)
      %add3A_389 = arith.constant 2 : i32
      %add3A_390 = arith.addi %mul3A_323, %add3A_389 : i32
      %dma_start3A_391 = arith.constant 256 : i32
      %dma_start3A_392 = arith.constant 0 : i32
      %dma_start3A_393 = tpu.memref_slice %arg13[%dma_start3A_391, %dma_start3A_392] : memref<512x128xbf16, #tpu.memory_space<vmem>> -> memref<128x128xbf16, #tpu.memory_space<vmem>>
      %dma_start3A_394 = arith.constant 0 : i32
      %dma_start3A_395 = tpu.memref_slice %arg12[%add3A_390, %dma_start3A_394] : memref<80x128xi32, #tpu.memory_space<vmem>> -> memref<1x128xi32, #tpu.memory_space<vmem>>
      %dma_start3A_396 = tpu.memref_squeeze %dma_start3A_395 : memref<1x128xi32, #tpu.memory_space<vmem>> -> memref<128xi32, #tpu.memory_space<vmem>>
      %dma_start3A_397 = arith.constant 0 : i32
      %dma_start3A_398 = arith.constant 0 : i32
      %dma_start3A_399 = tpu.memref_slice %arg19[%dma_start3A_397, %dma_start3A_398] : memref<10240x128xbf16, #tpu.memory_space<vmem_shared>> -> memref<10240x128xbf16, #tpu.memory_space<vmem_shared>>
      %dma_start3A_400 = tpu.memref_slice %arg18[%scan3A_246] : memref<4x!tpu.dma_semaphore, #tpu.memory_space<semaphore_mem>> -> memref<1x!tpu.dma_semaphore, #tpu.memory_space<semaphore_mem>>
      %dma_start3A_401 = tpu.memref_squeeze %dma_start3A_400 : memref<1x!tpu.dma_semaphore, #tpu.memory_space<semaphore_mem>> -> memref<!tpu.dma_semaphore, #tpu.memory_space<semaphore_mem>>
      tpu.enqueue_indirect_dma source(%dma_start3A_393 : memref<128x128xbf16, #tpu.memory_space<vmem>>) target(%dma_start3A_399 : memref<10240x128xbf16, #tpu.memory_space<vmem_shared>>) offsets(%dma_start3A_396 : memref<128xi32, #tpu.memory_space<vmem>>) semaphore(%dma_start3A_401 : memref<!tpu.dma_semaphore, #tpu.memory_space<semaphore_mem>>) {add = true}
      %add3A_402 = arith.constant 3 : i32
      %add3A_403 = arith.addi %mul3A_323, %add3A_402 : i32
      %dma_wait3A_404 = arith.constant 384 : i32
      %dma_wait3A_405 = arith.constant 0 : i32
      %dma_wait3A_406 = tpu.memref_slice %arg13[%dma_wait3A_404, %dma_wait3A_405] : memref<512x128xbf16, #tpu.memory_space<vmem>> -> memref<128x128xbf16, #tpu.memory_space<vmem>>
      %dma_wait3A_407 = arith.constant 0 : i32
      %dma_wait3A_408 = tpu.memref_slice %arg11[%add3A_403, %dma_wait3A_407] : memref<80x128xi32, #tpu.memory_space<vmem>> -> memref<1x128xi32, #tpu.memory_space<vmem>>
      %dma_wait3A_409 = tpu.memref_squeeze %dma_wait3A_408 : memref<1x128xi32, #tpu.memory_space<vmem>> -> memref<128xi32, #tpu.memory_space<vmem>>
      %dma_wait3A_410 = arith.constant 0 : i32
      %dma_wait3A_411 = arith.constant 0 : i32
      %dma_wait3A_412 = tpu.memref_slice %arg2[%dma_wait3A_410, %dma_wait3A_411] : memref<80000x128xbf16, #tpu.memory_space<hbm>> -> memref<80000x128xbf16, #tpu.memory_space<hbm>>
      %dma_wait3A_413 = tpu.memref_slice %arg17[%scan3A_247] : memref<4x!tpu.dma_semaphore, #tpu.memory_space<semaphore_mem>> -> memref<1x!tpu.dma_semaphore, #tpu.memory_space<semaphore_mem>>
      %dma_wait3A_414 = tpu.memref_squeeze %dma_wait3A_413 : memref<1x!tpu.dma_semaphore, #tpu.memory_space<semaphore_mem>> -> memref<!tpu.dma_semaphore, #tpu.memory_space<semaphore_mem>>
      tpu.wait_indirect_dma semaphore(%dma_wait3A_414 : memref<!tpu.dma_semaphore, #tpu.memory_space<semaphore_mem>>) src(%dma_wait3A_412 : memref<80000x128xbf16, #tpu.memory_space<hbm>>) dst(%dma_wait3A_406 : memref<128x128xbf16, #tpu.memory_space<vmem>>)
      %add3A_415 = arith.constant 3 : i32
      %add3A_416 = arith.addi %mul3A_323, %add3A_415 : i32
      %dma_start3A_417 = arith.constant 384 : i32
      %dma_start3A_418 = arith.constant 0 : i32
      %dma_start3A_419 = tpu.memref_slice %arg13[%dma_start3A_417, %dma_start3A_418] : memref<512x128xbf16, #tpu.memory_space<vmem>> -> memref<128x128xbf16, #tpu.memory_space<vmem>>
      %dma_start3A_420 = arith.constant 0 : i32
      %dma_start3A_421 = tpu.memref_slice %arg12[%add3A_416, %dma_start3A_420] : memref<80x128xi32, #tpu.memory_space<vmem>> -> memref<1x128xi32, #tpu.memory_space<vmem>>
      %dma_start3A_422 = tpu.memref_squeeze %dma_start3A_421 : memref<1x128xi32, #tpu.memory_space<vmem>> -> memref<128xi32, #tpu.memory_space<vmem>>
      %dma_start3A_423 = arith.constant 0 : i32
      %dma_start3A_424 = arith.constant 0 : i32
      %dma_start3A_425 = tpu.memref_slice %arg19[%dma_start3A_423, %dma_start3A_424] : memref<10240x128xbf16, #tpu.memory_space<vmem_shared>> -> memref<10240x128xbf16, #tpu.memory_space<vmem_shared>>
      %dma_start3A_426 = tpu.memref_slice %arg18[%scan3A_248] : memref<4x!tpu.dma_semaphore, #tpu.memory_space<semaphore_mem>> -> memref<1x!tpu.dma_semaphore, #tpu.memory_space<semaphore_mem>>
      %dma_start3A_427 = tpu.memref_squeeze %dma_start3A_426 : memref<1x!tpu.dma_semaphore, #tpu.memory_space<semaphore_mem>> -> memref<!tpu.dma_semaphore, #tpu.memory_space<semaphore_mem>>
      tpu.enqueue_indirect_dma source(%dma_start3A_419 : memref<128x128xbf16, #tpu.memory_space<vmem>>) target(%dma_start3A_425 : memref<10240x128xbf16, #tpu.memory_space<vmem_shared>>) offsets(%dma_start3A_422 : memref<128xi32, #tpu.memory_space<vmem>>) semaphore(%dma_start3A_427 : memref<!tpu.dma_semaphore, #tpu.memory_space<semaphore_mem>>) {add = true}
      %lt3A_428 = arith.constant 19 : i32
      %lt3A_429 = arith.cmpi slt, %scan3A_321, %lt3A_428 : i32
      %convert_element_type3A_430 = arith.extui %lt3A_429 : i1 to i32
      %cond3A_431 = arith.constant 0 : i32
      %cond3A_432 = arith.cmpi ne, %convert_element_type3A_430, %cond3A_431 : i32
      scf.if %cond3A_432 {
        %add3A_433 = arith.constant 0 : i32
        %add3A_434 = arith.addi %mul3A_323, %add3A_433 : i32
        %dma_wait3A_435 = arith.constant 0 : i32
        %dma_wait3A_436 = arith.constant 0 : i32
        %dma_wait3A_437 = tpu.memref_slice %arg13[%dma_wait3A_435, %dma_wait3A_436] : memref<512x128xbf16, #tpu.memory_space<vmem>> -> memref<128x128xbf16, #tpu.memory_space<vmem>>
        %dma_wait3A_438 = arith.constant 0 : i32
        %dma_wait3A_439 = tpu.memref_slice %arg12[%add3A_434, %dma_wait3A_438] : memref<80x128xi32, #tpu.memory_space<vmem>> -> memref<1x128xi32, #tpu.memory_space<vmem>>
        %dma_wait3A_440 = tpu.memref_squeeze %dma_wait3A_439 : memref<1x128xi32, #tpu.memory_space<vmem>> -> memref<128xi32, #tpu.memory_space<vmem>>
        %dma_wait3A_441 = arith.constant 0 : i32
        %dma_wait3A_442 = arith.constant 0 : i32
        %dma_wait3A_443 = tpu.memref_slice %arg19[%dma_wait3A_441, %dma_wait3A_442] : memref<10240x128xbf16, #tpu.memory_space<vmem_shared>> -> memref<10240x128xbf16, #tpu.memory_space<vmem_shared>>
        %dma_wait3A_444 = tpu.memref_slice %arg18[%scan3A_242] : memref<4x!tpu.dma_semaphore, #tpu.memory_space<semaphore_mem>> -> memref<1x!tpu.dma_semaphore, #tpu.memory_space<semaphore_mem>>
        %dma_wait3A_445 = tpu.memref_squeeze %dma_wait3A_444 : memref<1x!tpu.dma_semaphore, #tpu.memory_space<semaphore_mem>> -> memref<!tpu.dma_semaphore, #tpu.memory_space<semaphore_mem>>
        tpu.wait_indirect_dma semaphore(%dma_wait3A_445 : memref<!tpu.dma_semaphore, #tpu.memory_space<semaphore_mem>>) src(%dma_wait3A_437 : memref<128x128xbf16, #tpu.memory_space<vmem>>) dst(%dma_wait3A_443 : memref<10240x128xbf16, #tpu.memory_space<vmem_shared>>)
        %add3A_446 = arith.constant 4 : i32
        %add3A_447 = arith.addi %mul3A_323, %add3A_446 : i32
        %add3A_448 = arith.constant 0 : i32
        %add3A_449 = arith.addi %add3A_447, %add3A_448 : i32
        %dma_start3A_450 = arith.constant 0 : i32
        %dma_start3A_451 = arith.constant 0 : i32
        %dma_start3A_452 = tpu.memref_slice %arg13[%dma_start3A_450, %dma_start3A_451] : memref<512x128xbf16, #tpu.memory_space<vmem>> -> memref<128x128xbf16, #tpu.memory_space<vmem>>
        %dma_start3A_453 = arith.constant 0 : i32
        %dma_start3A_454 = tpu.memref_slice %arg11[%add3A_449, %dma_start3A_453] : memref<80x128xi32, #tpu.memory_space<vmem>> -> memref<1x128xi32, #tpu.memory_space<vmem>>
        %dma_start3A_455 = tpu.memref_squeeze %dma_start3A_454 : memref<1x128xi32, #tpu.memory_space<vmem>> -> memref<128xi32, #tpu.memory_space<vmem>>
        %dma_start3A_456 = arith.constant 0 : i32
        %dma_start3A_457 = arith.constant 0 : i32
        %dma_start3A_458 = tpu.memref_slice %arg2[%dma_start3A_456, %dma_start3A_457] : memref<80000x128xbf16, #tpu.memory_space<hbm>> -> memref<80000x128xbf16, #tpu.memory_space<hbm>>
        %dma_start3A_459 = tpu.memref_slice %arg17[%scan3A_241] : memref<4x!tpu.dma_semaphore, #tpu.memory_space<semaphore_mem>> -> memref<1x!tpu.dma_semaphore, #tpu.memory_space<semaphore_mem>>
        %dma_start3A_460 = tpu.memref_squeeze %dma_start3A_459 : memref<1x!tpu.dma_semaphore, #tpu.memory_space<semaphore_mem>> -> memref<!tpu.dma_semaphore, #tpu.memory_space<semaphore_mem>>
        tpu.enqueue_indirect_dma source(%dma_start3A_458 : memref<80000x128xbf16, #tpu.memory_space<hbm>>) target(%dma_start3A_452 : memref<128x128xbf16, #tpu.memory_space<vmem>>) offsets(%dma_start3A_455 : memref<128xi32, #tpu.memory_space<vmem>>) semaphore(%dma_start3A_460 : memref<!tpu.dma_semaphore, #tpu.memory_space<semaphore_mem>>)
        %add3A_461 = arith.constant 1 : i32
        %add3A_462 = arith.addi %mul3A_323, %add3A_461 : i32
        %dma_wait3A_463 = arith.constant 128 : i32
        %dma_wait3A_464 = arith.constant 0 : i32
        %dma_wait3A_465 = tpu.memref_slice %arg13[%dma_wait3A_463, %dma_wait3A_464] : memref<512x128xbf16, #tpu.memory_space<vmem>> -> memref<128x128xbf16, #tpu.memory_space<vmem>>
        %dma_wait3A_466 = arith.constant 0 : i32
        %dma_wait3A_467 = tpu.memref_slice %arg12[%add3A_462, %dma_wait3A_466] : memref<80x128xi32, #tpu.memory_space<vmem>> -> memref<1x128xi32, #tpu.memory_space<vmem>>
        %dma_wait3A_468 = tpu.memref_squeeze %dma_wait3A_467 : memref<1x128xi32, #tpu.memory_space<vmem>> -> memref<128xi32, #tpu.memory_space<vmem>>
        %dma_wait3A_469 = arith.constant 0 : i32
        %dma_wait3A_470 = arith.constant 0 : i32
        %dma_wait3A_471 = tpu.memref_slice %arg19[%dma_wait3A_469, %dma_wait3A_470] : memref<10240x128xbf16, #tpu.memory_space<vmem_shared>> -> memref<10240x128xbf16, #tpu.memory_space<vmem_shared>>
        %dma_wait3A_472 = tpu.memref_slice %arg18[%scan3A_244] : memref<4x!tpu.dma_semaphore, #tpu.memory_space<semaphore_mem>> -> memref<1x!tpu.dma_semaphore, #tpu.memory_space<semaphore_mem>>
        %dma_wait3A_473 = tpu.memref_squeeze %dma_wait3A_472 : memref<1x!tpu.dma_semaphore, #tpu.memory_space<semaphore_mem>> -> memref<!tpu.dma_semaphore, #tpu.memory_space<semaphore_mem>>
        tpu.wait_indirect_dma semaphore(%dma_wait3A_473 : memref<!tpu.dma_semaphore, #tpu.memory_space<semaphore_mem>>) src(%dma_wait3A_465 : memref<128x128xbf16, #tpu.memory_space<vmem>>) dst(%dma_wait3A_471 : memref<10240x128xbf16, #tpu.memory_space<vmem_shared>>)
        %add3A_474 = arith.constant 4 : i32
        %add3A_475 = arith.addi %mul3A_323, %add3A_474 : i32
        %add3A_476 = arith.constant 1 : i32
        %add3A_477 = arith.addi %add3A_475, %add3A_476 : i32
        %dma_start3A_478 = arith.constant 128 : i32
        %dma_start3A_479 = arith.constant 0 : i32
        %dma_start3A_480 = tpu.memref_slice %arg13[%dma_start3A_478, %dma_start3A_479] : memref<512x128xbf16, #tpu.memory_space<vmem>> -> memref<128x128xbf16, #tpu.memory_space<vmem>>
        %dma_start3A_481 = arith.constant 0 : i32
        %dma_start3A_482 = tpu.memref_slice %arg11[%add3A_477, %dma_start3A_481] : memref<80x128xi32, #tpu.memory_space<vmem>> -> memref<1x128xi32, #tpu.memory_space<vmem>>
        %dma_start3A_483 = tpu.memref_squeeze %dma_start3A_482 : memref<1x128xi32, #tpu.memory_space<vmem>> -> memref<128xi32, #tpu.memory_space<vmem>>
        %dma_start3A_484 = arith.constant 0 : i32
        %dma_start3A_485 = arith.constant 0 : i32
        %dma_start3A_486 = tpu.memref_slice %arg2[%dma_start3A_484, %dma_start3A_485] : memref<80000x128xbf16, #tpu.memory_space<hbm>> -> memref<80000x128xbf16, #tpu.memory_space<hbm>>
        %dma_start3A_487 = tpu.memref_slice %arg17[%scan3A_243] : memref<4x!tpu.dma_semaphore, #tpu.memory_space<semaphore_mem>> -> memref<1x!tpu.dma_semaphore, #tpu.memory_space<semaphore_mem>>
        %dma_start3A_488 = tpu.memref_squeeze %dma_start3A_487 : memref<1x!tpu.dma_semaphore, #tpu.memory_space<semaphore_mem>> -> memref<!tpu.dma_semaphore, #tpu.memory_space<semaphore_mem>>
        tpu.enqueue_indirect_dma source(%dma_start3A_486 : memref<80000x128xbf16, #tpu.memory_space<hbm>>) target(%dma_start3A_480 : memref<128x128xbf16, #tpu.memory_space<vmem>>) offsets(%dma_start3A_483 : memref<128xi32, #tpu.memory_space<vmem>>) semaphore(%dma_start3A_488 : memref<!tpu.dma_semaphore, #tpu.memory_space<semaphore_mem>>)
        %add3A_489 = arith.constant 2 : i32
        %add3A_490 = arith.addi %mul3A_323, %add3A_489 : i32
        %dma_wait3A_491 = arith.constant 256 : i32
        %dma_wait3A_492 = arith.constant 0 : i32
        %dma_wait3A_493 = tpu.memref_slice %arg13[%dma_wait3A_491, %dma_wait3A_492] : memref<512x128xbf16, #tpu.memory_space<vmem>> -> memref<128x128xbf16, #tpu.memory_space<vmem>>
        %dma_wait3A_494 = arith.constant 0 : i32
        %dma_wait3A_495 = tpu.memref_slice %arg12[%add3A_490, %dma_wait3A_494] : memref<80x128xi32, #tpu.memory_space<vmem>> -> memref<1x128xi32, #tpu.memory_space<vmem>>
        %dma_wait3A_496 = tpu.memref_squeeze %dma_wait3A_495 : memref<1x128xi32, #tpu.memory_space<vmem>> -> memref<128xi32, #tpu.memory_space<vmem>>
        %dma_wait3A_497 = arith.constant 0 : i32
        %dma_wait3A_498 = arith.constant 0 : i32
        %dma_wait3A_499 = tpu.memref_slice %arg19[%dma_wait3A_497, %dma_wait3A_498] : memref<10240x128xbf16, #tpu.memory_space<vmem_shared>> -> memref<10240x128xbf16, #tpu.memory_space<vmem_shared>>
        %dma_wait3A_500 = tpu.memref_slice %arg18[%scan3A_246] : memref<4x!tpu.dma_semaphore, #tpu.memory_space<semaphore_mem>> -> memref<1x!tpu.dma_semaphore, #tpu.memory_space<semaphore_mem>>
        %dma_wait3A_501 = tpu.memref_squeeze %dma_wait3A_500 : memref<1x!tpu.dma_semaphore, #tpu.memory_space<semaphore_mem>> -> memref<!tpu.dma_semaphore, #tpu.memory_space<semaphore_mem>>
        tpu.wait_indirect_dma semaphore(%dma_wait3A_501 : memref<!tpu.dma_semaphore, #tpu.memory_space<semaphore_mem>>) src(%dma_wait3A_493 : memref<128x128xbf16, #tpu.memory_space<vmem>>) dst(%dma_wait3A_499 : memref<10240x128xbf16, #tpu.memory_space<vmem_shared>>)
        %add3A_502 = arith.constant 4 : i32
        %add3A_503 = arith.addi %mul3A_323, %add3A_502 : i32
        %add3A_504 = arith.constant 2 : i32
        %add3A_505 = arith.addi %add3A_503, %add3A_504 : i32
        %dma_start3A_506 = arith.constant 256 : i32
        %dma_start3A_507 = arith.constant 0 : i32
        %dma_start3A_508 = tpu.memref_slice %arg13[%dma_start3A_506, %dma_start3A_507] : memref<512x128xbf16, #tpu.memory_space<vmem>> -> memref<128x128xbf16, #tpu.memory_space<vmem>>
        %dma_start3A_509 = arith.constant 0 : i32
        %dma_start3A_510 = tpu.memref_slice %arg11[%add3A_505, %dma_start3A_509] : memref<80x128xi32, #tpu.memory_space<vmem>> -> memref<1x128xi32, #tpu.memory_space<vmem>>
        %dma_start3A_511 = tpu.memref_squeeze %dma_start3A_510 : memref<1x128xi32, #tpu.memory_space<vmem>> -> memref<128xi32, #tpu.memory_space<vmem>>
        %dma_start3A_512 = arith.constant 0 : i32
        %dma_start3A_513 = arith.constant 0 : i32
        %dma_start3A_514 = tpu.memref_slice %arg2[%dma_start3A_512, %dma_start3A_513] : memref<80000x128xbf16, #tpu.memory_space<hbm>> -> memref<80000x128xbf16, #tpu.memory_space<hbm>>
        %dma_start3A_515 = tpu.memref_slice %arg17[%scan3A_245] : memref<4x!tpu.dma_semaphore, #tpu.memory_space<semaphore_mem>> -> memref<1x!tpu.dma_semaphore, #tpu.memory_space<semaphore_mem>>
        %dma_start3A_516 = tpu.memref_squeeze %dma_start3A_515 : memref<1x!tpu.dma_semaphore, #tpu.memory_space<semaphore_mem>> -> memref<!tpu.dma_semaphore, #tpu.memory_space<semaphore_mem>>
        tpu.enqueue_indirect_dma source(%dma_start3A_514 : memref<80000x128xbf16, #tpu.memory_space<hbm>>) target(%dma_start3A_508 : memref<128x128xbf16, #tpu.memory_space<vmem>>) offsets(%dma_start3A_511 : memref<128xi32, #tpu.memory_space<vmem>>) semaphore(%dma_start3A_516 : memref<!tpu.dma_semaphore, #tpu.memory_space<semaphore_mem>>)
        %add3A_517 = arith.constant 3 : i32
        %add3A_518 = arith.addi %mul3A_323, %add3A_517 : i32
        %dma_wait3A_519 = arith.constant 384 : i32
        %dma_wait3A_520 = arith.constant 0 : i32
        %dma_wait3A_521 = tpu.memref_slice %arg13[%dma_wait3A_519, %dma_wait3A_520] : memref<512x128xbf16, #tpu.memory_space<vmem>> -> memref<128x128xbf16, #tpu.memory_space<vmem>>
        %dma_wait3A_522 = arith.constant 0 : i32
        %dma_wait3A_523 = tpu.memref_slice %arg12[%add3A_518, %dma_wait3A_522] : memref<80x128xi32, #tpu.memory_space<vmem>> -> memref<1x128xi32, #tpu.memory_space<vmem>>
        %dma_wait3A_524 = tpu.memref_squeeze %dma_wait3A_523 : memref<1x128xi32, #tpu.memory_space<vmem>> -> memref<128xi32, #tpu.memory_space<vmem>>
        %dma_wait3A_525 = arith.constant 0 : i32
        %dma_wait3A_526 = arith.constant 0 : i32
        %dma_wait3A_527 = tpu.memref_slice %arg19[%dma_wait3A_525, %dma_wait3A_526] : memref<10240x128xbf16, #tpu.memory_space<vmem_shared>> -> memref<10240x128xbf16, #tpu.memory_space<vmem_shared>>
        %dma_wait3A_528 = tpu.memref_slice %arg18[%scan3A_248] : memref<4x!tpu.dma_semaphore, #tpu.memory_space<semaphore_mem>> -> memref<1x!tpu.dma_semaphore, #tpu.memory_space<semaphore_mem>>
        %dma_wait3A_529 = tpu.memref_squeeze %dma_wait3A_528 : memref<1x!tpu.dma_semaphore, #tpu.memory_space<semaphore_mem>> -> memref<!tpu.dma_semaphore, #tpu.memory_space<semaphore_mem>>
        tpu.wait_indirect_dma semaphore(%dma_wait3A_529 : memref<!tpu.dma_semaphore, #tpu.memory_space<semaphore_mem>>) src(%dma_wait3A_521 : memref<128x128xbf16, #tpu.memory_space<vmem>>) dst(%dma_wait3A_527 : memref<10240x128xbf16, #tpu.memory_space<vmem_shared>>)
        %add3A_530 = arith.constant 4 : i32
        %add3A_531 = arith.addi %mul3A_323, %add3A_530 : i32
        %add3A_532 = arith.constant 3 : i32
        %add3A_533 = arith.addi %add3A_531, %add3A_532 : i32
        %dma_start3A_534 = arith.constant 384 : i32
        %dma_start3A_535 = arith.constant 0 : i32
        %dma_start3A_536 = tpu.memref_slice %arg13[%dma_start3A_534, %dma_start3A_535] : memref<512x128xbf16, #tpu.memory_space<vmem>> -> memref<128x128xbf16, #tpu.memory_space<vmem>>
        %dma_start3A_537 = arith.constant 0 : i32
        %dma_start3A_538 = tpu.memref_slice %arg11[%add3A_533, %dma_start3A_537] : memref<80x128xi32, #tpu.memory_space<vmem>> -> memref<1x128xi32, #tpu.memory_space<vmem>>
        %dma_start3A_539 = tpu.memref_squeeze %dma_start3A_538 : memref<1x128xi32, #tpu.memory_space<vmem>> -> memref<128xi32, #tpu.memory_space<vmem>>
        %dma_start3A_540 = arith.constant 0 : i32
        %dma_start3A_541 = arith.constant 0 : i32
        %dma_start3A_542 = tpu.memref_slice %arg2[%dma_start3A_540, %dma_start3A_541] : memref<80000x128xbf16, #tpu.memory_space<hbm>> -> memref<80000x128xbf16, #tpu.memory_space<hbm>>
        %dma_start3A_543 = tpu.memref_slice %arg17[%scan3A_247] : memref<4x!tpu.dma_semaphore, #tpu.memory_space<semaphore_mem>> -> memref<1x!tpu.dma_semaphore, #tpu.memory_space<semaphore_mem>>
        %dma_start3A_544 = tpu.memref_squeeze %dma_start3A_543 : memref<1x!tpu.dma_semaphore, #tpu.memory_space<semaphore_mem>> -> memref<!tpu.dma_semaphore, #tpu.memory_space<semaphore_mem>>
        tpu.enqueue_indirect_dma source(%dma_start3A_542 : memref<80000x128xbf16, #tpu.memory_space<hbm>>) target(%dma_start3A_536 : memref<128x128xbf16, #tpu.memory_space<vmem>>) offsets(%dma_start3A_539 : memref<128xi32, #tpu.memory_space<vmem>>) semaphore(%dma_start3A_544 : memref<!tpu.dma_semaphore, #tpu.memory_space<semaphore_mem>>)
      } else {
      }
    }
    %scan3A_253 = arith.constant 20 : i32
    %dma_wait3A_254 = arith.constant 76 : i32
    %dma_wait3A_255 = arith.constant 0 : i32
    %dma_wait3A_256 = arith.constant 0 : i32
    %dma_wait3A_257 = arith.constant 0 : i32
    %dma_wait3A_258 = tpu.memref_slice %arg13[%dma_wait3A_256, %dma_wait3A_257] : memref<512x128xbf16, #tpu.memory_space<vmem>> -> memref<128x128xbf16, #tpu.memory_space<vmem>>
    %dma_wait3A_259 = arith.constant 0 : i32
    %dma_wait3A_260 = tpu.memref_slice %arg12[%dma_wait3A_254, %dma_wait3A_259] : memref<80x128xi32, #tpu.memory_space<vmem>> -> memref<1x128xi32, #tpu.memory_space<vmem>>
    %dma_wait3A_261 = tpu.memref_squeeze %dma_wait3A_260 : memref<1x128xi32, #tpu.memory_space<vmem>> -> memref<128xi32, #tpu.memory_space<vmem>>
    %dma_wait3A_262 = arith.constant 0 : i32
    %dma_wait3A_263 = arith.constant 0 : i32
    %dma_wait3A_264 = tpu.memref_slice %arg19[%dma_wait3A_262, %dma_wait3A_263] : memref<10240x128xbf16, #tpu.memory_space<vmem_shared>> -> memref<10240x128xbf16, #tpu.memory_space<vmem_shared>>
    %dma_wait3A_265 = tpu.memref_slice %arg18[%dma_wait3A_255] : memref<4x!tpu.dma_semaphore, #tpu.memory_space<semaphore_mem>> -> memref<1x!tpu.dma_semaphore, #tpu.memory_space<semaphore_mem>>
    %dma_wait3A_266 = tpu.memref_squeeze %dma_wait3A_265 : memref<1x!tpu.dma_semaphore, #tpu.memory_space<semaphore_mem>> -> memref<!tpu.dma_semaphore, #tpu.memory_space<semaphore_mem>>
    tpu.wait_indirect_dma semaphore(%dma_wait3A_266 : memref<!tpu.dma_semaphore, #tpu.memory_space<semaphore_mem>>) src(%dma_wait3A_258 : memref<128x128xbf16, #tpu.memory_space<vmem>>) dst(%dma_wait3A_264 : memref<10240x128xbf16, #tpu.memory_space<vmem_shared>>)
    %dma_wait3A_267 = arith.constant 77 : i32
    %dma_wait3A_268 = arith.constant 1 : i32
    %dma_wait3A_269 = arith.constant 128 : i32
    %dma_wait3A_270 = arith.constant 0 : i32
    %dma_wait3A_271 = tpu.memref_slice %arg13[%dma_wait3A_269, %dma_wait3A_270] : memref<512x128xbf16, #tpu.memory_space<vmem>> -> memref<128x128xbf16, #tpu.memory_space<vmem>>
    %dma_wait3A_272 = arith.constant 0 : i32
    %dma_wait3A_273 = tpu.memref_slice %arg12[%dma_wait3A_267, %dma_wait3A_272] : memref<80x128xi32, #tpu.memory_space<vmem>> -> memref<1x128xi32, #tpu.memory_space<vmem>>
    %dma_wait3A_274 = tpu.memref_squeeze %dma_wait3A_273 : memref<1x128xi32, #tpu.memory_space<vmem>> -> memref<128xi32, #tpu.memory_space<vmem>>
    %dma_wait3A_275 = arith.constant 0 : i32
    %dma_wait3A_276 = arith.constant 0 : i32
    %dma_wait3A_277 = tpu.memref_slice %arg19[%dma_wait3A_275, %dma_wait3A_276] : memref<10240x128xbf16, #tpu.memory_space<vmem_shared>> -> memref<10240x128xbf16, #tpu.memory_space<vmem_shared>>
    %dma_wait3A_278 = tpu.memref_slice %arg18[%dma_wait3A_268] : memref<4x!tpu.dma_semaphore, #tpu.memory_space<semaphore_mem>> -> memref<1x!tpu.dma_semaphore, #tpu.memory_space<semaphore_mem>>
    %dma_wait3A_279 = tpu.memref_squeeze %dma_wait3A_278 : memref<1x!tpu.dma_semaphore, #tpu.memory_space<semaphore_mem>> -> memref<!tpu.dma_semaphore, #tpu.memory_space<semaphore_mem>>
    tpu.wait_indirect_dma semaphore(%dma_wait3A_279 : memref<!tpu.dma_semaphore, #tpu.memory_space<semaphore_mem>>) src(%dma_wait3A_271 : memref<128x128xbf16, #tpu.memory_space<vmem>>) dst(%dma_wait3A_277 : memref<10240x128xbf16, #tpu.memory_space<vmem_shared>>)
    %dma_wait3A_280 = arith.constant 78 : i32
    %dma_wait3A_281 = arith.constant 2 : i32
    %dma_wait3A_282 = arith.constant 256 : i32
    %dma_wait3A_283 = arith.constant 0 : i32
    %dma_wait3A_284 = tpu.memref_slice %arg13[%dma_wait3A_282, %dma_wait3A_283] : memref<512x128xbf16, #tpu.memory_space<vmem>> -> memref<128x128xbf16, #tpu.memory_space<vmem>>
    %dma_wait3A_285 = arith.constant 0 : i32
    %dma_wait3A_286 = tpu.memref_slice %arg12[%dma_wait3A_280, %dma_wait3A_285] : memref<80x128xi32, #tpu.memory_space<vmem>> -> memref<1x128xi32, #tpu.memory_space<vmem>>
    %dma_wait3A_287 = tpu.memref_squeeze %dma_wait3A_286 : memref<1x128xi32, #tpu.memory_space<vmem>> -> memref<128xi32, #tpu.memory_space<vmem>>
    %dma_wait3A_288 = arith.constant 0 : i32
    %dma_wait3A_289 = arith.constant 0 : i32
    %dma_wait3A_290 = tpu.memref_slice %arg19[%dma_wait3A_288, %dma_wait3A_289] : memref<10240x128xbf16, #tpu.memory_space<vmem_shared>> -> memref<10240x128xbf16, #tpu.memory_space<vmem_shared>>
    %dma_wait3A_291 = tpu.memref_slice %arg18[%dma_wait3A_281] : memref<4x!tpu.dma_semaphore, #tpu.memory_space<semaphore_mem>> -> memref<1x!tpu.dma_semaphore, #tpu.memory_space<semaphore_mem>>
    %dma_wait3A_292 = tpu.memref_squeeze %dma_wait3A_291 : memref<1x!tpu.dma_semaphore, #tpu.memory_space<semaphore_mem>> -> memref<!tpu.dma_semaphore, #tpu.memory_space<semaphore_mem>>
    tpu.wait_indirect_dma semaphore(%dma_wait3A_292 : memref<!tpu.dma_semaphore, #tpu.memory_space<semaphore_mem>>) src(%dma_wait3A_284 : memref<128x128xbf16, #tpu.memory_space<vmem>>) dst(%dma_wait3A_290 : memref<10240x128xbf16, #tpu.memory_space<vmem_shared>>)
    %dma_wait3A_293 = arith.constant 79 : i32
    %dma_wait3A_294 = arith.constant 3 : i32
    %dma_wait3A_295 = arith.constant 384 : i32
    %dma_wait3A_296 = arith.constant 0 : i32
    %dma_wait3A_297 = tpu.memref_slice %arg13[%dma_wait3A_295, %dma_wait3A_296] : memref<512x128xbf16, #tpu.memory_space<vmem>> -> memref<128x128xbf16, #tpu.memory_space<vmem>>
    %dma_wait3A_298 = arith.constant 0 : i32
    %dma_wait3A_299 = tpu.memref_slice %arg12[%dma_wait3A_293, %dma_wait3A_298] : memref<80x128xi32, #tpu.memory_space<vmem>> -> memref<1x128xi32, #tpu.memory_space<vmem>>
    %dma_wait3A_300 = tpu.memref_squeeze %dma_wait3A_299 : memref<1x128xi32, #tpu.memory_space<vmem>> -> memref<128xi32, #tpu.memory_space<vmem>>
    %dma_wait3A_301 = arith.constant 0 : i32
    %dma_wait3A_302 = arith.constant 0 : i32
    %dma_wait3A_303 = tpu.memref_slice %arg19[%dma_wait3A_301, %dma_wait3A_302] : memref<10240x128xbf16, #tpu.memory_space<vmem_shared>> -> memref<10240x128xbf16, #tpu.memory_space<vmem_shared>>
    %dma_wait3A_304 = tpu.memref_slice %arg18[%dma_wait3A_294] : memref<4x!tpu.dma_semaphore, #tpu.memory_space<semaphore_mem>> -> memref<1x!tpu.dma_semaphore, #tpu.memory_space<semaphore_mem>>
    %dma_wait3A_305 = tpu.memref_squeeze %dma_wait3A_304 : memref<1x!tpu.dma_semaphore, #tpu.memory_space<semaphore_mem>> -> memref<!tpu.dma_semaphore, #tpu.memory_space<semaphore_mem>>
    tpu.wait_indirect_dma semaphore(%dma_wait3A_305 : memref<!tpu.dma_semaphore, #tpu.memory_space<semaphore_mem>>) src(%dma_wait3A_297 : memref<128x128xbf16, #tpu.memory_space<vmem>>) dst(%dma_wait3A_303 : memref<10240x128xbf16, #tpu.memory_space<vmem_shared>>)
    %barrier3A_306 = arith.constant 0 : index
    tpu.barrier barrier_id(%barrier3A_306)
    %mul3A_307 = arith.constant 10000 : i32
    %mul3A_308 = arith.muli %add3A_168, %mul3A_307 : i32
    %add3A_309 = arith.addi %mul3A_308, %mul3A_0 : i32
    %lt3A_310 = arith.constant 15 : i32
    %lt3A_311 = arith.cmpi slt, %arg1, %lt3A_310 : i32
    %convert_element_type3A_312 = arith.extui %lt3A_311 : i1 to i32
    %cond3A_313 = arith.constant 0 : i32
    %cond3A_314 = arith.cmpi ne, %convert_element_type3A_312, %cond3A_313 : i32
    scf.if %cond3A_314 {
      "tpu.region"() ({
        %run_scoped3A = tpu.sem_alloc : memref<!tpu.dma_semaphore, #tpu.memory_space<semaphore_mem>>
        %dma_start3A_321 = arith.constant 0 : i32
        %dma_start3A_322 = tpu.memref_slice %arg8[%add3A_309, %dma_start3A_321] : memref<40000x128xbf16, #tpu.memory_space<hbm>> -> memref<640x128xbf16, #tpu.memory_space<hbm>>
        %dma_start3A_323 = arith.constant 0 : i32
        %dma_start3A_324 = tpu.memref_slice %arg19[%mul3A_0, %dma_start3A_323] : memref<10240x128xbf16, #tpu.memory_space<vmem_shared>> -> memref<640x128xbf16, #tpu.memory_space<vmem_shared>>
        tpu.enqueue_dma source(%dma_start3A_324 : memref<640x128xbf16, #tpu.memory_space<vmem_shared>>) target(%dma_start3A_322 : memref<640x128xbf16, #tpu.memory_space<hbm>>) target_semaphore(%run_scoped3A : memref<!tpu.dma_semaphore, #tpu.memory_space<semaphore_mem>>)
        %dma_wait3A_325 = arith.constant 0 : i32
        %dma_wait3A_326 = tpu.memref_slice %arg8[%add3A_309, %dma_wait3A_325] : memref<40000x128xbf16, #tpu.memory_space<hbm>> -> memref<640x128xbf16, #tpu.memory_space<hbm>>
        %dma_wait3A_327 = arith.constant 0 : i32
        %dma_wait3A_328 = tpu.memref_slice %arg19[%mul3A_0, %dma_wait3A_327] : memref<10240x128xbf16, #tpu.memory_space<vmem_shared>> -> memref<640x128xbf16, #tpu.memory_space<vmem_shared>>
        tpu.wait_dma2 semaphore(%run_scoped3A : memref<!tpu.dma_semaphore, #tpu.memory_space<semaphore_mem>>) src(%dma_wait3A_328 : memref<640x128xbf16, #tpu.memory_space<vmem_shared>>) dst(%dma_wait3A_326 : memref<640x128xbf16, #tpu.memory_space<hbm>>)
        tpu.yield
      }) : () -> ()
    } else {
    }
    %eq3A_315 = arith.constant 15 : i32
    %eq3A_316 = arith.cmpi eq, %arg1, %eq3A_315 : i32
    %convert_element_type3A_317 = arith.extui %eq3A_316 : i1 to i32
    %cond3A_318 = arith.constant 0 : i32
    %cond3A_319 = arith.cmpi ne, %convert_element_type3A_317, %cond3A_318 : i32
    scf.if %cond3A_319 {
      "tpu.region"() ({
        %run_scoped3A = tpu.sem_alloc : memref<!tpu.dma_semaphore, #tpu.memory_space<semaphore_mem>>
        %dma_start3A_321 = arith.constant 0 : i32
        %dma_start3A_322 = tpu.memref_slice %arg8[%add3A_309, %dma_start3A_321] : memref<40000x128xbf16, #tpu.memory_space<hbm>> -> memref<400x128xbf16, #tpu.memory_space<hbm>>
        %dma_start3A_323 = arith.constant 0 : i32
        %dma_start3A_324 = tpu.memref_slice %arg19[%mul3A_0, %dma_start3A_323] : memref<10240x128xbf16, #tpu.memory_space<vmem_shared>> -> memref<400x128xbf16, #tpu.memory_space<vmem_shared>>
        tpu.enqueue_dma source(%dma_start3A_324 : memref<400x128xbf16, #tpu.memory_space<vmem_shared>>) target(%dma_start3A_322 : memref<400x128xbf16, #tpu.memory_space<hbm>>) target_semaphore(%run_scoped3A : memref<!tpu.dma_semaphore, #tpu.memory_space<semaphore_mem>>)
        %dma_wait3A_325 = arith.constant 0 : i32
        %dma_wait3A_326 = tpu.memref_slice %arg8[%add3A_309, %dma_wait3A_325] : memref<40000x128xbf16, #tpu.memory_space<hbm>> -> memref<400x128xbf16, #tpu.memory_space<hbm>>
        %dma_wait3A_327 = arith.constant 0 : i32
        %dma_wait3A_328 = tpu.memref_slice %arg19[%mul3A_0, %dma_wait3A_327] : memref<10240x128xbf16, #tpu.memory_space<vmem_shared>> -> memref<400x128xbf16, #tpu.memory_space<vmem_shared>>
        tpu.wait_dma2 semaphore(%run_scoped3A : memref<!tpu.dma_semaphore, #tpu.memory_space<semaphore_mem>>) src(%dma_wait3A_328 : memref<400x128xbf16, #tpu.memory_space<vmem_shared>>) dst(%dma_wait3A_326 : memref<400x128xbf16, #tpu.memory_space<hbm>>)
        tpu.yield
      }) : () -> ()
    } else {
    }
    %barrier3A_320 = arith.constant 0 : index
    tpu.barrier barrier_id(%barrier3A_320)
    return
  }
}

#map = affine_map<(d0, d1) -> (0, 0)>
#map1 = affine_map<(d0, d1) -> (0, 0, 0)>
module attributes {stable_mosaic.version = 14 : i64} {
  func.func @body(%arg0: i32, %arg1: i32, %arg2: memref<80000x128xbf16, #tpu.memory_space<hbm>>, %arg3: memref<16x80x128xi32, #tpu.memory_space<hbm>>, %arg4: memref<16x80x128xi32, #tpu.memory_space<hbm>>, %arg5: memref<128x128xbf16, #tpu.memory_space<hbm>>, %arg6: memref<128x16xf32, #tpu.memory_space<hbm>>, %arg7: memref<128x16xf32, #tpu.memory_space<hbm>>, %arg8: memref<40000x128xbf16, #tpu.memory_space<hbm>>, %arg9: memref<80x128xi32, #tpu.memory_space<vmem>>, %arg10: memref<80x128xi32, #tpu.memory_space<vmem>>, %arg11: memref<80x128xi32, #tpu.memory_space<vmem>>, %arg12: memref<512x128xbf16, #tpu.memory_space<vmem>>, %arg13: memref<128x128xbf16, #tpu.memory_space<vmem>>, %arg14: memref<128x16xf32, #tpu.memory_space<vmem>>, %arg15: memref<128x16xf32, #tpu.memory_space<vmem>>, %arg16: memref<4x!tpu.dma_semaphore, #tpu.memory_space<semaphore_mem>>, %arg17: memref<4x!tpu.dma_semaphore, #tpu.memory_space<semaphore_mem>>, %arg18: memref<10240x128xbf16, #tpu.memory_space<vmem_shared>>, %arg19: memref<10240x16xf32, #tpu.memory_space<vmem_shared>>) attributes {dimension_semantics = [#tpu.dimension_semantics<core_parallel>, #tpu.dimension_semantics<subcore_parallel>], iteration_bounds = array<i64: 2, 16>, scalar_prefetch = 0 : i64, scratch_operands = 11 : i64, tpu.core_type = #tpu.core_type<sc_vector_subcore>, window_params = [{transform_indices = #map}, {transform_indices = #map1}, {transform_indices = #map1}, {transform_indices = #map}, {transform_indices = #map}, {transform_indices = #map}, {transform_indices = #map}]} {
    %mul3A = arith.constant 640 : i32
    %mul3A_0 = arith.muli %arg1, %mul3A : i32
    "tpu.region"() ({
      %run_scoped3A = tpu.sem_alloc : memref<!tpu.dma_semaphore, #tpu.memory_space<semaphore_mem>>
      %dma_start3A_316 = arith.constant 0 : i32
      %dma_start3A_317 = arith.constant 0 : i32
      %dma_start3A_318 = tpu.memref_slice %arg3[%arg1, %dma_start3A_316, %dma_start3A_317] : memref<16x80x128xi32, #tpu.memory_space<hbm>> -> memref<1x80x128xi32, #tpu.memory_space<hbm>>
      %dma_start3A_319 = tpu.memref_squeeze %dma_start3A_318 : memref<1x80x128xi32, #tpu.memory_space<hbm>> -> memref<80x128xi32, #tpu.memory_space<hbm>>
      %dma_start3A_320 = arith.constant 0 : i32
      %dma_start3A_321 = arith.constant 0 : i32
      %dma_start3A_322 = tpu.memref_slice %arg3[%arg1, %dma_start3A_320, %dma_start3A_321] : memref<16x80x128xi32, #tpu.memory_space<hbm>> -> memref<1x80x128xi32, #tpu.memory_space<hbm>>
      %dma_start3A_323 = tpu.memref_squeeze %dma_start3A_322 : memref<1x80x128xi32, #tpu.memory_space<hbm>> -> memref<80x128xi32, #tpu.memory_space<hbm>>
      tpu.enqueue_dma source(%dma_start3A_323 : memref<80x128xi32, #tpu.memory_space<hbm>>) target(%arg9 : memref<80x128xi32, #tpu.memory_space<vmem>>) target_semaphore(%run_scoped3A : memref<!tpu.dma_semaphore, #tpu.memory_space<semaphore_mem>>)
      %dma_wait3A_324 = arith.constant 0 : i32
      %dma_wait3A_325 = arith.constant 0 : i32
      %dma_wait3A_326 = tpu.memref_slice %arg3[%arg1, %dma_wait3A_324, %dma_wait3A_325] : memref<16x80x128xi32, #tpu.memory_space<hbm>> -> memref<1x80x128xi32, #tpu.memory_space<hbm>>
      %dma_wait3A_327 = tpu.memref_squeeze %dma_wait3A_326 : memref<1x80x128xi32, #tpu.memory_space<hbm>> -> memref<80x128xi32, #tpu.memory_space<hbm>>
      %dma_wait3A_328 = arith.constant 0 : i32
      %dma_wait3A_329 = arith.constant 0 : i32
      %dma_wait3A_330 = tpu.memref_slice %arg3[%arg1, %dma_wait3A_328, %dma_wait3A_329] : memref<16x80x128xi32, #tpu.memory_space<hbm>> -> memref<1x80x128xi32, #tpu.memory_space<hbm>>
      %dma_wait3A_331 = tpu.memref_squeeze %dma_wait3A_330 : memref<1x80x128xi32, #tpu.memory_space<hbm>> -> memref<80x128xi32, #tpu.memory_space<hbm>>
      tpu.wait_dma2 semaphore(%run_scoped3A : memref<!tpu.dma_semaphore, #tpu.memory_space<semaphore_mem>>) src(%dma_wait3A_331 : memref<80x128xi32, #tpu.memory_space<hbm>>) dst(%arg9 : memref<80x128xi32, #tpu.memory_space<vmem>>)
      tpu.yield
    }) : () -> ()
    "tpu.region"() ({
      %run_scoped3A = tpu.sem_alloc : memref<!tpu.dma_semaphore, #tpu.memory_space<semaphore_mem>>
      %dma_start3A_316 = arith.constant 0 : i32
      %dma_start3A_317 = arith.constant 0 : i32
      %dma_start3A_318 = tpu.memref_slice %arg4[%arg1, %dma_start3A_316, %dma_start3A_317] : memref<16x80x128xi32, #tpu.memory_space<hbm>> -> memref<1x80x128xi32, #tpu.memory_space<hbm>>
      %dma_start3A_319 = tpu.memref_squeeze %dma_start3A_318 : memref<1x80x128xi32, #tpu.memory_space<hbm>> -> memref<80x128xi32, #tpu.memory_space<hbm>>
      %dma_start3A_320 = arith.constant 0 : i32
      %dma_start3A_321 = arith.constant 0 : i32
      %dma_start3A_322 = tpu.memref_slice %arg4[%arg1, %dma_start3A_320, %dma_start3A_321] : memref<16x80x128xi32, #tpu.memory_space<hbm>> -> memref<1x80x128xi32, #tpu.memory_space<hbm>>
      %dma_start3A_323 = tpu.memref_squeeze %dma_start3A_322 : memref<1x80x128xi32, #tpu.memory_space<hbm>> -> memref<80x128xi32, #tpu.memory_space<hbm>>
      tpu.enqueue_dma source(%dma_start3A_323 : memref<80x128xi32, #tpu.memory_space<hbm>>) target(%arg11 : memref<80x128xi32, #tpu.memory_space<vmem>>) target_semaphore(%run_scoped3A : memref<!tpu.dma_semaphore, #tpu.memory_space<semaphore_mem>>)
      %dma_wait3A_324 = arith.constant 0 : i32
      %dma_wait3A_325 = arith.constant 0 : i32
      %dma_wait3A_326 = tpu.memref_slice %arg4[%arg1, %dma_wait3A_324, %dma_wait3A_325] : memref<16x80x128xi32, #tpu.memory_space<hbm>> -> memref<1x80x128xi32, #tpu.memory_space<hbm>>
      %dma_wait3A_327 = tpu.memref_squeeze %dma_wait3A_326 : memref<1x80x128xi32, #tpu.memory_space<hbm>> -> memref<80x128xi32, #tpu.memory_space<hbm>>
      %dma_wait3A_328 = arith.constant 0 : i32
      %dma_wait3A_329 = arith.constant 0 : i32
      %dma_wait3A_330 = tpu.memref_slice %arg4[%arg1, %dma_wait3A_328, %dma_wait3A_329] : memref<16x80x128xi32, #tpu.memory_space<hbm>> -> memref<1x80x128xi32, #tpu.memory_space<hbm>>
      %dma_wait3A_331 = tpu.memref_squeeze %dma_wait3A_330 : memref<1x80x128xi32, #tpu.memory_space<hbm>> -> memref<80x128xi32, #tpu.memory_space<hbm>>
      tpu.wait_dma2 semaphore(%run_scoped3A : memref<!tpu.dma_semaphore, #tpu.memory_space<semaphore_mem>>) src(%dma_wait3A_331 : memref<80x128xi32, #tpu.memory_space<hbm>>) dst(%arg11 : memref<80x128xi32, #tpu.memory_space<vmem>>)
      tpu.yield
    }) : () -> ()
    "tpu.region"() ({
      %run_scoped3A = tpu.sem_alloc : memref<!tpu.dma_semaphore, #tpu.memory_space<semaphore_mem>>
      tpu.enqueue_dma source(%arg5 : memref<128x128xbf16, #tpu.memory_space<hbm>>) target(%arg13 : memref<128x128xbf16, #tpu.memory_space<vmem>>) target_semaphore(%run_scoped3A : memref<!tpu.dma_semaphore, #tpu.memory_space<semaphore_mem>>)
      tpu.wait_dma2 semaphore(%run_scoped3A : memref<!tpu.dma_semaphore, #tpu.memory_space<semaphore_mem>>) src(%arg5 : memref<128x128xbf16, #tpu.memory_space<hbm>>) dst(%arg13 : memref<128x128xbf16, #tpu.memory_space<vmem>>)
      tpu.yield
    }) : () -> ()
    "tpu.region"() ({
      %run_scoped3A = tpu.sem_alloc : memref<!tpu.dma_semaphore, #tpu.memory_space<semaphore_mem>>
      tpu.enqueue_dma source(%arg6 : memref<128x16xf32, #tpu.memory_space<hbm>>) target(%arg14 : memref<128x16xf32, #tpu.memory_space<vmem>>) target_semaphore(%run_scoped3A : memref<!tpu.dma_semaphore, #tpu.memory_space<semaphore_mem>>)
      tpu.wait_dma2 semaphore(%run_scoped3A : memref<!tpu.dma_semaphore, #tpu.memory_space<semaphore_mem>>) src(%arg6 : memref<128x16xf32, #tpu.memory_space<hbm>>) dst(%arg14 : memref<128x16xf32, #tpu.memory_space<vmem>>)
      tpu.yield
    }) : () -> ()
    "tpu.region"() ({
      %run_scoped3A = tpu.sem_alloc : memref<!tpu.dma_semaphore, #tpu.memory_space<semaphore_mem>>
      tpu.enqueue_dma source(%arg7 : memref<128x16xf32, #tpu.memory_space<hbm>>) target(%arg15 : memref<128x16xf32, #tpu.memory_space<vmem>>) target_semaphore(%run_scoped3A : memref<!tpu.dma_semaphore, #tpu.memory_space<semaphore_mem>>)
      tpu.wait_dma2 semaphore(%run_scoped3A : memref<!tpu.dma_semaphore, #tpu.memory_space<semaphore_mem>>) src(%arg7 : memref<128x16xf32, #tpu.memory_space<hbm>>) dst(%arg15 : memref<128x16xf32, #tpu.memory_space<vmem>>)
      tpu.yield
    }) : () -> ()
    %mul3A_1 = arith.constant 4 : i32
    %mul3A_2 = arith.muli %arg0, %mul3A_1 : i32
    %add3A = arith.constant 2 : i32
    %add3A_3 = arith.addi %mul3A_2, %add3A : i32
    %add3A_4 = arith.constant 0 : i32
    %add3A_5 = arith.addi %add3A_3, %add3A_4 : i32
    %mul3A_6 = arith.constant 2 : i32
    %mul3A_7 = arith.muli %arg0, %mul3A_6 : i32
    %add3A_8 = arith.constant 0 : i32
    %add3A_9 = arith.addi %mul3A_7, %add3A_8 : i32
    %add3A_10 = arith.constant 0 : i32
    %add3A_11 = arith.addi %mul3A_0, %add3A_10 : i32
    "tpu.region"() ({
      %run_scoped3A = tpu.sem_alloc : memref<!tpu.dma_semaphore, #tpu.memory_space<semaphore_mem>>
      %dma_start3A_316 = arith.constant 0 : i32
      %dma_start3A_317 = tpu.memref_slice %arg18[%add3A_11, %dma_start3A_316] : memref<10240x128xbf16, #tpu.memory_space<vmem_shared>> -> memref<128x128xbf16, #tpu.memory_space<vmem_shared>>
      %dma_start3A_318 = arith.constant 0 : i32
      %dma_start3A_319 = tpu.memref_slice %arg18[%add3A_11, %dma_start3A_318] : memref<10240x128xbf16, #tpu.memory_space<vmem_shared>> -> memref<128x128xbf16, #tpu.memory_space<vmem_shared>>
      tpu.enqueue_dma source(%arg13 : memref<128x128xbf16, #tpu.memory_space<vmem>>) target(%dma_start3A_319 : memref<128x128xbf16, #tpu.memory_space<vmem_shared>>) target_semaphore(%run_scoped3A : memref<!tpu.dma_semaphore, #tpu.memory_space<semaphore_mem>>)
      %dma_wait3A_320 = arith.constant 0 : i32
      %dma_wait3A_321 = tpu.memref_slice %arg18[%add3A_11, %dma_wait3A_320] : memref<10240x128xbf16, #tpu.memory_space<vmem_shared>> -> memref<128x128xbf16, #tpu.memory_space<vmem_shared>>
      %dma_wait3A_322 = arith.constant 0 : i32
      %dma_wait3A_323 = tpu.memref_slice %arg18[%add3A_11, %dma_wait3A_322] : memref<10240x128xbf16, #tpu.memory_space<vmem_shared>> -> memref<128x128xbf16, #tpu.memory_space<vmem_shared>>
      tpu.wait_dma2 semaphore(%run_scoped3A : memref<!tpu.dma_semaphore, #tpu.memory_space<semaphore_mem>>) src(%arg13 : memref<128x128xbf16, #tpu.memory_space<vmem>>) dst(%dma_wait3A_323 : memref<128x128xbf16, #tpu.memory_space<vmem_shared>>)
      tpu.yield
    }) : () -> ()
    %add3A_12 = arith.constant 128 : i32
    %add3A_13 = arith.addi %mul3A_0, %add3A_12 : i32
    "tpu.region"() ({
      %run_scoped3A = tpu.sem_alloc : memref<!tpu.dma_semaphore, #tpu.memory_space<semaphore_mem>>
      %dma_start3A_316 = arith.constant 0 : i32
      %dma_start3A_317 = tpu.memref_slice %arg18[%add3A_13, %dma_start3A_316] : memref<10240x128xbf16, #tpu.memory_space<vmem_shared>> -> memref<128x128xbf16, #tpu.memory_space<vmem_shared>>
      %dma_start3A_318 = arith.constant 0 : i32
      %dma_start3A_319 = tpu.memref_slice %arg18[%add3A_13, %dma_start3A_318] : memref<10240x128xbf16, #tpu.memory_space<vmem_shared>> -> memref<128x128xbf16, #tpu.memory_space<vmem_shared>>
      tpu.enqueue_dma source(%arg13 : memref<128x128xbf16, #tpu.memory_space<vmem>>) target(%dma_start3A_319 : memref<128x128xbf16, #tpu.memory_space<vmem_shared>>) target_semaphore(%run_scoped3A : memref<!tpu.dma_semaphore, #tpu.memory_space<semaphore_mem>>)
      %dma_wait3A_320 = arith.constant 0 : i32
      %dma_wait3A_321 = tpu.memref_slice %arg18[%add3A_13, %dma_wait3A_320] : memref<10240x128xbf16, #tpu.memory_space<vmem_shared>> -> memref<128x128xbf16, #tpu.memory_space<vmem_shared>>
      %dma_wait3A_322 = arith.constant 0 : i32
      %dma_wait3A_323 = tpu.memref_slice %arg18[%add3A_13, %dma_wait3A_322] : memref<10240x128xbf16, #tpu.memory_space<vmem_shared>> -> memref<128x128xbf16, #tpu.memory_space<vmem_shared>>
      tpu.wait_dma2 semaphore(%run_scoped3A : memref<!tpu.dma_semaphore, #tpu.memory_space<semaphore_mem>>) src(%arg13 : memref<128x128xbf16, #tpu.memory_space<vmem>>) dst(%dma_wait3A_323 : memref<128x128xbf16, #tpu.memory_space<vmem_shared>>)
      tpu.yield
    }) : () -> ()
    %add3A_14 = arith.constant 256 : i32
    %add3A_15 = arith.addi %mul3A_0, %add3A_14 : i32
    "tpu.region"() ({
      %run_scoped3A = tpu.sem_alloc : memref<!tpu.dma_semaphore, #tpu.memory_space<semaphore_mem>>
      %dma_start3A_316 = arith.constant 0 : i32
      %dma_start3A_317 = tpu.memref_slice %arg18[%add3A_15, %dma_start3A_316] : memref<10240x128xbf16, #tpu.memory_space<vmem_shared>> -> memref<128x128xbf16, #tpu.memory_space<vmem_shared>>
      %dma_start3A_318 = arith.constant 0 : i32
      %dma_start3A_319 = tpu.memref_slice %arg18[%add3A_15, %dma_start3A_318] : memref<10240x128xbf16, #tpu.memory_space<vmem_shared>> -> memref<128x128xbf16, #tpu.memory_space<vmem_shared>>
      tpu.enqueue_dma source(%arg13 : memref<128x128xbf16, #tpu.memory_space<vmem>>) target(%dma_start3A_319 : memref<128x128xbf16, #tpu.memory_space<vmem_shared>>) target_semaphore(%run_scoped3A : memref<!tpu.dma_semaphore, #tpu.memory_space<semaphore_mem>>)
      %dma_wait3A_320 = arith.constant 0 : i32
      %dma_wait3A_321 = tpu.memref_slice %arg18[%add3A_15, %dma_wait3A_320] : memref<10240x128xbf16, #tpu.memory_space<vmem_shared>> -> memref<128x128xbf16, #tpu.memory_space<vmem_shared>>
      %dma_wait3A_322 = arith.constant 0 : i32
      %dma_wait3A_323 = tpu.memref_slice %arg18[%add3A_15, %dma_wait3A_322] : memref<10240x128xbf16, #tpu.memory_space<vmem_shared>> -> memref<128x128xbf16, #tpu.memory_space<vmem_shared>>
      tpu.wait_dma2 semaphore(%run_scoped3A : memref<!tpu.dma_semaphore, #tpu.memory_space<semaphore_mem>>) src(%arg13 : memref<128x128xbf16, #tpu.memory_space<vmem>>) dst(%dma_wait3A_323 : memref<128x128xbf16, #tpu.memory_space<vmem_shared>>)
      tpu.yield
    }) : () -> ()
    %add3A_16 = arith.constant 384 : i32
    %add3A_17 = arith.addi %mul3A_0, %add3A_16 : i32
    "tpu.region"() ({
      %run_scoped3A = tpu.sem_alloc : memref<!tpu.dma_semaphore, #tpu.memory_space<semaphore_mem>>
      %dma_start3A_316 = arith.constant 0 : i32
      %dma_start3A_317 = tpu.memref_slice %arg18[%add3A_17, %dma_start3A_316] : memref<10240x128xbf16, #tpu.memory_space<vmem_shared>> -> memref<128x128xbf16, #tpu.memory_space<vmem_shared>>
      %dma_start3A_318 = arith.constant 0 : i32
      %dma_start3A_319 = tpu.memref_slice %arg18[%add3A_17, %dma_start3A_318] : memref<10240x128xbf16, #tpu.memory_space<vmem_shared>> -> memref<128x128xbf16, #tpu.memory_space<vmem_shared>>
      tpu.enqueue_dma source(%arg13 : memref<128x128xbf16, #tpu.memory_space<vmem>>) target(%dma_start3A_319 : memref<128x128xbf16, #tpu.memory_space<vmem_shared>>) target_semaphore(%run_scoped3A : memref<!tpu.dma_semaphore, #tpu.memory_space<semaphore_mem>>)
      %dma_wait3A_320 = arith.constant 0 : i32
      %dma_wait3A_321 = tpu.memref_slice %arg18[%add3A_17, %dma_wait3A_320] : memref<10240x128xbf16, #tpu.memory_space<vmem_shared>> -> memref<128x128xbf16, #tpu.memory_space<vmem_shared>>
      %dma_wait3A_322 = arith.constant 0 : i32
      %dma_wait3A_323 = tpu.memref_slice %arg18[%add3A_17, %dma_wait3A_322] : memref<10240x128xbf16, #tpu.memory_space<vmem_shared>> -> memref<128x128xbf16, #tpu.memory_space<vmem_shared>>
      tpu.wait_dma2 semaphore(%run_scoped3A : memref<!tpu.dma_semaphore, #tpu.memory_space<semaphore_mem>>) src(%arg13 : memref<128x128xbf16, #tpu.memory_space<vmem>>) dst(%dma_wait3A_323 : memref<128x128xbf16, #tpu.memory_space<vmem_shared>>)
      tpu.yield
    }) : () -> ()
    %add3A_18 = arith.constant 512 : i32
    %add3A_19 = arith.addi %mul3A_0, %add3A_18 : i32
    "tpu.region"() ({
      %run_scoped3A = tpu.sem_alloc : memref<!tpu.dma_semaphore, #tpu.memory_space<semaphore_mem>>
      %dma_start3A_316 = arith.constant 0 : i32
      %dma_start3A_317 = tpu.memref_slice %arg18[%add3A_19, %dma_start3A_316] : memref<10240x128xbf16, #tpu.memory_space<vmem_shared>> -> memref<128x128xbf16, #tpu.memory_space<vmem_shared>>
      %dma_start3A_318 = arith.constant 0 : i32
      %dma_start3A_319 = tpu.memref_slice %arg18[%add3A_19, %dma_start3A_318] : memref<10240x128xbf16, #tpu.memory_space<vmem_shared>> -> memref<128x128xbf16, #tpu.memory_space<vmem_shared>>
      tpu.enqueue_dma source(%arg13 : memref<128x128xbf16, #tpu.memory_space<vmem>>) target(%dma_start3A_319 : memref<128x128xbf16, #tpu.memory_space<vmem_shared>>) target_semaphore(%run_scoped3A : memref<!tpu.dma_semaphore, #tpu.memory_space<semaphore_mem>>)
      %dma_wait3A_320 = arith.constant 0 : i32
      %dma_wait3A_321 = tpu.memref_slice %arg18[%add3A_19, %dma_wait3A_320] : memref<10240x128xbf16, #tpu.memory_space<vmem_shared>> -> memref<128x128xbf16, #tpu.memory_space<vmem_shared>>
      %dma_wait3A_322 = arith.constant 0 : i32
      %dma_wait3A_323 = tpu.memref_slice %arg18[%add3A_19, %dma_wait3A_322] : memref<10240x128xbf16, #tpu.memory_space<vmem_shared>> -> memref<128x128xbf16, #tpu.memory_space<vmem_shared>>
      tpu.wait_dma2 semaphore(%run_scoped3A : memref<!tpu.dma_semaphore, #tpu.memory_space<semaphore_mem>>) src(%arg13 : memref<128x128xbf16, #tpu.memory_space<vmem>>) dst(%dma_wait3A_323 : memref<128x128xbf16, #tpu.memory_space<vmem_shared>>)
      tpu.yield
    }) : () -> ()
    %mul3A_20 = arith.constant 10000 : i32
    %mul3A_21 = arith.muli %add3A_5, %mul3A_20 : i32
    %scan3A = arith.constant 0 : i32
    %scan3A_22 = arith.constant 0 : i32
    %scan3A_23 = arith.constant 80 : i32
    %scan3A_24 = arith.addi %scan3A_22, %scan3A_23 : i32
    %scan3A_25 = arith.constant 1 : i32
    scf.for %scan3A_316 = %scan3A_22 to %scan3A_24 step %scan3A_25  : i32 {
      %get3A = arith.index_cast %scan3A_316 : i32 to index
      %get3A_317 = arith.constant 0 : index
      %get3A_318 = tpu.vector_load %arg9[%get3A, %get3A_317] {strides = array<i32>} : memref<80x128xi32, #tpu.memory_space<vmem>>, vector<1x16xi32>,
      %get3A_319 = vector.shape_cast %get3A_318 : vector<1x16xi32> to vector<16xi32>
      %add3A_320 = vector.broadcast %mul3A_21 : i32 to vector<16xi32>
      %add3A_321 = arith.addi %get3A_319, %add3A_320 : vector<16xi32>
      %swap3A = arith.index_cast %scan3A_316 : i32 to index
      %swap3A_322 = arith.constant 0 : index
      %swap3A_323 = tpu.vector_load %arg10[%swap3A, %swap3A_322] {strides = array<i32>} : memref<80x128xi32, #tpu.memory_space<vmem>>, vector<1x16xi32>,
      %swap3A_324 = vector.shape_cast %swap3A_323 : vector<1x16xi32> to vector<16xi32>
      %swap3A_325 = vector.shape_cast %add3A_321 : vector<16xi32> to vector<1x16xi32>
      tpu.vector_store %arg10[%swap3A, %swap3A_322], %swap3A_325 {strides = array<i32>} : memref<80x128xi32, #tpu.memory_space<vmem>>, vector<1x16xi32>,
      %get3A_326 = arith.index_cast %scan3A_316 : i32 to index
      %get3A_327 = arith.constant 16 : index
      %get3A_328 = tpu.vector_load %arg9[%get3A_326, %get3A_327] {strides = array<i32>} : memref<80x128xi32, #tpu.memory_space<vmem>>, vector<1x16xi32>,
      %get3A_329 = vector.shape_cast %get3A_328 : vector<1x16xi32> to vector<16xi32>
      %add3A_330 = vector.broadcast %mul3A_21 : i32 to vector<16xi32>
      %add3A_331 = arith.addi %get3A_329, %add3A_330 : vector<16xi32>
      %swap3A_332 = arith.index_cast %scan3A_316 : i32 to index
      %swap3A_333 = arith.constant 16 : index
      %swap3A_334 = tpu.vector_load %arg10[%swap3A_332, %swap3A_333] {strides = array<i32>} : memref<80x128xi32, #tpu.memory_space<vmem>>, vector<1x16xi32>,
      %swap3A_335 = vector.shape_cast %swap3A_334 : vector<1x16xi32> to vector<16xi32>
      %swap3A_336 = vector.shape_cast %add3A_331 : vector<16xi32> to vector<1x16xi32>
      tpu.vector_store %arg10[%swap3A_332, %swap3A_333], %swap3A_336 {strides = array<i32>} : memref<80x128xi32, #tpu.memory_space<vmem>>, vector<1x16xi32>,
      %get3A_337 = arith.index_cast %scan3A_316 : i32 to index
      %get3A_338 = arith.constant 32 : index
      %get3A_339 = tpu.vector_load %arg9[%get3A_337, %get3A_338] {strides = array<i32>} : memref<80x128xi32, #tpu.memory_space<vmem>>, vector<1x16xi32>,
      %get3A_340 = vector.shape_cast %get3A_339 : vector<1x16xi32> to vector<16xi32>
      %add3A_341 = vector.broadcast %mul3A_21 : i32 to vector<16xi32>
      %add3A_342 = arith.addi %get3A_340, %add3A_341 : vector<16xi32>
      %swap3A_343 = arith.index_cast %scan3A_316 : i32 to index
      %swap3A_344 = arith.constant 32 : index
      %swap3A_345 = tpu.vector_load %arg10[%swap3A_343, %swap3A_344] {strides = array<i32>} : memref<80x128xi32, #tpu.memory_space<vmem>>, vector<1x16xi32>,
      %swap3A_346 = vector.shape_cast %swap3A_345 : vector<1x16xi32> to vector<16xi32>
      %swap3A_347 = vector.shape_cast %add3A_342 : vector<16xi32> to vector<1x16xi32>
      tpu.vector_store %arg10[%swap3A_343, %swap3A_344], %swap3A_347 {strides = array<i32>} : memref<80x128xi32, #tpu.memory_space<vmem>>, vector<1x16xi32>,
      %get3A_348 = arith.index_cast %scan3A_316 : i32 to index
      %get3A_349 = arith.constant 48 : index
      %get3A_350 = tpu.vector_load %arg9[%get3A_348, %get3A_349] {strides = array<i32>} : memref<80x128xi32, #tpu.memory_space<vmem>>, vector<1x16xi32>,
      %get3A_351 = vector.shape_cast %get3A_350 : vector<1x16xi32> to vector<16xi32>
      %add3A_352 = vector.broadcast %mul3A_21 : i32 to vector<16xi32>
      %add3A_353 = arith.addi %get3A_351, %add3A_352 : vector<16xi32>
      %swap3A_354 = arith.index_cast %scan3A_316 : i32 to index
      %swap3A_355 = arith.constant 48 : index
      %swap3A_356 = tpu.vector_load %arg10[%swap3A_354, %swap3A_355] {strides = array<i32>} : memref<80x128xi32, #tpu.memory_space<vmem>>, vector<1x16xi32>,
      %swap3A_357 = vector.shape_cast %swap3A_356 : vector<1x16xi32> to vector<16xi32>
      %swap3A_358 = vector.shape_cast %add3A_353 : vector<16xi32> to vector<1x16xi32>
      tpu.vector_store %arg10[%swap3A_354, %swap3A_355], %swap3A_358 {strides = array<i32>} : memref<80x128xi32, #tpu.memory_space<vmem>>, vector<1x16xi32>,
      %get3A_359 = arith.index_cast %scan3A_316 : i32 to index
      %get3A_360 = arith.constant 64 : index
      %get3A_361 = tpu.vector_load %arg9[%get3A_359, %get3A_360] {strides = array<i32>} : memref<80x128xi32, #tpu.memory_space<vmem>>, vector<1x16xi32>,
      %get3A_362 = vector.shape_cast %get3A_361 : vector<1x16xi32> to vector<16xi32>
      %add3A_363 = vector.broadcast %mul3A_21 : i32 to vector<16xi32>
      %add3A_364 = arith.addi %get3A_362, %add3A_363 : vector<16xi32>
      %swap3A_365 = arith.index_cast %scan3A_316 : i32 to index
      %swap3A_366 = arith.constant 64 : index
      %swap3A_367 = tpu.vector_load %arg10[%swap3A_365, %swap3A_366] {strides = array<i32>} : memref<80x128xi32, #tpu.memory_space<vmem>>, vector<1x16xi32>,
      %swap3A_368 = vector.shape_cast %swap3A_367 : vector<1x16xi32> to vector<16xi32>
      %swap3A_369 = vector.shape_cast %add3A_364 : vector<16xi32> to vector<1x16xi32>
      tpu.vector_store %arg10[%swap3A_365, %swap3A_366], %swap3A_369 {strides = array<i32>} : memref<80x128xi32, #tpu.memory_space<vmem>>, vector<1x16xi32>,
      %get3A_370 = arith.index_cast %scan3A_316 : i32 to index
      %get3A_371 = arith.constant 80 : index
      %get3A_372 = tpu.vector_load %arg9[%get3A_370, %get3A_371] {strides = array<i32>} : memref<80x128xi32, #tpu.memory_space<vmem>>, vector<1x16xi32>,
      %get3A_373 = vector.shape_cast %get3A_372 : vector<1x16xi32> to vector<16xi32>
      %add3A_374 = vector.broadcast %mul3A_21 : i32 to vector<16xi32>
      %add3A_375 = arith.addi %get3A_373, %add3A_374 : vector<16xi32>
      %swap3A_376 = arith.index_cast %scan3A_316 : i32 to index
      %swap3A_377 = arith.constant 80 : index
      %swap3A_378 = tpu.vector_load %arg10[%swap3A_376, %swap3A_377] {strides = array<i32>} : memref<80x128xi32, #tpu.memory_space<vmem>>, vector<1x16xi32>,
      %swap3A_379 = vector.shape_cast %swap3A_378 : vector<1x16xi32> to vector<16xi32>
      %swap3A_380 = vector.shape_cast %add3A_375 : vector<16xi32> to vector<1x16xi32>
      tpu.vector_store %arg10[%swap3A_376, %swap3A_377], %swap3A_380 {strides = array<i32>} : memref<80x128xi32, #tpu.memory_space<vmem>>, vector<1x16xi32>,
      %get3A_381 = arith.index_cast %scan3A_316 : i32 to index
      %get3A_382 = arith.constant 96 : index
      %get3A_383 = tpu.vector_load %arg9[%get3A_381, %get3A_382] {strides = array<i32>} : memref<80x128xi32, #tpu.memory_space<vmem>>, vector<1x16xi32>,
      %get3A_384 = vector.shape_cast %get3A_383 : vector<1x16xi32> to vector<16xi32>
      %add3A_385 = vector.broadcast %mul3A_21 : i32 to vector<16xi32>
      %add3A_386 = arith.addi %get3A_384, %add3A_385 : vector<16xi32>
      %swap3A_387 = arith.index_cast %scan3A_316 : i32 to index
      %swap3A_388 = arith.constant 96 : index
      %swap3A_389 = tpu.vector_load %arg10[%swap3A_387, %swap3A_388] {strides = array<i32>} : memref<80x128xi32, #tpu.memory_space<vmem>>, vector<1x16xi32>,
      %swap3A_390 = vector.shape_cast %swap3A_389 : vector<1x16xi32> to vector<16xi32>
      %swap3A_391 = vector.shape_cast %add3A_386 : vector<16xi32> to vector<1x16xi32>
      tpu.vector_store %arg10[%swap3A_387, %swap3A_388], %swap3A_391 {strides = array<i32>} : memref<80x128xi32, #tpu.memory_space<vmem>>, vector<1x16xi32>,
      %get3A_392 = arith.index_cast %scan3A_316 : i32 to index
      %get3A_393 = arith.constant 112 : index
      %get3A_394 = tpu.vector_load %arg9[%get3A_392, %get3A_393] {strides = array<i32>} : memref<80x128xi32, #tpu.memory_space<vmem>>, vector<1x16xi32>,
      %get3A_395 = vector.shape_cast %get3A_394 : vector<1x16xi32> to vector<16xi32>
      %add3A_396 = vector.broadcast %mul3A_21 : i32 to vector<16xi32>
      %add3A_397 = arith.addi %get3A_395, %add3A_396 : vector<16xi32>
      %swap3A_398 = arith.index_cast %scan3A_316 : i32 to index
      %swap3A_399 = arith.constant 112 : index
      %swap3A_400 = tpu.vector_load %arg10[%swap3A_398, %swap3A_399] {strides = array<i32>} : memref<80x128xi32, #tpu.memory_space<vmem>>, vector<1x16xi32>,
      %swap3A_401 = vector.shape_cast %swap3A_400 : vector<1x16xi32> to vector<16xi32>
      %swap3A_402 = vector.shape_cast %add3A_397 : vector<16xi32> to vector<1x16xi32>
      tpu.vector_store %arg10[%swap3A_398, %swap3A_399], %swap3A_402 {strides = array<i32>} : memref<80x128xi32, #tpu.memory_space<vmem>>, vector<1x16xi32>,
    }
    %scan3A_26 = arith.constant 80 : i32
    %barrier3A = arith.constant 0 : index
    tpu.barrier barrier_id(%barrier3A)
    %dma_start3A = arith.constant 0 : i32
    %dma_start3A_27 = arith.constant 0 : i32
    %dma_start3A_28 = arith.constant 0 : i32
    %dma_start3A_29 = arith.constant 0 : i32
    %dma_start3A_30 = tpu.memref_slice %arg12[%dma_start3A_28, %dma_start3A_29] : memref<512x128xbf16, #tpu.memory_space<vmem>> -> memref<128x128xbf16, #tpu.memory_space<vmem>>
    %dma_start3A_31 = arith.constant 0 : i32
    %dma_start3A_32 = tpu.memref_slice %arg10[%dma_start3A, %dma_start3A_31] : memref<80x128xi32, #tpu.memory_space<vmem>> -> memref<1x128xi32, #tpu.memory_space<vmem>>
    %dma_start3A_33 = tpu.memref_squeeze %dma_start3A_32 : memref<1x128xi32, #tpu.memory_space<vmem>> -> memref<128xi32, #tpu.memory_space<vmem>>
    %dma_start3A_34 = arith.constant 0 : i32
    %dma_start3A_35 = arith.constant 0 : i32
    %dma_start3A_36 = tpu.memref_slice %arg2[%dma_start3A_34, %dma_start3A_35] : memref<80000x128xbf16, #tpu.memory_space<hbm>> -> memref<80000x128xbf16, #tpu.memory_space<hbm>>
    %dma_start3A_37 = tpu.memref_slice %arg16[%dma_start3A_27] : memref<4x!tpu.dma_semaphore, #tpu.memory_space<semaphore_mem>> -> memref<1x!tpu.dma_semaphore, #tpu.memory_space<semaphore_mem>>
    %dma_start3A_38 = tpu.memref_squeeze %dma_start3A_37 : memref<1x!tpu.dma_semaphore, #tpu.memory_space<semaphore_mem>> -> memref<!tpu.dma_semaphore, #tpu.memory_space<semaphore_mem>>
    tpu.enqueue_indirect_dma source(%dma_start3A_36 : memref<80000x128xbf16, #tpu.memory_space<hbm>>) target(%dma_start3A_30 : memref<128x128xbf16, #tpu.memory_space<vmem>>) offsets(%dma_start3A_33 : memref<128xi32, #tpu.memory_space<vmem>>) semaphore(%dma_start3A_38 : memref<!tpu.dma_semaphore, #tpu.memory_space<semaphore_mem>>)
    %dma_start3A_39 = arith.constant 1 : i32
    %dma_start3A_40 = arith.constant 1 : i32
    %dma_start3A_41 = arith.constant 128 : i32
    %dma_start3A_42 = arith.constant 0 : i32
    %dma_start3A_43 = tpu.memref_slice %arg12[%dma_start3A_41, %dma_start3A_42] : memref<512x128xbf16, #tpu.memory_space<vmem>> -> memref<128x128xbf16, #tpu.memory_space<vmem>>
    %dma_start3A_44 = arith.constant 0 : i32
    %dma_start3A_45 = tpu.memref_slice %arg10[%dma_start3A_39, %dma_start3A_44] : memref<80x128xi32, #tpu.memory_space<vmem>> -> memref<1x128xi32, #tpu.memory_space<vmem>>
    %dma_start3A_46 = tpu.memref_squeeze %dma_start3A_45 : memref<1x128xi32, #tpu.memory_space<vmem>> -> memref<128xi32, #tpu.memory_space<vmem>>
    %dma_start3A_47 = arith.constant 0 : i32
    %dma_start3A_48 = arith.constant 0 : i32
    %dma_start3A_49 = tpu.memref_slice %arg2[%dma_start3A_47, %dma_start3A_48] : memref<80000x128xbf16, #tpu.memory_space<hbm>> -> memref<80000x128xbf16, #tpu.memory_space<hbm>>
    %dma_start3A_50 = tpu.memref_slice %arg16[%dma_start3A_40] : memref<4x!tpu.dma_semaphore, #tpu.memory_space<semaphore_mem>> -> memref<1x!tpu.dma_semaphore, #tpu.memory_space<semaphore_mem>>
    %dma_start3A_51 = tpu.memref_squeeze %dma_start3A_50 : memref<1x!tpu.dma_semaphore, #tpu.memory_space<semaphore_mem>> -> memref<!tpu.dma_semaphore, #tpu.memory_space<semaphore_mem>>
    tpu.enqueue_indirect_dma source(%dma_start3A_49 : memref<80000x128xbf16, #tpu.memory_space<hbm>>) target(%dma_start3A_43 : memref<128x128xbf16, #tpu.memory_space<vmem>>) offsets(%dma_start3A_46 : memref<128xi32, #tpu.memory_space<vmem>>) semaphore(%dma_start3A_51 : memref<!tpu.dma_semaphore, #tpu.memory_space<semaphore_mem>>)
    %dma_start3A_52 = arith.constant 2 : i32
    %dma_start3A_53 = arith.constant 2 : i32
    %dma_start3A_54 = arith.constant 256 : i32
    %dma_start3A_55 = arith.constant 0 : i32
    %dma_start3A_56 = tpu.memref_slice %arg12[%dma_start3A_54, %dma_start3A_55] : memref<512x128xbf16, #tpu.memory_space<vmem>> -> memref<128x128xbf16, #tpu.memory_space<vmem>>
    %dma_start3A_57 = arith.constant 0 : i32
    %dma_start3A_58 = tpu.memref_slice %arg10[%dma_start3A_52, %dma_start3A_57] : memref<80x128xi32, #tpu.memory_space<vmem>> -> memref<1x128xi32, #tpu.memory_space<vmem>>
    %dma_start3A_59 = tpu.memref_squeeze %dma_start3A_58 : memref<1x128xi32, #tpu.memory_space<vmem>> -> memref<128xi32, #tpu.memory_space<vmem>>
    %dma_start3A_60 = arith.constant 0 : i32
    %dma_start3A_61 = arith.constant 0 : i32
    %dma_start3A_62 = tpu.memref_slice %arg2[%dma_start3A_60, %dma_start3A_61] : memref<80000x128xbf16, #tpu.memory_space<hbm>> -> memref<80000x128xbf16, #tpu.memory_space<hbm>>
    %dma_start3A_63 = tpu.memref_slice %arg16[%dma_start3A_53] : memref<4x!tpu.dma_semaphore, #tpu.memory_space<semaphore_mem>> -> memref<1x!tpu.dma_semaphore, #tpu.memory_space<semaphore_mem>>
    %dma_start3A_64 = tpu.memref_squeeze %dma_start3A_63 : memref<1x!tpu.dma_semaphore, #tpu.memory_space<semaphore_mem>> -> memref<!tpu.dma_semaphore, #tpu.memory_space<semaphore_mem>>
    tpu.enqueue_indirect_dma source(%dma_start3A_62 : memref<80000x128xbf16, #tpu.memory_space<hbm>>) target(%dma_start3A_56 : memref<128x128xbf16, #tpu.memory_space<vmem>>) offsets(%dma_start3A_59 : memref<128xi32, #tpu.memory_space<vmem>>) semaphore(%dma_start3A_64 : memref<!tpu.dma_semaphore, #tpu.memory_space<semaphore_mem>>)
    %dma_start3A_65 = arith.constant 3 : i32
    %dma_start3A_66 = arith.constant 3 : i32
    %dma_start3A_67 = arith.constant 384 : i32
    %dma_start3A_68 = arith.constant 0 : i32
    %dma_start3A_69 = tpu.memref_slice %arg12[%dma_start3A_67, %dma_start3A_68] : memref<512x128xbf16, #tpu.memory_space<vmem>> -> memref<128x128xbf16, #tpu.memory_space<vmem>>
    %dma_start3A_70 = arith.constant 0 : i32
    %dma_start3A_71 = tpu.memref_slice %arg10[%dma_start3A_65, %dma_start3A_70] : memref<80x128xi32, #tpu.memory_space<vmem>> -> memref<1x128xi32, #tpu.memory_space<vmem>>
    %dma_start3A_72 = tpu.memref_squeeze %dma_start3A_71 : memref<1x128xi32, #tpu.memory_space<vmem>> -> memref<128xi32, #tpu.memory_space<vmem>>
    %dma_start3A_73 = arith.constant 0 : i32
    %dma_start3A_74 = arith.constant 0 : i32
    %dma_start3A_75 = tpu.memref_slice %arg2[%dma_start3A_73, %dma_start3A_74] : memref<80000x128xbf16, #tpu.memory_space<hbm>> -> memref<80000x128xbf16, #tpu.memory_space<hbm>>
    %dma_start3A_76 = tpu.memref_slice %arg16[%dma_start3A_66] : memref<4x!tpu.dma_semaphore, #tpu.memory_space<semaphore_mem>> -> memref<1x!tpu.dma_semaphore, #tpu.memory_space<semaphore_mem>>
    %dma_start3A_77 = tpu.memref_squeeze %dma_start3A_76 : memref<1x!tpu.dma_semaphore, #tpu.memory_space<semaphore_mem>> -> memref<!tpu.dma_semaphore, #tpu.memory_space<semaphore_mem>>
    tpu.enqueue_indirect_dma source(%dma_start3A_75 : memref<80000x128xbf16, #tpu.memory_space<hbm>>) target(%dma_start3A_69 : memref<128x128xbf16, #tpu.memory_space<vmem>>) offsets(%dma_start3A_72 : memref<128xi32, #tpu.memory_space<vmem>>) semaphore(%dma_start3A_77 : memref<!tpu.dma_semaphore, #tpu.memory_space<semaphore_mem>>)
    %scan3A_78 = arith.constant 0 : i32
    %scan3A_79 = arith.constant 0 : i32
    %scan3A_80 = arith.constant 0 : i32
    %scan3A_81 = arith.constant 1 : i32
    %scan3A_82 = arith.constant 1 : i32
    %scan3A_83 = arith.constant 2 : i32
    %scan3A_84 = arith.constant 2 : i32
    %scan3A_85 = arith.constant 3 : i32
    %scan3A_86 = arith.constant 3 : i32
    %scan3A_87 = arith.constant 0 : i32
    %scan3A_88 = arith.constant 20 : i32
    %scan3A_89 = arith.addi %scan3A_87, %scan3A_88 : i32
    %scan3A_90 = arith.constant 1 : i32
    scf.for %scan3A_316 = %scan3A_87 to %scan3A_89 step %scan3A_90  : i32 {
      %mul3A_317 = arith.constant 4 : i32
      %mul3A_318 = arith.muli %scan3A_316, %mul3A_317 : i32
      %add3A_319 = arith.constant 0 : i32
      %add3A_320 = arith.addi %mul3A_318, %add3A_319 : i32
      %dma_wait3A_321 = arith.constant 0 : i32
      %dma_wait3A_322 = arith.constant 0 : i32
      %dma_wait3A_323 = tpu.memref_slice %arg12[%dma_wait3A_321, %dma_wait3A_322] : memref<512x128xbf16, #tpu.memory_space<vmem>> -> memref<128x128xbf16, #tpu.memory_space<vmem>>
      %dma_wait3A_324 = arith.constant 0 : i32
      %dma_wait3A_325 = tpu.memref_slice %arg10[%add3A_320, %dma_wait3A_324] : memref<80x128xi32, #tpu.memory_space<vmem>> -> memref<1x128xi32, #tpu.memory_space<vmem>>
      %dma_wait3A_326 = tpu.memref_squeeze %dma_wait3A_325 : memref<1x128xi32, #tpu.memory_space<vmem>> -> memref<128xi32, #tpu.memory_space<vmem>>
      %dma_wait3A_327 = arith.constant 0 : i32
      %dma_wait3A_328 = arith.constant 0 : i32
      %dma_wait3A_329 = tpu.memref_slice %arg2[%dma_wait3A_327, %dma_wait3A_328] : memref<80000x128xbf16, #tpu.memory_space<hbm>> -> memref<80000x128xbf16, #tpu.memory_space<hbm>>
      %dma_wait3A_330 = tpu.memref_slice %arg16[%scan3A_79] : memref<4x!tpu.dma_semaphore, #tpu.memory_space<semaphore_mem>> -> memref<1x!tpu.dma_semaphore, #tpu.memory_space<semaphore_mem>>
      %dma_wait3A_331 = tpu.memref_squeeze %dma_wait3A_330 : memref<1x!tpu.dma_semaphore, #tpu.memory_space<semaphore_mem>> -> memref<!tpu.dma_semaphore, #tpu.memory_space<semaphore_mem>>
      tpu.wait_indirect_dma semaphore(%dma_wait3A_331 : memref<!tpu.dma_semaphore, #tpu.memory_space<semaphore_mem>>) src(%dma_wait3A_329 : memref<80000x128xbf16, #tpu.memory_space<hbm>>) dst(%dma_wait3A_323 : memref<128x128xbf16, #tpu.memory_space<vmem>>)
      %add3A_332 = arith.constant 0 : i32
      %add3A_333 = arith.addi %mul3A_318, %add3A_332 : i32
      %dma_start3A_334 = arith.constant 0 : i32
      %dma_start3A_335 = arith.constant 0 : i32
      %dma_start3A_336 = tpu.memref_slice %arg12[%dma_start3A_334, %dma_start3A_335] : memref<512x128xbf16, #tpu.memory_space<vmem>> -> memref<128x128xbf16, #tpu.memory_space<vmem>>
      %dma_start3A_337 = arith.constant 0 : i32
      %dma_start3A_338 = tpu.memref_slice %arg11[%add3A_333, %dma_start3A_337] : memref<80x128xi32, #tpu.memory_space<vmem>> -> memref<1x128xi32, #tpu.memory_space<vmem>>
      %dma_start3A_339 = tpu.memref_squeeze %dma_start3A_338 : memref<1x128xi32, #tpu.memory_space<vmem>> -> memref<128xi32, #tpu.memory_space<vmem>>
      %dma_start3A_340 = arith.constant 0 : i32
      %dma_start3A_341 = arith.constant 0 : i32
      %dma_start3A_342 = tpu.memref_slice %arg18[%dma_start3A_340, %dma_start3A_341] : memref<10240x128xbf16, #tpu.memory_space<vmem_shared>> -> memref<10240x128xbf16, #tpu.memory_space<vmem_shared>>
      %dma_start3A_343 = tpu.memref_slice %arg17[%scan3A_80] : memref<4x!tpu.dma_semaphore, #tpu.memory_space<semaphore_mem>> -> memref<1x!tpu.dma_semaphore, #tpu.memory_space<semaphore_mem>>
      %dma_start3A_344 = tpu.memref_squeeze %dma_start3A_343 : memref<1x!tpu.dma_semaphore, #tpu.memory_space<semaphore_mem>> -> memref<!tpu.dma_semaphore, #tpu.memory_space<semaphore_mem>>
      tpu.enqueue_indirect_dma source(%dma_start3A_336 : memref<128x128xbf16, #tpu.memory_space<vmem>>) target(%dma_start3A_342 : memref<10240x128xbf16, #tpu.memory_space<vmem_shared>>) offsets(%dma_start3A_339 : memref<128xi32, #tpu.memory_space<vmem>>) semaphore(%dma_start3A_344 : memref<!tpu.dma_semaphore, #tpu.memory_space<semaphore_mem>>) {add = true}
      %add3A_345 = arith.constant 1 : i32
      %add3A_346 = arith.addi %mul3A_318, %add3A_345 : i32
      %dma_wait3A_347 = arith.constant 128 : i32
      %dma_wait3A_348 = arith.constant 0 : i32
      %dma_wait3A_349 = tpu.memref_slice %arg12[%dma_wait3A_347, %dma_wait3A_348] : memref<512x128xbf16, #tpu.memory_space<vmem>> -> memref<128x128xbf16, #tpu.memory_space<vmem>>
      %dma_wait3A_350 = arith.constant 0 : i32
      %dma_wait3A_351 = tpu.memref_slice %arg10[%add3A_346, %dma_wait3A_350] : memref<80x128xi32, #tpu.memory_space<vmem>> -> memref<1x128xi32, #tpu.memory_space<vmem>>
      %dma_wait3A_352 = tpu.memref_squeeze %dma_wait3A_351 : memref<1x128xi32, #tpu.memory_space<vmem>> -> memref<128xi32, #tpu.memory_space<vmem>>
      %dma_wait3A_353 = arith.constant 0 : i32
      %dma_wait3A_354 = arith.constant 0 : i32
      %dma_wait3A_355 = tpu.memref_slice %arg2[%dma_wait3A_353, %dma_wait3A_354] : memref<80000x128xbf16, #tpu.memory_space<hbm>> -> memref<80000x128xbf16, #tpu.memory_space<hbm>>
      %dma_wait3A_356 = tpu.memref_slice %arg16[%scan3A_81] : memref<4x!tpu.dma_semaphore, #tpu.memory_space<semaphore_mem>> -> memref<1x!tpu.dma_semaphore, #tpu.memory_space<semaphore_mem>>
      %dma_wait3A_357 = tpu.memref_squeeze %dma_wait3A_356 : memref<1x!tpu.dma_semaphore, #tpu.memory_space<semaphore_mem>> -> memref<!tpu.dma_semaphore, #tpu.memory_space<semaphore_mem>>
      tpu.wait_indirect_dma semaphore(%dma_wait3A_357 : memref<!tpu.dma_semaphore, #tpu.memory_space<semaphore_mem>>) src(%dma_wait3A_355 : memref<80000x128xbf16, #tpu.memory_space<hbm>>) dst(%dma_wait3A_349 : memref<128x128xbf16, #tpu.memory_space<vmem>>)
      %add3A_358 = arith.constant 1 : i32
      %add3A_359 = arith.addi %mul3A_318, %add3A_358 : i32
      %dma_start3A_360 = arith.constant 128 : i32
      %dma_start3A_361 = arith.constant 0 : i32
      %dma_start3A_362 = tpu.memref_slice %arg12[%dma_start3A_360, %dma_start3A_361] : memref<512x128xbf16, #tpu.memory_space<vmem>> -> memref<128x128xbf16, #tpu.memory_space<vmem>>
      %dma_start3A_363 = arith.constant 0 : i32
      %dma_start3A_364 = tpu.memref_slice %arg11[%add3A_359, %dma_start3A_363] : memref<80x128xi32, #tpu.memory_space<vmem>> -> memref<1x128xi32, #tpu.memory_space<vmem>>
      %dma_start3A_365 = tpu.memref_squeeze %dma_start3A_364 : memref<1x128xi32, #tpu.memory_space<vmem>> -> memref<128xi32, #tpu.memory_space<vmem>>
      %dma_start3A_366 = arith.constant 0 : i32
      %dma_start3A_367 = arith.constant 0 : i32
      %dma_start3A_368 = tpu.memref_slice %arg18[%dma_start3A_366, %dma_start3A_367] : memref<10240x128xbf16, #tpu.memory_space<vmem_shared>> -> memref<10240x128xbf16, #tpu.memory_space<vmem_shared>>
      %dma_start3A_369 = tpu.memref_slice %arg17[%scan3A_82] : memref<4x!tpu.dma_semaphore, #tpu.memory_space<semaphore_mem>> -> memref<1x!tpu.dma_semaphore, #tpu.memory_space<semaphore_mem>>
      %dma_start3A_370 = tpu.memref_squeeze %dma_start3A_369 : memref<1x!tpu.dma_semaphore, #tpu.memory_space<semaphore_mem>> -> memref<!tpu.dma_semaphore, #tpu.memory_space<semaphore_mem>>
      tpu.enqueue_indirect_dma source(%dma_start3A_362 : memref<128x128xbf16, #tpu.memory_space<vmem>>) target(%dma_start3A_368 : memref<10240x128xbf16, #tpu.memory_space<vmem_shared>>) offsets(%dma_start3A_365 : memref<128xi32, #tpu.memory_space<vmem>>) semaphore(%dma_start3A_370 : memref<!tpu.dma_semaphore, #tpu.memory_space<semaphore_mem>>) {add = true}
      %add3A_371 = arith.constant 2 : i32
      %add3A_372 = arith.addi %mul3A_318, %add3A_371 : i32
      %dma_wait3A_373 = arith.constant 256 : i32
      %dma_wait3A_374 = arith.constant 0 : i32
      %dma_wait3A_375 = tpu.memref_slice %arg12[%dma_wait3A_373, %dma_wait3A_374] : memref<512x128xbf16, #tpu.memory_space<vmem>> -> memref<128x128xbf16, #tpu.memory_space<vmem>>
      %dma_wait3A_376 = arith.constant 0 : i32
      %dma_wait3A_377 = tpu.memref_slice %arg10[%add3A_372, %dma_wait3A_376] : memref<80x128xi32, #tpu.memory_space<vmem>> -> memref<1x128xi32, #tpu.memory_space<vmem>>
      %dma_wait3A_378 = tpu.memref_squeeze %dma_wait3A_377 : memref<1x128xi32, #tpu.memory_space<vmem>> -> memref<128xi32, #tpu.memory_space<vmem>>
      %dma_wait3A_379 = arith.constant 0 : i32
      %dma_wait3A_380 = arith.constant 0 : i32
      %dma_wait3A_381 = tpu.memref_slice %arg2[%dma_wait3A_379, %dma_wait3A_380] : memref<80000x128xbf16, #tpu.memory_space<hbm>> -> memref<80000x128xbf16, #tpu.memory_space<hbm>>
      %dma_wait3A_382 = tpu.memref_slice %arg16[%scan3A_83] : memref<4x!tpu.dma_semaphore, #tpu.memory_space<semaphore_mem>> -> memref<1x!tpu.dma_semaphore, #tpu.memory_space<semaphore_mem>>
      %dma_wait3A_383 = tpu.memref_squeeze %dma_wait3A_382 : memref<1x!tpu.dma_semaphore, #tpu.memory_space<semaphore_mem>> -> memref<!tpu.dma_semaphore, #tpu.memory_space<semaphore_mem>>
      tpu.wait_indirect_dma semaphore(%dma_wait3A_383 : memref<!tpu.dma_semaphore, #tpu.memory_space<semaphore_mem>>) src(%dma_wait3A_381 : memref<80000x128xbf16, #tpu.memory_space<hbm>>) dst(%dma_wait3A_375 : memref<128x128xbf16, #tpu.memory_space<vmem>>)
      %add3A_384 = arith.constant 2 : i32
      %add3A_385 = arith.addi %mul3A_318, %add3A_384 : i32
      %dma_start3A_386 = arith.constant 256 : i32
      %dma_start3A_387 = arith.constant 0 : i32
      %dma_start3A_388 = tpu.memref_slice %arg12[%dma_start3A_386, %dma_start3A_387] : memref<512x128xbf16, #tpu.memory_space<vmem>> -> memref<128x128xbf16, #tpu.memory_space<vmem>>
      %dma_start3A_389 = arith.constant 0 : i32
      %dma_start3A_390 = tpu.memref_slice %arg11[%add3A_385, %dma_start3A_389] : memref<80x128xi32, #tpu.memory_space<vmem>> -> memref<1x128xi32, #tpu.memory_space<vmem>>
      %dma_start3A_391 = tpu.memref_squeeze %dma_start3A_390 : memref<1x128xi32, #tpu.memory_space<vmem>> -> memref<128xi32, #tpu.memory_space<vmem>>
      %dma_start3A_392 = arith.constant 0 : i32
      %dma_start3A_393 = arith.constant 0 : i32
      %dma_start3A_394 = tpu.memref_slice %arg18[%dma_start3A_392, %dma_start3A_393] : memref<10240x128xbf16, #tpu.memory_space<vmem_shared>> -> memref<10240x128xbf16, #tpu.memory_space<vmem_shared>>
      %dma_start3A_395 = tpu.memref_slice %arg17[%scan3A_84] : memref<4x!tpu.dma_semaphore, #tpu.memory_space<semaphore_mem>> -> memref<1x!tpu.dma_semaphore, #tpu.memory_space<semaphore_mem>>
      %dma_start3A_396 = tpu.memref_squeeze %dma_start3A_395 : memref<1x!tpu.dma_semaphore, #tpu.memory_space<semaphore_mem>> -> memref<!tpu.dma_semaphore, #tpu.memory_space<semaphore_mem>>
      tpu.enqueue_indirect_dma source(%dma_start3A_388 : memref<128x128xbf16, #tpu.memory_space<vmem>>) target(%dma_start3A_394 : memref<10240x128xbf16, #tpu.memory_space<vmem_shared>>) offsets(%dma_start3A_391 : memref<128xi32, #tpu.memory_space<vmem>>) semaphore(%dma_start3A_396 : memref<!tpu.dma_semaphore, #tpu.memory_space<semaphore_mem>>) {add = true}
      %add3A_397 = arith.constant 3 : i32
      %add3A_398 = arith.addi %mul3A_318, %add3A_397 : i32
      %dma_wait3A_399 = arith.constant 384 : i32
      %dma_wait3A_400 = arith.constant 0 : i32
      %dma_wait3A_401 = tpu.memref_slice %arg12[%dma_wait3A_399, %dma_wait3A_400] : memref<512x128xbf16, #tpu.memory_space<vmem>> -> memref<128x128xbf16, #tpu.memory_space<vmem>>
      %dma_wait3A_402 = arith.constant 0 : i32
      %dma_wait3A_403 = tpu.memref_slice %arg10[%add3A_398, %dma_wait3A_402] : memref<80x128xi32, #tpu.memory_space<vmem>> -> memref<1x128xi32, #tpu.memory_space<vmem>>
      %dma_wait3A_404 = tpu.memref_squeeze %dma_wait3A_403 : memref<1x128xi32, #tpu.memory_space<vmem>> -> memref<128xi32, #tpu.memory_space<vmem>>
      %dma_wait3A_405 = arith.constant 0 : i32
      %dma_wait3A_406 = arith.constant 0 : i32
      %dma_wait3A_407 = tpu.memref_slice %arg2[%dma_wait3A_405, %dma_wait3A_406] : memref<80000x128xbf16, #tpu.memory_space<hbm>> -> memref<80000x128xbf16, #tpu.memory_space<hbm>>
      %dma_wait3A_408 = tpu.memref_slice %arg16[%scan3A_85] : memref<4x!tpu.dma_semaphore, #tpu.memory_space<semaphore_mem>> -> memref<1x!tpu.dma_semaphore, #tpu.memory_space<semaphore_mem>>
      %dma_wait3A_409 = tpu.memref_squeeze %dma_wait3A_408 : memref<1x!tpu.dma_semaphore, #tpu.memory_space<semaphore_mem>> -> memref<!tpu.dma_semaphore, #tpu.memory_space<semaphore_mem>>
      tpu.wait_indirect_dma semaphore(%dma_wait3A_409 : memref<!tpu.dma_semaphore, #tpu.memory_space<semaphore_mem>>) src(%dma_wait3A_407 : memref<80000x128xbf16, #tpu.memory_space<hbm>>) dst(%dma_wait3A_401 : memref<128x128xbf16, #tpu.memory_space<vmem>>)
      %add3A_410 = arith.constant 3 : i32
      %add3A_411 = arith.addi %mul3A_318, %add3A_410 : i32
      %dma_start3A_412 = arith.constant 384 : i32
      %dma_start3A_413 = arith.constant 0 : i32
      %dma_start3A_414 = tpu.memref_slice %arg12[%dma_start3A_412, %dma_start3A_413] : memref<512x128xbf16, #tpu.memory_space<vmem>> -> memref<128x128xbf16, #tpu.memory_space<vmem>>
      %dma_start3A_415 = arith.constant 0 : i32
      %dma_start3A_416 = tpu.memref_slice %arg11[%add3A_411, %dma_start3A_415] : memref<80x128xi32, #tpu.memory_space<vmem>> -> memref<1x128xi32, #tpu.memory_space<vmem>>
      %dma_start3A_417 = tpu.memref_squeeze %dma_start3A_416 : memref<1x128xi32, #tpu.memory_space<vmem>> -> memref<128xi32, #tpu.memory_space<vmem>>
      %dma_start3A_418 = arith.constant 0 : i32
      %dma_start3A_419 = arith.constant 0 : i32
      %dma_start3A_420 = tpu.memref_slice %arg18[%dma_start3A_418, %dma_start3A_419] : memref<10240x128xbf16, #tpu.memory_space<vmem_shared>> -> memref<10240x128xbf16, #tpu.memory_space<vmem_shared>>
      %dma_start3A_421 = tpu.memref_slice %arg17[%scan3A_86] : memref<4x!tpu.dma_semaphore, #tpu.memory_space<semaphore_mem>> -> memref<1x!tpu.dma_semaphore, #tpu.memory_space<semaphore_mem>>
      %dma_start3A_422 = tpu.memref_squeeze %dma_start3A_421 : memref<1x!tpu.dma_semaphore, #tpu.memory_space<semaphore_mem>> -> memref<!tpu.dma_semaphore, #tpu.memory_space<semaphore_mem>>
      tpu.enqueue_indirect_dma source(%dma_start3A_414 : memref<128x128xbf16, #tpu.memory_space<vmem>>) target(%dma_start3A_420 : memref<10240x128xbf16, #tpu.memory_space<vmem_shared>>) offsets(%dma_start3A_417 : memref<128xi32, #tpu.memory_space<vmem>>) semaphore(%dma_start3A_422 : memref<!tpu.dma_semaphore, #tpu.memory_space<semaphore_mem>>) {add = true}
      %lt3A_423 = arith.constant 19 : i32
      %lt3A_424 = arith.cmpi slt, %scan3A_316, %lt3A_423 : i32
      %convert_element_type3A_425 = arith.extui %lt3A_424 : i1 to i32
      %cond3A_426 = arith.constant 0 : i32
      %cond3A_427 = arith.cmpi ne, %convert_element_type3A_425, %cond3A_426 : i32
      scf.if %cond3A_427 {
        %add3A_428 = arith.constant 0 : i32
        %add3A_429 = arith.addi %mul3A_318, %add3A_428 : i32
        %dma_wait3A_430 = arith.constant 0 : i32
        %dma_wait3A_431 = arith.constant 0 : i32
        %dma_wait3A_432 = tpu.memref_slice %arg12[%dma_wait3A_430, %dma_wait3A_431] : memref<512x128xbf16, #tpu.memory_space<vmem>> -> memref<128x128xbf16, #tpu.memory_space<vmem>>
        %dma_wait3A_433 = arith.constant 0 : i32
        %dma_wait3A_434 = tpu.memref_slice %arg11[%add3A_429, %dma_wait3A_433] : memref<80x128xi32, #tpu.memory_space<vmem>> -> memref<1x128xi32, #tpu.memory_space<vmem>>
        %dma_wait3A_435 = tpu.memref_squeeze %dma_wait3A_434 : memref<1x128xi32, #tpu.memory_space<vmem>> -> memref<128xi32, #tpu.memory_space<vmem>>
        %dma_wait3A_436 = arith.constant 0 : i32
        %dma_wait3A_437 = arith.constant 0 : i32
        %dma_wait3A_438 = tpu.memref_slice %arg18[%dma_wait3A_436, %dma_wait3A_437] : memref<10240x128xbf16, #tpu.memory_space<vmem_shared>> -> memref<10240x128xbf16, #tpu.memory_space<vmem_shared>>
        %dma_wait3A_439 = tpu.memref_slice %arg17[%scan3A_80] : memref<4x!tpu.dma_semaphore, #tpu.memory_space<semaphore_mem>> -> memref<1x!tpu.dma_semaphore, #tpu.memory_space<semaphore_mem>>
        %dma_wait3A_440 = tpu.memref_squeeze %dma_wait3A_439 : memref<1x!tpu.dma_semaphore, #tpu.memory_space<semaphore_mem>> -> memref<!tpu.dma_semaphore, #tpu.memory_space<semaphore_mem>>
        tpu.wait_indirect_dma semaphore(%dma_wait3A_440 : memref<!tpu.dma_semaphore, #tpu.memory_space<semaphore_mem>>) src(%dma_wait3A_432 : memref<128x128xbf16, #tpu.memory_space<vmem>>) dst(%dma_wait3A_438 : memref<10240x128xbf16, #tpu.memory_space<vmem_shared>>)
        %add3A_441 = arith.constant 4 : i32
        %add3A_442 = arith.addi %mul3A_318, %add3A_441 : i32
        %add3A_443 = arith.constant 0 : i32
        %add3A_444 = arith.addi %add3A_442, %add3A_443 : i32
        %dma_start3A_445 = arith.constant 0 : i32
        %dma_start3A_446 = arith.constant 0 : i32
        %dma_start3A_447 = tpu.memref_slice %arg12[%dma_start3A_445, %dma_start3A_446] : memref<512x128xbf16, #tpu.memory_space<vmem>> -> memref<128x128xbf16, #tpu.memory_space<vmem>>
        %dma_start3A_448 = arith.constant 0 : i32
        %dma_start3A_449 = tpu.memref_slice %arg10[%add3A_444, %dma_start3A_448] : memref<80x128xi32, #tpu.memory_space<vmem>> -> memref<1x128xi32, #tpu.memory_space<vmem>>
        %dma_start3A_450 = tpu.memref_squeeze %dma_start3A_449 : memref<1x128xi32, #tpu.memory_space<vmem>> -> memref<128xi32, #tpu.memory_space<vmem>>
        %dma_start3A_451 = arith.constant 0 : i32
        %dma_start3A_452 = arith.constant 0 : i32
        %dma_start3A_453 = tpu.memref_slice %arg2[%dma_start3A_451, %dma_start3A_452] : memref<80000x128xbf16, #tpu.memory_space<hbm>> -> memref<80000x128xbf16, #tpu.memory_space<hbm>>
        %dma_start3A_454 = tpu.memref_slice %arg16[%scan3A_79] : memref<4x!tpu.dma_semaphore, #tpu.memory_space<semaphore_mem>> -> memref<1x!tpu.dma_semaphore, #tpu.memory_space<semaphore_mem>>
        %dma_start3A_455 = tpu.memref_squeeze %dma_start3A_454 : memref<1x!tpu.dma_semaphore, #tpu.memory_space<semaphore_mem>> -> memref<!tpu.dma_semaphore, #tpu.memory_space<semaphore_mem>>
        tpu.enqueue_indirect_dma source(%dma_start3A_453 : memref<80000x128xbf16, #tpu.memory_space<hbm>>) target(%dma_start3A_447 : memref<128x128xbf16, #tpu.memory_space<vmem>>) offsets(%dma_start3A_450 : memref<128xi32, #tpu.memory_space<vmem>>) semaphore(%dma_start3A_455 : memref<!tpu.dma_semaphore, #tpu.memory_space<semaphore_mem>>)
        %add3A_456 = arith.constant 1 : i32
        %add3A_457 = arith.addi %mul3A_318, %add3A_456 : i32
        %dma_wait3A_458 = arith.constant 128 : i32
        %dma_wait3A_459 = arith.constant 0 : i32
        %dma_wait3A_460 = tpu.memref_slice %arg12[%dma_wait3A_458, %dma_wait3A_459] : memref<512x128xbf16, #tpu.memory_space<vmem>> -> memref<128x128xbf16, #tpu.memory_space<vmem>>
        %dma_wait3A_461 = arith.constant 0 : i32
        %dma_wait3A_462 = tpu.memref_slice %arg11[%add3A_457, %dma_wait3A_461] : memref<80x128xi32, #tpu.memory_space<vmem>> -> memref<1x128xi32, #tpu.memory_space<vmem>>
        %dma_wait3A_463 = tpu.memref_squeeze %dma_wait3A_462 : memref<1x128xi32, #tpu.memory_space<vmem>> -> memref<128xi32, #tpu.memory_space<vmem>>
        %dma_wait3A_464 = arith.constant 0 : i32
        %dma_wait3A_465 = arith.constant 0 : i32
        %dma_wait3A_466 = tpu.memref_slice %arg18[%dma_wait3A_464, %dma_wait3A_465] : memref<10240x128xbf16, #tpu.memory_space<vmem_shared>> -> memref<10240x128xbf16, #tpu.memory_space<vmem_shared>>
        %dma_wait3A_467 = tpu.memref_slice %arg17[%scan3A_82] : memref<4x!tpu.dma_semaphore, #tpu.memory_space<semaphore_mem>> -> memref<1x!tpu.dma_semaphore, #tpu.memory_space<semaphore_mem>>
        %dma_wait3A_468 = tpu.memref_squeeze %dma_wait3A_467 : memref<1x!tpu.dma_semaphore, #tpu.memory_space<semaphore_mem>> -> memref<!tpu.dma_semaphore, #tpu.memory_space<semaphore_mem>>
        tpu.wait_indirect_dma semaphore(%dma_wait3A_468 : memref<!tpu.dma_semaphore, #tpu.memory_space<semaphore_mem>>) src(%dma_wait3A_460 : memref<128x128xbf16, #tpu.memory_space<vmem>>) dst(%dma_wait3A_466 : memref<10240x128xbf16, #tpu.memory_space<vmem_shared>>)
        %add3A_469 = arith.constant 4 : i32
        %add3A_470 = arith.addi %mul3A_318, %add3A_469 : i32
        %add3A_471 = arith.constant 1 : i32
        %add3A_472 = arith.addi %add3A_470, %add3A_471 : i32
        %dma_start3A_473 = arith.constant 128 : i32
        %dma_start3A_474 = arith.constant 0 : i32
        %dma_start3A_475 = tpu.memref_slice %arg12[%dma_start3A_473, %dma_start3A_474] : memref<512x128xbf16, #tpu.memory_space<vmem>> -> memref<128x128xbf16, #tpu.memory_space<vmem>>
        %dma_start3A_476 = arith.constant 0 : i32
        %dma_start3A_477 = tpu.memref_slice %arg10[%add3A_472, %dma_start3A_476] : memref<80x128xi32, #tpu.memory_space<vmem>> -> memref<1x128xi32, #tpu.memory_space<vmem>>
        %dma_start3A_478 = tpu.memref_squeeze %dma_start3A_477 : memref<1x128xi32, #tpu.memory_space<vmem>> -> memref<128xi32, #tpu.memory_space<vmem>>
        %dma_start3A_479 = arith.constant 0 : i32
        %dma_start3A_480 = arith.constant 0 : i32
        %dma_start3A_481 = tpu.memref_slice %arg2[%dma_start3A_479, %dma_start3A_480] : memref<80000x128xbf16, #tpu.memory_space<hbm>> -> memref<80000x128xbf16, #tpu.memory_space<hbm>>
        %dma_start3A_482 = tpu.memref_slice %arg16[%scan3A_81] : memref<4x!tpu.dma_semaphore, #tpu.memory_space<semaphore_mem>> -> memref<1x!tpu.dma_semaphore, #tpu.memory_space<semaphore_mem>>
        %dma_start3A_483 = tpu.memref_squeeze %dma_start3A_482 : memref<1x!tpu.dma_semaphore, #tpu.memory_space<semaphore_mem>> -> memref<!tpu.dma_semaphore, #tpu.memory_space<semaphore_mem>>
        tpu.enqueue_indirect_dma source(%dma_start3A_481 : memref<80000x128xbf16, #tpu.memory_space<hbm>>) target(%dma_start3A_475 : memref<128x128xbf16, #tpu.memory_space<vmem>>) offsets(%dma_start3A_478 : memref<128xi32, #tpu.memory_space<vmem>>) semaphore(%dma_start3A_483 : memref<!tpu.dma_semaphore, #tpu.memory_space<semaphore_mem>>)
        %add3A_484 = arith.constant 2 : i32
        %add3A_485 = arith.addi %mul3A_318, %add3A_484 : i32
        %dma_wait3A_486 = arith.constant 256 : i32
        %dma_wait3A_487 = arith.constant 0 : i32
        %dma_wait3A_488 = tpu.memref_slice %arg12[%dma_wait3A_486, %dma_wait3A_487] : memref<512x128xbf16, #tpu.memory_space<vmem>> -> memref<128x128xbf16, #tpu.memory_space<vmem>>
        %dma_wait3A_489 = arith.constant 0 : i32
        %dma_wait3A_490 = tpu.memref_slice %arg11[%add3A_485, %dma_wait3A_489] : memref<80x128xi32, #tpu.memory_space<vmem>> -> memref<1x128xi32, #tpu.memory_space<vmem>>
        %dma_wait3A_491 = tpu.memref_squeeze %dma_wait3A_490 : memref<1x128xi32, #tpu.memory_space<vmem>> -> memref<128xi32, #tpu.memory_space<vmem>>
        %dma_wait3A_492 = arith.constant 0 : i32
        %dma_wait3A_493 = arith.constant 0 : i32
        %dma_wait3A_494 = tpu.memref_slice %arg18[%dma_wait3A_492, %dma_wait3A_493] : memref<10240x128xbf16, #tpu.memory_space<vmem_shared>> -> memref<10240x128xbf16, #tpu.memory_space<vmem_shared>>
        %dma_wait3A_495 = tpu.memref_slice %arg17[%scan3A_84] : memref<4x!tpu.dma_semaphore, #tpu.memory_space<semaphore_mem>> -> memref<1x!tpu.dma_semaphore, #tpu.memory_space<semaphore_mem>>
        %dma_wait3A_496 = tpu.memref_squeeze %dma_wait3A_495 : memref<1x!tpu.dma_semaphore, #tpu.memory_space<semaphore_mem>> -> memref<!tpu.dma_semaphore, #tpu.memory_space<semaphore_mem>>
        tpu.wait_indirect_dma semaphore(%dma_wait3A_496 : memref<!tpu.dma_semaphore, #tpu.memory_space<semaphore_mem>>) src(%dma_wait3A_488 : memref<128x128xbf16, #tpu.memory_space<vmem>>) dst(%dma_wait3A_494 : memref<10240x128xbf16, #tpu.memory_space<vmem_shared>>)
        %add3A_497 = arith.constant 4 : i32
        %add3A_498 = arith.addi %mul3A_318, %add3A_497 : i32
        %add3A_499 = arith.constant 2 : i32
        %add3A_500 = arith.addi %add3A_498, %add3A_499 : i32
        %dma_start3A_501 = arith.constant 256 : i32
        %dma_start3A_502 = arith.constant 0 : i32
        %dma_start3A_503 = tpu.memref_slice %arg12[%dma_start3A_501, %dma_start3A_502] : memref<512x128xbf16, #tpu.memory_space<vmem>> -> memref<128x128xbf16, #tpu.memory_space<vmem>>
        %dma_start3A_504 = arith.constant 0 : i32
        %dma_start3A_505 = tpu.memref_slice %arg10[%add3A_500, %dma_start3A_504] : memref<80x128xi32, #tpu.memory_space<vmem>> -> memref<1x128xi32, #tpu.memory_space<vmem>>
        %dma_start3A_506 = tpu.memref_squeeze %dma_start3A_505 : memref<1x128xi32, #tpu.memory_space<vmem>> -> memref<128xi32, #tpu.memory_space<vmem>>
        %dma_start3A_507 = arith.constant 0 : i32
        %dma_start3A_508 = arith.constant 0 : i32
        %dma_start3A_509 = tpu.memref_slice %arg2[%dma_start3A_507, %dma_start3A_508] : memref<80000x128xbf16, #tpu.memory_space<hbm>> -> memref<80000x128xbf16, #tpu.memory_space<hbm>>
        %dma_start3A_510 = tpu.memref_slice %arg16[%scan3A_83] : memref<4x!tpu.dma_semaphore, #tpu.memory_space<semaphore_mem>> -> memref<1x!tpu.dma_semaphore, #tpu.memory_space<semaphore_mem>>
        %dma_start3A_511 = tpu.memref_squeeze %dma_start3A_510 : memref<1x!tpu.dma_semaphore, #tpu.memory_space<semaphore_mem>> -> memref<!tpu.dma_semaphore, #tpu.memory_space<semaphore_mem>>
        tpu.enqueue_indirect_dma source(%dma_start3A_509 : memref<80000x128xbf16, #tpu.memory_space<hbm>>) target(%dma_start3A_503 : memref<128x128xbf16, #tpu.memory_space<vmem>>) offsets(%dma_start3A_506 : memref<128xi32, #tpu.memory_space<vmem>>) semaphore(%dma_start3A_511 : memref<!tpu.dma_semaphore, #tpu.memory_space<semaphore_mem>>)
        %add3A_512 = arith.constant 3 : i32
        %add3A_513 = arith.addi %mul3A_318, %add3A_512 : i32
        %dma_wait3A_514 = arith.constant 384 : i32
        %dma_wait3A_515 = arith.constant 0 : i32
        %dma_wait3A_516 = tpu.memref_slice %arg12[%dma_wait3A_514, %dma_wait3A_515] : memref<512x128xbf16, #tpu.memory_space<vmem>> -> memref<128x128xbf16, #tpu.memory_space<vmem>>
        %dma_wait3A_517 = arith.constant 0 : i32
        %dma_wait3A_518 = tpu.memref_slice %arg11[%add3A_513, %dma_wait3A_517] : memref<80x128xi32, #tpu.memory_space<vmem>> -> memref<1x128xi32, #tpu.memory_space<vmem>>
        %dma_wait3A_519 = tpu.memref_squeeze %dma_wait3A_518 : memref<1x128xi32, #tpu.memory_space<vmem>> -> memref<128xi32, #tpu.memory_space<vmem>>
        %dma_wait3A_520 = arith.constant 0 : i32
        %dma_wait3A_521 = arith.constant 0 : i32
        %dma_wait3A_522 = tpu.memref_slice %arg18[%dma_wait3A_520, %dma_wait3A_521] : memref<10240x128xbf16, #tpu.memory_space<vmem_shared>> -> memref<10240x128xbf16, #tpu.memory_space<vmem_shared>>
        %dma_wait3A_523 = tpu.memref_slice %arg17[%scan3A_86] : memref<4x!tpu.dma_semaphore, #tpu.memory_space<semaphore_mem>> -> memref<1x!tpu.dma_semaphore, #tpu.memory_space<semaphore_mem>>
        %dma_wait3A_524 = tpu.memref_squeeze %dma_wait3A_523 : memref<1x!tpu.dma_semaphore, #tpu.memory_space<semaphore_mem>> -> memref<!tpu.dma_semaphore, #tpu.memory_space<semaphore_mem>>
        tpu.wait_indirect_dma semaphore(%dma_wait3A_524 : memref<!tpu.dma_semaphore, #tpu.memory_space<semaphore_mem>>) src(%dma_wait3A_516 : memref<128x128xbf16, #tpu.memory_space<vmem>>) dst(%dma_wait3A_522 : memref<10240x128xbf16, #tpu.memory_space<vmem_shared>>)
        %add3A_525 = arith.constant 4 : i32
        %add3A_526 = arith.addi %mul3A_318, %add3A_525 : i32
        %add3A_527 = arith.constant 3 : i32
        %add3A_528 = arith.addi %add3A_526, %add3A_527 : i32
        %dma_start3A_529 = arith.constant 384 : i32
        %dma_start3A_530 = arith.constant 0 : i32
        %dma_start3A_531 = tpu.memref_slice %arg12[%dma_start3A_529, %dma_start3A_530] : memref<512x128xbf16, #tpu.memory_space<vmem>> -> memref<128x128xbf16, #tpu.memory_space<vmem>>
        %dma_start3A_532 = arith.constant 0 : i32
        %dma_start3A_533 = tpu.memref_slice %arg10[%add3A_528, %dma_start3A_532] : memref<80x128xi32, #tpu.memory_space<vmem>> -> memref<1x128xi32, #tpu.memory_space<vmem>>
        %dma_start3A_534 = tpu.memref_squeeze %dma_start3A_533 : memref<1x128xi32, #tpu.memory_space<vmem>> -> memref<128xi32, #tpu.memory_space<vmem>>
        %dma_start3A_535 = arith.constant 0 : i32
        %dma_start3A_536 = arith.constant 0 : i32
        %dma_start3A_537 = tpu.memref_slice %arg2[%dma_start3A_535, %dma_start3A_536] : memref<80000x128xbf16, #tpu.memory_space<hbm>> -> memref<80000x128xbf16, #tpu.memory_space<hbm>>
        %dma_start3A_538 = tpu.memref_slice %arg16[%scan3A_85] : memref<4x!tpu.dma_semaphore, #tpu.memory_space<semaphore_mem>> -> memref<1x!tpu.dma_semaphore, #tpu.memory_space<semaphore_mem>>
        %dma_start3A_539 = tpu.memref_squeeze %dma_start3A_538 : memref<1x!tpu.dma_semaphore, #tpu.memory_space<semaphore_mem>> -> memref<!tpu.dma_semaphore, #tpu.memory_space<semaphore_mem>>
        tpu.enqueue_indirect_dma source(%dma_start3A_537 : memref<80000x128xbf16, #tpu.memory_space<hbm>>) target(%dma_start3A_531 : memref<128x128xbf16, #tpu.memory_space<vmem>>) offsets(%dma_start3A_534 : memref<128xi32, #tpu.memory_space<vmem>>) semaphore(%dma_start3A_539 : memref<!tpu.dma_semaphore, #tpu.memory_space<semaphore_mem>>)
      } else {
      }
    }
    %scan3A_91 = arith.constant 20 : i32
    %dma_wait3A = arith.constant 76 : i32
    %dma_wait3A_92 = arith.constant 0 : i32
    %dma_wait3A_93 = arith.constant 0 : i32
    %dma_wait3A_94 = arith.constant 0 : i32
    %dma_wait3A_95 = tpu.memref_slice %arg12[%dma_wait3A_93, %dma_wait3A_94] : memref<512x128xbf16, #tpu.memory_space<vmem>> -> memref<128x128xbf16, #tpu.memory_space<vmem>>
    %dma_wait3A_96 = arith.constant 0 : i32
    %dma_wait3A_97 = tpu.memref_slice %arg11[%dma_wait3A, %dma_wait3A_96] : memref<80x128xi32, #tpu.memory_space<vmem>> -> memref<1x128xi32, #tpu.memory_space<vmem>>
    %dma_wait3A_98 = tpu.memref_squeeze %dma_wait3A_97 : memref<1x128xi32, #tpu.memory_space<vmem>> -> memref<128xi32, #tpu.memory_space<vmem>>
    %dma_wait3A_99 = arith.constant 0 : i32
    %dma_wait3A_100 = arith.constant 0 : i32
    %dma_wait3A_101 = tpu.memref_slice %arg18[%dma_wait3A_99, %dma_wait3A_100] : memref<10240x128xbf16, #tpu.memory_space<vmem_shared>> -> memref<10240x128xbf16, #tpu.memory_space<vmem_shared>>
    %dma_wait3A_102 = tpu.memref_slice %arg17[%dma_wait3A_92] : memref<4x!tpu.dma_semaphore, #tpu.memory_space<semaphore_mem>> -> memref<1x!tpu.dma_semaphore, #tpu.memory_space<semaphore_mem>>
    %dma_wait3A_103 = tpu.memref_squeeze %dma_wait3A_102 : memref<1x!tpu.dma_semaphore, #tpu.memory_space<semaphore_mem>> -> memref<!tpu.dma_semaphore, #tpu.memory_space<semaphore_mem>>
    tpu.wait_indirect_dma semaphore(%dma_wait3A_103 : memref<!tpu.dma_semaphore, #tpu.memory_space<semaphore_mem>>) src(%dma_wait3A_95 : memref<128x128xbf16, #tpu.memory_space<vmem>>) dst(%dma_wait3A_101 : memref<10240x128xbf16, #tpu.memory_space<vmem_shared>>)
    %dma_wait3A_104 = arith.constant 77 : i32
    %dma_wait3A_105 = arith.constant 1 : i32
    %dma_wait3A_106 = arith.constant 128 : i32
    %dma_wait3A_107 = arith.constant 0 : i32
    %dma_wait3A_108 = tpu.memref_slice %arg12[%dma_wait3A_106, %dma_wait3A_107] : memref<512x128xbf16, #tpu.memory_space<vmem>> -> memref<128x128xbf16, #tpu.memory_space<vmem>>
    %dma_wait3A_109 = arith.constant 0 : i32
    %dma_wait3A_110 = tpu.memref_slice %arg11[%dma_wait3A_104, %dma_wait3A_109] : memref<80x128xi32, #tpu.memory_space<vmem>> -> memref<1x128xi32, #tpu.memory_space<vmem>>
    %dma_wait3A_111 = tpu.memref_squeeze %dma_wait3A_110 : memref<1x128xi32, #tpu.memory_space<vmem>> -> memref<128xi32, #tpu.memory_space<vmem>>
    %dma_wait3A_112 = arith.constant 0 : i32
    %dma_wait3A_113 = arith.constant 0 : i32
    %dma_wait3A_114 = tpu.memref_slice %arg18[%dma_wait3A_112, %dma_wait3A_113] : memref<10240x128xbf16, #tpu.memory_space<vmem_shared>> -> memref<10240x128xbf16, #tpu.memory_space<vmem_shared>>
    %dma_wait3A_115 = tpu.memref_slice %arg17[%dma_wait3A_105] : memref<4x!tpu.dma_semaphore, #tpu.memory_space<semaphore_mem>> -> memref<1x!tpu.dma_semaphore, #tpu.memory_space<semaphore_mem>>
    %dma_wait3A_116 = tpu.memref_squeeze %dma_wait3A_115 : memref<1x!tpu.dma_semaphore, #tpu.memory_space<semaphore_mem>> -> memref<!tpu.dma_semaphore, #tpu.memory_space<semaphore_mem>>
    tpu.wait_indirect_dma semaphore(%dma_wait3A_116 : memref<!tpu.dma_semaphore, #tpu.memory_space<semaphore_mem>>) src(%dma_wait3A_108 : memref<128x128xbf16, #tpu.memory_space<vmem>>) dst(%dma_wait3A_114 : memref<10240x128xbf16, #tpu.memory_space<vmem_shared>>)
    %dma_wait3A_117 = arith.constant 78 : i32
    %dma_wait3A_118 = arith.constant 2 : i32
    %dma_wait3A_119 = arith.constant 256 : i32
    %dma_wait3A_120 = arith.constant 0 : i32
    %dma_wait3A_121 = tpu.memref_slice %arg12[%dma_wait3A_119, %dma_wait3A_120] : memref<512x128xbf16, #tpu.memory_space<vmem>> -> memref<128x128xbf16, #tpu.memory_space<vmem>>
    %dma_wait3A_122 = arith.constant 0 : i32
    %dma_wait3A_123 = tpu.memref_slice %arg11[%dma_wait3A_117, %dma_wait3A_122] : memref<80x128xi32, #tpu.memory_space<vmem>> -> memref<1x128xi32, #tpu.memory_space<vmem>>
    %dma_wait3A_124 = tpu.memref_squeeze %dma_wait3A_123 : memref<1x128xi32, #tpu.memory_space<vmem>> -> memref<128xi32, #tpu.memory_space<vmem>>
    %dma_wait3A_125 = arith.constant 0 : i32
    %dma_wait3A_126 = arith.constant 0 : i32
    %dma_wait3A_127 = tpu.memref_slice %arg18[%dma_wait3A_125, %dma_wait3A_126] : memref<10240x128xbf16, #tpu.memory_space<vmem_shared>> -> memref<10240x128xbf16, #tpu.memory_space<vmem_shared>>
    %dma_wait3A_128 = tpu.memref_slice %arg17[%dma_wait3A_118] : memref<4x!tpu.dma_semaphore, #tpu.memory_space<semaphore_mem>> -> memref<1x!tpu.dma_semaphore, #tpu.memory_space<semaphore_mem>>
    %dma_wait3A_129 = tpu.memref_squeeze %dma_wait3A_128 : memref<1x!tpu.dma_semaphore, #tpu.memory_space<semaphore_mem>> -> memref<!tpu.dma_semaphore, #tpu.memory_space<semaphore_mem>>
    tpu.wait_indirect_dma semaphore(%dma_wait3A_129 : memref<!tpu.dma_semaphore, #tpu.memory_space<semaphore_mem>>) src(%dma_wait3A_121 : memref<128x128xbf16, #tpu.memory_space<vmem>>) dst(%dma_wait3A_127 : memref<10240x128xbf16, #tpu.memory_space<vmem_shared>>)
    %dma_wait3A_130 = arith.constant 79 : i32
    %dma_wait3A_131 = arith.constant 3 : i32
    %dma_wait3A_132 = arith.constant 384 : i32
    %dma_wait3A_133 = arith.constant 0 : i32
    %dma_wait3A_134 = tpu.memref_slice %arg12[%dma_wait3A_132, %dma_wait3A_133] : memref<512x128xbf16, #tpu.memory_space<vmem>> -> memref<128x128xbf16, #tpu.memory_space<vmem>>
    %dma_wait3A_135 = arith.constant 0 : i32
    %dma_wait3A_136 = tpu.memref_slice %arg11[%dma_wait3A_130, %dma_wait3A_135] : memref<80x128xi32, #tpu.memory_space<vmem>> -> memref<1x128xi32, #tpu.memory_space<vmem>>
    %dma_wait3A_137 = tpu.memref_squeeze %dma_wait3A_136 : memref<1x128xi32, #tpu.memory_space<vmem>> -> memref<128xi32, #tpu.memory_space<vmem>>
    %dma_wait3A_138 = arith.constant 0 : i32
    %dma_wait3A_139 = arith.constant 0 : i32
    %dma_wait3A_140 = tpu.memref_slice %arg18[%dma_wait3A_138, %dma_wait3A_139] : memref<10240x128xbf16, #tpu.memory_space<vmem_shared>> -> memref<10240x128xbf16, #tpu.memory_space<vmem_shared>>
    %dma_wait3A_141 = tpu.memref_slice %arg17[%dma_wait3A_131] : memref<4x!tpu.dma_semaphore, #tpu.memory_space<semaphore_mem>> -> memref<1x!tpu.dma_semaphore, #tpu.memory_space<semaphore_mem>>
    %dma_wait3A_142 = tpu.memref_squeeze %dma_wait3A_141 : memref<1x!tpu.dma_semaphore, #tpu.memory_space<semaphore_mem>> -> memref<!tpu.dma_semaphore, #tpu.memory_space<semaphore_mem>>
    tpu.wait_indirect_dma semaphore(%dma_wait3A_142 : memref<!tpu.dma_semaphore, #tpu.memory_space<semaphore_mem>>) src(%dma_wait3A_134 : memref<128x128xbf16, #tpu.memory_space<vmem>>) dst(%dma_wait3A_140 : memref<10240x128xbf16, #tpu.memory_space<vmem_shared>>)
    %barrier3A_143 = arith.constant 0 : index
    tpu.barrier barrier_id(%barrier3A_143)
    %mul3A_144 = arith.constant 10000 : i32
    %mul3A_145 = arith.muli %add3A_9, %mul3A_144 : i32
    %add3A_146 = arith.addi %mul3A_145, %mul3A_0 : i32
    %lt3A = arith.constant 15 : i32
    %lt3A_147 = arith.cmpi slt, %arg1, %lt3A : i32
    %convert_element_type3A = arith.extui %lt3A_147 : i1 to i32
    %cond3A = arith.constant 0 : i32
    %cond3A_148 = arith.cmpi ne, %convert_element_type3A, %cond3A : i32
    scf.if %cond3A_148 {
      "tpu.region"() ({
        %run_scoped3A = tpu.sem_alloc : memref<!tpu.dma_semaphore, #tpu.memory_space<semaphore_mem>>
        %dma_start3A_316 = arith.constant 0 : i32
        %dma_start3A_317 = tpu.memref_slice %arg8[%add3A_146, %dma_start3A_316] : memref<40000x128xbf16, #tpu.memory_space<hbm>> -> memref<640x128xbf16, #tpu.memory_space<hbm>>
        %dma_start3A_318 = arith.constant 0 : i32
        %dma_start3A_319 = tpu.memref_slice %arg18[%mul3A_0, %dma_start3A_318] : memref<10240x128xbf16, #tpu.memory_space<vmem_shared>> -> memref<640x128xbf16, #tpu.memory_space<vmem_shared>>
        tpu.enqueue_dma source(%dma_start3A_319 : memref<640x128xbf16, #tpu.memory_space<vmem_shared>>) target(%dma_start3A_317 : memref<640x128xbf16, #tpu.memory_space<hbm>>) target_semaphore(%run_scoped3A : memref<!tpu.dma_semaphore, #tpu.memory_space<semaphore_mem>>)
        %dma_wait3A_320 = arith.constant 0 : i32
        %dma_wait3A_321 = tpu.memref_slice %arg8[%add3A_146, %dma_wait3A_320] : memref<40000x128xbf16, #tpu.memory_space<hbm>> -> memref<640x128xbf16, #tpu.memory_space<hbm>>
        %dma_wait3A_322 = arith.constant 0 : i32
        %dma_wait3A_323 = tpu.memref_slice %arg18[%mul3A_0, %dma_wait3A_322] : memref<10240x128xbf16, #tpu.memory_space<vmem_shared>> -> memref<640x128xbf16, #tpu.memory_space<vmem_shared>>
        tpu.wait_dma2 semaphore(%run_scoped3A : memref<!tpu.dma_semaphore, #tpu.memory_space<semaphore_mem>>) src(%dma_wait3A_323 : memref<640x128xbf16, #tpu.memory_space<vmem_shared>>) dst(%dma_wait3A_321 : memref<640x128xbf16, #tpu.memory_space<hbm>>)
        tpu.yield
      }) : () -> ()
    } else {
    }
    %eq3A = arith.constant 15 : i32
    %eq3A_149 = arith.cmpi eq, %arg1, %eq3A : i32
    %convert_element_type3A_150 = arith.extui %eq3A_149 : i1 to i32
    %cond3A_151 = arith.constant 0 : i32
    %cond3A_152 = arith.cmpi ne, %convert_element_type3A_150, %cond3A_151 : i32
    scf.if %cond3A_152 {
      "tpu.region"() ({
        %run_scoped3A = tpu.sem_alloc : memref<!tpu.dma_semaphore, #tpu.memory_space<semaphore_mem>>
        %dma_start3A_316 = arith.constant 0 : i32
        %dma_start3A_317 = tpu.memref_slice %arg8[%add3A_146, %dma_start3A_316] : memref<40000x128xbf16, #tpu.memory_space<hbm>> -> memref<400x128xbf16, #tpu.memory_space<hbm>>
        %dma_start3A_318 = arith.constant 0 : i32
        %dma_start3A_319 = tpu.memref_slice %arg18[%mul3A_0, %dma_start3A_318] : memref<10240x128xbf16, #tpu.memory_space<vmem_shared>> -> memref<400x128xbf16, #tpu.memory_space<vmem_shared>>
        tpu.enqueue_dma source(%dma_start3A_319 : memref<400x128xbf16, #tpu.memory_space<vmem_shared>>) target(%dma_start3A_317 : memref<400x128xbf16, #tpu.memory_space<hbm>>) target_semaphore(%run_scoped3A : memref<!tpu.dma_semaphore, #tpu.memory_space<semaphore_mem>>)
        %dma_wait3A_320 = arith.constant 0 : i32
        %dma_wait3A_321 = tpu.memref_slice %arg8[%add3A_146, %dma_wait3A_320] : memref<40000x128xbf16, #tpu.memory_space<hbm>> -> memref<400x128xbf16, #tpu.memory_space<hbm>>
        %dma_wait3A_322 = arith.constant 0 : i32
        %dma_wait3A_323 = tpu.memref_slice %arg18[%mul3A_0, %dma_wait3A_322] : memref<10240x128xbf16, #tpu.memory_space<vmem_shared>> -> memref<400x128xbf16, #tpu.memory_space<vmem_shared>>
        tpu.wait_dma2 semaphore(%run_scoped3A : memref<!tpu.dma_semaphore, #tpu.memory_space<semaphore_mem>>) src(%dma_wait3A_323 : memref<400x128xbf16, #tpu.memory_space<vmem_shared>>) dst(%dma_wait3A_321 : memref<400x128xbf16, #tpu.memory_space<hbm>>)
        tpu.yield
      }) : () -> ()
    } else {
    }
    %barrier3A_153 = arith.constant 0 : index
    tpu.barrier barrier_id(%barrier3A_153)
    %mul3A_154 = arith.constant 4 : i32
    %mul3A_155 = arith.muli %arg0, %mul3A_154 : i32
    %add3A_156 = arith.constant 2 : i32
    %add3A_157 = arith.addi %mul3A_155, %add3A_156 : i32
    %add3A_158 = arith.constant 1 : i32
    %add3A_159 = arith.addi %add3A_157, %add3A_158 : i32
    %mul3A_160 = arith.constant 2 : i32
    %mul3A_161 = arith.muli %arg0, %mul3A_160 : i32
    %add3A_162 = arith.constant 1 : i32
    %add3A_163 = arith.addi %mul3A_161, %add3A_162 : i32
    %add3A_164 = arith.constant 0 : i32
    %add3A_165 = arith.addi %mul3A_0, %add3A_164 : i32
    "tpu.region"() ({
      %run_scoped3A = tpu.sem_alloc : memref<!tpu.dma_semaphore, #tpu.memory_space<semaphore_mem>>
      %dma_start3A_316 = arith.constant 0 : i32
      %dma_start3A_317 = tpu.memref_slice %arg18[%add3A_165, %dma_start3A_316] : memref<10240x128xbf16, #tpu.memory_space<vmem_shared>> -> memref<128x128xbf16, #tpu.memory_space<vmem_shared>>
      %dma_start3A_318 = arith.constant 0 : i32
      %dma_start3A_319 = tpu.memref_slice %arg18[%add3A_165, %dma_start3A_318] : memref<10240x128xbf16, #tpu.memory_space<vmem_shared>> -> memref<128x128xbf16, #tpu.memory_space<vmem_shared>>
      tpu.enqueue_dma source(%arg13 : memref<128x128xbf16, #tpu.memory_space<vmem>>) target(%dma_start3A_319 : memref<128x128xbf16, #tpu.memory_space<vmem_shared>>) target_semaphore(%run_scoped3A : memref<!tpu.dma_semaphore, #tpu.memory_space<semaphore_mem>>)
      %dma_wait3A_320 = arith.constant 0 : i32
      %dma_wait3A_321 = tpu.memref_slice %arg18[%add3A_165, %dma_wait3A_320] : memref<10240x128xbf16, #tpu.memory_space<vmem_shared>> -> memref<128x128xbf16, #tpu.memory_space<vmem_shared>>
      %dma_wait3A_322 = arith.constant 0 : i32
      %dma_wait3A_323 = tpu.memref_slice %arg18[%add3A_165, %dma_wait3A_322] : memref<10240x128xbf16, #tpu.memory_space<vmem_shared>> -> memref<128x128xbf16, #tpu.memory_space<vmem_shared>>
      tpu.wait_dma2 semaphore(%run_scoped3A : memref<!tpu.dma_semaphore, #tpu.memory_space<semaphore_mem>>) src(%arg13 : memref<128x128xbf16, #tpu.memory_space<vmem>>) dst(%dma_wait3A_323 : memref<128x128xbf16, #tpu.memory_space<vmem_shared>>)
      tpu.yield
    }) : () -> ()
    %add3A_166 = arith.constant 128 : i32
    %add3A_167 = arith.addi %mul3A_0, %add3A_166 : i32
    "tpu.region"() ({
      %run_scoped3A = tpu.sem_alloc : memref<!tpu.dma_semaphore, #tpu.memory_space<semaphore_mem>>
      %dma_start3A_316 = arith.constant 0 : i32
      %dma_start3A_317 = tpu.memref_slice %arg18[%add3A_167, %dma_start3A_316] : memref<10240x128xbf16, #tpu.memory_space<vmem_shared>> -> memref<128x128xbf16, #tpu.memory_space<vmem_shared>>
      %dma_start3A_318 = arith.constant 0 : i32
      %dma_start3A_319 = tpu.memref_slice %arg18[%add3A_167, %dma_start3A_318] : memref<10240x128xbf16, #tpu.memory_space<vmem_shared>> -> memref<128x128xbf16, #tpu.memory_space<vmem_shared>>
      tpu.enqueue_dma source(%arg13 : memref<128x128xbf16, #tpu.memory_space<vmem>>) target(%dma_start3A_319 : memref<128x128xbf16, #tpu.memory_space<vmem_shared>>) target_semaphore(%run_scoped3A : memref<!tpu.dma_semaphore, #tpu.memory_space<semaphore_mem>>)
      %dma_wait3A_320 = arith.constant 0 : i32
      %dma_wait3A_321 = tpu.memref_slice %arg18[%add3A_167, %dma_wait3A_320] : memref<10240x128xbf16, #tpu.memory_space<vmem_shared>> -> memref<128x128xbf16, #tpu.memory_space<vmem_shared>>
      %dma_wait3A_322 = arith.constant 0 : i32
      %dma_wait3A_323 = tpu.memref_slice %arg18[%add3A_167, %dma_wait3A_322] : memref<10240x128xbf16, #tpu.memory_space<vmem_shared>> -> memref<128x128xbf16, #tpu.memory_space<vmem_shared>>
      tpu.wait_dma2 semaphore(%run_scoped3A : memref<!tpu.dma_semaphore, #tpu.memory_space<semaphore_mem>>) src(%arg13 : memref<128x128xbf16, #tpu.memory_space<vmem>>) dst(%dma_wait3A_323 : memref<128x128xbf16, #tpu.memory_space<vmem_shared>>)
      tpu.yield
    }) : () -> ()
    %add3A_168 = arith.constant 256 : i32
    %add3A_169 = arith.addi %mul3A_0, %add3A_168 : i32
    "tpu.region"() ({
      %run_scoped3A = tpu.sem_alloc : memref<!tpu.dma_semaphore, #tpu.memory_space<semaphore_mem>>
      %dma_start3A_316 = arith.constant 0 : i32
      %dma_start3A_317 = tpu.memref_slice %arg18[%add3A_169, %dma_start3A_316] : memref<10240x128xbf16, #tpu.memory_space<vmem_shared>> -> memref<128x128xbf16, #tpu.memory_space<vmem_shared>>
      %dma_start3A_318 = arith.constant 0 : i32
      %dma_start3A_319 = tpu.memref_slice %arg18[%add3A_169, %dma_start3A_318] : memref<10240x128xbf16, #tpu.memory_space<vmem_shared>> -> memref<128x128xbf16, #tpu.memory_space<vmem_shared>>
      tpu.enqueue_dma source(%arg13 : memref<128x128xbf16, #tpu.memory_space<vmem>>) target(%dma_start3A_319 : memref<128x128xbf16, #tpu.memory_space<vmem_shared>>) target_semaphore(%run_scoped3A : memref<!tpu.dma_semaphore, #tpu.memory_space<semaphore_mem>>)
      %dma_wait3A_320 = arith.constant 0 : i32
      %dma_wait3A_321 = tpu.memref_slice %arg18[%add3A_169, %dma_wait3A_320] : memref<10240x128xbf16, #tpu.memory_space<vmem_shared>> -> memref<128x128xbf16, #tpu.memory_space<vmem_shared>>
      %dma_wait3A_322 = arith.constant 0 : i32
      %dma_wait3A_323 = tpu.memref_slice %arg18[%add3A_169, %dma_wait3A_322] : memref<10240x128xbf16, #tpu.memory_space<vmem_shared>> -> memref<128x128xbf16, #tpu.memory_space<vmem_shared>>
      tpu.wait_dma2 semaphore(%run_scoped3A : memref<!tpu.dma_semaphore, #tpu.memory_space<semaphore_mem>>) src(%arg13 : memref<128x128xbf16, #tpu.memory_space<vmem>>) dst(%dma_wait3A_323 : memref<128x128xbf16, #tpu.memory_space<vmem_shared>>)
      tpu.yield
    }) : () -> ()
    %add3A_170 = arith.constant 384 : i32
    %add3A_171 = arith.addi %mul3A_0, %add3A_170 : i32
    "tpu.region"() ({
      %run_scoped3A = tpu.sem_alloc : memref<!tpu.dma_semaphore, #tpu.memory_space<semaphore_mem>>
      %dma_start3A_316 = arith.constant 0 : i32
      %dma_start3A_317 = tpu.memref_slice %arg18[%add3A_171, %dma_start3A_316] : memref<10240x128xbf16, #tpu.memory_space<vmem_shared>> -> memref<128x128xbf16, #tpu.memory_space<vmem_shared>>
      %dma_start3A_318 = arith.constant 0 : i32
      %dma_start3A_319 = tpu.memref_slice %arg18[%add3A_171, %dma_start3A_318] : memref<10240x128xbf16, #tpu.memory_space<vmem_shared>> -> memref<128x128xbf16, #tpu.memory_space<vmem_shared>>
      tpu.enqueue_dma source(%arg13 : memref<128x128xbf16, #tpu.memory_space<vmem>>) target(%dma_start3A_319 : memref<128x128xbf16, #tpu.memory_space<vmem_shared>>) target_semaphore(%run_scoped3A : memref<!tpu.dma_semaphore, #tpu.memory_space<semaphore_mem>>)
      %dma_wait3A_320 = arith.constant 0 : i32
      %dma_wait3A_321 = tpu.memref_slice %arg18[%add3A_171, %dma_wait3A_320] : memref<10240x128xbf16, #tpu.memory_space<vmem_shared>> -> memref<128x128xbf16, #tpu.memory_space<vmem_shared>>
      %dma_wait3A_322 = arith.constant 0 : i32
      %dma_wait3A_323 = tpu.memref_slice %arg18[%add3A_171, %dma_wait3A_322] : memref<10240x128xbf16, #tpu.memory_space<vmem_shared>> -> memref<128x128xbf16, #tpu.memory_space<vmem_shared>>
      tpu.wait_dma2 semaphore(%run_scoped3A : memref<!tpu.dma_semaphore, #tpu.memory_space<semaphore_mem>>) src(%arg13 : memref<128x128xbf16, #tpu.memory_space<vmem>>) dst(%dma_wait3A_323 : memref<128x128xbf16, #tpu.memory_space<vmem_shared>>)
      tpu.yield
    }) : () -> ()
    %add3A_172 = arith.constant 512 : i32
    %add3A_173 = arith.addi %mul3A_0, %add3A_172 : i32
    "tpu.region"() ({
      %run_scoped3A = tpu.sem_alloc : memref<!tpu.dma_semaphore, #tpu.memory_space<semaphore_mem>>
      %dma_start3A_316 = arith.constant 0 : i32
      %dma_start3A_317 = tpu.memref_slice %arg18[%add3A_173, %dma_start3A_316] : memref<10240x128xbf16, #tpu.memory_space<vmem_shared>> -> memref<128x128xbf16, #tpu.memory_space<vmem_shared>>
      %dma_start3A_318 = arith.constant 0 : i32
      %dma_start3A_319 = tpu.memref_slice %arg18[%add3A_173, %dma_start3A_318] : memref<10240x128xbf16, #tpu.memory_space<vmem_shared>> -> memref<128x128xbf16, #tpu.memory_space<vmem_shared>>
      tpu.enqueue_dma source(%arg13 : memref<128x128xbf16, #tpu.memory_space<vmem>>) target(%dma_start3A_319 : memref<128x128xbf16, #tpu.memory_space<vmem_shared>>) target_semaphore(%run_scoped3A : memref<!tpu.dma_semaphore, #tpu.memory_space<semaphore_mem>>)
      %dma_wait3A_320 = arith.constant 0 : i32
      %dma_wait3A_321 = tpu.memref_slice %arg18[%add3A_173, %dma_wait3A_320] : memref<10240x128xbf16, #tpu.memory_space<vmem_shared>> -> memref<128x128xbf16, #tpu.memory_space<vmem_shared>>
      %dma_wait3A_322 = arith.constant 0 : i32
      %dma_wait3A_323 = tpu.memref_slice %arg18[%add3A_173, %dma_wait3A_322] : memref<10240x128xbf16, #tpu.memory_space<vmem_shared>> -> memref<128x128xbf16, #tpu.memory_space<vmem_shared>>
      tpu.wait_dma2 semaphore(%run_scoped3A : memref<!tpu.dma_semaphore, #tpu.memory_space<semaphore_mem>>) src(%arg13 : memref<128x128xbf16, #tpu.memory_space<vmem>>) dst(%dma_wait3A_323 : memref<128x128xbf16, #tpu.memory_space<vmem_shared>>)
      tpu.yield
    }) : () -> ()
    %mul3A_174 = arith.constant 10000 : i32
    %mul3A_175 = arith.muli %add3A_159, %mul3A_174 : i32
    %scan3A_176 = arith.constant 0 : i32
    %scan3A_177 = arith.constant 0 : i32
    %scan3A_178 = arith.constant 80 : i32
    %scan3A_179 = arith.addi %scan3A_177, %scan3A_178 : i32
    %scan3A_180 = arith.constant 1 : i32
    scf.for %scan3A_316 = %scan3A_177 to %scan3A_179 step %scan3A_180  : i32 {
      %get3A = arith.index_cast %scan3A_316 : i32 to index
      %get3A_317 = arith.constant 0 : index
      %get3A_318 = tpu.vector_load %arg9[%get3A, %get3A_317] {strides = array<i32>} : memref<80x128xi32, #tpu.memory_space<vmem>>, vector<1x16xi32>,
      %get3A_319 = vector.shape_cast %get3A_318 : vector<1x16xi32> to vector<16xi32>
      %add3A_320 = vector.broadcast %mul3A_175 : i32 to vector<16xi32>
      %add3A_321 = arith.addi %get3A_319, %add3A_320 : vector<16xi32>
      %swap3A = arith.index_cast %scan3A_316 : i32 to index
      %swap3A_322 = arith.constant 0 : index
      %swap3A_323 = tpu.vector_load %arg10[%swap3A, %swap3A_322] {strides = array<i32>} : memref<80x128xi32, #tpu.memory_space<vmem>>, vector<1x16xi32>,
      %swap3A_324 = vector.shape_cast %swap3A_323 : vector<1x16xi32> to vector<16xi32>
      %swap3A_325 = vector.shape_cast %add3A_321 : vector<16xi32> to vector<1x16xi32>
      tpu.vector_store %arg10[%swap3A, %swap3A_322], %swap3A_325 {strides = array<i32>} : memref<80x128xi32, #tpu.memory_space<vmem>>, vector<1x16xi32>,
      %get3A_326 = arith.index_cast %scan3A_316 : i32 to index
      %get3A_327 = arith.constant 16 : index
      %get3A_328 = tpu.vector_load %arg9[%get3A_326, %get3A_327] {strides = array<i32>} : memref<80x128xi32, #tpu.memory_space<vmem>>, vector<1x16xi32>,
      %get3A_329 = vector.shape_cast %get3A_328 : vector<1x16xi32> to vector<16xi32>
      %add3A_330 = vector.broadcast %mul3A_175 : i32 to vector<16xi32>
      %add3A_331 = arith.addi %get3A_329, %add3A_330 : vector<16xi32>
      %swap3A_332 = arith.index_cast %scan3A_316 : i32 to index
      %swap3A_333 = arith.constant 16 : index
      %swap3A_334 = tpu.vector_load %arg10[%swap3A_332, %swap3A_333] {strides = array<i32>} : memref<80x128xi32, #tpu.memory_space<vmem>>, vector<1x16xi32>,
      %swap3A_335 = vector.shape_cast %swap3A_334 : vector<1x16xi32> to vector<16xi32>
      %swap3A_336 = vector.shape_cast %add3A_331 : vector<16xi32> to vector<1x16xi32>
      tpu.vector_store %arg10[%swap3A_332, %swap3A_333], %swap3A_336 {strides = array<i32>} : memref<80x128xi32, #tpu.memory_space<vmem>>, vector<1x16xi32>,
      %get3A_337 = arith.index_cast %scan3A_316 : i32 to index
      %get3A_338 = arith.constant 32 : index
      %get3A_339 = tpu.vector_load %arg9[%get3A_337, %get3A_338] {strides = array<i32>} : memref<80x128xi32, #tpu.memory_space<vmem>>, vector<1x16xi32>,
      %get3A_340 = vector.shape_cast %get3A_339 : vector<1x16xi32> to vector<16xi32>
      %add3A_341 = vector.broadcast %mul3A_175 : i32 to vector<16xi32>
      %add3A_342 = arith.addi %get3A_340, %add3A_341 : vector<16xi32>
      %swap3A_343 = arith.index_cast %scan3A_316 : i32 to index
      %swap3A_344 = arith.constant 32 : index
      %swap3A_345 = tpu.vector_load %arg10[%swap3A_343, %swap3A_344] {strides = array<i32>} : memref<80x128xi32, #tpu.memory_space<vmem>>, vector<1x16xi32>,
      %swap3A_346 = vector.shape_cast %swap3A_345 : vector<1x16xi32> to vector<16xi32>
      %swap3A_347 = vector.shape_cast %add3A_342 : vector<16xi32> to vector<1x16xi32>
      tpu.vector_store %arg10[%swap3A_343, %swap3A_344], %swap3A_347 {strides = array<i32>} : memref<80x128xi32, #tpu.memory_space<vmem>>, vector<1x16xi32>,
      %get3A_348 = arith.index_cast %scan3A_316 : i32 to index
      %get3A_349 = arith.constant 48 : index
      %get3A_350 = tpu.vector_load %arg9[%get3A_348, %get3A_349] {strides = array<i32>} : memref<80x128xi32, #tpu.memory_space<vmem>>, vector<1x16xi32>,
      %get3A_351 = vector.shape_cast %get3A_350 : vector<1x16xi32> to vector<16xi32>
      %add3A_352 = vector.broadcast %mul3A_175 : i32 to vector<16xi32>
      %add3A_353 = arith.addi %get3A_351, %add3A_352 : vector<16xi32>
      %swap3A_354 = arith.index_cast %scan3A_316 : i32 to index
      %swap3A_355 = arith.constant 48 : index
      %swap3A_356 = tpu.vector_load %arg10[%swap3A_354, %swap3A_355] {strides = array<i32>} : memref<80x128xi32, #tpu.memory_space<vmem>>, vector<1x16xi32>,
      %swap3A_357 = vector.shape_cast %swap3A_356 : vector<1x16xi32> to vector<16xi32>
      %swap3A_358 = vector.shape_cast %add3A_353 : vector<16xi32> to vector<1x16xi32>
      tpu.vector_store %arg10[%swap3A_354, %swap3A_355], %swap3A_358 {strides = array<i32>} : memref<80x128xi32, #tpu.memory_space<vmem>>, vector<1x16xi32>,
      %get3A_359 = arith.index_cast %scan3A_316 : i32 to index
      %get3A_360 = arith.constant 64 : index
      %get3A_361 = tpu.vector_load %arg9[%get3A_359, %get3A_360] {strides = array<i32>} : memref<80x128xi32, #tpu.memory_space<vmem>>, vector<1x16xi32>,
      %get3A_362 = vector.shape_cast %get3A_361 : vector<1x16xi32> to vector<16xi32>
      %add3A_363 = vector.broadcast %mul3A_175 : i32 to vector<16xi32>
      %add3A_364 = arith.addi %get3A_362, %add3A_363 : vector<16xi32>
      %swap3A_365 = arith.index_cast %scan3A_316 : i32 to index
      %swap3A_366 = arith.constant 64 : index
      %swap3A_367 = tpu.vector_load %arg10[%swap3A_365, %swap3A_366] {strides = array<i32>} : memref<80x128xi32, #tpu.memory_space<vmem>>, vector<1x16xi32>,
      %swap3A_368 = vector.shape_cast %swap3A_367 : vector<1x16xi32> to vector<16xi32>
      %swap3A_369 = vector.shape_cast %add3A_364 : vector<16xi32> to vector<1x16xi32>
      tpu.vector_store %arg10[%swap3A_365, %swap3A_366], %swap3A_369 {strides = array<i32>} : memref<80x128xi32, #tpu.memory_space<vmem>>, vector<1x16xi32>,
      %get3A_370 = arith.index_cast %scan3A_316 : i32 to index
      %get3A_371 = arith.constant 80 : index
      %get3A_372 = tpu.vector_load %arg9[%get3A_370, %get3A_371] {strides = array<i32>} : memref<80x128xi32, #tpu.memory_space<vmem>>, vector<1x16xi32>,
      %get3A_373 = vector.shape_cast %get3A_372 : vector<1x16xi32> to vector<16xi32>
      %add3A_374 = vector.broadcast %mul3A_175 : i32 to vector<16xi32>
      %add3A_375 = arith.addi %get3A_373, %add3A_374 : vector<16xi32>
      %swap3A_376 = arith.index_cast %scan3A_316 : i32 to index
      %swap3A_377 = arith.constant 80 : index
      %swap3A_378 = tpu.vector_load %arg10[%swap3A_376, %swap3A_377] {strides = array<i32>} : memref<80x128xi32, #tpu.memory_space<vmem>>, vector<1x16xi32>,
      %swap3A_379 = vector.shape_cast %swap3A_378 : vector<1x16xi32> to vector<16xi32>
      %swap3A_380 = vector.shape_cast %add3A_375 : vector<16xi32> to vector<1x16xi32>
      tpu.vector_store %arg10[%swap3A_376, %swap3A_377], %swap3A_380 {strides = array<i32>} : memref<80x128xi32, #tpu.memory_space<vmem>>, vector<1x16xi32>,
      %get3A_381 = arith.index_cast %scan3A_316 : i32 to index
      %get3A_382 = arith.constant 96 : index
      %get3A_383 = tpu.vector_load %arg9[%get3A_381, %get3A_382] {strides = array<i32>} : memref<80x128xi32, #tpu.memory_space<vmem>>, vector<1x16xi32>,
      %get3A_384 = vector.shape_cast %get3A_383 : vector<1x16xi32> to vector<16xi32>
      %add3A_385 = vector.broadcast %mul3A_175 : i32 to vector<16xi32>
      %add3A_386 = arith.addi %get3A_384, %add3A_385 : vector<16xi32>
      %swap3A_387 = arith.index_cast %scan3A_316 : i32 to index
      %swap3A_388 = arith.constant 96 : index
      %swap3A_389 = tpu.vector_load %arg10[%swap3A_387, %swap3A_388] {strides = array<i32>} : memref<80x128xi32, #tpu.memory_space<vmem>>, vector<1x16xi32>,
      %swap3A_390 = vector.shape_cast %swap3A_389 : vector<1x16xi32> to vector<16xi32>
      %swap3A_391 = vector.shape_cast %add3A_386 : vector<16xi32> to vector<1x16xi32>
      tpu.vector_store %arg10[%swap3A_387, %swap3A_388], %swap3A_391 {strides = array<i32>} : memref<80x128xi32, #tpu.memory_space<vmem>>, vector<1x16xi32>,
      %get3A_392 = arith.index_cast %scan3A_316 : i32 to index
      %get3A_393 = arith.constant 112 : index
      %get3A_394 = tpu.vector_load %arg9[%get3A_392, %get3A_393] {strides = array<i32>} : memref<80x128xi32, #tpu.memory_space<vmem>>, vector<1x16xi32>,
      %get3A_395 = vector.shape_cast %get3A_394 : vector<1x16xi32> to vector<16xi32>
      %add3A_396 = vector.broadcast %mul3A_175 : i32 to vector<16xi32>
      %add3A_397 = arith.addi %get3A_395, %add3A_396 : vector<16xi32>
      %swap3A_398 = arith.index_cast %scan3A_316 : i32 to index
      %swap3A_399 = arith.constant 112 : index
      %swap3A_400 = tpu.vector_load %arg10[%swap3A_398, %swap3A_399] {strides = array<i32>} : memref<80x128xi32, #tpu.memory_space<vmem>>, vector<1x16xi32>,
      %swap3A_401 = vector.shape_cast %swap3A_400 : vector<1x16xi32> to vector<16xi32>
      %swap3A_402 = vector.shape_cast %add3A_397 : vector<16xi32> to vector<1x16xi32>
      tpu.vector_store %arg10[%swap3A_398, %swap3A_399], %swap3A_402 {strides = array<i32>} : memref<80x128xi32, #tpu.memory_space<vmem>>, vector<1x16xi32>,
    }
    %scan3A_181 = arith.constant 80 : i32
    %barrier3A_182 = arith.constant 0 : index
    tpu.barrier barrier_id(%barrier3A_182)
    %dma_start3A_183 = arith.constant 0 : i32
    %dma_start3A_184 = arith.constant 0 : i32
    %dma_start3A_185 = arith.constant 0 : i32
    %dma_start3A_186 = arith.constant 0 : i32
    %dma_start3A_187 = tpu.memref_slice %arg12[%dma_start3A_185, %dma_start3A_186] : memref<512x128xbf16, #tpu.memory_space<vmem>> -> memref<128x128xbf16, #tpu.memory_space<vmem>>
    %dma_start3A_188 = arith.constant 0 : i32
    %dma_start3A_189 = tpu.memref_slice %arg10[%dma_start3A_183, %dma_start3A_188] : memref<80x128xi32, #tpu.memory_space<vmem>> -> memref<1x128xi32, #tpu.memory_space<vmem>>
    %dma_start3A_190 = tpu.memref_squeeze %dma_start3A_189 : memref<1x128xi32, #tpu.memory_space<vmem>> -> memref<128xi32, #tpu.memory_space<vmem>>
    %dma_start3A_191 = arith.constant 0 : i32
    %dma_start3A_192 = arith.constant 0 : i32
    %dma_start3A_193 = tpu.memref_slice %arg2[%dma_start3A_191, %dma_start3A_192] : memref<80000x128xbf16, #tpu.memory_space<hbm>> -> memref<80000x128xbf16, #tpu.memory_space<hbm>>
    %dma_start3A_194 = tpu.memref_slice %arg16[%dma_start3A_184] : memref<4x!tpu.dma_semaphore, #tpu.memory_space<semaphore_mem>> -> memref<1x!tpu.dma_semaphore, #tpu.memory_space<semaphore_mem>>
    %dma_start3A_195 = tpu.memref_squeeze %dma_start3A_194 : memref<1x!tpu.dma_semaphore, #tpu.memory_space<semaphore_mem>> -> memref<!tpu.dma_semaphore, #tpu.memory_space<semaphore_mem>>
    tpu.enqueue_indirect_dma source(%dma_start3A_193 : memref<80000x128xbf16, #tpu.memory_space<hbm>>) target(%dma_start3A_187 : memref<128x128xbf16, #tpu.memory_space<vmem>>) offsets(%dma_start3A_190 : memref<128xi32, #tpu.memory_space<vmem>>) semaphore(%dma_start3A_195 : memref<!tpu.dma_semaphore, #tpu.memory_space<semaphore_mem>>)
    %dma_start3A_196 = arith.constant 1 : i32
    %dma_start3A_197 = arith.constant 1 : i32
    %dma_start3A_198 = arith.constant 128 : i32
    %dma_start3A_199 = arith.constant 0 : i32
    %dma_start3A_200 = tpu.memref_slice %arg12[%dma_start3A_198, %dma_start3A_199] : memref<512x128xbf16, #tpu.memory_space<vmem>> -> memref<128x128xbf16, #tpu.memory_space<vmem>>
    %dma_start3A_201 = arith.constant 0 : i32
    %dma_start3A_202 = tpu.memref_slice %arg10[%dma_start3A_196, %dma_start3A_201] : memref<80x128xi32, #tpu.memory_space<vmem>> -> memref<1x128xi32, #tpu.memory_space<vmem>>
    %dma_start3A_203 = tpu.memref_squeeze %dma_start3A_202 : memref<1x128xi32, #tpu.memory_space<vmem>> -> memref<128xi32, #tpu.memory_space<vmem>>
    %dma_start3A_204 = arith.constant 0 : i32
    %dma_start3A_205 = arith.constant 0 : i32
    %dma_start3A_206 = tpu.memref_slice %arg2[%dma_start3A_204, %dma_start3A_205] : memref<80000x128xbf16, #tpu.memory_space<hbm>> -> memref<80000x128xbf16, #tpu.memory_space<hbm>>
    %dma_start3A_207 = tpu.memref_slice %arg16[%dma_start3A_197] : memref<4x!tpu.dma_semaphore, #tpu.memory_space<semaphore_mem>> -> memref<1x!tpu.dma_semaphore, #tpu.memory_space<semaphore_mem>>
    %dma_start3A_208 = tpu.memref_squeeze %dma_start3A_207 : memref<1x!tpu.dma_semaphore, #tpu.memory_space<semaphore_mem>> -> memref<!tpu.dma_semaphore, #tpu.memory_space<semaphore_mem>>
    tpu.enqueue_indirect_dma source(%dma_start3A_206 : memref<80000x128xbf16, #tpu.memory_space<hbm>>) target(%dma_start3A_200 : memref<128x128xbf16, #tpu.memory_space<vmem>>) offsets(%dma_start3A_203 : memref<128xi32, #tpu.memory_space<vmem>>) semaphore(%dma_start3A_208 : memref<!tpu.dma_semaphore, #tpu.memory_space<semaphore_mem>>)
    %dma_start3A_209 = arith.constant 2 : i32
    %dma_start3A_210 = arith.constant 2 : i32
    %dma_start3A_211 = arith.constant 256 : i32
    %dma_start3A_212 = arith.constant 0 : i32
    %dma_start3A_213 = tpu.memref_slice %arg12[%dma_start3A_211, %dma_start3A_212] : memref<512x128xbf16, #tpu.memory_space<vmem>> -> memref<128x128xbf16, #tpu.memory_space<vmem>>
    %dma_start3A_214 = arith.constant 0 : i32
    %dma_start3A_215 = tpu.memref_slice %arg10[%dma_start3A_209, %dma_start3A_214] : memref<80x128xi32, #tpu.memory_space<vmem>> -> memref<1x128xi32, #tpu.memory_space<vmem>>
    %dma_start3A_216 = tpu.memref_squeeze %dma_start3A_215 : memref<1x128xi32, #tpu.memory_space<vmem>> -> memref<128xi32, #tpu.memory_space<vmem>>
    %dma_start3A_217 = arith.constant 0 : i32
    %dma_start3A_218 = arith.constant 0 : i32
    %dma_start3A_219 = tpu.memref_slice %arg2[%dma_start3A_217, %dma_start3A_218] : memref<80000x128xbf16, #tpu.memory_space<hbm>> -> memref<80000x128xbf16, #tpu.memory_space<hbm>>
    %dma_start3A_220 = tpu.memref_slice %arg16[%dma_start3A_210] : memref<4x!tpu.dma_semaphore, #tpu.memory_space<semaphore_mem>> -> memref<1x!tpu.dma_semaphore, #tpu.memory_space<semaphore_mem>>
    %dma_start3A_221 = tpu.memref_squeeze %dma_start3A_220 : memref<1x!tpu.dma_semaphore, #tpu.memory_space<semaphore_mem>> -> memref<!tpu.dma_semaphore, #tpu.memory_space<semaphore_mem>>
    tpu.enqueue_indirect_dma source(%dma_start3A_219 : memref<80000x128xbf16, #tpu.memory_space<hbm>>) target(%dma_start3A_213 : memref<128x128xbf16, #tpu.memory_space<vmem>>) offsets(%dma_start3A_216 : memref<128xi32, #tpu.memory_space<vmem>>) semaphore(%dma_start3A_221 : memref<!tpu.dma_semaphore, #tpu.memory_space<semaphore_mem>>)
    %dma_start3A_222 = arith.constant 3 : i32
    %dma_start3A_223 = arith.constant 3 : i32
    %dma_start3A_224 = arith.constant 384 : i32
    %dma_start3A_225 = arith.constant 0 : i32
    %dma_start3A_226 = tpu.memref_slice %arg12[%dma_start3A_224, %dma_start3A_225] : memref<512x128xbf16, #tpu.memory_space<vmem>> -> memref<128x128xbf16, #tpu.memory_space<vmem>>
    %dma_start3A_227 = arith.constant 0 : i32
    %dma_start3A_228 = tpu.memref_slice %arg10[%dma_start3A_222, %dma_start3A_227] : memref<80x128xi32, #tpu.memory_space<vmem>> -> memref<1x128xi32, #tpu.memory_space<vmem>>
    %dma_start3A_229 = tpu.memref_squeeze %dma_start3A_228 : memref<1x128xi32, #tpu.memory_space<vmem>> -> memref<128xi32, #tpu.memory_space<vmem>>
    %dma_start3A_230 = arith.constant 0 : i32
    %dma_start3A_231 = arith.constant 0 : i32
    %dma_start3A_232 = tpu.memref_slice %arg2[%dma_start3A_230, %dma_start3A_231] : memref<80000x128xbf16, #tpu.memory_space<hbm>> -> memref<80000x128xbf16, #tpu.memory_space<hbm>>
    %dma_start3A_233 = tpu.memref_slice %arg16[%dma_start3A_223] : memref<4x!tpu.dma_semaphore, #tpu.memory_space<semaphore_mem>> -> memref<1x!tpu.dma_semaphore, #tpu.memory_space<semaphore_mem>>
    %dma_start3A_234 = tpu.memref_squeeze %dma_start3A_233 : memref<1x!tpu.dma_semaphore, #tpu.memory_space<semaphore_mem>> -> memref<!tpu.dma_semaphore, #tpu.memory_space<semaphore_mem>>
    tpu.enqueue_indirect_dma source(%dma_start3A_232 : memref<80000x128xbf16, #tpu.memory_space<hbm>>) target(%dma_start3A_226 : memref<128x128xbf16, #tpu.memory_space<vmem>>) offsets(%dma_start3A_229 : memref<128xi32, #tpu.memory_space<vmem>>) semaphore(%dma_start3A_234 : memref<!tpu.dma_semaphore, #tpu.memory_space<semaphore_mem>>)
    %scan3A_235 = arith.constant 0 : i32
    %scan3A_236 = arith.constant 0 : i32
    %scan3A_237 = arith.constant 0 : i32
    %scan3A_238 = arith.constant 1 : i32
    %scan3A_239 = arith.constant 1 : i32
    %scan3A_240 = arith.constant 2 : i32
    %scan3A_241 = arith.constant 2 : i32
    %scan3A_242 = arith.constant 3 : i32
    %scan3A_243 = arith.constant 3 : i32
    %scan3A_244 = arith.constant 0 : i32
    %scan3A_245 = arith.constant 20 : i32
    %scan3A_246 = arith.addi %scan3A_244, %scan3A_245 : i32
    %scan3A_247 = arith.constant 1 : i32
    scf.for %scan3A_316 = %scan3A_244 to %scan3A_246 step %scan3A_247  : i32 {
      %mul3A_317 = arith.constant 4 : i32
      %mul3A_318 = arith.muli %scan3A_316, %mul3A_317 : i32
      %add3A_319 = arith.constant 0 : i32
      %add3A_320 = arith.addi %mul3A_318, %add3A_319 : i32
      %dma_wait3A_321 = arith.constant 0 : i32
      %dma_wait3A_322 = arith.constant 0 : i32
      %dma_wait3A_323 = tpu.memref_slice %arg12[%dma_wait3A_321, %dma_wait3A_322] : memref<512x128xbf16, #tpu.memory_space<vmem>> -> memref<128x128xbf16, #tpu.memory_space<vmem>>
      %dma_wait3A_324 = arith.constant 0 : i32
      %dma_wait3A_325 = tpu.memref_slice %arg10[%add3A_320, %dma_wait3A_324] : memref<80x128xi32, #tpu.memory_space<vmem>> -> memref<1x128xi32, #tpu.memory_space<vmem>>
      %dma_wait3A_326 = tpu.memref_squeeze %dma_wait3A_325 : memref<1x128xi32, #tpu.memory_space<vmem>> -> memref<128xi32, #tpu.memory_space<vmem>>
      %dma_wait3A_327 = arith.constant 0 : i32
      %dma_wait3A_328 = arith.constant 0 : i32
      %dma_wait3A_329 = tpu.memref_slice %arg2[%dma_wait3A_327, %dma_wait3A_328] : memref<80000x128xbf16, #tpu.memory_space<hbm>> -> memref<80000x128xbf16, #tpu.memory_space<hbm>>
      %dma_wait3A_330 = tpu.memref_slice %arg16[%scan3A_236] : memref<4x!tpu.dma_semaphore, #tpu.memory_space<semaphore_mem>> -> memref<1x!tpu.dma_semaphore, #tpu.memory_space<semaphore_mem>>
      %dma_wait3A_331 = tpu.memref_squeeze %dma_wait3A_330 : memref<1x!tpu.dma_semaphore, #tpu.memory_space<semaphore_mem>> -> memref<!tpu.dma_semaphore, #tpu.memory_space<semaphore_mem>>
      tpu.wait_indirect_dma semaphore(%dma_wait3A_331 : memref<!tpu.dma_semaphore, #tpu.memory_space<semaphore_mem>>) src(%dma_wait3A_329 : memref<80000x128xbf16, #tpu.memory_space<hbm>>) dst(%dma_wait3A_323 : memref<128x128xbf16, #tpu.memory_space<vmem>>)
      %add3A_332 = arith.constant 0 : i32
      %add3A_333 = arith.addi %mul3A_318, %add3A_332 : i32
      %dma_start3A_334 = arith.constant 0 : i32
      %dma_start3A_335 = arith.constant 0 : i32
      %dma_start3A_336 = tpu.memref_slice %arg12[%dma_start3A_334, %dma_start3A_335] : memref<512x128xbf16, #tpu.memory_space<vmem>> -> memref<128x128xbf16, #tpu.memory_space<vmem>>
      %dma_start3A_337 = arith.constant 0 : i32
      %dma_start3A_338 = tpu.memref_slice %arg11[%add3A_333, %dma_start3A_337] : memref<80x128xi32, #tpu.memory_space<vmem>> -> memref<1x128xi32, #tpu.memory_space<vmem>>
      %dma_start3A_339 = tpu.memref_squeeze %dma_start3A_338 : memref<1x128xi32, #tpu.memory_space<vmem>> -> memref<128xi32, #tpu.memory_space<vmem>>
      %dma_start3A_340 = arith.constant 0 : i32
      %dma_start3A_341 = arith.constant 0 : i32
      %dma_start3A_342 = tpu.memref_slice %arg18[%dma_start3A_340, %dma_start3A_341] : memref<10240x128xbf16, #tpu.memory_space<vmem_shared>> -> memref<10240x128xbf16, #tpu.memory_space<vmem_shared>>
      %dma_start3A_343 = tpu.memref_slice %arg17[%scan3A_237] : memref<4x!tpu.dma_semaphore, #tpu.memory_space<semaphore_mem>> -> memref<1x!tpu.dma_semaphore, #tpu.memory_space<semaphore_mem>>
      %dma_start3A_344 = tpu.memref_squeeze %dma_start3A_343 : memref<1x!tpu.dma_semaphore, #tpu.memory_space<semaphore_mem>> -> memref<!tpu.dma_semaphore, #tpu.memory_space<semaphore_mem>>
      tpu.enqueue_indirect_dma source(%dma_start3A_336 : memref<128x128xbf16, #tpu.memory_space<vmem>>) target(%dma_start3A_342 : memref<10240x128xbf16, #tpu.memory_space<vmem_shared>>) offsets(%dma_start3A_339 : memref<128xi32, #tpu.memory_space<vmem>>) semaphore(%dma_start3A_344 : memref<!tpu.dma_semaphore, #tpu.memory_space<semaphore_mem>>) {add = true}
      %add3A_345 = arith.constant 1 : i32
      %add3A_346 = arith.addi %mul3A_318, %add3A_345 : i32
      %dma_wait3A_347 = arith.constant 128 : i32
      %dma_wait3A_348 = arith.constant 0 : i32
      %dma_wait3A_349 = tpu.memref_slice %arg12[%dma_wait3A_347, %dma_wait3A_348] : memref<512x128xbf16, #tpu.memory_space<vmem>> -> memref<128x128xbf16, #tpu.memory_space<vmem>>
      %dma_wait3A_350 = arith.constant 0 : i32
      %dma_wait3A_351 = tpu.memref_slice %arg10[%add3A_346, %dma_wait3A_350] : memref<80x128xi32, #tpu.memory_space<vmem>> -> memref<1x128xi32, #tpu.memory_space<vmem>>
      %dma_wait3A_352 = tpu.memref_squeeze %dma_wait3A_351 : memref<1x128xi32, #tpu.memory_space<vmem>> -> memref<128xi32, #tpu.memory_space<vmem>>
      %dma_wait3A_353 = arith.constant 0 : i32
      %dma_wait3A_354 = arith.constant 0 : i32
      %dma_wait3A_355 = tpu.memref_slice %arg2[%dma_wait3A_353, %dma_wait3A_354] : memref<80000x128xbf16, #tpu.memory_space<hbm>> -> memref<80000x128xbf16, #tpu.memory_space<hbm>>
      %dma_wait3A_356 = tpu.memref_slice %arg16[%scan3A_238] : memref<4x!tpu.dma_semaphore, #tpu.memory_space<semaphore_mem>> -> memref<1x!tpu.dma_semaphore, #tpu.memory_space<semaphore_mem>>
      %dma_wait3A_357 = tpu.memref_squeeze %dma_wait3A_356 : memref<1x!tpu.dma_semaphore, #tpu.memory_space<semaphore_mem>> -> memref<!tpu.dma_semaphore, #tpu.memory_space<semaphore_mem>>
      tpu.wait_indirect_dma semaphore(%dma_wait3A_357 : memref<!tpu.dma_semaphore, #tpu.memory_space<semaphore_mem>>) src(%dma_wait3A_355 : memref<80000x128xbf16, #tpu.memory_space<hbm>>) dst(%dma_wait3A_349 : memref<128x128xbf16, #tpu.memory_space<vmem>>)
      %add3A_358 = arith.constant 1 : i32
      %add3A_359 = arith.addi %mul3A_318, %add3A_358 : i32
      %dma_start3A_360 = arith.constant 128 : i32
      %dma_start3A_361 = arith.constant 0 : i32
      %dma_start3A_362 = tpu.memref_slice %arg12[%dma_start3A_360, %dma_start3A_361] : memref<512x128xbf16, #tpu.memory_space<vmem>> -> memref<128x128xbf16, #tpu.memory_space<vmem>>
      %dma_start3A_363 = arith.constant 0 : i32
      %dma_start3A_364 = tpu.memref_slice %arg11[%add3A_359, %dma_start3A_363] : memref<80x128xi32, #tpu.memory_space<vmem>> -> memref<1x128xi32, #tpu.memory_space<vmem>>
      %dma_start3A_365 = tpu.memref_squeeze %dma_start3A_364 : memref<1x128xi32, #tpu.memory_space<vmem>> -> memref<128xi32, #tpu.memory_space<vmem>>
      %dma_start3A_366 = arith.constant 0 : i32
      %dma_start3A_367 = arith.constant 0 : i32
      %dma_start3A_368 = tpu.memref_slice %arg18[%dma_start3A_366, %dma_start3A_367] : memref<10240x128xbf16, #tpu.memory_space<vmem_shared>> -> memref<10240x128xbf16, #tpu.memory_space<vmem_shared>>
      %dma_start3A_369 = tpu.memref_slice %arg17[%scan3A_239] : memref<4x!tpu.dma_semaphore, #tpu.memory_space<semaphore_mem>> -> memref<1x!tpu.dma_semaphore, #tpu.memory_space<semaphore_mem>>
      %dma_start3A_370 = tpu.memref_squeeze %dma_start3A_369 : memref<1x!tpu.dma_semaphore, #tpu.memory_space<semaphore_mem>> -> memref<!tpu.dma_semaphore, #tpu.memory_space<semaphore_mem>>
      tpu.enqueue_indirect_dma source(%dma_start3A_362 : memref<128x128xbf16, #tpu.memory_space<vmem>>) target(%dma_start3A_368 : memref<10240x128xbf16, #tpu.memory_space<vmem_shared>>) offsets(%dma_start3A_365 : memref<128xi32, #tpu.memory_space<vmem>>) semaphore(%dma_start3A_370 : memref<!tpu.dma_semaphore, #tpu.memory_space<semaphore_mem>>) {add = true}
      %add3A_371 = arith.constant 2 : i32
      %add3A_372 = arith.addi %mul3A_318, %add3A_371 : i32
      %dma_wait3A_373 = arith.constant 256 : i32
      %dma_wait3A_374 = arith.constant 0 : i32
      %dma_wait3A_375 = tpu.memref_slice %arg12[%dma_wait3A_373, %dma_wait3A_374] : memref<512x128xbf16, #tpu.memory_space<vmem>> -> memref<128x128xbf16, #tpu.memory_space<vmem>>
      %dma_wait3A_376 = arith.constant 0 : i32
      %dma_wait3A_377 = tpu.memref_slice %arg10[%add3A_372, %dma_wait3A_376] : memref<80x128xi32, #tpu.memory_space<vmem>> -> memref<1x128xi32, #tpu.memory_space<vmem>>
      %dma_wait3A_378 = tpu.memref_squeeze %dma_wait3A_377 : memref<1x128xi32, #tpu.memory_space<vmem>> -> memref<128xi32, #tpu.memory_space<vmem>>
      %dma_wait3A_379 = arith.constant 0 : i32
      %dma_wait3A_380 = arith.constant 0 : i32
      %dma_wait3A_381 = tpu.memref_slice %arg2[%dma_wait3A_379, %dma_wait3A_380] : memref<80000x128xbf16, #tpu.memory_space<hbm>> -> memref<80000x128xbf16, #tpu.memory_space<hbm>>
      %dma_wait3A_382 = tpu.memref_slice %arg16[%scan3A_240] : memref<4x!tpu.dma_semaphore, #tpu.memory_space<semaphore_mem>> -> memref<1x!tpu.dma_semaphore, #tpu.memory_space<semaphore_mem>>
      %dma_wait3A_383 = tpu.memref_squeeze %dma_wait3A_382 : memref<1x!tpu.dma_semaphore, #tpu.memory_space<semaphore_mem>> -> memref<!tpu.dma_semaphore, #tpu.memory_space<semaphore_mem>>
      tpu.wait_indirect_dma semaphore(%dma_wait3A_383 : memref<!tpu.dma_semaphore, #tpu.memory_space<semaphore_mem>>) src(%dma_wait3A_381 : memref<80000x128xbf16, #tpu.memory_space<hbm>>) dst(%dma_wait3A_375 : memref<128x128xbf16, #tpu.memory_space<vmem>>)
      %add3A_384 = arith.constant 2 : i32
      %add3A_385 = arith.addi %mul3A_318, %add3A_384 : i32
      %dma_start3A_386 = arith.constant 256 : i32
      %dma_start3A_387 = arith.constant 0 : i32
      %dma_start3A_388 = tpu.memref_slice %arg12[%dma_start3A_386, %dma_start3A_387] : memref<512x128xbf16, #tpu.memory_space<vmem>> -> memref<128x128xbf16, #tpu.memory_space<vmem>>
      %dma_start3A_389 = arith.constant 0 : i32
      %dma_start3A_390 = tpu.memref_slice %arg11[%add3A_385, %dma_start3A_389] : memref<80x128xi32, #tpu.memory_space<vmem>> -> memref<1x128xi32, #tpu.memory_space<vmem>>
      %dma_start3A_391 = tpu.memref_squeeze %dma_start3A_390 : memref<1x128xi32, #tpu.memory_space<vmem>> -> memref<128xi32, #tpu.memory_space<vmem>>
      %dma_start3A_392 = arith.constant 0 : i32
      %dma_start3A_393 = arith.constant 0 : i32
      %dma_start3A_394 = tpu.memref_slice %arg18[%dma_start3A_392, %dma_start3A_393] : memref<10240x128xbf16, #tpu.memory_space<vmem_shared>> -> memref<10240x128xbf16, #tpu.memory_space<vmem_shared>>
      %dma_start3A_395 = tpu.memref_slice %arg17[%scan3A_241] : memref<4x!tpu.dma_semaphore, #tpu.memory_space<semaphore_mem>> -> memref<1x!tpu.dma_semaphore, #tpu.memory_space<semaphore_mem>>
      %dma_start3A_396 = tpu.memref_squeeze %dma_start3A_395 : memref<1x!tpu.dma_semaphore, #tpu.memory_space<semaphore_mem>> -> memref<!tpu.dma_semaphore, #tpu.memory_space<semaphore_mem>>
      tpu.enqueue_indirect_dma source(%dma_start3A_388 : memref<128x128xbf16, #tpu.memory_space<vmem>>) target(%dma_start3A_394 : memref<10240x128xbf16, #tpu.memory_space<vmem_shared>>) offsets(%dma_start3A_391 : memref<128xi32, #tpu.memory_space<vmem>>) semaphore(%dma_start3A_396 : memref<!tpu.dma_semaphore, #tpu.memory_space<semaphore_mem>>) {add = true}
      %add3A_397 = arith.constant 3 : i32
      %add3A_398 = arith.addi %mul3A_318, %add3A_397 : i32
      %dma_wait3A_399 = arith.constant 384 : i32
      %dma_wait3A_400 = arith.constant 0 : i32
      %dma_wait3A_401 = tpu.memref_slice %arg12[%dma_wait3A_399, %dma_wait3A_400] : memref<512x128xbf16, #tpu.memory_space<vmem>> -> memref<128x128xbf16, #tpu.memory_space<vmem>>
      %dma_wait3A_402 = arith.constant 0 : i32
      %dma_wait3A_403 = tpu.memref_slice %arg10[%add3A_398, %dma_wait3A_402] : memref<80x128xi32, #tpu.memory_space<vmem>> -> memref<1x128xi32, #tpu.memory_space<vmem>>
      %dma_wait3A_404 = tpu.memref_squeeze %dma_wait3A_403 : memref<1x128xi32, #tpu.memory_space<vmem>> -> memref<128xi32, #tpu.memory_space<vmem>>
      %dma_wait3A_405 = arith.constant 0 : i32
      %dma_wait3A_406 = arith.constant 0 : i32
      %dma_wait3A_407 = tpu.memref_slice %arg2[%dma_wait3A_405, %dma_wait3A_406] : memref<80000x128xbf16, #tpu.memory_space<hbm>> -> memref<80000x128xbf16, #tpu.memory_space<hbm>>
      %dma_wait3A_408 = tpu.memref_slice %arg16[%scan3A_242] : memref<4x!tpu.dma_semaphore, #tpu.memory_space<semaphore_mem>> -> memref<1x!tpu.dma_semaphore, #tpu.memory_space<semaphore_mem>>
      %dma_wait3A_409 = tpu.memref_squeeze %dma_wait3A_408 : memref<1x!tpu.dma_semaphore, #tpu.memory_space<semaphore_mem>> -> memref<!tpu.dma_semaphore, #tpu.memory_space<semaphore_mem>>
      tpu.wait_indirect_dma semaphore(%dma_wait3A_409 : memref<!tpu.dma_semaphore, #tpu.memory_space<semaphore_mem>>) src(%dma_wait3A_407 : memref<80000x128xbf16, #tpu.memory_space<hbm>>) dst(%dma_wait3A_401 : memref<128x128xbf16, #tpu.memory_space<vmem>>)
      %add3A_410 = arith.constant 3 : i32
      %add3A_411 = arith.addi %mul3A_318, %add3A_410 : i32
      %dma_start3A_412 = arith.constant 384 : i32
      %dma_start3A_413 = arith.constant 0 : i32
      %dma_start3A_414 = tpu.memref_slice %arg12[%dma_start3A_412, %dma_start3A_413] : memref<512x128xbf16, #tpu.memory_space<vmem>> -> memref<128x128xbf16, #tpu.memory_space<vmem>>
      %dma_start3A_415 = arith.constant 0 : i32
      %dma_start3A_416 = tpu.memref_slice %arg11[%add3A_411, %dma_start3A_415] : memref<80x128xi32, #tpu.memory_space<vmem>> -> memref<1x128xi32, #tpu.memory_space<vmem>>
      %dma_start3A_417 = tpu.memref_squeeze %dma_start3A_416 : memref<1x128xi32, #tpu.memory_space<vmem>> -> memref<128xi32, #tpu.memory_space<vmem>>
      %dma_start3A_418 = arith.constant 0 : i32
      %dma_start3A_419 = arith.constant 0 : i32
      %dma_start3A_420 = tpu.memref_slice %arg18[%dma_start3A_418, %dma_start3A_419] : memref<10240x128xbf16, #tpu.memory_space<vmem_shared>> -> memref<10240x128xbf16, #tpu.memory_space<vmem_shared>>
      %dma_start3A_421 = tpu.memref_slice %arg17[%scan3A_243] : memref<4x!tpu.dma_semaphore, #tpu.memory_space<semaphore_mem>> -> memref<1x!tpu.dma_semaphore, #tpu.memory_space<semaphore_mem>>
      %dma_start3A_422 = tpu.memref_squeeze %dma_start3A_421 : memref<1x!tpu.dma_semaphore, #tpu.memory_space<semaphore_mem>> -> memref<!tpu.dma_semaphore, #tpu.memory_space<semaphore_mem>>
      tpu.enqueue_indirect_dma source(%dma_start3A_414 : memref<128x128xbf16, #tpu.memory_space<vmem>>) target(%dma_start3A_420 : memref<10240x128xbf16, #tpu.memory_space<vmem_shared>>) offsets(%dma_start3A_417 : memref<128xi32, #tpu.memory_space<vmem>>) semaphore(%dma_start3A_422 : memref<!tpu.dma_semaphore, #tpu.memory_space<semaphore_mem>>) {add = true}
      %lt3A_423 = arith.constant 19 : i32
      %lt3A_424 = arith.cmpi slt, %scan3A_316, %lt3A_423 : i32
      %convert_element_type3A_425 = arith.extui %lt3A_424 : i1 to i32
      %cond3A_426 = arith.constant 0 : i32
      %cond3A_427 = arith.cmpi ne, %convert_element_type3A_425, %cond3A_426 : i32
      scf.if %cond3A_427 {
        %add3A_428 = arith.constant 0 : i32
        %add3A_429 = arith.addi %mul3A_318, %add3A_428 : i32
        %dma_wait3A_430 = arith.constant 0 : i32
        %dma_wait3A_431 = arith.constant 0 : i32
        %dma_wait3A_432 = tpu.memref_slice %arg12[%dma_wait3A_430, %dma_wait3A_431] : memref<512x128xbf16, #tpu.memory_space<vmem>> -> memref<128x128xbf16, #tpu.memory_space<vmem>>
        %dma_wait3A_433 = arith.constant 0 : i32
        %dma_wait3A_434 = tpu.memref_slice %arg11[%add3A_429, %dma_wait3A_433] : memref<80x128xi32, #tpu.memory_space<vmem>> -> memref<1x128xi32, #tpu.memory_space<vmem>>
        %dma_wait3A_435 = tpu.memref_squeeze %dma_wait3A_434 : memref<1x128xi32, #tpu.memory_space<vmem>> -> memref<128xi32, #tpu.memory_space<vmem>>
        %dma_wait3A_436 = arith.constant 0 : i32
        %dma_wait3A_437 = arith.constant 0 : i32
        %dma_wait3A_438 = tpu.memref_slice %arg18[%dma_wait3A_436, %dma_wait3A_437] : memref<10240x128xbf16, #tpu.memory_space<vmem_shared>> -> memref<10240x128xbf16, #tpu.memory_space<vmem_shared>>
        %dma_wait3A_439 = tpu.memref_slice %arg17[%scan3A_237] : memref<4x!tpu.dma_semaphore, #tpu.memory_space<semaphore_mem>> -> memref<1x!tpu.dma_semaphore, #tpu.memory_space<semaphore_mem>>
        %dma_wait3A_440 = tpu.memref_squeeze %dma_wait3A_439 : memref<1x!tpu.dma_semaphore, #tpu.memory_space<semaphore_mem>> -> memref<!tpu.dma_semaphore, #tpu.memory_space<semaphore_mem>>
        tpu.wait_indirect_dma semaphore(%dma_wait3A_440 : memref<!tpu.dma_semaphore, #tpu.memory_space<semaphore_mem>>) src(%dma_wait3A_432 : memref<128x128xbf16, #tpu.memory_space<vmem>>) dst(%dma_wait3A_438 : memref<10240x128xbf16, #tpu.memory_space<vmem_shared>>)
        %add3A_441 = arith.constant 4 : i32
        %add3A_442 = arith.addi %mul3A_318, %add3A_441 : i32
        %add3A_443 = arith.constant 0 : i32
        %add3A_444 = arith.addi %add3A_442, %add3A_443 : i32
        %dma_start3A_445 = arith.constant 0 : i32
        %dma_start3A_446 = arith.constant 0 : i32
        %dma_start3A_447 = tpu.memref_slice %arg12[%dma_start3A_445, %dma_start3A_446] : memref<512x128xbf16, #tpu.memory_space<vmem>> -> memref<128x128xbf16, #tpu.memory_space<vmem>>
        %dma_start3A_448 = arith.constant 0 : i32
        %dma_start3A_449 = tpu.memref_slice %arg10[%add3A_444, %dma_start3A_448] : memref<80x128xi32, #tpu.memory_space<vmem>> -> memref<1x128xi32, #tpu.memory_space<vmem>>
        %dma_start3A_450 = tpu.memref_squeeze %dma_start3A_449 : memref<1x128xi32, #tpu.memory_space<vmem>> -> memref<128xi32, #tpu.memory_space<vmem>>
        %dma_start3A_451 = arith.constant 0 : i32
        %dma_start3A_452 = arith.constant 0 : i32
        %dma_start3A_453 = tpu.memref_slice %arg2[%dma_start3A_451, %dma_start3A_452] : memref<80000x128xbf16, #tpu.memory_space<hbm>> -> memref<80000x128xbf16, #tpu.memory_space<hbm>>
        %dma_start3A_454 = tpu.memref_slice %arg16[%scan3A_236] : memref<4x!tpu.dma_semaphore, #tpu.memory_space<semaphore_mem>> -> memref<1x!tpu.dma_semaphore, #tpu.memory_space<semaphore_mem>>
        %dma_start3A_455 = tpu.memref_squeeze %dma_start3A_454 : memref<1x!tpu.dma_semaphore, #tpu.memory_space<semaphore_mem>> -> memref<!tpu.dma_semaphore, #tpu.memory_space<semaphore_mem>>
        tpu.enqueue_indirect_dma source(%dma_start3A_453 : memref<80000x128xbf16, #tpu.memory_space<hbm>>) target(%dma_start3A_447 : memref<128x128xbf16, #tpu.memory_space<vmem>>) offsets(%dma_start3A_450 : memref<128xi32, #tpu.memory_space<vmem>>) semaphore(%dma_start3A_455 : memref<!tpu.dma_semaphore, #tpu.memory_space<semaphore_mem>>)
        %add3A_456 = arith.constant 1 : i32
        %add3A_457 = arith.addi %mul3A_318, %add3A_456 : i32
        %dma_wait3A_458 = arith.constant 128 : i32
        %dma_wait3A_459 = arith.constant 0 : i32
        %dma_wait3A_460 = tpu.memref_slice %arg12[%dma_wait3A_458, %dma_wait3A_459] : memref<512x128xbf16, #tpu.memory_space<vmem>> -> memref<128x128xbf16, #tpu.memory_space<vmem>>
        %dma_wait3A_461 = arith.constant 0 : i32
        %dma_wait3A_462 = tpu.memref_slice %arg11[%add3A_457, %dma_wait3A_461] : memref<80x128xi32, #tpu.memory_space<vmem>> -> memref<1x128xi32, #tpu.memory_space<vmem>>
        %dma_wait3A_463 = tpu.memref_squeeze %dma_wait3A_462 : memref<1x128xi32, #tpu.memory_space<vmem>> -> memref<128xi32, #tpu.memory_space<vmem>>
        %dma_wait3A_464 = arith.constant 0 : i32
        %dma_wait3A_465 = arith.constant 0 : i32
        %dma_wait3A_466 = tpu.memref_slice %arg18[%dma_wait3A_464, %dma_wait3A_465] : memref<10240x128xbf16, #tpu.memory_space<vmem_shared>> -> memref<10240x128xbf16, #tpu.memory_space<vmem_shared>>
        %dma_wait3A_467 = tpu.memref_slice %arg17[%scan3A_239] : memref<4x!tpu.dma_semaphore, #tpu.memory_space<semaphore_mem>> -> memref<1x!tpu.dma_semaphore, #tpu.memory_space<semaphore_mem>>
        %dma_wait3A_468 = tpu.memref_squeeze %dma_wait3A_467 : memref<1x!tpu.dma_semaphore, #tpu.memory_space<semaphore_mem>> -> memref<!tpu.dma_semaphore, #tpu.memory_space<semaphore_mem>>
        tpu.wait_indirect_dma semaphore(%dma_wait3A_468 : memref<!tpu.dma_semaphore, #tpu.memory_space<semaphore_mem>>) src(%dma_wait3A_460 : memref<128x128xbf16, #tpu.memory_space<vmem>>) dst(%dma_wait3A_466 : memref<10240x128xbf16, #tpu.memory_space<vmem_shared>>)
        %add3A_469 = arith.constant 4 : i32
        %add3A_470 = arith.addi %mul3A_318, %add3A_469 : i32
        %add3A_471 = arith.constant 1 : i32
        %add3A_472 = arith.addi %add3A_470, %add3A_471 : i32
        %dma_start3A_473 = arith.constant 128 : i32
        %dma_start3A_474 = arith.constant 0 : i32
        %dma_start3A_475 = tpu.memref_slice %arg12[%dma_start3A_473, %dma_start3A_474] : memref<512x128xbf16, #tpu.memory_space<vmem>> -> memref<128x128xbf16, #tpu.memory_space<vmem>>
        %dma_start3A_476 = arith.constant 0 : i32
        %dma_start3A_477 = tpu.memref_slice %arg10[%add3A_472, %dma_start3A_476] : memref<80x128xi32, #tpu.memory_space<vmem>> -> memref<1x128xi32, #tpu.memory_space<vmem>>
        %dma_start3A_478 = tpu.memref_squeeze %dma_start3A_477 : memref<1x128xi32, #tpu.memory_space<vmem>> -> memref<128xi32, #tpu.memory_space<vmem>>
        %dma_start3A_479 = arith.constant 0 : i32
        %dma_start3A_480 = arith.constant 0 : i32
        %dma_start3A_481 = tpu.memref_slice %arg2[%dma_start3A_479, %dma_start3A_480] : memref<80000x128xbf16, #tpu.memory_space<hbm>> -> memref<80000x128xbf16, #tpu.memory_space<hbm>>
        %dma_start3A_482 = tpu.memref_slice %arg16[%scan3A_238] : memref<4x!tpu.dma_semaphore, #tpu.memory_space<semaphore_mem>> -> memref<1x!tpu.dma_semaphore, #tpu.memory_space<semaphore_mem>>
        %dma_start3A_483 = tpu.memref_squeeze %dma_start3A_482 : memref<1x!tpu.dma_semaphore, #tpu.memory_space<semaphore_mem>> -> memref<!tpu.dma_semaphore, #tpu.memory_space<semaphore_mem>>
        tpu.enqueue_indirect_dma source(%dma_start3A_481 : memref<80000x128xbf16, #tpu.memory_space<hbm>>) target(%dma_start3A_475 : memref<128x128xbf16, #tpu.memory_space<vmem>>) offsets(%dma_start3A_478 : memref<128xi32, #tpu.memory_space<vmem>>) semaphore(%dma_start3A_483 : memref<!tpu.dma_semaphore, #tpu.memory_space<semaphore_mem>>)
        %add3A_484 = arith.constant 2 : i32
        %add3A_485 = arith.addi %mul3A_318, %add3A_484 : i32
        %dma_wait3A_486 = arith.constant 256 : i32
        %dma_wait3A_487 = arith.constant 0 : i32
        %dma_wait3A_488 = tpu.memref_slice %arg12[%dma_wait3A_486, %dma_wait3A_487] : memref<512x128xbf16, #tpu.memory_space<vmem>> -> memref<128x128xbf16, #tpu.memory_space<vmem>>
        %dma_wait3A_489 = arith.constant 0 : i32
        %dma_wait3A_490 = tpu.memref_slice %arg11[%add3A_485, %dma_wait3A_489] : memref<80x128xi32, #tpu.memory_space<vmem>> -> memref<1x128xi32, #tpu.memory_space<vmem>>
        %dma_wait3A_491 = tpu.memref_squeeze %dma_wait3A_490 : memref<1x128xi32, #tpu.memory_space<vmem>> -> memref<128xi32, #tpu.memory_space<vmem>>
        %dma_wait3A_492 = arith.constant 0 : i32
        %dma_wait3A_493 = arith.constant 0 : i32
        %dma_wait3A_494 = tpu.memref_slice %arg18[%dma_wait3A_492, %dma_wait3A_493] : memref<10240x128xbf16, #tpu.memory_space<vmem_shared>> -> memref<10240x128xbf16, #tpu.memory_space<vmem_shared>>
        %dma_wait3A_495 = tpu.memref_slice %arg17[%scan3A_241] : memref<4x!tpu.dma_semaphore, #tpu.memory_space<semaphore_mem>> -> memref<1x!tpu.dma_semaphore, #tpu.memory_space<semaphore_mem>>
        %dma_wait3A_496 = tpu.memref_squeeze %dma_wait3A_495 : memref<1x!tpu.dma_semaphore, #tpu.memory_space<semaphore_mem>> -> memref<!tpu.dma_semaphore, #tpu.memory_space<semaphore_mem>>
        tpu.wait_indirect_dma semaphore(%dma_wait3A_496 : memref<!tpu.dma_semaphore, #tpu.memory_space<semaphore_mem>>) src(%dma_wait3A_488 : memref<128x128xbf16, #tpu.memory_space<vmem>>) dst(%dma_wait3A_494 : memref<10240x128xbf16, #tpu.memory_space<vmem_shared>>)
        %add3A_497 = arith.constant 4 : i32
        %add3A_498 = arith.addi %mul3A_318, %add3A_497 : i32
        %add3A_499 = arith.constant 2 : i32
        %add3A_500 = arith.addi %add3A_498, %add3A_499 : i32
        %dma_start3A_501 = arith.constant 256 : i32
        %dma_start3A_502 = arith.constant 0 : i32
        %dma_start3A_503 = tpu.memref_slice %arg12[%dma_start3A_501, %dma_start3A_502] : memref<512x128xbf16, #tpu.memory_space<vmem>> -> memref<128x128xbf16, #tpu.memory_space<vmem>>
        %dma_start3A_504 = arith.constant 0 : i32
        %dma_start3A_505 = tpu.memref_slice %arg10[%add3A_500, %dma_start3A_504] : memref<80x128xi32, #tpu.memory_space<vmem>> -> memref<1x128xi32, #tpu.memory_space<vmem>>
        %dma_start3A_506 = tpu.memref_squeeze %dma_start3A_505 : memref<1x128xi32, #tpu.memory_space<vmem>> -> memref<128xi32, #tpu.memory_space<vmem>>
        %dma_start3A_507 = arith.constant 0 : i32
        %dma_start3A_508 = arith.constant 0 : i32
        %dma_start3A_509 = tpu.memref_slice %arg2[%dma_start3A_507, %dma_start3A_508] : memref<80000x128xbf16, #tpu.memory_space<hbm>> -> memref<80000x128xbf16, #tpu.memory_space<hbm>>
        %dma_start3A_510 = tpu.memref_slice %arg16[%scan3A_240] : memref<4x!tpu.dma_semaphore, #tpu.memory_space<semaphore_mem>> -> memref<1x!tpu.dma_semaphore, #tpu.memory_space<semaphore_mem>>
        %dma_start3A_511 = tpu.memref_squeeze %dma_start3A_510 : memref<1x!tpu.dma_semaphore, #tpu.memory_space<semaphore_mem>> -> memref<!tpu.dma_semaphore, #tpu.memory_space<semaphore_mem>>
        tpu.enqueue_indirect_dma source(%dma_start3A_509 : memref<80000x128xbf16, #tpu.memory_space<hbm>>) target(%dma_start3A_503 : memref<128x128xbf16, #tpu.memory_space<vmem>>) offsets(%dma_start3A_506 : memref<128xi32, #tpu.memory_space<vmem>>) semaphore(%dma_start3A_511 : memref<!tpu.dma_semaphore, #tpu.memory_space<semaphore_mem>>)
        %add3A_512 = arith.constant 3 : i32
        %add3A_513 = arith.addi %mul3A_318, %add3A_512 : i32
        %dma_wait3A_514 = arith.constant 384 : i32
        %dma_wait3A_515 = arith.constant 0 : i32
        %dma_wait3A_516 = tpu.memref_slice %arg12[%dma_wait3A_514, %dma_wait3A_515] : memref<512x128xbf16, #tpu.memory_space<vmem>> -> memref<128x128xbf16, #tpu.memory_space<vmem>>
        %dma_wait3A_517 = arith.constant 0 : i32
        %dma_wait3A_518 = tpu.memref_slice %arg11[%add3A_513, %dma_wait3A_517] : memref<80x128xi32, #tpu.memory_space<vmem>> -> memref<1x128xi32, #tpu.memory_space<vmem>>
        %dma_wait3A_519 = tpu.memref_squeeze %dma_wait3A_518 : memref<1x128xi32, #tpu.memory_space<vmem>> -> memref<128xi32, #tpu.memory_space<vmem>>
        %dma_wait3A_520 = arith.constant 0 : i32
        %dma_wait3A_521 = arith.constant 0 : i32
        %dma_wait3A_522 = tpu.memref_slice %arg18[%dma_wait3A_520, %dma_wait3A_521] : memref<10240x128xbf16, #tpu.memory_space<vmem_shared>> -> memref<10240x128xbf16, #tpu.memory_space<vmem_shared>>
        %dma_wait3A_523 = tpu.memref_slice %arg17[%scan3A_243] : memref<4x!tpu.dma_semaphore, #tpu.memory_space<semaphore_mem>> -> memref<1x!tpu.dma_semaphore, #tpu.memory_space<semaphore_mem>>
        %dma_wait3A_524 = tpu.memref_squeeze %dma_wait3A_523 : memref<1x!tpu.dma_semaphore, #tpu.memory_space<semaphore_mem>> -> memref<!tpu.dma_semaphore, #tpu.memory_space<semaphore_mem>>
        tpu.wait_indirect_dma semaphore(%dma_wait3A_524 : memref<!tpu.dma_semaphore, #tpu.memory_space<semaphore_mem>>) src(%dma_wait3A_516 : memref<128x128xbf16, #tpu.memory_space<vmem>>) dst(%dma_wait3A_522 : memref<10240x128xbf16, #tpu.memory_space<vmem_shared>>)
        %add3A_525 = arith.constant 4 : i32
        %add3A_526 = arith.addi %mul3A_318, %add3A_525 : i32
        %add3A_527 = arith.constant 3 : i32
        %add3A_528 = arith.addi %add3A_526, %add3A_527 : i32
        %dma_start3A_529 = arith.constant 384 : i32
        %dma_start3A_530 = arith.constant 0 : i32
        %dma_start3A_531 = tpu.memref_slice %arg12[%dma_start3A_529, %dma_start3A_530] : memref<512x128xbf16, #tpu.memory_space<vmem>> -> memref<128x128xbf16, #tpu.memory_space<vmem>>
        %dma_start3A_532 = arith.constant 0 : i32
        %dma_start3A_533 = tpu.memref_slice %arg10[%add3A_528, %dma_start3A_532] : memref<80x128xi32, #tpu.memory_space<vmem>> -> memref<1x128xi32, #tpu.memory_space<vmem>>
        %dma_start3A_534 = tpu.memref_squeeze %dma_start3A_533 : memref<1x128xi32, #tpu.memory_space<vmem>> -> memref<128xi32, #tpu.memory_space<vmem>>
        %dma_start3A_535 = arith.constant 0 : i32
        %dma_start3A_536 = arith.constant 0 : i32
        %dma_start3A_537 = tpu.memref_slice %arg2[%dma_start3A_535, %dma_start3A_536] : memref<80000x128xbf16, #tpu.memory_space<hbm>> -> memref<80000x128xbf16, #tpu.memory_space<hbm>>
        %dma_start3A_538 = tpu.memref_slice %arg16[%scan3A_242] : memref<4x!tpu.dma_semaphore, #tpu.memory_space<semaphore_mem>> -> memref<1x!tpu.dma_semaphore, #tpu.memory_space<semaphore_mem>>
        %dma_start3A_539 = tpu.memref_squeeze %dma_start3A_538 : memref<1x!tpu.dma_semaphore, #tpu.memory_space<semaphore_mem>> -> memref<!tpu.dma_semaphore, #tpu.memory_space<semaphore_mem>>
        tpu.enqueue_indirect_dma source(%dma_start3A_537 : memref<80000x128xbf16, #tpu.memory_space<hbm>>) target(%dma_start3A_531 : memref<128x128xbf16, #tpu.memory_space<vmem>>) offsets(%dma_start3A_534 : memref<128xi32, #tpu.memory_space<vmem>>) semaphore(%dma_start3A_539 : memref<!tpu.dma_semaphore, #tpu.memory_space<semaphore_mem>>)
      } else {
      }
    }
    %scan3A_248 = arith.constant 20 : i32
    %dma_wait3A_249 = arith.constant 76 : i32
    %dma_wait3A_250 = arith.constant 0 : i32
    %dma_wait3A_251 = arith.constant 0 : i32
    %dma_wait3A_252 = arith.constant 0 : i32
    %dma_wait3A_253 = tpu.memref_slice %arg12[%dma_wait3A_251, %dma_wait3A_252] : memref<512x128xbf16, #tpu.memory_space<vmem>> -> memref<128x128xbf16, #tpu.memory_space<vmem>>
    %dma_wait3A_254 = arith.constant 0 : i32
    %dma_wait3A_255 = tpu.memref_slice %arg11[%dma_wait3A_249, %dma_wait3A_254] : memref<80x128xi32, #tpu.memory_space<vmem>> -> memref<1x128xi32, #tpu.memory_space<vmem>>
    %dma_wait3A_256 = tpu.memref_squeeze %dma_wait3A_255 : memref<1x128xi32, #tpu.memory_space<vmem>> -> memref<128xi32, #tpu.memory_space<vmem>>
    %dma_wait3A_257 = arith.constant 0 : i32
    %dma_wait3A_258 = arith.constant 0 : i32
    %dma_wait3A_259 = tpu.memref_slice %arg18[%dma_wait3A_257, %dma_wait3A_258] : memref<10240x128xbf16, #tpu.memory_space<vmem_shared>> -> memref<10240x128xbf16, #tpu.memory_space<vmem_shared>>
    %dma_wait3A_260 = tpu.memref_slice %arg17[%dma_wait3A_250] : memref<4x!tpu.dma_semaphore, #tpu.memory_space<semaphore_mem>> -> memref<1x!tpu.dma_semaphore, #tpu.memory_space<semaphore_mem>>
    %dma_wait3A_261 = tpu.memref_squeeze %dma_wait3A_260 : memref<1x!tpu.dma_semaphore, #tpu.memory_space<semaphore_mem>> -> memref<!tpu.dma_semaphore, #tpu.memory_space<semaphore_mem>>
    tpu.wait_indirect_dma semaphore(%dma_wait3A_261 : memref<!tpu.dma_semaphore, #tpu.memory_space<semaphore_mem>>) src(%dma_wait3A_253 : memref<128x128xbf16, #tpu.memory_space<vmem>>) dst(%dma_wait3A_259 : memref<10240x128xbf16, #tpu.memory_space<vmem_shared>>)
    %dma_wait3A_262 = arith.constant 77 : i32
    %dma_wait3A_263 = arith.constant 1 : i32
    %dma_wait3A_264 = arith.constant 128 : i32
    %dma_wait3A_265 = arith.constant 0 : i32
    %dma_wait3A_266 = tpu.memref_slice %arg12[%dma_wait3A_264, %dma_wait3A_265] : memref<512x128xbf16, #tpu.memory_space<vmem>> -> memref<128x128xbf16, #tpu.memory_space<vmem>>
    %dma_wait3A_267 = arith.constant 0 : i32
    %dma_wait3A_268 = tpu.memref_slice %arg11[%dma_wait3A_262, %dma_wait3A_267] : memref<80x128xi32, #tpu.memory_space<vmem>> -> memref<1x128xi32, #tpu.memory_space<vmem>>
    %dma_wait3A_269 = tpu.memref_squeeze %dma_wait3A_268 : memref<1x128xi32, #tpu.memory_space<vmem>> -> memref<128xi32, #tpu.memory_space<vmem>>
    %dma_wait3A_270 = arith.constant 0 : i32
    %dma_wait3A_271 = arith.constant 0 : i32
    %dma_wait3A_272 = tpu.memref_slice %arg18[%dma_wait3A_270, %dma_wait3A_271] : memref<10240x128xbf16, #tpu.memory_space<vmem_shared>> -> memref<10240x128xbf16, #tpu.memory_space<vmem_shared>>
    %dma_wait3A_273 = tpu.memref_slice %arg17[%dma_wait3A_263] : memref<4x!tpu.dma_semaphore, #tpu.memory_space<semaphore_mem>> -> memref<1x!tpu.dma_semaphore, #tpu.memory_space<semaphore_mem>>
    %dma_wait3A_274 = tpu.memref_squeeze %dma_wait3A_273 : memref<1x!tpu.dma_semaphore, #tpu.memory_space<semaphore_mem>> -> memref<!tpu.dma_semaphore, #tpu.memory_space<semaphore_mem>>
    tpu.wait_indirect_dma semaphore(%dma_wait3A_274 : memref<!tpu.dma_semaphore, #tpu.memory_space<semaphore_mem>>) src(%dma_wait3A_266 : memref<128x128xbf16, #tpu.memory_space<vmem>>) dst(%dma_wait3A_272 : memref<10240x128xbf16, #tpu.memory_space<vmem_shared>>)
    %dma_wait3A_275 = arith.constant 78 : i32
    %dma_wait3A_276 = arith.constant 2 : i32
    %dma_wait3A_277 = arith.constant 256 : i32
    %dma_wait3A_278 = arith.constant 0 : i32
    %dma_wait3A_279 = tpu.memref_slice %arg12[%dma_wait3A_277, %dma_wait3A_278] : memref<512x128xbf16, #tpu.memory_space<vmem>> -> memref<128x128xbf16, #tpu.memory_space<vmem>>
    %dma_wait3A_280 = arith.constant 0 : i32
    %dma_wait3A_281 = tpu.memref_slice %arg11[%dma_wait3A_275, %dma_wait3A_280] : memref<80x128xi32, #tpu.memory_space<vmem>> -> memref<1x128xi32, #tpu.memory_space<vmem>>
    %dma_wait3A_282 = tpu.memref_squeeze %dma_wait3A_281 : memref<1x128xi32, #tpu.memory_space<vmem>> -> memref<128xi32, #tpu.memory_space<vmem>>
    %dma_wait3A_283 = arith.constant 0 : i32
    %dma_wait3A_284 = arith.constant 0 : i32
    %dma_wait3A_285 = tpu.memref_slice %arg18[%dma_wait3A_283, %dma_wait3A_284] : memref<10240x128xbf16, #tpu.memory_space<vmem_shared>> -> memref<10240x128xbf16, #tpu.memory_space<vmem_shared>>
    %dma_wait3A_286 = tpu.memref_slice %arg17[%dma_wait3A_276] : memref<4x!tpu.dma_semaphore, #tpu.memory_space<semaphore_mem>> -> memref<1x!tpu.dma_semaphore, #tpu.memory_space<semaphore_mem>>
    %dma_wait3A_287 = tpu.memref_squeeze %dma_wait3A_286 : memref<1x!tpu.dma_semaphore, #tpu.memory_space<semaphore_mem>> -> memref<!tpu.dma_semaphore, #tpu.memory_space<semaphore_mem>>
    tpu.wait_indirect_dma semaphore(%dma_wait3A_287 : memref<!tpu.dma_semaphore, #tpu.memory_space<semaphore_mem>>) src(%dma_wait3A_279 : memref<128x128xbf16, #tpu.memory_space<vmem>>) dst(%dma_wait3A_285 : memref<10240x128xbf16, #tpu.memory_space<vmem_shared>>)
    %dma_wait3A_288 = arith.constant 79 : i32
    %dma_wait3A_289 = arith.constant 3 : i32
    %dma_wait3A_290 = arith.constant 384 : i32
    %dma_wait3A_291 = arith.constant 0 : i32
    %dma_wait3A_292 = tpu.memref_slice %arg12[%dma_wait3A_290, %dma_wait3A_291] : memref<512x128xbf16, #tpu.memory_space<vmem>> -> memref<128x128xbf16, #tpu.memory_space<vmem>>
    %dma_wait3A_293 = arith.constant 0 : i32
    %dma_wait3A_294 = tpu.memref_slice %arg11[%dma_wait3A_288, %dma_wait3A_293] : memref<80x128xi32, #tpu.memory_space<vmem>> -> memref<1x128xi32, #tpu.memory_space<vmem>>
    %dma_wait3A_295 = tpu.memref_squeeze %dma_wait3A_294 : memref<1x128xi32, #tpu.memory_space<vmem>> -> memref<128xi32, #tpu.memory_space<vmem>>
    %dma_wait3A_296 = arith.constant 0 : i32
    %dma_wait3A_297 = arith.constant 0 : i32
    %dma_wait3A_298 = tpu.memref_slice %arg18[%dma_wait3A_296, %dma_wait3A_297] : memref<10240x128xbf16, #tpu.memory_space<vmem_shared>> -> memref<10240x128xbf16, #tpu.memory_space<vmem_shared>>
    %dma_wait3A_299 = tpu.memref_slice %arg17[%dma_wait3A_289] : memref<4x!tpu.dma_semaphore, #tpu.memory_space<semaphore_mem>> -> memref<1x!tpu.dma_semaphore, #tpu.memory_space<semaphore_mem>>
    %dma_wait3A_300 = tpu.memref_squeeze %dma_wait3A_299 : memref<1x!tpu.dma_semaphore, #tpu.memory_space<semaphore_mem>> -> memref<!tpu.dma_semaphore, #tpu.memory_space<semaphore_mem>>
    tpu.wait_indirect_dma semaphore(%dma_wait3A_300 : memref<!tpu.dma_semaphore, #tpu.memory_space<semaphore_mem>>) src(%dma_wait3A_292 : memref<128x128xbf16, #tpu.memory_space<vmem>>) dst(%dma_wait3A_298 : memref<10240x128xbf16, #tpu.memory_space<vmem_shared>>)
    %barrier3A_301 = arith.constant 0 : index
    tpu.barrier barrier_id(%barrier3A_301)
    %mul3A_302 = arith.constant 10000 : i32
    %mul3A_303 = arith.muli %add3A_163, %mul3A_302 : i32
    %add3A_304 = arith.addi %mul3A_303, %mul3A_0 : i32
    %lt3A_305 = arith.constant 15 : i32
    %lt3A_306 = arith.cmpi slt, %arg1, %lt3A_305 : i32
    %convert_element_type3A_307 = arith.extui %lt3A_306 : i1 to i32
    %cond3A_308 = arith.constant 0 : i32
    %cond3A_309 = arith.cmpi ne, %convert_element_type3A_307, %cond3A_308 : i32
    scf.if %cond3A_309 {
      "tpu.region"() ({
        %run_scoped3A = tpu.sem_alloc : memref<!tpu.dma_semaphore, #tpu.memory_space<semaphore_mem>>
        %dma_start3A_316 = arith.constant 0 : i32
        %dma_start3A_317 = tpu.memref_slice %arg8[%add3A_304, %dma_start3A_316] : memref<40000x128xbf16, #tpu.memory_space<hbm>> -> memref<640x128xbf16, #tpu.memory_space<hbm>>
        %dma_start3A_318 = arith.constant 0 : i32
        %dma_start3A_319 = tpu.memref_slice %arg18[%mul3A_0, %dma_start3A_318] : memref<10240x128xbf16, #tpu.memory_space<vmem_shared>> -> memref<640x128xbf16, #tpu.memory_space<vmem_shared>>
        tpu.enqueue_dma source(%dma_start3A_319 : memref<640x128xbf16, #tpu.memory_space<vmem_shared>>) target(%dma_start3A_317 : memref<640x128xbf16, #tpu.memory_space<hbm>>) target_semaphore(%run_scoped3A : memref<!tpu.dma_semaphore, #tpu.memory_space<semaphore_mem>>)
        %dma_wait3A_320 = arith.constant 0 : i32
        %dma_wait3A_321 = tpu.memref_slice %arg8[%add3A_304, %dma_wait3A_320] : memref<40000x128xbf16, #tpu.memory_space<hbm>> -> memref<640x128xbf16, #tpu.memory_space<hbm>>
        %dma_wait3A_322 = arith.constant 0 : i32
        %dma_wait3A_323 = tpu.memref_slice %arg18[%mul3A_0, %dma_wait3A_322] : memref<10240x128xbf16, #tpu.memory_space<vmem_shared>> -> memref<640x128xbf16, #tpu.memory_space<vmem_shared>>
        tpu.wait_dma2 semaphore(%run_scoped3A : memref<!tpu.dma_semaphore, #tpu.memory_space<semaphore_mem>>) src(%dma_wait3A_323 : memref<640x128xbf16, #tpu.memory_space<vmem_shared>>) dst(%dma_wait3A_321 : memref<640x128xbf16, #tpu.memory_space<hbm>>)
        tpu.yield
      }) : () -> ()
    } else {
    }
    %eq3A_310 = arith.constant 15 : i32
    %eq3A_311 = arith.cmpi eq, %arg1, %eq3A_310 : i32
    %convert_element_type3A_312 = arith.extui %eq3A_311 : i1 to i32
    %cond3A_313 = arith.constant 0 : i32
    %cond3A_314 = arith.cmpi ne, %convert_element_type3A_312, %cond3A_313 : i32
    scf.if %cond3A_314 {
      "tpu.region"() ({
        %run_scoped3A = tpu.sem_alloc : memref<!tpu.dma_semaphore, #tpu.memory_space<semaphore_mem>>
        %dma_start3A_316 = arith.constant 0 : i32
        %dma_start3A_317 = tpu.memref_slice %arg8[%add3A_304, %dma_start3A_316] : memref<40000x128xbf16, #tpu.memory_space<hbm>> -> memref<400x128xbf16, #tpu.memory_space<hbm>>
        %dma_start3A_318 = arith.constant 0 : i32
        %dma_start3A_319 = tpu.memref_slice %arg18[%mul3A_0, %dma_start3A_318] : memref<10240x128xbf16, #tpu.memory_space<vmem_shared>> -> memref<400x128xbf16, #tpu.memory_space<vmem_shared>>
        tpu.enqueue_dma source(%dma_start3A_319 : memref<400x128xbf16, #tpu.memory_space<vmem_shared>>) target(%dma_start3A_317 : memref<400x128xbf16, #tpu.memory_space<hbm>>) target_semaphore(%run_scoped3A : memref<!tpu.dma_semaphore, #tpu.memory_space<semaphore_mem>>)
        %dma_wait3A_320 = arith.constant 0 : i32
        %dma_wait3A_321 = tpu.memref_slice %arg8[%add3A_304, %dma_wait3A_320] : memref<40000x128xbf16, #tpu.memory_space<hbm>> -> memref<400x128xbf16, #tpu.memory_space<hbm>>
        %dma_wait3A_322 = arith.constant 0 : i32
        %dma_wait3A_323 = tpu.memref_slice %arg18[%mul3A_0, %dma_wait3A_322] : memref<10240x128xbf16, #tpu.memory_space<vmem_shared>> -> memref<400x128xbf16, #tpu.memory_space<vmem_shared>>
        tpu.wait_dma2 semaphore(%run_scoped3A : memref<!tpu.dma_semaphore, #tpu.memory_space<semaphore_mem>>) src(%dma_wait3A_323 : memref<400x128xbf16, #tpu.memory_space<vmem_shared>>) dst(%dma_wait3A_321 : memref<400x128xbf16, #tpu.memory_space<hbm>>)
        tpu.yield
      }) : () -> ()
    } else {
    }
    %barrier3A_315 = arith.constant 0 : index
    tpu.barrier barrier_id(%barrier3A_315)
    return
  }
}

module attributes {stable_mosaic.version = 14 : i64} {
  func.func @_phase1_body(%arg0: i32, %arg1: memref<2000x1xf32, #tpu.memory_space<vmem>>, %arg2: memref<1x128xf32, #tpu.memory_space<vmem>>, %arg3: memref<1x128xf32, #tpu.memory_space<vmem>>, %arg4: memref<1x128xf32, #tpu.memory_space<vmem>>, %arg5: memref<1x3xf32, #tpu.memory_space<vmem>>, %arg6: memref<2000x128xbf16, #tpu.memory_space<vmem>>) attributes {dimension_semantics = [#tpu.dimension_semantics<arbitrary>], iteration_bounds = array<i64: 40>, scalar_prefetch = 0 : i64, scratch_operands = 0 : i64, tpu.core_type = #tpu.core_type<tc>, window_params = [{transform_indices = @transform_0, window_bounds = array<i64: 2000, 1>}, {pipeline_mode = #tpu.pipeline_mode<synchronous>, transform_indices = @transform_1, window_bounds = array<i64: 1, 128>}, {pipeline_mode = #tpu.pipeline_mode<synchronous>, transform_indices = @transform_2, window_bounds = array<i64: 1, 128>}, {pipeline_mode = #tpu.pipeline_mode<synchronous>, transform_indices = @transform_3, window_bounds = array<i64: 1, 128>}, {pipeline_mode = #tpu.pipeline_mode<synchronous>, transform_indices = @transform_4, window_bounds = array<i64: 1, 3>}, {transform_indices = @transform_5, window_bounds = array<i64: 2000, 128>}]} {
    %get3A = arith.constant 0 : index
    %get3A_0 = arith.constant 0 : index
    %get3A_1 = vector.load %arg1[%get3A, %get3A_0] : memref<2000x1xf32, #tpu.memory_space<vmem>>, vector<2000x1xf32>
    %get3A_2 = arith.constant 0 : index
    %get3A_3 = arith.constant 0 : index
    %get3A_4 = vector.load %arg5[%get3A_2, %get3A_3] : memref<1x3xf32, #tpu.memory_space<vmem>>, vector<1x1xf32>
    %get3A_5 = vector.extract %get3A_4[0, 0] : f32 from vector<1x1xf32>
    %get3A_6 = arith.constant 0 : index
    %get3A_7 = arith.constant 1 : index
    %get3A_8 = vector.load %arg5[%get3A_6, %get3A_7] : memref<1x3xf32, #tpu.memory_space<vmem>>, vector<1x1xf32>
    %get3A_9 = vector.extract %get3A_8[0, 0] : f32 from vector<1x1xf32>
    %get3A_10 = arith.constant 0 : index
    %get3A_11 = arith.constant 2 : index
    %get3A_12 = vector.load %arg5[%get3A_10, %get3A_11] : memref<1x3xf32, #tpu.memory_space<vmem>>, vector<1x1xf32>
    %get3A_13 = vector.extract %get3A_12[0, 0] : f32 from vector<1x1xf32>
    %mul3A = arith.mulf %get3A_1, %get3A_1 : vector<2000x1xf32>
    %mul3A_14 = vector.broadcast %get3A_5 : f32 to vector<2000x1xf32>
    %mul3A_15 = arith.mulf %mul3A, %mul3A_14 : vector<2000x1xf32>
    %mul3A_16 = arith.constant 2.000000e+00 : f32
    %mul3A_17 = vector.broadcast %mul3A_16 : f32 to vector<2000x1xf32>
    %mul3A_18 = arith.mulf %mul3A_17, %get3A_1 : vector<2000x1xf32>
    %mul3A_19 = vector.broadcast %get3A_9 : f32 to vector<2000x1xf32>
    %mul3A_20 = arith.mulf %mul3A_18, %mul3A_19 : vector<2000x1xf32>
    %add3A = arith.addf %mul3A_15, %mul3A_20 : vector<2000x1xf32>
    %add3A_21 = arith.constant 9.99999974E-6 : f32
    %add3A_22 = arith.addf %get3A_13, %add3A_21 : f32
    %add3A_23 = vector.broadcast %add3A_22 : f32 to vector<2000x1xf32>
    %add3A_24 = arith.addf %add3A, %add3A_23 : vector<2000x1xf32>
    %rsqrt3A = math.rsqrt %add3A_24 : vector<2000x1xf32>
    %mul3A_25 = arith.mulf %get3A_1, %rsqrt3A : vector<2000x1xf32>
    %get3A_26 = arith.constant 0 : index
    %get3A_27 = arith.constant 0 : index
    %get3A_28 = vector.load %arg2[%get3A_26, %get3A_27] : memref<1x128xf32, #tpu.memory_space<vmem>>, vector<1x128xf32>
    %mul3A_29 = vector.broadcast %mul3A_25 : vector<2000x1xf32> to vector<2000x128xf32>
    %mul3A_30 = vector.broadcast %get3A_28 : vector<1x128xf32> to vector<2000x128xf32>
    %mul3A_31 = arith.mulf %mul3A_29, %mul3A_30 : vector<2000x128xf32>
    %get3A_32 = arith.constant 0 : index
    %get3A_33 = arith.constant 0 : index
    %get3A_34 = vector.load %arg3[%get3A_32, %get3A_33] : memref<1x128xf32, #tpu.memory_space<vmem>>, vector<1x128xf32>
    %mul3A_35 = vector.broadcast %rsqrt3A : vector<2000x1xf32> to vector<2000x128xf32>
    %mul3A_36 = vector.broadcast %get3A_34 : vector<1x128xf32> to vector<2000x128xf32>
    %mul3A_37 = arith.mulf %mul3A_35, %mul3A_36 : vector<2000x128xf32>
    %add3A_38 = arith.addf %mul3A_31, %mul3A_37 : vector<2000x128xf32>
    %get3A_39 = arith.constant 0 : index
    %get3A_40 = arith.constant 0 : index
    %get3A_41 = vector.load %arg4[%get3A_39, %get3A_40] : memref<1x128xf32, #tpu.memory_space<vmem>>, vector<1x128xf32>
    %add3A_42 = vector.broadcast %get3A_41 : vector<1x128xf32> to vector<2000x128xf32>
    %add3A_43 = arith.addf %add3A_38, %add3A_42 : vector<2000x128xf32>
    %mul3A_44 = arith.constant 5.000000e-01 : f32
    %mul3A_45 = vector.broadcast %mul3A_44 : f32 to vector<2000x128xf32>
    %mul3A_46 = arith.mulf %mul3A_45, %add3A_43 : vector<2000x128xf32>
    %mul3A_47 = arith.constant 0.707106769 : f32
    %mul3A_48 = vector.broadcast %mul3A_47 : f32 to vector<2000x128xf32>
    %mul3A_49 = arith.mulf %add3A_43, %mul3A_48 : vector<2000x128xf32>
    %erf3A = math.erf %mul3A_49 : vector<2000x128xf32>
    %add3A_50 = arith.constant 1.000000e+00 : f32
    %add3A_51 = vector.broadcast %add3A_50 : f32 to vector<2000x128xf32>
    %add3A_52 = arith.addf %add3A_51, %erf3A : vector<2000x128xf32>
    %mul3A_53 = arith.mulf %mul3A_46, %add3A_52 : vector<2000x128xf32>
    %convert_element_type3A = arith.truncf %mul3A_53 : vector<2000x128xf32> to vector<2000x128xbf16>
    %swap3A = arith.constant 0 : index
    %swap3A_54 = arith.constant 0 : index
    %swap3A_55 = vector.load %arg6[%swap3A, %swap3A_54] : memref<2000x128xbf16, #tpu.memory_space<vmem>>, vector<2000x128xbf16>
    tpu.vector_store %arg6[%swap3A, %swap3A_54], %convert_element_type3A {strides = array<i32>} : memref<2000x128xbf16, #tpu.memory_space<vmem>>, vector<2000x128xbf16>,
    return
  }
  func.func @transform_0(%arg0: i32) -> (i32, i32) {
    %c0_i32 = arith.constant 0 : i32
    %c0_i32_0 = arith.constant 0 : i32
    return %arg0, %c0_i32 : i32, i32
  }
  func.func @transform_1(%arg0: i32) -> (i32, i32) {
    %c0_i32 = arith.constant 0 : i32
    %c0_i32_0 = arith.constant 0 : i32
    %c0_i32_1 = arith.constant 0 : i32
    return %c0_i32, %c0_i32_0 : i32, i32
  }
  func.func @transform_2(%arg0: i32) -> (i32, i32) {
    %c0_i32 = arith.constant 0 : i32
    %c0_i32_0 = arith.constant 0 : i32
    %c0_i32_1 = arith.constant 0 : i32
    return %c0_i32, %c0_i32_0 : i32, i32
  }
  func.func @transform_3(%arg0: i32) -> (i32, i32) {
    %c0_i32 = arith.constant 0 : i32
    %c0_i32_0 = arith.constant 0 : i32
    %c0_i32_1 = arith.constant 0 : i32
    return %c0_i32, %c0_i32_0 : i32, i32
  }
  func.func @transform_4(%arg0: i32) -> (i32, i32) {
    %c0_i32 = arith.constant 0 : i32
    %c0_i32_0 = arith.constant 0 : i32
    %c0_i32_1 = arith.constant 0 : i32
    return %c0_i32, %c0_i32_0 : i32, i32
  }
  func.func @transform_5(%arg0: i32) -> (i32, i32) {
    %c0_i32 = arith.constant 0 : i32
    %c0_i32_0 = arith.constant 0 : i32
    return %arg0, %c0_i32 : i32, i32
  }
}

module attributes {stable_mosaic.version = 14 : i64} {
  func.func @_phase3_body(%arg0: i32, %arg1: memref<2000x1xf32, #tpu.memory_space<vmem>>, %arg2: memref<2000x128xbf16, #tpu.memory_space<vmem>>, %arg3: memref<2000x1xf32, #tpu.memory_space<vmem>>, %arg4: memref<1x128xf32, #tpu.memory_space<vmem>>, %arg5: memref<1x128xf32, #tpu.memory_space<vmem>>, %arg6: memref<1x128xf32, #tpu.memory_space<vmem>>, %arg7: memref<1x3xf32, #tpu.memory_space<vmem>>, %arg8: memref<128x128xbf16, #tpu.memory_space<vmem>>, %arg9: memref<128x128xbf16, #tpu.memory_space<vmem>>, %arg10: memref<1x128xf32, #tpu.memory_space<vmem>>, %arg11: memref<128x128xbf16, #tpu.memory_space<vmem>>, %arg12: memref<1x128xf32, #tpu.memory_space<vmem>>, %arg13: memref<1x128xf32, #tpu.memory_space<vmem>>, %arg14: memref<1x128xf32, #tpu.memory_space<vmem>>, %arg15: memref<1x128xf32, #tpu.memory_space<vmem>>, %arg16: memref<1x1xf32, #tpu.memory_space<vmem>>, %arg17: memref<1x1xf32, #tpu.memory_space<vmem>>, %arg18: memref<2000x1xf32, #tpu.memory_space<vmem>>) attributes {dimension_semantics = [#tpu.dimension_semantics<arbitrary>], iteration_bounds = array<i64: 20>, scalar_prefetch = 0 : i64, scratch_operands = 0 : i64, tpu.core_type = #tpu.core_type<tc>, window_params = [{transform_indices = @transform_0, window_bounds = array<i64: 2000, 1>}, {transform_indices = @transform_1, window_bounds = array<i64: 2000, 128>}, {transform_indices = @transform_2, window_bounds = array<i64: 2000, 1>}, {pipeline_mode = #tpu.pipeline_mode<synchronous>, transform_indices = @transform_3, window_bounds = array<i64: 1, 128>}, {pipeline_mode = #tpu.pipeline_mode<synchronous>, transform_indices = @transform_4, window_bounds = array<i64: 1, 128>}, {pipeline_mode = #tpu.pipeline_mode<synchronous>, transform_indices = @transform_5, window_bounds = array<i64: 1, 128>}, {pipeline_mode = #tpu.pipeline_mode<synchronous>, transform_indices = @transform_6, window_bounds = array<i64: 1, 3>}, {pipeline_mode = #tpu.pipeline_mode<synchronous>, transform_indices = @transform_7, window_bounds = array<i64: 128, 128>}, {pipeline_mode = #tpu.pipeline_mode<synchronous>, transform_indices = @transform_8, window_bounds = array<i64: 128, 128>}, {pipeline_mode = #tpu.pipeline_mode<synchronous>, transform_indices = @transform_9, window_bounds = array<i64: 1, 128>}, {pipeline_mode = #tpu.pipeline_mode<synchronous>, transform_indices = @transform_10, window_bounds = array<i64: 128, 128>}, {pipeline_mode = #tpu.pipeline_mode<synchronous>, transform_indices = @transform_11, window_bounds = array<i64: 1, 128>}, {pipeline_mode = #tpu.pipeline_mode<synchronous>, transform_indices = @transform_12, window_bounds = array<i64: 1, 128>}, {pipeline_mode = #tpu.pipeline_mode<synchronous>, transform_indices = @transform_13, window_bounds = array<i64: 1, 128>}, {pipeline_mode = #tpu.pipeline_mode<synchronous>, transform_indices = @transform_14, window_bounds = array<i64: 1, 128>}, {pipeline_mode = #tpu.pipeline_mode<synchronous>, transform_indices = @transform_15, window_bounds = array<i64: 1, 1>}, {pipeline_mode = #tpu.pipeline_mode<synchronous>, transform_indices = @transform_16, window_bounds = array<i64: 1, 1>}, {transform_indices = @transform_17, window_bounds = array<i64: 2000, 1>}]} {
    %get3A = arith.constant 0 : index
    %get3A_0 = arith.constant 0 : index
    %get3A_1 = vector.load %arg1[%get3A, %get3A_0] : memref<2000x1xf32, #tpu.memory_space<vmem>>, vector<2000x1xf32>
    %get3A_2 = arith.constant 0 : index
    %get3A_3 = arith.constant 0 : index
    %get3A_4 = vector.load %arg7[%get3A_2, %get3A_3] : memref<1x3xf32, #tpu.memory_space<vmem>>, vector<1x1xf32>
    %get3A_5 = vector.extract %get3A_4[0, 0] : f32 from vector<1x1xf32>
    %get3A_6 = arith.constant 0 : index
    %get3A_7 = arith.constant 1 : index
    %get3A_8 = vector.load %arg7[%get3A_6, %get3A_7] : memref<1x3xf32, #tpu.memory_space<vmem>>, vector<1x1xf32>
    %get3A_9 = vector.extract %get3A_8[0, 0] : f32 from vector<1x1xf32>
    %get3A_10 = arith.constant 0 : index
    %get3A_11 = arith.constant 2 : index
    %get3A_12 = vector.load %arg7[%get3A_10, %get3A_11] : memref<1x3xf32, #tpu.memory_space<vmem>>, vector<1x1xf32>
    %get3A_13 = vector.extract %get3A_12[0, 0] : f32 from vector<1x1xf32>
    %mul3A = arith.mulf %get3A_1, %get3A_1 : vector<2000x1xf32>
    %mul3A_14 = vector.broadcast %get3A_5 : f32 to vector<2000x1xf32>
    %mul3A_15 = arith.mulf %mul3A, %mul3A_14 : vector<2000x1xf32>
    %mul3A_16 = arith.constant 2.000000e+00 : f32
    %mul3A_17 = vector.broadcast %mul3A_16 : f32 to vector<2000x1xf32>
    %mul3A_18 = arith.mulf %mul3A_17, %get3A_1 : vector<2000x1xf32>
    %mul3A_19 = vector.broadcast %get3A_9 : f32 to vector<2000x1xf32>
    %mul3A_20 = arith.mulf %mul3A_18, %mul3A_19 : vector<2000x1xf32>
    %add3A = arith.addf %mul3A_15, %mul3A_20 : vector<2000x1xf32>
    %add3A_21 = arith.constant 9.99999974E-6 : f32
    %add3A_22 = arith.addf %get3A_13, %add3A_21 : f32
    %add3A_23 = vector.broadcast %add3A_22 : f32 to vector<2000x1xf32>
    %add3A_24 = arith.addf %add3A, %add3A_23 : vector<2000x1xf32>
    %rsqrt3A = math.rsqrt %add3A_24 : vector<2000x1xf32>
    %mul3A_25 = arith.mulf %get3A_1, %rsqrt3A : vector<2000x1xf32>
    %get3A_26 = arith.constant 0 : index
    %get3A_27 = arith.constant 0 : index
    %get3A_28 = vector.load %arg4[%get3A_26, %get3A_27] : memref<1x128xf32, #tpu.memory_space<vmem>>, vector<1x128xf32>
    %mul3A_29 = vector.broadcast %mul3A_25 : vector<2000x1xf32> to vector<2000x128xf32>
    %mul3A_30 = vector.broadcast %get3A_28 : vector<1x128xf32> to vector<2000x128xf32>
    %mul3A_31 = arith.mulf %mul3A_29, %mul3A_30 : vector<2000x128xf32>
    %get3A_32 = arith.constant 0 : index
    %get3A_33 = arith.constant 0 : index
    %get3A_34 = vector.load %arg5[%get3A_32, %get3A_33] : memref<1x128xf32, #tpu.memory_space<vmem>>, vector<1x128xf32>
    %mul3A_35 = vector.broadcast %rsqrt3A : vector<2000x1xf32> to vector<2000x128xf32>
    %mul3A_36 = vector.broadcast %get3A_34 : vector<1x128xf32> to vector<2000x128xf32>
    %mul3A_37 = arith.mulf %mul3A_35, %mul3A_36 : vector<2000x128xf32>
    %add3A_38 = arith.addf %mul3A_31, %mul3A_37 : vector<2000x128xf32>
    %get3A_39 = arith.constant 0 : index
    %get3A_40 = arith.constant 0 : index
    %get3A_41 = vector.load %arg6[%get3A_39, %get3A_40] : memref<1x128xf32, #tpu.memory_space<vmem>>, vector<1x128xf32>
    %add3A_42 = vector.broadcast %get3A_41 : vector<1x128xf32> to vector<2000x128xf32>
    %add3A_43 = arith.addf %add3A_38, %add3A_42 : vector<2000x128xf32>
    %mul3A_44 = arith.constant 5.000000e-01 : f32
    %mul3A_45 = vector.broadcast %mul3A_44 : f32 to vector<2000x128xf32>
    %mul3A_46 = arith.mulf %mul3A_45, %add3A_43 : vector<2000x128xf32>
    %mul3A_47 = arith.constant 0.707106769 : f32
    %mul3A_48 = vector.broadcast %mul3A_47 : f32 to vector<2000x128xf32>
    %mul3A_49 = arith.mulf %add3A_43, %mul3A_48 : vector<2000x128xf32>
    %erf3A = math.erf %mul3A_49 : vector<2000x128xf32>
    %add3A_50 = arith.constant 1.000000e+00 : f32
    %add3A_51 = vector.broadcast %add3A_50 : f32 to vector<2000x128xf32>
    %add3A_52 = arith.addf %add3A_51, %erf3A : vector<2000x128xf32>
    %mul3A_53 = arith.mulf %mul3A_46, %add3A_52 : vector<2000x128xf32>
    %get3A_54 = arith.constant 0 : index
    %get3A_55 = arith.constant 0 : index
    %get3A_56 = vector.load %arg3[%get3A_54, %get3A_55] : memref<2000x1xf32, #tpu.memory_space<vmem>>, vector<2000x1xf32>
    %max3A = arith.constant 1.000000e+00 : f32
    %max3A_57 = vector.broadcast %max3A : f32 to vector<2000x1xf32>
    %max3A_58 = arith.maximumf %get3A_56, %max3A_57 : vector<2000x1xf32>
    %div3A = arith.constant 1.000000e+00 : f32
    %div3A_59 = vector.broadcast %div3A : f32 to vector<2000x1xf32>
    %div3A_60 = arith.divf %div3A_59, %max3A_58 : vector<2000x1xf32>
    %get3A_61 = arith.constant 0 : index
    %get3A_62 = arith.constant 0 : index
    %get3A_63 = vector.load %arg2[%get3A_61, %get3A_62] : memref<2000x128xbf16, #tpu.memory_space<vmem>>, vector<2000x128xbf16>
    %get3A_64 = arith.constant 0 : index
    %get3A_65 = arith.constant 0 : index
    %get3A_66 = vector.load %arg9[%get3A_64, %get3A_65] : memref<128x128xbf16, #tpu.memory_space<vmem>>, vector<128x128xbf16>
    %dot_general3A = arith.constant dense<0.000000e+00> : vector<2000x128xf32>
    %dot_general3A_67 = tpu.matmul %get3A_63, %get3A_66, %dot_general3A {dimension_numbers = #tpu.dot_dimension_numbers<[1], [0], [0], [1], [0, 0, 1, 1], [], []>, transpose_lhs_hint = false} : vector<2000x128xbf16>, vector<128x128xbf16>, vector<2000x128xf32> -> vector<2000x128xf32>
    %convert_element_type3A = arith.truncf %mul3A_53 : vector<2000x128xf32> to vector<2000x128xbf16>
    %get3A_68 = arith.constant 0 : index
    %get3A_69 = arith.constant 0 : index
    %get3A_70 = vector.load %arg8[%get3A_68, %get3A_69] : memref<128x128xbf16, #tpu.memory_space<vmem>>, vector<128x128xbf16>
    %dot_general3A_71 = arith.constant dense<0.000000e+00> : vector<2000x128xf32>
    %dot_general3A_72 = tpu.matmul %convert_element_type3A, %get3A_70, %dot_general3A_71 {dimension_numbers = #tpu.dot_dimension_numbers<[1], [0], [0], [1], [0, 0, 1, 1], [], []>, transpose_lhs_hint = false} : vector<2000x128xbf16>, vector<128x128xbf16>, vector<2000x128xf32> -> vector<2000x128xf32>
    %mul3A_73 = vector.broadcast %div3A_60 : vector<2000x1xf32> to vector<2000x128xf32>
    %mul3A_74 = arith.mulf %dot_general3A_67, %mul3A_73 : vector<2000x128xf32>
    %add3A_75 = arith.addf %dot_general3A_72, %mul3A_74 : vector<2000x128xf32>
    %get3A_76 = arith.constant 0 : index
    %get3A_77 = arith.constant 0 : index
    %get3A_78 = vector.load %arg10[%get3A_76, %get3A_77] : memref<1x128xf32, #tpu.memory_space<vmem>>, vector<1x128xf32>
    %add3A_79 = vector.broadcast %get3A_78 : vector<1x128xf32> to vector<2000x128xf32>
    %add3A_80 = arith.addf %add3A_75, %add3A_79 : vector<2000x128xf32>
    %mul3A_81 = arith.constant 5.000000e-01 : f32
    %mul3A_82 = vector.broadcast %mul3A_81 : f32 to vector<2000x128xf32>
    %mul3A_83 = arith.mulf %mul3A_82, %add3A_80 : vector<2000x128xf32>
    %mul3A_84 = arith.constant 0.707106769 : f32
    %mul3A_85 = vector.broadcast %mul3A_84 : f32 to vector<2000x128xf32>
    %mul3A_86 = arith.mulf %add3A_80, %mul3A_85 : vector<2000x128xf32>
    %erf3A_87 = math.erf %mul3A_86 : vector<2000x128xf32>
    %add3A_88 = arith.constant 1.000000e+00 : f32
    %add3A_89 = vector.broadcast %add3A_88 : f32 to vector<2000x128xf32>
    %add3A_90 = arith.addf %add3A_89, %erf3A_87 : vector<2000x128xf32>
    %mul3A_91 = arith.mulf %mul3A_83, %add3A_90 : vector<2000x128xf32>
    %convert_element_type3A_92 = arith.truncf %mul3A_91 : vector<2000x128xf32> to vector<2000x128xbf16>
    %get3A_93 = arith.constant 0 : index
    %get3A_94 = arith.constant 0 : index
    %get3A_95 = vector.load %arg11[%get3A_93, %get3A_94] : memref<128x128xbf16, #tpu.memory_space<vmem>>, vector<128x128xbf16>
    %dot_general3A_96 = arith.constant dense<0.000000e+00> : vector<2000x128xf32>
    %dot_general3A_97 = tpu.matmul %convert_element_type3A_92, %get3A_95, %dot_general3A_96 {dimension_numbers = #tpu.dot_dimension_numbers<[1], [0], [0], [1], [0, 0, 1, 1], [], []>, transpose_lhs_hint = false} : vector<2000x128xbf16>, vector<128x128xbf16>, vector<2000x128xf32> -> vector<2000x128xf32>
    %get3A_98 = arith.constant 0 : index
    %get3A_99 = arith.constant 0 : index
    %get3A_100 = vector.load %arg12[%get3A_98, %get3A_99] : memref<1x128xf32, #tpu.memory_space<vmem>>, vector<1x128xf32>
    %add3A_101 = vector.broadcast %get3A_100 : vector<1x128xf32> to vector<2000x128xf32>
    %add3A_102 = arith.addf %dot_general3A_97, %add3A_101 : vector<2000x128xf32>
    %reduce_sum3A = arith.constant dense<0.000000e+00> : vector<2000xf32>
    %reduce_sum3A_103 = vector.multi_reduction <add>, %add3A_102, %reduce_sum3A [1] : vector<2000x128xf32> to vector<2000xf32>
    %broadcast_in_dim3A = vector.shape_cast %reduce_sum3A_103 : vector<2000xf32> to vector<2000x1xf32>
    %div3A_104 = arith.constant 1.280000e+02 : f32
    %div3A_105 = vector.broadcast %div3A_104 : f32 to vector<2000x1xf32>
    %div3A_106 = arith.divf %broadcast_in_dim3A, %div3A_105 : vector<2000x1xf32>
    %sub3A = vector.broadcast %div3A_106 : vector<2000x1xf32> to vector<2000x128xf32>
    %sub3A_107 = arith.subf %add3A_102, %sub3A : vector<2000x128xf32>
    %integer_pow3A = arith.mulf %sub3A_107, %sub3A_107 : vector<2000x128xf32>
    %reduce_sum3A_108 = arith.constant dense<0.000000e+00> : vector<2000xf32>
    %reduce_sum3A_109 = vector.multi_reduction <add>, %integer_pow3A, %reduce_sum3A_108 [1] : vector<2000x128xf32> to vector<2000xf32>
    %broadcast_in_dim3A_110 = vector.shape_cast %reduce_sum3A_109 : vector<2000xf32> to vector<2000x1xf32>
    %div3A_111 = arith.constant 1.280000e+02 : f32
    %div3A_112 = vector.broadcast %div3A_111 : f32 to vector<2000x1xf32>
    %div3A_113 = arith.divf %broadcast_in_dim3A_110, %div3A_112 : vector<2000x1xf32>
    %sub3A_114 = vector.broadcast %div3A_106 : vector<2000x1xf32> to vector<2000x128xf32>
    %sub3A_115 = arith.subf %add3A_102, %sub3A_114 : vector<2000x128xf32>
    %add3A_116 = arith.constant 9.99999974E-6 : f32
    %add3A_117 = vector.broadcast %add3A_116 : f32 to vector<2000x1xf32>
    %add3A_118 = arith.addf %div3A_113, %add3A_117 : vector<2000x1xf32>
    %rsqrt3A_119 = math.rsqrt %add3A_118 : vector<2000x1xf32>
    %mul3A_120 = vector.broadcast %rsqrt3A_119 : vector<2000x1xf32> to vector<2000x128xf32>
    %mul3A_121 = arith.mulf %sub3A_115, %mul3A_120 : vector<2000x128xf32>
    %get3A_122 = arith.constant 0 : index
    %get3A_123 = arith.constant 0 : index
    %get3A_124 = vector.load %arg13[%get3A_122, %get3A_123] : memref<1x128xf32, #tpu.memory_space<vmem>>, vector<1x128xf32>
    %mul3A_125 = vector.broadcast %get3A_124 : vector<1x128xf32> to vector<2000x128xf32>
    %mul3A_126 = arith.mulf %mul3A_121, %mul3A_125 : vector<2000x128xf32>
    %get3A_127 = arith.constant 0 : index
    %get3A_128 = arith.constant 0 : index
    %get3A_129 = vector.load %arg14[%get3A_127, %get3A_128] : memref<1x128xf32, #tpu.memory_space<vmem>>, vector<1x128xf32>
    %add3A_130 = vector.broadcast %get3A_129 : vector<1x128xf32> to vector<2000x128xf32>
    %add3A_131 = arith.addf %mul3A_126, %add3A_130 : vector<2000x128xf32>
    %add3A_132 = arith.addf %add3A_131, %mul3A_91 : vector<2000x128xf32>
    %mul3A_133 = arith.constant 5.000000e-01 : f32
    %mul3A_134 = vector.broadcast %mul3A_133 : f32 to vector<2000x128xf32>
    %mul3A_135 = arith.mulf %mul3A_134, %add3A_132 : vector<2000x128xf32>
    %mul3A_136 = arith.constant 0.707106769 : f32
    %mul3A_137 = vector.broadcast %mul3A_136 : f32 to vector<2000x128xf32>
    %mul3A_138 = arith.mulf %add3A_132, %mul3A_137 : vector<2000x128xf32>
    %erf3A_139 = math.erf %mul3A_138 : vector<2000x128xf32>
    %add3A_140 = arith.constant 1.000000e+00 : f32
    %add3A_141 = vector.broadcast %add3A_140 : f32 to vector<2000x128xf32>
    %add3A_142 = arith.addf %add3A_141, %erf3A_139 : vector<2000x128xf32>
    %mul3A_143 = arith.mulf %mul3A_135, %add3A_142 : vector<2000x128xf32>
    %get3A_144 = arith.constant 0 : index
    %get3A_145 = arith.constant 0 : index
    %get3A_146 = vector.load %arg15[%get3A_144, %get3A_145] : memref<1x128xf32, #tpu.memory_space<vmem>>, vector<1x128xf32>
    %mul3A_147 = vector.broadcast %get3A_146 : vector<1x128xf32> to vector<2000x128xf32>
    %mul3A_148 = arith.mulf %mul3A_143, %mul3A_147 : vector<2000x128xf32>
    %reduce_sum3A_149 = arith.constant dense<0.000000e+00> : vector<2000xf32>
    %reduce_sum3A_150 = vector.multi_reduction <add>, %mul3A_148, %reduce_sum3A_149 [1] : vector<2000x128xf32> to vector<2000xf32>
    %broadcast_in_dim3A_151 = vector.shape_cast %reduce_sum3A_150 : vector<2000xf32> to vector<2000x1xf32>
    %get3A_152 = arith.constant 0 : index
    %get3A_153 = arith.constant 0 : index
    %get3A_154 = vector.load %arg16[%get3A_152, %get3A_153] : memref<1x1xf32, #tpu.memory_space<vmem>>, vector<1x1xf32>
    %add3A_155 = vector.broadcast %get3A_154 : vector<1x1xf32> to vector<2000x1xf32>
    %add3A_156 = arith.addf %broadcast_in_dim3A_151, %add3A_155 : vector<2000x1xf32>
    %get3A_157 = arith.constant 0 : index
    %get3A_158 = arith.constant 0 : index
    %get3A_159 = vector.load %arg17[%get3A_157, %get3A_158] : memref<1x1xf32, #tpu.memory_space<vmem>>, vector<1x1xf32>
    %logistic3A = arith.negf %get3A_159 : vector<1x1xf32>
    %logistic3A_160 = math.exp %logistic3A : vector<1x1xf32>
    %logistic3A_161 = arith.constant 1.000000e+00 : f32
    %logistic3A_162 = vector.broadcast %logistic3A_161 : f32 to vector<1x1xf32>
    %logistic3A_163 = arith.addf %logistic3A_162, %logistic3A_160 : vector<1x1xf32>
    %logistic3A_164 = arith.divf %logistic3A_162, %logistic3A_163 : vector<1x1xf32>
    %mul3A_165 = vector.broadcast %logistic3A_164 : vector<1x1xf32> to vector<2000x1xf32>
    %mul3A_166 = arith.mulf %mul3A_165, %add3A_156 : vector<2000x1xf32>
    %sub3A_167 = arith.constant 1.000000e+00 : f32
    %sub3A_168 = vector.broadcast %sub3A_167 : f32 to vector<1x1xf32>
    %sub3A_169 = arith.subf %sub3A_168, %logistic3A_164 : vector<1x1xf32>
    %mul3A_170 = vector.broadcast %sub3A_169 : vector<1x1xf32> to vector<2000x1xf32>
    %mul3A_171 = arith.mulf %mul3A_170, %get3A_1 : vector<2000x1xf32>
    %add3A_172 = arith.addf %mul3A_166, %mul3A_171 : vector<2000x1xf32>
    %swap3A = arith.constant 0 : index
    %swap3A_173 = arith.constant 0 : index
    %swap3A_174 = vector.load %arg18[%swap3A, %swap3A_173] : memref<2000x1xf32, #tpu.memory_space<vmem>>, vector<2000x1xf32>
    tpu.vector_store %arg18[%swap3A, %swap3A_173], %add3A_172 {strides = array<i32>} : memref<2000x1xf32, #tpu.memory_space<vmem>>, vector<2000x1xf32>,
    return
  }
  func.func @transform_0(%arg0: i32) -> (i32, i32) {
    %c0_i32 = arith.constant 0 : i32
    %c0_i32_0 = arith.constant 0 : i32
    return %arg0, %c0_i32 : i32, i32
  }
  func.func @transform_1(%arg0: i32) -> (i32, i32) {
    %c0_i32 = arith.constant 0 : i32
    %c0_i32_0 = arith.constant 0 : i32
    return %arg0, %c0_i32 : i32, i32
  }
  func.func @transform_2(%arg0: i32) -> (i32, i32) {
    %jit3A = arith.constant 5 : i32
    %eq3A = arith.constant 0 : i32
    %eq3A_0 = arith.cmpi eq, %jit3A, %eq3A : i32
    %jit3A_1 = arith.constant 1 : i32
    %select_n3A = arith.select %eq3A_0, %jit3A_1, %jit3A : i32
    %rem3A = arith.remsi %arg0, %select_n3A : i32
    %ne3A = arith.constant 0 : i32
    %ne3A_2 = arith.cmpi ne, %rem3A, %ne3A : i32
    %lt3A = arith.constant 0 : i32
    %lt3A_3 = arith.cmpi slt, %rem3A, %lt3A : i32
    %lt3A_4 = arith.constant 0 : i32
    %lt3A_5 = arith.cmpi slt, %select_n3A, %lt3A_4 : i32
    %ne3A_6 = arith.xori %lt3A_3, %lt3A_5 : i1
    %and3A = arith.andi %ne3A_6, %ne3A_2 : i1
    %add3A = arith.addi %rem3A, %select_n3A : i32
    %select_n3A_7 = arith.select %and3A, %add3A, %rem3A : i32
    %c0_i32 = arith.constant 0 : i32
    %c0_i32_8 = arith.constant 0 : i32
    return %select_n3A_7, %c0_i32 : i32, i32
  }
  func.func @transform_3(%arg0: i32) -> (i32, i32) {
    %c0_i32 = arith.constant 0 : i32
    %c0_i32_0 = arith.constant 0 : i32
    %c0_i32_1 = arith.constant 0 : i32
    return %c0_i32, %c0_i32_0 : i32, i32
  }
  func.func @transform_4(%arg0: i32) -> (i32, i32) {
    %c0_i32 = arith.constant 0 : i32
    %c0_i32_0 = arith.constant 0 : i32
    %c0_i32_1 = arith.constant 0 : i32
    return %c0_i32, %c0_i32_0 : i32, i32
  }
  func.func @transform_5(%arg0: i32) -> (i32, i32) {
    %c0_i32 = arith.constant 0 : i32
    %c0_i32_0 = arith.constant 0 : i32
    %c0_i32_1 = arith.constant 0 : i32
    return %c0_i32, %c0_i32_0 : i32, i32
  }
  func.func @transform_6(%arg0: i32) -> (i32, i32) {
    %c0_i32 = arith.constant 0 : i32
    %c0_i32_0 = arith.constant 0 : i32
    %c0_i32_1 = arith.constant 0 : i32
    return %c0_i32, %c0_i32_0 : i32, i32
  }
  func.func @transform_7(%arg0: i32) -> (i32, i32) {
    %c0_i32 = arith.constant 0 : i32
    %c0_i32_0 = arith.constant 0 : i32
    %c0_i32_1 = arith.constant 0 : i32
    return %c0_i32, %c0_i32_0 : i32, i32
  }
  func.func @transform_8(%arg0: i32) -> (i32, i32) {
    %c0_i32 = arith.constant 0 : i32
    %c0_i32_0 = arith.constant 0 : i32
    %c0_i32_1 = arith.constant 0 : i32
    return %c0_i32, %c0_i32_0 : i32, i32
  }
  func.func @transform_9(%arg0: i32) -> (i32, i32) {
    %c0_i32 = arith.constant 0 : i32
    %c0_i32_0 = arith.constant 0 : i32
    %c0_i32_1 = arith.constant 0 : i32
    return %c0_i32, %c0_i32_0 : i32, i32
  }
  func.func @transform_10(%arg0: i32) -> (i32, i32) {
    %c0_i32 = arith.constant 0 : i32
    %c0_i32_0 = arith.constant 0 : i32
    %c0_i32_1 = arith.constant 0 : i32
    return %c0_i32, %c0_i32_0 : i32, i32
  }
  func.func @transform_11(%arg0: i32) -> (i32, i32) {
    %c0_i32 = arith.constant 0 : i32
    %c0_i32_0 = arith.constant 0 : i32
    %c0_i32_1 = arith.constant 0 : i32
    return %c0_i32, %c0_i32_0 : i32, i32
  }
  func.func @transform_12(%arg0: i32) -> (i32, i32) {
    %c0_i32 = arith.constant 0 : i32
    %c0_i32_0 = arith.constant 0 : i32
    %c0_i32_1 = arith.constant 0 : i32
    return %c0_i32, %c0_i32_0 : i32, i32
  }
  func.func @transform_13(%arg0: i32) -> (i32, i32) {
    %c0_i32 = arith.constant 0 : i32
    %c0_i32_0 = arith.constant 0 : i32
    %c0_i32_1 = arith.constant 0 : i32
    return %c0_i32, %c0_i32_0 : i32, i32
  }
  func.func @transform_14(%arg0: i32) -> (i32, i32) {
    %c0_i32 = arith.constant 0 : i32
    %c0_i32_0 = arith.constant 0 : i32
    %c0_i32_1 = arith.constant 0 : i32
    return %c0_i32, %c0_i32_0 : i32, i32
  }
  func.func @transform_15(%arg0: i32) -> (i32, i32) {
    %c0_i32 = arith.constant 0 : i32
    %c0_i32_0 = arith.constant 0 : i32
    %c0_i32_1 = arith.constant 0 : i32
    return %c0_i32, %c0_i32_0 : i32, i32
  }
  func.func @transform_16(%arg0: i32) -> (i32, i32) {
    %c0_i32 = arith.constant 0 : i32
    %c0_i32_0 = arith.constant 0 : i32
    %c0_i32_1 = arith.constant 0 : i32
    return %c0_i32, %c0_i32_0 : i32, i32
  }
  func.func @transform_17(%arg0: i32) -> (i32, i32) {
    %c0_i32 = arith.constant 0 : i32
    %c0_i32_0 = arith.constant 0 : i32
    return %arg0, %c0_i32 : i32, i32
  }
}

</mosaic_0001>

<sc_bundles>
// kernel: kernel.10.cloned.1.call-start
scs
__scs_entry_jumppad:
0x0: {  	(pc) =	sbr.rel $0x88, $3  }
0x1: {  	(tag) =	ssettag $0x0;
	lr =	simm.s32 $0x1  }
0x2: {  	[smem:$0x3F90] =	sst lr;
	_ =	strace $0xD0000000  }
0x3: {  	_ = 	snop  }
0x4: {  	_ = 	snop  }
0x5: {  	_ = 	snop  }
0x6: {  	_ = 	snop  }
0x7: {  	_ = 	snop  }
__scs_overlays_trampoline_lowered:
0x8: {  	[smem:$0x3F9F] =	sst s0  }
0x9: {  	[smem:$0x3FA0] =	sst s1  }
0xa: {  	[smem:$0x3FA1] =	sst s2  }
0xb: {  	[smem:$0x3FA2] =	sst s3  }
0xc: {  	[smem:$0x3FA3] =	sst s4  }
0xd: {  	[smem:$0x3FA4] =	sst s5  }
0xe: {  	[smem:$0x3FA5] =	sst s6  }
0xf: {  	[smem:$0x3FA6] =	sst s7  }
0x10: {  	[smem:$0x3FA7] =	sst s8  }
0x11: {  	[smem:$0x3FA8] =	sst s9;
	s0 =	simm.s32 @!p0 $0x0  }
0x12: {  	s1 =	sld [smem:$0x3F8E];
	s0 =	simm.s32 @p0 $0x1  }
0x13: {  	[smem:$0x3FA9] =	sst s0;
	s0 =	simm.s32 @!p1 $0x0  }
0x14: {  	s2 =	sld [smem:$0x3F8D];
	s0 =	simm.s32 @p1 $0x1  }
0x15: {  	[smem:$0x3FAA] =	sst s0;
	s0 =	simm.s32 @!p2 $0x0  }
0x16: {  	s3 =	sld [smem:$0x3FDB];
	s0 =	simm.s32 @p2 $0x1  }
0x17: {  	s4 =	simm.s32 $0x1BF5;
	[smem:$0x3FAC] =	sst s0  }
0x18: {  	s0 =	sld [smem:$0x3F8F];
	_ =	swait.ge [sflag:s4], $0x0  }
0x19: {  	s7 =	sld [smem:$0x3F90]  }
0x1a: {  	s8 =	sadd.s32 $0xFFFFE003, lr  }
0x1b: {  	s9 =	sadd.s32 $0xFFFFFEF7, lr;
	s5 =	simm.s32 $0xFFFFFFFF;
	p2 =	slt.u32 s8, $0xFFFFF086  }
0x1c: {  	p1 =	slt.u32 s9, $0xF7A;
	s5 =	simm.s32 @!p2 $0x0  }
0x1d: {  	s5 =	simm.s32 @p1 $0x1;
	p0 =	seq.s32 s7, s2  }
0x1e: {  	s7 =	smul.u32 @!p0 $0xF7A, s2;
	p2 =	seq.s32 @!p0 s5, $0x0  }
0x1f: {  	s9 =	smul.u32 $0xF7A, s1;
	s8 =	simm.s32 @!p0 $0x1BF5;
	p2 =	por !p2, p0  }
0x20: {  	[sflag:s8] =	ssyncset.s32 @!p0 $0xFFFFF086;
	s6 =	sadd.s32 @!p0 s3, s7;
	s7 =	simm.s32 @!p0 $0x108  }
0x21: {  	s3 =	sadd.s32 s3, s9;
	s6 =	sadd.s32 @!p0 $0x88, s6;
	s7 =	simm.s32 @p2 $0x1082  }
0x22: {  	[simem:s7], [sflag:s8] =	dma.local @!p0 [hbm:s6], $0xF7A  }
0x23: {  	s9 =	sor.u32 $0xD0000000, s2;
	s6 =	simm.s32 $0x108;
	_ =	swait.ge @!p0 [sflag:s8], $0x0  }
0x24: {  	s3 =	sadd.s32 $0x88, s3;
	s6 =	simm.s32 @!p1 $0x1082;
	[sflag:s4] =	ssyncset.s32 $0xFFFFF086  }
0x25: {  	[simem:s6], [sflag:s4] =	dma.local [hbm:s3], $0xF7A  }
0x26: {  	[smem:$0x3F90] =	sst s1;
	(tag) =	ssettag s2;
	_ =	strace s9  }
0x27: {  	s1 =	sld [smem:$0x3FA0]  }
0x28: {  	s2 =	sld [smem:$0x3FA1]  }
0x29: {  	s4 =	sld [smem:$0x3FA3]  }
0x2a: {  	p0 =	seq.s32 s5, $0x0;
	s5 =	sld [smem:$0x3FA4]  }
0x2b: {  	s6 =	sld [smem:$0x3FA5]  }
0x2c: {  	s7 =	sld [smem:$0x3FA6]  }
0x2d: {  	s3 =	simm.s32 $0x108;
	s8 =	sld [smem:$0x3FA7]  }
0x2e: {  	s3 =	simm.s32 @!p0 $0x1082;
	s9 =	sld [smem:$0x3FA8]  }
0x2f: {  	lr =	sadd.s32 s0, s3;
	s0 =	sld [smem:$0x3F9F]  }
0x30: {  	s3 =	sld [smem:$0x3FA2]  }
0x31: {  	[smem:$0x3FAB] =	sst s10  }
0x32: {  	s10 =	sld [smem:$0x3FA9];
	_ =	sdelay $0x3  }
0x33: {  	p0 =	seq.s32 s10, $0x1;
	s10 =	sld [smem:$0x3FAB];
	_ =	sdelay $0x3  }
0x34: {  	[smem:$0x3FAB] =	sst s10  }
0x35: {  	s10 =	sld [smem:$0x3FAA];
	_ =	sdelay $0x3  }
0x36: {  	p1 =	seq.s32 s10, $0x1;
	s10 =	sld [smem:$0x3FAB];
	_ =	sdelay $0x3  }
0x37: {  	[smem:$0x3FAB] =	sst s10  }
0x38: {  	s10 =	sld [smem:$0x3FAC]  }
0x39: {  	_ = 	snop;
	(pc) =	sbr.ind lr, $3  }
0x3a: {  	_ = 	snop  }
0x3b: {  	_ = 	snop  }
0x3c: {  	p2 =	seq.s32 s10, $0x1;
	s10 =	sld [smem:$0x3FAB]  }
0x3d: {  	_ =	shalt  }
0x3e: {  	_ =	shalt  }
0x3f: {  	_ =	shalt  }
0x40: {  	_ =	shalt  }
0x41: {  	_ =	shalt  }
0x42: {  	_ =	shalt  }
0x43: {  	_ =	shalt  }
0x44: {  	_ =	shalt  }
0x45: {  	_ =	shalt  }
0x46: {  	_ =	shalt  }
0x47: {  	_ =	shalt  }
0x48: {  	_ =	shalt  }
0x49: {  	_ =	shalt  }
0x4a: {  	_ =	shalt  }
0x4b: {  	_ =	shalt  }
0x4c: {  	_ =	shalt  }
0x4d: {  	_ =	shalt  }
0x4e: {  	_ =	shalt  }
0x4f: {  	_ =	shalt  }
0x50: {  	_ =	shalt  }
0x51: {  	_ =	shalt  }
0x52: {  	_ =	shalt  }
0x53: {  	_ =	shalt  }
0x54: {  	_ =	shalt  }
0x55: {  	_ =	shalt  }
0x56: {  	_ =	shalt  }
0x57: {  	_ =	shalt  }
0x58: {  	_ =	shalt  }
0x59: {  	_ =	shalt  }
0x5a: {  	_ =	shalt  }
0x5b: {  	_ =	shalt  }
0x5c: {  	_ =	shalt  }
0x5d: {  	_ =	shalt  }
0x5e: {  	_ =	shalt  }
0x5f: {  	_ =	shalt  }
0x60: {  	_ =	shalt  }
0x61: {  	_ =	shalt  }
0x62: {  	_ =	shalt  }
0x63: {  	_ =	shalt  }
0x64: {  	_ =	shalt  }
0x65: {  	_ =	shalt  }
0x66: {  	_ =	shalt  }
0x67: {  	_ =	shalt  }
0x68: {  	_ =	shalt  }
0x69: {  	_ =	shalt  }
0x6a: {  	_ =	shalt  }
0x6b: {  	_ =	shalt  }
0x6c: {  	_ =	shalt  }
0x6d: {  	_ =	shalt  }
0x6e: {  	_ =	shalt  }
0x6f: {  	_ =	shalt  }
0x70: {  	_ =	shalt  }
0x71: {  	_ =	shalt  }
0x72: {  	_ =	shalt  }
0x73: {  	_ =	shalt  }
0x74: {  	_ =	shalt  }
0x75: {  	_ =	shalt  }
0x76: {  	_ =	shalt  }
0x77: {  	_ =	shalt  }
0x78: {  	_ =	shalt  }
0x79: {  	_ =	shalt  }
0x7a: {  	_ =	shalt  }
0x7b: {  	_ =	shalt  }
0x7c: {  	_ =	shalt  }
0x7d: {  	_ =	shalt  }
0x7e: {  	_ =	shalt  }
0x7f: {  	_ =	shalt  }
0x80: {  	_ =	shalt  }
0x81: {  	_ =	shalt  }
0x82: {  	_ =	shalt  }
0x83: {  	_ =	shalt  }
0x84: {  	_ =	shalt  }
0x85: {  	_ =	shalt  }
0x86: {  	_ =	shalt  }
0x87: {  	_ =	shalt  }
.Lfunc_end0:
.L_simem_size_0:
called_computation.1_lowered:
.L_overlay_start_0:
0x88: {  	s2 =	sld [smem:$0x3FD9]  }
0x89: {  	s3 =	sld [smem:$0x3FFE];
	_ =	sdelay $0x1  }
0x8a: {  	s1 =	srdreg.scid  }
0x8b: {  	s0 =	sand.u32 $0x1, s1  }
0x8c: {  	s17 =	sshll.u32 s0, $0xA;
	s2 =	sadd.s32 s3, s2  }
0x8d: {  	s2 =	sadd.s32 s2, s17  }
0x8e: {  	[smem:$0x3FB7] =	sst s2  }
0x8f: {  	_ = 	snop  }
0x90: {  	s18 =	sld [smem:$0x3FD0];
	(tm) =	ssettm $0x1  }
0x91: {  	s19 =	sld [smem:$0x3FFB];
	_ =	sdelay $0x3  }
0x92: {  	_ =	strace s19  }
0x93: {  	s2 =	sld [smem:$0x3FFC];
	_ =	sdelay $0x3  }
0x94: {  	_ =	strace s2  }
0x95: {  	s2 =	sld [smem:$0x3FFD];
	_ =	sdelay $0x3  }
0x96: {  	_ =	strace s2  }
0x97: {  	_ =	strace $0x8FFFFFFF  }
0x98: {  	s20 =	sld [smem:$0x3FDB];
	_ =	sdelay $0x1  }
0x99: {  	s4 =	simm.s32 $_scs_section_size  }
0x9a: {  	s5 =	simm.s32 $_size__tile_overlayer_lowered;
	s6 =	simm.s32 $_tile_overlayer_lowered  }
0x9b: {  	s7 =	simm.s32 $0x1BFF;
	s21 =	sshll.u32 s6, $0x1;
	s4 =	sadd.s32 s4, s20  }
0x9c: {  	s22 =	simm.s32 $0x0;
	s5 =	sshll.u32 s5, $0x1;
	s6 =	sadd.s32 s21, s4  }
0x9d: {  	[timem:s22], [sflag:s7] =	dma.local [hbm:s6], s5  }
0x9e: {  	_ =	swait.ge [sflag:s7], s5  }
0x9f: {  	s5 =	ssub.s32 $0x0, s5;
	[sflag:s7] =	ssyncset.done $0x0  }
0xa0: {  	[sflag:s7] =	ssyncadd.s32 s5;
	_ =	sdelay $0x1  }
0xa1: {  	s23 =	simm.s32 $0x1B8B  }
0xa2: {  	_ =	swait.ge [sflag:s23], $0x1  }
0xa3: {  	[sflag:s23] =	ssyncset.done $0x0  }
0xa4: {  	[sflag:s23] =	ssyncadd.s32 $0xFFFFFFFF  }
0xa5: {  	s5 =	sld [smem:$0x0]  }
0xa6: {  	s6 =	sand.u32 $0xFFFFFFFE, s1  }
0xa7: {  	p0 =	sne.s32 s1, s6  }
0xa8: {  	s6 =	sshll.u32 @p0 s6, $0xE  }
0xa9: {  	s6 =	sadd.s32 @p0 $0x11B8D, s6;
	s7 =	sshll.u32 @p0 s5, $0x11  }
0xaa: {  	s6 =	sor.u32 @p0 s7, s6  }
0xab: {  	[sflag:s6] =	ssyncadd.remote.s32 @p0 $0x1;
	_ =	sdelay $0x1  }
0xac: {  	s6 =	simm.s32 @p0 $0x1B8D  }
0xad: {  	_ =	swait.eq @p0 [sflag:s6], $0x1  }
0xae: {  	[sflag:s6] =	ssyncadd.s32 @p0 $0xFFFFFFFF  }
0xaf: {  	s7 =	sshll.u32 @!p0 s1, $0xE  }
0xb0: {  	s7 =	sor.u32 @!p0 $0x4000, s7;
	s6 =	simm.s32 @!p0 $0x1B8D  }
0xb1: {  	s5 =	sshll.u32 @!p0 s5, $0x11;
	s7 =	sadd.s32 @!p0 $0x11B8D, s7;
	_ =	swait.eq @!p0 [sflag:s6], $0x1  }
0xb2: {  	s5 =	sor.u32 @!p0 s5, s7;
	[sflag:s6] =	ssyncadd.s32 @!p0 $0xFFFFFFFF  }
0xb3: {  	s25 =	simm.s32 $0x1B8E;
	s24 =	sld [smem:$0x3FFE];
	[sflag:s5] =	ssyncadd.remote.s32 @!p0 $0x1  }
0xb4: {  	s26 =	simm.s32 $execute0_lowered;
	[smem:$0x3FD2] =	sst s25  }
0xb5: {  	s6 =	sshll.u32 s26, $0x1;
	_ =	strace $0x80000049;
	[dreg:$0x1] =	wrdreg $0xFFFFFFFF  }
0xb6: {  	s28 =	simm.s32 $_size_execute0_lowered;
	s4 =	sadd.s32 s4, s6;
	[dreg:$0x0] =	wrdreg $0x0  }
0xb7: {  	s6 =	sshll.u32 s28, $0x1;
	[dreg:$0x2] =	wrdreg s4  }
0xb8: {  	[dreg:$0x3] =	wrdreg s6  }
0xb9: {  	[dreg:$0x4] =	wrdreg $0xC0  }
0xba: {  	_ =	task [dreg:s22], $0x5FFFF  }
0xbb: {  	[dreg:$0x1] =	wrdreg $0xFFFFFFFF  }
0xbc: {  	[dreg:$0x0] =	wrdreg $0x60  }
0xbd: {  	[dreg:$0x2] =	wrdreg s24  }
0xbe: {  	[dreg:$0x3] =	wrdreg s18  }
0xbf: {  	[dreg:$0x4] =	wrdreg $0x128000  }
0xc0: {  	[dreg:$0x5] =	wrdreg $0xA  }
0xc1: {  	_ =	task.clear_ibuf [dreg:s22], $0x6FFFF;
	_ =	strace $0x90000049  }
0xc2: {  	s29 =	simm.s32 $0xA;
	_ =	strace $0x8000004B  }
0xc3: {  	_ =	swait.ge [sflag:s29], $0x1  }
0xc4: {  	[sflag:s29] =	ssyncadd.s32 $0xFFFFFFFF  }
0xc5: {  	_ =	strace $0x9000004B  }
0xc6: {  	_ =	sfence  }
0xc7: {  	s30 =	sld [smem:$0x0];
	_ =	sdelay $0x2  }
0xc8: {  	s31 =	sshll.u32 s1, $0xD;
	s1 =	sshrl.u32 s1, $0x2  }
0xc9: {  	s4 =	sand.u32 $0x4000, s31;
	s1 =	sadd.s32 s1, s30  }
0xca: {  	s0 =	sor.u32 s4, s0;
	s1 =	sshll.u32 s1, $0x11  }
0xcb: {  	s0 =	sor.u32 s1, s0  }
0xcc: {  	s0 =	sadd.s32 $0x8F2B, s0  }
0xcd: {  	[sflag:s0] =	ssyncadd.remote.s32 $0x1  }
0xce: {  	_ =	sfence.sel $0xFFFF  }
0xcf: {  	[dreg:$0x0] =	wrdreg $0xFFFFFFFF;
	(pc) =	sbr.abs _section_cstart, $3  }
0xd0: {  	[dreg:$0x1] =	wrdreg $0xFFFFFFFF  }
0xd1: {  	_ =	task.clear_ibuf [dreg:s22], $0x2FFFF;
	_ =	strace $0x9FFFFFFF  }
0xd2: {  	(tm) =	ssettm $0x7FFFFFFF  }
0xd3: {  	_ =	shalt  }
tec
execute0_lowered:
.L_overlay_start_1:
0x0: {  	(tag) =	ssettag $0x1  }
0x1: {  	s0 =	rddreg [dreg:$0x0]  }
0x2: {  	s3 =	rddreg [dreg:$0x2]  }
0x3: {  	s17 =	stileid.u32;
	s2 =	srdreg.scid;
	s4 =	simm.s32 $0x0  }
0x4: {  	s18 =	simm.s32 $0x9;
	s28 =	simm.s32 $0x9800;
	s30 =	simm.s32 $0xB800  }
0x5: {  	s29 =	simm.s32 $0x0;
	s1 =	smul.u32 $0x500, s17;
	s2 =	sand.u32 $0x1, s2  }
0x6: {  	s6 =	smul.u32 $0x280, s17;
	[smem:$0x7FF] =	sst s4;
	s5 =	sadd.s32 $0x1200, s0  }
0x7: {  	s8 =	sadd.s32 $0xA7800, s0;
	s19 =	smul.u32 $0x28000, s17;
	s20 =	sadd.s32 $0xA7600, s0  }
0x8: {  	p0 =	seq.s32 s17, $0xF;
	_ =	strace $0x8000004A;
	[dreg:$0x4] =	wrdreg s8  }
0x9: {  	s7 =	smul.u32 $0x4E20, s2;
	[dreg:$0x5] =	wrdreg s20;
	s21 =	ssub.s32 $0x2, s2  }
0xa: {  	s24 =	smul.u32 $0x9C40, s2;
	s20 =	simm.s32 $0xF800;
	s2 =	simm.s32 $0x1  }
0xb: {  	s8 =	simm.s32 $0x8;
	s1 =	sadd.s32 s1, s0;
	s22 =	sshrl.u32 s21, $0x1  }
0xc: {  	s6 =	sadd.s32 s6, s7;
	s7 =	sshrl.u32 s19, $0x2;
	s23 =	sadd.s32 $0xA2600, s1  }
0xd: {  	s1 =	sadd.s32 $0x9D600, s1;
	s10 =	sadd.s32 $0x4E20, s24;
	s11 =	sadd.s32 $0x7530, s24  }
0xe: {  	s19 =	simm.s32 $0x2;
	s6 =	sshll.u32 s6, $0x3;
	[dreg:$0x6] =	wrdreg s23  }
0xf: {  	s9 =	sadd.s32 s7, s3;
	[dreg:$0x7] =	wrdreg s1;
	s23 =	simm.s32 $0x80  }
0x10: {  	s1 =	simm.s32 $0x5;
	s7 =	simm.s32 $0x7;
	s0 =	sadd.s32 s6, s0  }
0x11: {  	s6 =	ssub.s32 s21, s22;
	s26 =	sadd.s32 $0x2000, s9;
	s25 =	sadd.s32 $0x4000, s9  }
0x12: {  	s13 =	sadd.s32 $0x6000, s9;
	s14 =	sadd.s32 $0x8000, s9;
	s21 =	simm.s32 $0x3  }
0x13: {  	s22 =	simm.s32 $0x4;
	[dreg:$0x8] =	wrdreg s25;
	s15 =	sadd.s32 $0xFAC00, s0  }
0x14: {  	s16 =	sadd.s32 $0x10E480, s0;
	s31 =	smax.u32 s6, $0x1;
	s25 =	simm.s32 $0x7800  }
0x15: {  	v0 =	vmov s10;
	v1 =	vmov s11;
	s0 =	simm.s32 $0xD800;
	s6 =	simm.s32 $0x6;
	[dreg:$0x9] =	wrdreg s31  }
.LBB2_1:
0x16: {  	s10 =	rddreg [dreg:$0x6]  }
0x17: {  	[tilespmem:s4], [sflag:$0x9] =	stream.linear.gather [hbm4b:s10+s4], $0x2800, $0x38;
	[tilespmem:$0x1C800] =	vst v63  }
0x18: {  	_ =	swait.ge [sflag:s18], $0x2800  }
0x19: {  	[sflag:s18] =	ssyncset.done $0x0  }
0x1a: {  	s11 =	simm.s32 $0x5000;
	s24 =	rddreg [dreg:$0x7];
	[sflag:s18] =	ssyncadd.s32 $0xFFFFD800  }
0x1b: {  	[tilespmem:s11], [sflag:$0x9] =	stream.linear.gather [hbm4b:s24+s4], $0x2800, $0x38;
	[tilespmem:$0x1C800] =	vst v63  }
0x1c: {  	_ =	swait.ge [sflag:s18], $0x2800  }
0x1d: {  	[sflag:s18] =	ssyncset.done $0x0  }
0x1e: {  	[sflag:s18] =	ssyncadd.s32 $0xFFFFD800  }
0x1f: {  	s31 =	rddreg [dreg:$0x1]  }
0x20: {  	[tilespmem:s20], [sflag:$0x9] =	stream.linear.gather [hbm4b:s31+s4], $0x2000, $0x38;
	[tilespmem:$0x1C800] =	vst v63  }
0x21: {  	_ =	swait.ge [sflag:s18], $0x2000  }
0x22: {  	[sflag:s18] =	ssyncset.done $0x0  }
0x23: {  	s12 =	simm.s32 $0x11800;
	s11 =	rddreg [dreg:$0x4];
	[sflag:s18] =	ssyncadd.s32 $0xFFFFE000  }
0x24: {  	[tilespmem:s12], [sflag:$0x9] =	stream.linear.gather [hbm4b:s11+s4], $0x800, $0x38;
	[tilespmem:$0x1C800] =	vst v63  }
0x25: {  	_ =	swait.ge [sflag:s18], $0x800  }
0x26: {  	[sflag:s18] =	ssyncset.done $0x0  }
0x27: {  	s24 =	simm.s32 $0x12000;
	s17 =	rddreg [dreg:$0x5];
	[sflag:s18] =	ssyncadd.s32 $0xFFFFF800  }
0x28: {  	[tilespmem:s24], [sflag:$0x9] =	stream.linear.gather [hbm4b:s17+s4], $0x800, $0x38;
	[tilespmem:$0x1C800] =	vst v63  }
0x29: {  	_ =	swait.ge [sflag:s18], $0x800  }
0x2a: {  	[sflag:s18] =	ssyncset.done $0x0  }
0x2b: {  	[sflag:s18] =	ssyncadd.s32 $0xFFFFF800  }
0x2c: {  	[spmem:s9] =	stream.linear.scatter [tilespmem:s20], [sflag:$0x9], $0x2000, $0x38;
	[tilespmem:$0x1C800] =	vst v63  }
0x2d: {  	_ =	swait.ge [sflag:s18], $0x2000  }
0x2e: {  	[sflag:s18] =	ssyncset.done $0x0  }
0x2f: {  	[sflag:s18] =	ssyncadd.s32 $0xFFFFE000  }
0x30: {  	[spmem:s26] =	stream.linear.scatter [tilespmem:s20], [sflag:$0x9], $0x2000, $0x38;
	[tilespmem:$0x1C800] =	vst v63  }
0x31: {  	_ =	swait.ge [sflag:s18], $0x2000  }
0x32: {  	[sflag:s18] =	ssyncset.done $0x0  }
0x33: {  	s31 =	rddreg [dreg:$0x8];
	[sflag:s18] =	ssyncadd.s32 $0xFFFFE000  }
0x34: {  	[spmem:s31] =	stream.linear.scatter [tilespmem:s20], [sflag:$0x9], $0x2000, $0x38;
	[tilespmem:$0x1C800] =	vst v63  }
0x35: {  	_ =	swait.ge [sflag:s18], $0x2000  }
0x36: {  	[sflag:s18] =	ssyncset.done $0x0  }
0x37: {  	[sflag:s18] =	ssyncadd.s32 $0xFFFFE000  }
0x38: {  	[spmem:s13] =	stream.linear.scatter [tilespmem:s20], [sflag:$0x9], $0x2000, $0x38;
	[tilespmem:$0x1C800] =	vst v63  }
0x39: {  	_ =	swait.ge [sflag:s18], $0x2000  }
0x3a: {  	[sflag:s18] =	ssyncset.done $0x0  }
0x3b: {  	[sflag:s18] =	ssyncadd.s32 $0xFFFFE000  }
0x3c: {  	[spmem:s14] =	stream.linear.scatter [tilespmem:s20], [sflag:$0x9], $0x2000, $0x38;
	[tilespmem:$0x1C800] =	vst v63  }
0x3d: {  	_ =	swait.ge [sflag:s18], $0x2000  }
0x3e: {  	[sflag:s18] =	ssyncset.done $0x0  }
0x3f: {  	s17 =	simm.s32 $0x0;
	[sflag:s18] =	ssyncadd.s32 $0xFFFFE000  }
0x40: {  	v3 =	vld [tilespmem:s17+$0x70]  }
0x41: {  	v6 =	vld [tilespmem:s17+$0x0]  }
0x42: {  	v7 =	vld [tilespmem:s17+$0x10]  }
0x43: {  	v5 =	vld [tilespmem:s17+$0x20]  }
0x44: {  	v4 =	vld [tilespmem:s17+$0x30]  }
0x45: {  	v2 =	vld [tilespmem:s17+$0x40];
	v8 =	vadd.s32 v0, v3  }
0x46: {  	v3 =	vld [tilespmem:s17+$0x50];
	v6 =	vadd.s32 v0, v6;
	[tilespmem:s17+$0x2870] =	vst v8  }
0x47: {  	s10 =	simm.s32 $0x80;
	s24 =	simm.s32 $0x400;
	v7 =	vadd.s32 v0, v7;
	[tilespmem:s17+$0x2800] =	vst v6;
	v6 =	vld [tilespmem:s17+$0x60]  }
.LBB2_2:
0x48: {  	p1 =	sne.s32 s24, $0x9E00;
	v8 =	vld [tilespmem:s10+$0x70];
	[tilespmem:s17+$0x2810] =	vst v7;
	v5 =	vadd.s32 v0, v5  }
0x49: {  	v7 =	vld [tilespmem:s10+$0x0];
	[tilespmem:s17+$0x2820] =	vst v5;
	v4 =	vadd.s32 v0, v4  }
0x4a: {  	v9 =	vld [tilespmem:s10+$0x10];
	[tilespmem:s17+$0x2830] =	vst v4;
	v2 =	vadd.s32 v0, v2  }
.Ltmp0:
0x4b: {  	v5 =	vld [tilespmem:s10+$0x20];
	[tilespmem:s17+$0x2840] =	vst v2;
	v2 =	vadd.s32 v0, v3;
	(pc) =	sbr.rel @p1 .LBB2_2-.Ltmp0, $4  }
0x4c: {  	v4 =	vld [tilespmem:s10+$0x30];
	[tilespmem:s17+$0x2850] =	vst v2;
	v3 =	vadd.s32 v0, v6  }
0x4d: {  	v2 =	vld [tilespmem:s10+$0x40];
	v6 =	vadd.s32 v0, v8;
	[tilespmem:s17+$0x2860] =	vst v3;
	s17 =	smov.u32 s10  }
0x4e: {  	v7 =	vadd.s32 v0, v7;
	v3 =	vld [tilespmem:s17+$0x50];
	[tilespmem:s17+$0x2870] =	vst v6  }
0x4f: {  	s10 =	sshra.s32 s24, $0x2;
	s24 =	sadd.s32 $0x200, s24;
	[tilespmem:s17+$0x2800] =	vst v7;
	v7 =	vadd.s32 v0, v9;
	v6 =	vld [tilespmem:s17+$0x60]  }
0x50: {  	v8 =	vld [tilespmem:s10+$0x70];
	[tilespmem:s17+$0x2810] =	vst v7;
	v5 =	vadd.s32 v0, v5  }
0x51: {  	v7 =	vld [tilespmem:s10+$0x0];
	[tilespmem:s17+$0x2820] =	vst v5;
	v4 =	vadd.s32 v0, v4  }
0x52: {  	v5 =	vld [tilespmem:s10+$0x10];
	[tilespmem:s17+$0x2830] =	vst v4;
	v2 =	vadd.s32 v0, v2  }
0x53: {  	v4 =	vld [tilespmem:s10+$0x20];
	[tilespmem:s17+$0x2840] =	vst v2;
	v2 =	vadd.s32 v0, v3  }
0x54: {  	v3 =	vld [tilespmem:s10+$0x30];
	[tilespmem:s17+$0x2850] =	vst v2;
	v2 =	vadd.s32 v0, v6  }
0x55: {  	v61 =	vld [tilespmem:s10+$0x40];
	[tilespmem:s17+$0x2860] =	vst v2;
	v2 =	vadd.s32 v0, v8  }
0x56: {  	v62 =	vld [tilespmem:s10+$0x50];
	v7 =	vadd.s32 v0, v7;
	[tilespmem:s10+$0x2870] =	vst v2  }
0x57: {  	v63 =	vld [tilespmem:s10+$0x60];
	[tilespmem:s10+$0x2800] =	vst v7;
	v2 =	vadd.s32 v0, v5  }
0x58: {  	[tilespmem:s10+$0x2810] =	vst v2;
	v2 =	vadd.s32 v0, v4  }
0x59: {  	[tilespmem:s10+$0x2820] =	vst v2;
	v2 =	vadd.s32 v0, v3  }
0x5a: {  	[tilespmem:s10+$0x2830] =	vst v2;
	v2 =	vadd.s32 v0, v61  }
0x5b: {  	[tilespmem:s10+$0x2840] =	vst v2;
	v2 =	vadd.s32 v0, v62  }
0x5c: {  	[tilespmem:s10+$0x2850] =	vst v2;
	v2 =	vadd.s32 v0, v63  }
0x5d: {  	[tilespmem:s10+$0x2860] =	vst v2  }
0x5e: {  	s31 =	simm.s32 $0x2800;
	[bflag:$0x0] =	sbarrier.arrive $0xFFFF  }
0x5f: {  	[tilespmem:s25], [sflag:$0x1] =	stream.indirect.gather [hbm4b:s5+s23], $0x40, s31, s23, $0xb8;
	[tilespmem:$0x1C800] =	vst v63  }
0x60: {  	s11 =	simm.s32 $0x2880  }
0x61: {  	[tilespmem:s28], [sflag:$0x2] =	stream.indirect.gather [hbm4b:s5+s23], $0x40, s11, s23, $0xb8;
	[tilespmem:$0x1C800] =	vst v63  }
0x62: {  	s12 =	simm.s32 $0x2900  }
0x63: {  	[tilespmem:s30], [sflag:$0x3] =	stream.indirect.gather [hbm4b:s5+s23], $0x40, s12, s23, $0xb8;
	[tilespmem:$0x1C800] =	vst v63  }
0x64: {  	s17 =	simm.s32 $0x2980  }
0x65: {  	[tilespmem:s0], [sflag:$0x4] =	stream.indirect.gather [hbm4b:s5+s23], $0x40, s17, s23, $0xb8;
	[tilespmem:$0x1C800] =	vst v63  }
0x66: {  	_ =	swait.ge [sflag:s2], $0x2000  }
0x67: {  	[sflag:s2] =	ssyncset.done $0x0  }
0x68: {  	s24 =	simm.s32 $0x5000;
	[sflag:s2] =	ssyncadd.s32 $0xFFFFE000  }
0x69: {  	[spmem:s3] =	stream.indirect.scatter.add.bf16 [tilespmem:s25], [sflag:$0x5], $0x40, s24, s23, $0xb8;
	[tilespmem:$0x1C800] =	vst v63  }
0x6a: {  	_ =	swait.ge [sflag:s19], $0x2000  }
0x6b: {  	[sflag:s19] =	ssyncset.done $0x0  }
0x6c: {  	s31 =	simm.s32 $0x5080;
	[sflag:s19] =	ssyncadd.s32 $0xFFFFE000  }
0x6d: {  	[spmem:s3] =	stream.indirect.scatter.add.bf16 [tilespmem:s28], [sflag:$0x6], $0x40, s31, s23, $0xb8;
	[tilespmem:$0x1C800] =	vst v63  }
0x6e: {  	_ =	swait.ge [sflag:s21], $0x2000  }
0x6f: {  	[sflag:s21] =	ssyncset.done $0x0  }
0x70: {  	s11 =	simm.s32 $0x5100;
	[sflag:s21] =	ssyncadd.s32 $0xFFFFE000  }
0x71: {  	[spmem:s3] =	stream.indirect.scatter.add.bf16 [tilespmem:s30], [sflag:$0x7], $0x40, s11, s23, $0xb8;
	[tilespmem:$0x1C800] =	vst v63  }
0x72: {  	_ =	swait.ge [sflag:s22], $0x2000  }
0x73: {  	[sflag:s22] =	ssyncset.done $0x0  }
0x74: {  	s12 =	simm.s32 $0x5180;
	[sflag:s22] =	ssyncadd.s32 $0xFFFFE000  }
0x75: {  	[spmem:s3] =	stream.indirect.scatter.add.bf16 [tilespmem:s0], [sflag:$0x8], $0x40, s12, s23, $0xb8;
	[tilespmem:$0x1C800] =	vst v63  }
0x76: {  	_ =	swait.ge [sflag:s1], $0x2000  }
0x77: {  	[sflag:s1] =	ssyncset.done $0x0  }
0x78: {  	s17 =	simm.s32 $0x2A00;
	[sflag:s1] =	ssyncadd.s32 $0xFFFFE000  }
0x79: {  	[tilespmem:s25], [sflag:$0x1] =	stream.indirect.gather [hbm4b:s5+s23], $0x40, s17, s23, $0xb8;
	[tilespmem:$0x1C800] =	vst v63  }
0x7a: {  	_ =	swait.ge [sflag:s6], $0x2000  }
0x7b: {  	[sflag:s6] =	ssyncset.done $0x0  }
0x7c: {  	s24 =	simm.s32 $0x2A80;
	[sflag:s6] =	ssyncadd.s32 $0xFFFFE000  }
0x7d: {  	[tilespmem:s28], [sflag:$0x2] =	stream.indirect.gather [hbm4b:s5+s23], $0x40, s24, s23, $0xb8;
	[tilespmem:$0x1C800] =	vst v63  }
0x7e: {  	_ =	swait.ge [sflag:s7], $0x2000  }
0x7f: {  	[sflag:s7] =	ssyncset.done $0x0  }
0x80: {  	s31 =	simm.s32 $0x2B00;
	[sflag:s7] =	ssyncadd.s32 $0xFFFFE000  }
0x81: {  	[tilespmem:s30], [sflag:$0x3] =	stream.indirect.gather [hbm4b:s5+s23], $0x40, s31, s23, $0xb8;
	[tilespmem:$0x1C800] =	vst v63  }
0x82: {  	_ =	swait.ge [sflag:s8], $0x2000  }
0x83: {  	[sflag:s8] =	ssyncset.done $0x0  }
0x84: {  	s10 =	simm.s32 $0x800;
	s11 =	simm.s32 $0x2B80;
	[sflag:s8] =	ssyncadd.s32 $0xFFFFE000  }
.LBB2_4:
0x85: {  	[tilespmem:s0], [sflag:$0x4] =	stream.indirect.gather [hbm4b:s5+s23], $0x40, s11, s23, $0xb8;
	[tilespmem:$0x1C800] =	vst v63  }
0x86: {  	s11 =	smov.u32 s10  }
0x87: {  	p1 =	sne.s32 s10, $0x9000;
	s10 =	sadd.s32 $0x800, s10;
	_ =	swait.ge [sflag:s2], $0x2000  }
0x88: {  	s17 =	sshra.s32 s11, $0x2;
	[sflag:s2] =	ssyncset.done $0x0  }
0x89: {  	s11 =	sadd.s32 $0x5000, s17;
	[sflag:s2] =	ssyncadd.s32 $0xFFFFE000  }
0x8a: {  	[spmem:s3] =	stream.indirect.scatter.add.bf16 [tilespmem:s25], [sflag:$0x5], $0x40, s11, s23, $0xb8;
	[tilespmem:$0x1C800] =	vst v63  }
0x8b: {  	_ =	swait.ge [sflag:s19], $0x2000  }
0x8c: {  	[sflag:s19] =	ssyncset.done $0x0  }
0x8d: {  	s11 =	sadd.s32 $0x5080, s17;
	[sflag:s19] =	ssyncadd.s32 $0xFFFFE000  }
0x8e: {  	[spmem:s3] =	stream.indirect.scatter.add.bf16 [tilespmem:s28], [sflag:$0x6], $0x40, s11, s23, $0xb8;
	[tilespmem:$0x1C800] =	vst v63  }
0x8f: {  	_ =	swait.ge [sflag:s21], $0x2000  }
0x90: {  	[sflag:s21] =	ssyncset.done $0x0  }
0x91: {  	s11 =	sadd.s32 $0x5100, s17;
	[sflag:s21] =	ssyncadd.s32 $0xFFFFE000  }
0x92: {  	[spmem:s3] =	stream.indirect.scatter.add.bf16 [tilespmem:s30], [sflag:$0x7], $0x40, s11, s23, $0xb8;
	[tilespmem:$0x1C800] =	vst v63  }
0x93: {  	_ =	swait.ge [sflag:s22], $0x2000  }
0x94: {  	[sflag:s22] =	ssyncset.done $0x0  }
0x95: {  	s11 =	sadd.s32 $0x5180, s17;
	[sflag:s22] =	ssyncadd.s32 $0xFFFFE000  }
0x96: {  	[spmem:s3] =	stream.indirect.scatter.add.bf16 [tilespmem:s0], [sflag:$0x8], $0x40, s11, s23, $0xb8;
	[tilespmem:$0x1C800] =	vst v63  }
0x97: {  	_ =	swait.ge [sflag:s1], $0x2000  }
0x98: {  	[sflag:s1] =	ssyncset.done $0x0  }
0x99: {  	s11 =	sadd.s32 $0x2A00, s17;
	[sflag:s1] =	ssyncadd.s32 $0xFFFFE000  }
0x9a: {  	[tilespmem:s25], [sflag:$0x1] =	stream.indirect.gather [hbm4b:s5+s23], $0x40, s11, s23, $0xb8;
	[tilespmem:$0x1C800] =	vst v63  }
0x9b: {  	_ =	swait.ge [sflag:s6], $0x2000  }
0x9c: {  	[sflag:s6] =	ssyncset.done $0x0  }
0x9d: {  	s11 =	sadd.s32 $0x2A80, s17;
	[sflag:s6] =	ssyncadd.s32 $0xFFFFE000  }
0x9e: {  	[tilespmem:s28], [sflag:$0x2] =	stream.indirect.gather [hbm4b:s5+s23], $0x40, s11, s23, $0xb8;
	[tilespmem:$0x1C800] =	vst v63  }
0x9f: {  	_ =	swait.ge [sflag:s7], $0x2000  }
0xa0: {  	[sflag:s7] =	ssyncset.done $0x0  }
.Ltmp1:
0xa1: {  	s11 =	sadd.s32 $0x2B00, s17;
	[sflag:s7] =	ssyncadd.s32 $0xFFFFE000;
	(pc) =	sbr.rel @p1 .LBB2_4-.Ltmp1, $4  }
0xa2: {  	[tilespmem:s30], [sflag:$0x3] =	stream.indirect.gather [hbm4b:s5+s23], $0x40, s11, s23, $0xb8;
	[tilespmem:$0x1C800] =	vst v63  }
0xa3: {  	_ =	swait.ge [sflag:s8], $0x2000  }
0xa4: {  	[sflag:s8] =	ssyncset.done $0x0  }
0xa5: {  	s11 =	sadd.s32 $0x2B80, s17;
	[sflag:s8] =	ssyncadd.s32 $0xFFFFE000  }
0xa6: {  	[tilespmem:s0], [sflag:$0x4] =	stream.indirect.gather [hbm4b:s5+s23], $0x40, s11, s23, $0xb8;
	[tilespmem:$0x1C800] =	vst v63  }
0xa7: {  	_ =	swait.ge [sflag:s2], $0x2000  }
0xa8: {  	[sflag:s2] =	ssyncset.done $0x0  }
0xa9: {  	s10 =	simm.s32 $0x7600;
	[sflag:s2] =	ssyncadd.s32 $0xFFFFE000  }
0xaa: {  	[spmem:s3] =	stream.indirect.scatter.add.bf16 [tilespmem:s25], [sflag:$0x5], $0x40, s10, s23, $0xb8;
	[tilespmem:$0x1C800] =	vst v63  }
0xab: {  	_ =	swait.ge [sflag:s19], $0x2000  }
0xac: {  	[sflag:s19] =	ssyncset.done $0x0  }
0xad: {  	s12 =	simm.s32 $0x7680;
	[sflag:s19] =	ssyncadd.s32 $0xFFFFE000  }
0xae: {  	[spmem:s3] =	stream.indirect.scatter.add.bf16 [tilespmem:s28], [sflag:$0x6], $0x40, s12, s23, $0xb8;
	[tilespmem:$0x1C800] =	vst v63  }
0xaf: {  	_ =	swait.ge [sflag:s21], $0x2000  }
0xb0: {  	[sflag:s21] =	ssyncset.done $0x0  }
0xb1: {  	s17 =	simm.s32 $0x7700;
	[sflag:s21] =	ssyncadd.s32 $0xFFFFE000  }
0xb2: {  	[spmem:s3] =	stream.indirect.scatter.add.bf16 [tilespmem:s30], [sflag:$0x7], $0x40, s17, s23, $0xb8;
	[tilespmem:$0x1C800] =	vst v63  }
0xb3: {  	_ =	swait.ge [sflag:s22], $0x2000  }
0xb4: {  	[sflag:s22] =	ssyncset.done $0x0  }
0xb5: {  	s24 =	simm.s32 $0x7780;
	[sflag:s22] =	ssyncadd.s32 $0xFFFFE000  }
0xb6: {  	[spmem:s3] =	stream.indirect.scatter.add.bf16 [tilespmem:s0], [sflag:$0x8], $0x40, s24, s23, $0xb8;
	[tilespmem:$0x1C800] =	vst v63  }
0xb7: {  	_ =	swait.ge [sflag:s1], $0x2000  }
0xb8: {  	[sflag:s1] =	ssyncset.done $0x0  }
0xb9: {  	[sflag:s1] =	ssyncadd.s32 $0xFFFFE000  }
0xba: {  	_ =	swait.ge [sflag:s6], $0x2000  }
0xbb: {  	[sflag:s6] =	ssyncset.done $0x0  }
0xbc: {  	[sflag:s6] =	ssyncadd.s32 $0xFFFFE000  }
0xbd: {  	_ =	swait.ge [sflag:s7], $0x2000  }
0xbe: {  	[sflag:s7] =	ssyncset.done $0x0  }
0xbf: {  	[sflag:s7] =	ssyncadd.s32 $0xFFFFE000  }
0xc0: {  	_ =	swait.ge [sflag:s8], $0x2000  }
0xc1: {  	[sflag:s8] =	ssyncset.done $0x0  }
0xc2: {  	[sflag:s8] =	ssyncadd.s32 $0xFFFFE000  }
0xc3: {  	s31 =	sshrl.u32 @p0 s9, $0x3;
	s10 =	simm.s32 @p0 $0x1FC9;
	[bflag:$0x0] =	sbarrier.arrive $0xFFFF  }
0xc4: {  	[hbm:s15], [sflag:s10] =	dma.local @p0 [spmem:s31], $0xC80  }
0xc5: {  	s10 =	simm.s32 @p0 $0x9  }
0xc6: {  	s11 =	stileid.u32;
	_ =	swait.ge @p0 [sflag:s10], $0xC80  }
0xc7: {  	s11 =	sshll.u32 @!p0 s11, $0x6;
	s24 =	sshrl.u32 @!p0 s9, $0x3;
	[sflag:s10] =	ssyncset.done @p0 $0x0  }
0xc8: {  	[sflag:s10] =	ssyncadd.s32 @p0 $0xFFFFF380;
	s10 =	sor.u32 @!p0 $0x1C09, s11;
	s11 =	simm.s32 @!p0 $0x9  }
0xc9: {  	[hbm:s15], [sflag:s10] =	dma.local @!p0 [spmem:s24], $0x1400  }
0xca: {  	_ =	swait.ge @!p0 [sflag:s11], $0x1400  }
0xcb: {  	[sflag:s11] =	ssyncset.done @!p0 $0x0  }
0xcc: {  	[sflag:s11] =	ssyncadd.s32 @!p0 $0xFFFFEC00  }
0xcd: {  	[bflag:$0x0] =	sbarrier.arrive $0xFFFF  }
0xce: {  	[spmem:s9] =	stream.linear.scatter [tilespmem:s20], [sflag:$0x9], $0x2000, $0x38;
	[tilespmem:$0x1C800] =	vst v63  }
0xcf: {  	_ =	swait.ge [sflag:s18], $0x2000  }
0xd0: {  	[sflag:s18] =	ssyncset.done $0x0  }
0xd1: {  	[sflag:s18] =	ssyncadd.s32 $0xFFFFE000  }
0xd2: {  	[spmem:s26] =	stream.linear.scatter [tilespmem:s20], [sflag:$0x9], $0x2000, $0x38;
	[tilespmem:$0x1C800] =	vst v63  }
0xd3: {  	_ =	swait.ge [sflag:s18], $0x2000  }
0xd4: {  	[sflag:s18] =	ssyncset.done $0x0  }
0xd5: {  	s12 =	smov.u32 s26;
	s26 =	rddreg [dreg:$0x8];
	[sflag:s18] =	ssyncadd.s32 $0xFFFFE000  }
0xd6: {  	[spmem:s26] =	stream.linear.scatter [tilespmem:s20], [sflag:$0x9], $0x2000, $0x38;
	[tilespmem:$0x1C800] =	vst v63  }
0xd7: {  	_ =	swait.ge [sflag:s18], $0x2000  }
0xd8: {  	[sflag:s18] =	ssyncset.done $0x0  }
0xd9: {  	[sflag:s18] =	ssyncadd.s32 $0xFFFFE000  }
0xda: {  	[spmem:s13] =	stream.linear.scatter [tilespmem:s20], [sflag:$0x9], $0x2000, $0x38;
	[tilespmem:$0x1C800] =	vst v63  }
0xdb: {  	_ =	swait.ge [sflag:s18], $0x2000  }
0xdc: {  	[sflag:s18] =	ssyncset.done $0x0  }
0xdd: {  	[sflag:s18] =	ssyncadd.s32 $0xFFFFE000  }
0xde: {  	[spmem:s14] =	stream.linear.scatter [tilespmem:s20], [sflag:$0x9], $0x2000, $0x38;
	[tilespmem:$0x1C800] =	vst v63  }
0xdf: {  	_ =	swait.ge [sflag:s18], $0x2000  }
0xe0: {  	[sflag:s18] =	ssyncset.done $0x0  }
0xe1: {  	s26 =	simm.s32 $0x0;
	[sflag:s18] =	ssyncadd.s32 $0xFFFFE000  }
0xe2: {  	v3 =	vld [tilespmem:s26+$0x70]  }
0xe3: {  	v6 =	vld [tilespmem:s26+$0x0]  }
0xe4: {  	v7 =	vld [tilespmem:s26+$0x10]  }
0xe5: {  	v5 =	vld [tilespmem:s26+$0x20]  }
0xe6: {  	v4 =	vld [tilespmem:s26+$0x30]  }
0xe7: {  	v2 =	vld [tilespmem:s26+$0x40];
	v8 =	vadd.s32 v1, v3  }
0xe8: {  	v3 =	vld [tilespmem:s26+$0x50];
	v6 =	vadd.s32 v1, v6;
	[tilespmem:s26+$0x2870] =	vst v8  }
0xe9: {  	s17 =	simm.s32 $0x80;
	s11 =	simm.s32 $0x400;
	v7 =	vadd.s32 v1, v7;
	[tilespmem:s26+$0x2800] =	vst v6;
	v6 =	vld [tilespmem:s26+$0x60]  }
.LBB2_6:
0xea: {  	p1 =	sne.s32 s11, $0x9E00;
	v8 =	vld [tilespmem:s17+$0x70];
	[tilespmem:s26+$0x2810] =	vst v7;
	v5 =	vadd.s32 v1, v5  }
0xeb: {  	v7 =	vld [tilespmem:s17+$0x0];
	[tilespmem:s26+$0x2820] =	vst v5;
	v4 =	vadd.s32 v1, v4  }
0xec: {  	v9 =	vld [tilespmem:s17+$0x10];
	[tilespmem:s26+$0x2830] =	vst v4;
	v2 =	vadd.s32 v1, v2  }
.Ltmp2:
0xed: {  	v5 =	vld [tilespmem:s17+$0x20];
	[tilespmem:s26+$0x2840] =	vst v2;
	v2 =	vadd.s32 v1, v3;
	(pc) =	sbr.rel @p1 .LBB2_6-.Ltmp2, $4  }
0xee: {  	v4 =	vld [tilespmem:s17+$0x30];
	[tilespmem:s26+$0x2850] =	vst v2;
	v3 =	vadd.s32 v1, v6  }
0xef: {  	v2 =	vld [tilespmem:s17+$0x40];
	v6 =	vadd.s32 v1, v8;
	[tilespmem:s26+$0x2860] =	vst v3;
	s26 =	smov.u32 s17  }
0xf0: {  	v7 =	vadd.s32 v1, v7;
	v3 =	vld [tilespmem:s26+$0x50];
	[tilespmem:s26+$0x2870] =	vst v6  }
0xf1: {  	s17 =	sshra.s32 s11, $0x2;
	s11 =	sadd.s32 $0x200, s11;
	[tilespmem:s26+$0x2800] =	vst v7;
	v7 =	vadd.s32 v1, v9;
	v6 =	vld [tilespmem:s26+$0x60]  }
0xf2: {  	v8 =	vld [tilespmem:s17+$0x70];
	[tilespmem:s26+$0x2810] =	vst v7;
	v5 =	vadd.s32 v1, v5  }
0xf3: {  	v7 =	vld [tilespmem:s17+$0x0];
	[tilespmem:s26+$0x2820] =	vst v5;
	v4 =	vadd.s32 v1, v4  }
0xf4: {  	v5 =	vld [tilespmem:s17+$0x10];
	[tilespmem:s26+$0x2830] =	vst v4;
	v2 =	vadd.s32 v1, v2  }
0xf5: {  	v4 =	vld [tilespmem:s17+$0x20];
	[tilespmem:s26+$0x2840] =	vst v2;
	v2 =	vadd.s32 v1, v3  }
0xf6: {  	v3 =	vld [tilespmem:s17+$0x30];
	[tilespmem:s26+$0x2850] =	vst v2;
	v2 =	vadd.s32 v1, v6  }
0xf7: {  	v61 =	vld [tilespmem:s17+$0x40];
	[tilespmem:s26+$0x2860] =	vst v2;
	v2 =	vadd.s32 v1, v8  }
0xf8: {  	v62 =	vld [tilespmem:s17+$0x50];
	v7 =	vadd.s32 v1, v7;
	[tilespmem:s17+$0x2870] =	vst v2  }
0xf9: {  	v63 =	vld [tilespmem:s17+$0x60];
	[tilespmem:s17+$0x2800] =	vst v7;
	v2 =	vadd.s32 v1, v5  }
0xfa: {  	[tilespmem:s17+$0x2810] =	vst v2;
	v2 =	vadd.s32 v1, v4  }
0xfb: {  	[tilespmem:s17+$0x2820] =	vst v2;
	v2 =	vadd.s32 v1, v3  }
0xfc: {  	[tilespmem:s17+$0x2830] =	vst v2;
	v2 =	vadd.s32 v1, v61  }
0xfd: {  	[tilespmem:s17+$0x2840] =	vst v2;
	v2 =	vadd.s32 v1, v62  }
0xfe: {  	[tilespmem:s17+$0x2850] =	vst v2;
	v2 =	vadd.s32 v1, v63  }
0xff: {  	[tilespmem:s17+$0x2860] =	vst v2  }
0x100: {  	s11 =	simm.s32 $0x2800;
	[bflag:$0x0] =	sbarrier.arrive $0xFFFF  }
0x101: {  	[tilespmem:s25], [sflag:$0x1] =	stream.indirect.gather [hbm4b:s5+s23], $0x40, s11, s23, $0xb8;
	[tilespmem:$0x1C800] =	vst v63  }
0x102: {  	s17 =	simm.s32 $0x2880  }
0x103: {  	[tilespmem:s28], [sflag:$0x2] =	stream.indirect.gather [hbm4b:s5+s23], $0x40, s17, s23, $0xb8;
	[tilespmem:$0x1C800] =	vst v63  }
0x104: {  	s26 =	simm.s32 $0x2900  }
0x105: {  	[tilespmem:s30], [sflag:$0x3] =	stream.indirect.gather [hbm4b:s5+s23], $0x40, s26, s23, $0xb8;
	[tilespmem:$0x1C800] =	vst v63  }
0x106: {  	s17 =	simm.s32 $0x2980  }
0x107: {  	[tilespmem:s0], [sflag:$0x4] =	stream.indirect.gather [hbm4b:s5+s23], $0x40, s17, s23, $0xb8;
	[tilespmem:$0x1C800] =	vst v63  }
0x108: {  	_ =	swait.ge [sflag:s2], $0x2000  }
0x109: {  	[sflag:s2] =	ssyncset.done $0x0  }
0x10a: {  	s26 =	simm.s32 $0x5000;
	[sflag:s2] =	ssyncadd.s32 $0xFFFFE000  }
0x10b: {  	[spmem:s3] =	stream.indirect.scatter.add.bf16 [tilespmem:s25], [sflag:$0x5], $0x40, s26, s23, $0xb8;
	[tilespmem:$0x1C800] =	vst v63  }
0x10c: {  	_ =	swait.ge [sflag:s19], $0x2000  }
0x10d: {  	[sflag:s19] =	ssyncset.done $0x0  }
0x10e: {  	s17 =	simm.s32 $0x5080;
	[sflag:s19] =	ssyncadd.s32 $0xFFFFE000  }
0x10f: {  	[spmem:s3] =	stream.indirect.scatter.add.bf16 [tilespmem:s28], [sflag:$0x6], $0x40, s17, s23, $0xb8;
	[tilespmem:$0x1C800] =	vst v63  }
0x110: {  	_ =	swait.ge [sflag:s21], $0x2000  }
0x111: {  	[sflag:s21] =	ssyncset.done $0x0  }
0x112: {  	s26 =	simm.s32 $0x5100;
	[sflag:s21] =	ssyncadd.s32 $0xFFFFE000  }
0x113: {  	[spmem:s3] =	stream.indirect.scatter.add.bf16 [tilespmem:s30], [sflag:$0x7], $0x40, s26, s23, $0xb8;
	[tilespmem:$0x1C800] =	vst v63  }
0x114: {  	_ =	swait.ge [sflag:s22], $0x2000  }
0x115: {  	[sflag:s22] =	ssyncset.done $0x0  }
0x116: {  	s17 =	simm.s32 $0x5180;
	[sflag:s22] =	ssyncadd.s32 $0xFFFFE000  }
0x117: {  	[spmem:s3] =	stream.indirect.scatter.add.bf16 [tilespmem:s0], [sflag:$0x8], $0x40, s17, s23, $0xb8;
	[tilespmem:$0x1C800] =	vst v63  }
0x118: {  	_ =	swait.ge [sflag:s1], $0x2000  }
0x119: {  	[sflag:s1] =	ssyncset.done $0x0  }
0x11a: {  	s26 =	simm.s32 $0x2A00;
	[sflag:s1] =	ssyncadd.s32 $0xFFFFE000  }
0x11b: {  	[tilespmem:s25], [sflag:$0x1] =	stream.indirect.gather [hbm4b:s5+s23], $0x40, s26, s23, $0xb8;
	[tilespmem:$0x1C800] =	vst v63  }
0x11c: {  	_ =	swait.ge [sflag:s6], $0x2000  }
0x11d: {  	[sflag:s6] =	ssyncset.done $0x0  }
0x11e: {  	s17 =	simm.s32 $0x2A80;
	[sflag:s6] =	ssyncadd.s32 $0xFFFFE000  }
0x11f: {  	[tilespmem:s28], [sflag:$0x2] =	stream.indirect.gather [hbm4b:s5+s23], $0x40, s17, s23, $0xb8;
	[tilespmem:$0x1C800] =	vst v63  }
0x120: {  	_ =	swait.ge [sflag:s7], $0x2000  }
0x121: {  	[sflag:s7] =	ssyncset.done $0x0  }
0x122: {  	s26 =	simm.s32 $0x2B00;
	[sflag:s7] =	ssyncadd.s32 $0xFFFFE000  }
0x123: {  	[tilespmem:s30], [sflag:$0x3] =	stream.indirect.gather [hbm4b:s5+s23], $0x40, s26, s23, $0xb8;
	[tilespmem:$0x1C800] =	vst v63  }
0x124: {  	_ =	swait.ge [sflag:s8], $0x2000  }
0x125: {  	[sflag:s8] =	ssyncset.done $0x0  }
0x126: {  	s11 =	simm.s32 $0x2B80;
	s17 =	simm.s32 $0x800;
	[sflag:s8] =	ssyncadd.s32 $0xFFFFE000  }
.LBB2_8:
0x127: {  	[tilespmem:s0], [sflag:$0x4] =	stream.indirect.gather [hbm4b:s5+s23], $0x40, s11, s23, $0xb8;
	[tilespmem:$0x1C800] =	vst v63  }
0x128: {  	s11 =	smov.u32 s17  }
0x129: {  	p1 =	sne.s32 s17, $0x9000;
	s17 =	sadd.s32 $0x800, s17;
	_ =	swait.ge [sflag:s2], $0x2000  }
0x12a: {  	s26 =	sshra.s32 s11, $0x2;
	[sflag:s2] =	ssyncset.done $0x0  }
0x12b: {  	s11 =	sadd.s32 $0x5000, s26;
	[sflag:s2] =	ssyncadd.s32 $0xFFFFE000  }
0x12c: {  	[spmem:s3] =	stream.indirect.scatter.add.bf16 [tilespmem:s25], [sflag:$0x5], $0x40, s11, s23, $0xb8;
	[tilespmem:$0x1C800] =	vst v63  }
0x12d: {  	_ =	swait.ge [sflag:s19], $0x2000  }
0x12e: {  	[sflag:s19] =	ssyncset.done $0x0  }
0x12f: {  	s11 =	sadd.s32 $0x5080, s26;
	[sflag:s19] =	ssyncadd.s32 $0xFFFFE000  }
0x130: {  	[spmem:s3] =	stream.indirect.scatter.add.bf16 [tilespmem:s28], [sflag:$0x6], $0x40, s11, s23, $0xb8;
	[tilespmem:$0x1C800] =	vst v63  }
0x131: {  	_ =	swait.ge [sflag:s21], $0x2000  }
0x132: {  	[sflag:s21] =	ssyncset.done $0x0  }
0x133: {  	s11 =	sadd.s32 $0x5100, s26;
	[sflag:s21] =	ssyncadd.s32 $0xFFFFE000  }
0x134: {  	[spmem:s3] =	stream.indirect.scatter.add.bf16 [tilespmem:s30], [sflag:$0x7], $0x40, s11, s23, $0xb8;
	[tilespmem:$0x1C800] =	vst v63  }
0x135: {  	_ =	swait.ge [sflag:s22], $0x2000  }
0x136: {  	[sflag:s22] =	ssyncset.done $0x0  }
0x137: {  	s11 =	sadd.s32 $0x5180, s26;
	[sflag:s22] =	ssyncadd.s32 $0xFFFFE000  }
0x138: {  	[spmem:s3] =	stream.indirect.scatter.add.bf16 [tilespmem:s0], [sflag:$0x8], $0x40, s11, s23, $0xb8;
	[tilespmem:$0x1C800] =	vst v63  }
0x139: {  	_ =	swait.ge [sflag:s1], $0x2000  }
0x13a: {  	[sflag:s1] =	ssyncset.done $0x0  }
0x13b: {  	s11 =	sadd.s32 $0x2A00, s26;
	[sflag:s1] =	ssyncadd.s32 $0xFFFFE000  }
0x13c: {  	[tilespmem:s25], [sflag:$0x1] =	stream.indirect.gather [hbm4b:s5+s23], $0x40, s11, s23, $0xb8;
	[tilespmem:$0x1C800] =	vst v63  }
0x13d: {  	_ =	swait.ge [sflag:s6], $0x2000  }
0x13e: {  	[sflag:s6] =	ssyncset.done $0x0  }
0x13f: {  	s11 =	sadd.s32 $0x2A80, s26;
	[sflag:s6] =	ssyncadd.s32 $0xFFFFE000  }
0x140: {  	[tilespmem:s28], [sflag:$0x2] =	stream.indirect.gather [hbm4b:s5+s23], $0x40, s11, s23, $0xb8;
	[tilespmem:$0x1C800] =	vst v63  }
0x141: {  	_ =	swait.ge [sflag:s7], $0x2000  }
0x142: {  	[sflag:s7] =	ssyncset.done $0x0  }
.Ltmp3:
0x143: {  	s11 =	sadd.s32 $0x2B00, s26;
	[sflag:s7] =	ssyncadd.s32 $0xFFFFE000;
	(pc) =	sbr.rel @p1 .LBB2_8-.Ltmp3, $4  }
0x144: {  	[tilespmem:s30], [sflag:$0x3] =	stream.indirect.gather [hbm4b:s5+s23], $0x40, s11, s23, $0xb8;
	[tilespmem:$0x1C800] =	vst v63  }
0x145: {  	_ =	swait.ge [sflag:s8], $0x2000  }
0x146: {  	[sflag:s8] =	ssyncset.done $0x0  }
0x147: {  	s11 =	sadd.s32 $0x2B80, s26;
	[sflag:s8] =	ssyncadd.s32 $0xFFFFE000  }
0x148: {  	[tilespmem:s0], [sflag:$0x4] =	stream.indirect.gather [hbm4b:s5+s23], $0x40, s11, s23, $0xb8;
	[tilespmem:$0x1C800] =	vst v63  }
0x149: {  	_ =	swait.ge [sflag:s2], $0x2000  }
0x14a: {  	[sflag:s2] =	ssyncset.done $0x0  }
0x14b: {  	s17 =	simm.s32 $0x7600;
	[sflag:s2] =	ssyncadd.s32 $0xFFFFE000  }
0x14c: {  	[spmem:s3] =	stream.indirect.scatter.add.bf16 [tilespmem:s25], [sflag:$0x5], $0x40, s17, s23, $0xb8;
	[tilespmem:$0x1C800] =	vst v63  }
0x14d: {  	_ =	swait.ge [sflag:s19], $0x2000  }
0x14e: {  	[sflag:s19] =	ssyncset.done $0x0  }
0x14f: {  	s26 =	simm.s32 $0x7680;
	[sflag:s19] =	ssyncadd.s32 $0xFFFFE000  }
0x150: {  	[spmem:s3] =	stream.indirect.scatter.add.bf16 [tilespmem:s28], [sflag:$0x6], $0x40, s26, s23, $0xb8;
	[tilespmem:$0x1C800] =	vst v63  }
0x151: {  	_ =	swait.ge [sflag:s21], $0x2000  }
0x152: {  	[sflag:s21] =	ssyncset.done $0x0  }
0x153: {  	s17 =	simm.s32 $0x7700;
	[sflag:s21] =	ssyncadd.s32 $0xFFFFE000  }
0x154: {  	[spmem:s3] =	stream.indirect.scatter.add.bf16 [tilespmem:s30], [sflag:$0x7], $0x40, s17, s23, $0xb8;
	[tilespmem:$0x1C800] =	vst v63  }
0x155: {  	_ =	swait.ge [sflag:s22], $0x2000  }
0x156: {  	[sflag:s22] =	ssyncset.done $0x0  }
0x157: {  	s26 =	simm.s32 $0x7780;
	[sflag:s22] =	ssyncadd.s32 $0xFFFFE000  }
0x158: {  	[spmem:s3] =	stream.indirect.scatter.add.bf16 [tilespmem:s0], [sflag:$0x8], $0x40, s26, s23, $0xb8;
	[tilespmem:$0x1C800] =	vst v63  }
0x159: {  	_ =	swait.ge [sflag:s1], $0x2000  }
0x15a: {  	[sflag:s1] =	ssyncset.done $0x0  }
0x15b: {  	[sflag:s1] =	ssyncadd.s32 $0xFFFFE000  }
0x15c: {  	_ =	swait.ge [sflag:s6], $0x2000  }
0x15d: {  	[sflag:s6] =	ssyncset.done $0x0  }
0x15e: {  	[sflag:s6] =	ssyncadd.s32 $0xFFFFE000  }
0x15f: {  	_ =	swait.ge [sflag:s7], $0x2000  }
0x160: {  	[sflag:s7] =	ssyncset.done $0x0  }
0x161: {  	[sflag:s7] =	ssyncadd.s32 $0xFFFFE000  }
0x162: {  	_ =	swait.ge [sflag:s8], $0x2000  }
0x163: {  	[sflag:s8] =	ssyncset.done $0x0  }
0x164: {  	[sflag:s8] =	ssyncadd.s32 $0xFFFFE000  }
0x165: {  	s11 =	simm.s32 @p0 $0x1FC9;
	[bflag:$0x0] =	sbarrier.arrive $0xFFFF  }
0x166: {  	[hbm:s16], [sflag:s11] =	dma.local @p0 [spmem:s31], $0xC80  }
0x167: {  	s11 =	simm.s32 @p0 $0x9  }
0x168: {  	_ =	swait.ge @p0 [sflag:s11], $0xC80  }
0x169: {  	[sflag:s11] =	ssyncset.done @p0 $0x0  }
0x16a: {  	[sflag:s11] =	ssyncadd.s32 @p0 $0xFFFFF380  }
0x16b: {  	[hbm:s16], [sflag:s10] =	dma.local @!p0 [spmem:s24], $0x1400  }
0x16c: {  	s10 =	simm.s32 @!p0 $0x9  }
0x16d: {  	_ =	swait.ge @!p0 [sflag:s10], $0x1400  }
0x16e: {  	s29 =	sadd.s32 $0x1, s29;
	s31 =	rddreg [dreg:$0x9]  }
0x16f: {  	p1 =	sne.s32 s29, s31  }
.Ltmp4:
0x170: {  	_ = 	snop;
	(pc) =	sbr.rel @p1 .LBB2_1-.Ltmp4, $4  }
0x171: {  	[sflag:s10] =	ssyncset.done @!p0 $0x0  }
0x172: {  	[sflag:s10] =	ssyncadd.s32 @!p0 $0xFFFFEC00  }
0x173: {  	[bflag:$0x0] =	sbarrier.arrive $0xFFFF  }
0x174: {  	s26 =	smov.u32 s12  }
0x175: {  	_ =	sfence.sel $0x180000  }
0x176: {  	[bflag:$0x0] =	sbarrier.arrive $0xFFFF  }
0x177: {  	_ =	strace $0x9000004A  }
0x178: {  	s0 =	stileid.u32;
	[bflag:$0x2] =	sbarrier.arrive $0xFFFF  }
0x179: {  	p0 =	sne.s32 s0, $0x0;
	s0 =	rddreg [dreg:$0x3]  }
0x17a: {  	s0 =	sadd.s32 @!p0 $0x100000, s0  }
0x17b: {  	[sflag:s0] =	ssyncadd.tile.s32 @!p0 $0x1;
	_ =	shalt  }
.Lfunc_end2:
_tile_overlayer_lowered:
.L_overlay_start_2:
0x17c: {  	(tag) =	ssettag $0x2  }
0x17d: {  	s0 =	rddreg [dreg:$0x0];
	s2 =	stileid.u32  }
0x17e: {  	s1 =	rddreg [dreg:$0x1];
	p0 =	sne.s32 s2, $0x0  }
0x17f: {  	s3 =	rddreg [dreg:$0x2];
	[bflag:$0x3] =	sbarrier.arrive $0xFFFF;
	s2 =	simm.s32 @!p0 $0x1C09  }
0x180: {  	[timem:s3], [sflag:s2] =	dma.local @!p0 [hbm:s0], s1  }
0x181: {  	s0 =	simm.s32 @!p0 $0x9  }
0x182: {  	_ =	swait.ge @!p0 [sflag:s0], s1  }
0x183: {  	s1 =	ssub.s32 @!p0 $0x0, s1;
	[sflag:s0] =	ssyncset.done @!p0 $0x0  }
0x184: {  	[sflag:s0] =	ssyncadd.s32 @!p0 s1  }
0x185: {  	[bflag:$0x3] =	sbarrier.arrive $0xFFFF  }
0x186: {  	_ =	shalt  }

// kernel: kernel.7.cloned.1.call-start
scs
__scs_entry_jumppad:
0x0: {  	(pc) =	sbr.rel $0x88, $3  }
0x1: {  	(tag) =	ssettag $0x0;
	lr =	simm.s32 $0x1  }
0x2: {  	[smem:$0x3F90] =	sst lr;
	_ =	strace $0xD0000000  }
0x3: {  	_ = 	snop  }
0x4: {  	_ = 	snop  }
0x5: {  	_ = 	snop  }
0x6: {  	_ = 	snop  }
0x7: {  	_ = 	snop  }
__scs_overlays_trampoline_lowered:
0x8: {  	[smem:$0x3F9F] =	sst s0  }
0x9: {  	[smem:$0x3FA0] =	sst s1  }
0xa: {  	[smem:$0x3FA1] =	sst s2  }
0xb: {  	[smem:$0x3FA2] =	sst s3  }
0xc: {  	[smem:$0x3FA3] =	sst s4  }
0xd: {  	[smem:$0x3FA4] =	sst s5  }
0xe: {  	[smem:$0x3FA5] =	sst s6  }
0xf: {  	[smem:$0x3FA6] =	sst s7  }
0x10: {  	[smem:$0x3FA7] =	sst s8  }
0x11: {  	[smem:$0x3FA8] =	sst s9;
	s0 =	simm.s32 @!p0 $0x0  }
0x12: {  	s1 =	sld [smem:$0x3F8E];
	s0 =	simm.s32 @p0 $0x1  }
0x13: {  	[smem:$0x3FA9] =	sst s0;
	s0 =	simm.s32 @!p1 $0x0  }
0x14: {  	s2 =	sld [smem:$0x3F8D];
	s0 =	simm.s32 @p1 $0x1  }
0x15: {  	[smem:$0x3FAA] =	sst s0;
	s0 =	simm.s32 @!p2 $0x0  }
0x16: {  	s3 =	sld [smem:$0x3FDB];
	s0 =	simm.s32 @p2 $0x1  }
0x17: {  	s4 =	simm.s32 $0x1BF5;
	[smem:$0x3FAC] =	sst s0  }
0x18: {  	s0 =	sld [smem:$0x3F8F];
	_ =	swait.ge [sflag:s4], $0x0  }
0x19: {  	s7 =	sld [smem:$0x3F90]  }
0x1a: {  	s8 =	sadd.s32 $0xFFFFE003, lr  }
0x1b: {  	s9 =	sadd.s32 $0xFFFFFEF7, lr;
	s5 =	simm.s32 $0xFFFFFFFF;
	p2 =	slt.u32 s8, $0xFFFFF086  }
0x1c: {  	p1 =	slt.u32 s9, $0xF7A;
	s5 =	simm.s32 @!p2 $0x0  }
0x1d: {  	s5 =	simm.s32 @p1 $0x1;
	p0 =	seq.s32 s7, s2  }
0x1e: {  	s7 =	smul.u32 @!p0 $0xF7A, s2;
	p2 =	seq.s32 @!p0 s5, $0x0  }
0x1f: {  	s9 =	smul.u32 $0xF7A, s1;
	s8 =	simm.s32 @!p0 $0x1BF5;
	p2 =	por !p2, p0  }
0x20: {  	[sflag:s8] =	ssyncset.s32 @!p0 $0xFFFFF086;
	s6 =	sadd.s32 @!p0 s3, s7;
	s7 =	simm.s32 @!p0 $0x108  }
0x21: {  	s3 =	sadd.s32 s3, s9;
	s6 =	sadd.s32 @!p0 $0x88, s6;
	s7 =	simm.s32 @p2 $0x1082  }
0x22: {  	[simem:s7], [sflag:s8] =	dma.local @!p0 [hbm:s6], $0xF7A  }
0x23: {  	s9 =	sor.u32 $0xD0000000, s2;
	s6 =	simm.s32 $0x108;
	_ =	swait.ge @!p0 [sflag:s8], $0x0  }
0x24: {  	s3 =	sadd.s32 $0x88, s3;
	s6 =	simm.s32 @!p1 $0x1082;
	[sflag:s4] =	ssyncset.s32 $0xFFFFF086  }
0x25: {  	[simem:s6], [sflag:s4] =	dma.local [hbm:s3], $0xF7A  }
0x26: {  	[smem:$0x3F90] =	sst s1;
	(tag) =	ssettag s2;
	_ =	strace s9  }
0x27: {  	s1 =	sld [smem:$0x3FA0]  }
0x28: {  	s2 =	sld [smem:$0x3FA1]  }
0x29: {  	s4 =	sld [smem:$0x3FA3]  }
0x2a: {  	p0 =	seq.s32 s5, $0x0;
	s5 =	sld [smem:$0x3FA4]  }
0x2b: {  	s6 =	sld [smem:$0x3FA5]  }
0x2c: {  	s7 =	sld [smem:$0x3FA6]  }
0x2d: {  	s3 =	simm.s32 $0x108;
	s8 =	sld [smem:$0x3FA7]  }
0x2e: {  	s3 =	simm.s32 @!p0 $0x1082;
	s9 =	sld [smem:$0x3FA8]  }
0x2f: {  	lr =	sadd.s32 s0, s3;
	s0 =	sld [smem:$0x3F9F]  }
0x30: {  	s3 =	sld [smem:$0x3FA2]  }
0x31: {  	[smem:$0x3FAB] =	sst s10  }
0x32: {  	s10 =	sld [smem:$0x3FA9];
	_ =	sdelay $0x3  }
0x33: {  	p0 =	seq.s32 s10, $0x1;
	s10 =	sld [smem:$0x3FAB];
	_ =	sdelay $0x3  }
0x34: {  	[smem:$0x3FAB] =	sst s10  }
0x35: {  	s10 =	sld [smem:$0x3FAA];
	_ =	sdelay $0x3  }
0x36: {  	p1 =	seq.s32 s10, $0x1;
	s10 =	sld [smem:$0x3FAB];
	_ =	sdelay $0x3  }
0x37: {  	[smem:$0x3FAB] =	sst s10  }
0x38: {  	s10 =	sld [smem:$0x3FAC]  }
0x39: {  	_ = 	snop;
	(pc) =	sbr.ind lr, $3  }
0x3a: {  	_ = 	snop  }
0x3b: {  	_ = 	snop  }
0x3c: {  	p2 =	seq.s32 s10, $0x1;
	s10 =	sld [smem:$0x3FAB]  }
0x3d: {  	_ =	shalt  }
0x3e: {  	_ =	shalt  }
0x3f: {  	_ =	shalt  }
0x40: {  	_ =	shalt  }
0x41: {  	_ =	shalt  }
0x42: {  	_ =	shalt  }
0x43: {  	_ =	shalt  }
0x44: {  	_ =	shalt  }
0x45: {  	_ =	shalt  }
0x46: {  	_ =	shalt  }
0x47: {  	_ =	shalt  }
0x48: {  	_ =	shalt  }
0x49: {  	_ =	shalt  }
0x4a: {  	_ =	shalt  }
0x4b: {  	_ =	shalt  }
0x4c: {  	_ =	shalt  }
0x4d: {  	_ =	shalt  }
0x4e: {  	_ =	shalt  }
0x4f: {  	_ =	shalt  }
0x50: {  	_ =	shalt  }
0x51: {  	_ =	shalt  }
0x52: {  	_ =	shalt  }
0x53: {  	_ =	shalt  }
0x54: {  	_ =	shalt  }
0x55: {  	_ =	shalt  }
0x56: {  	_ =	shalt  }
0x57: {  	_ =	shalt  }
0x58: {  	_ =	shalt  }
0x59: {  	_ =	shalt  }
0x5a: {  	_ =	shalt  }
0x5b: {  	_ =	shalt  }
0x5c: {  	_ =	shalt  }
0x5d: {  	_ =	shalt  }
0x5e: {  	_ =	shalt  }
0x5f: {  	_ =	shalt  }
0x60: {  	_ =	shalt  }
0x61: {  	_ =	shalt  }
0x62: {  	_ =	shalt  }
0x63: {  	_ =	shalt  }
0x64: {  	_ =	shalt  }
0x65: {  	_ =	shalt  }
0x66: {  	_ =	shalt  }
0x67: {  	_ =	shalt  }
0x68: {  	_ =	shalt  }
0x69: {  	_ =	shalt  }
0x6a: {  	_ =	shalt  }
0x6b: {  	_ =	shalt  }
0x6c: {  	_ =	shalt  }
0x6d: {  	_ =	shalt  }
0x6e: {  	_ =	shalt  }
0x6f: {  	_ =	shalt  }
0x70: {  	_ =	shalt  }
0x71: {  	_ =	shalt  }
0x72: {  	_ =	shalt  }
0x73: {  	_ =	shalt  }
0x74: {  	_ =	shalt  }
0x75: {  	_ =	shalt  }
0x76: {  	_ =	shalt  }
0x77: {  	_ =	shalt  }
0x78: {  	_ =	shalt  }
0x79: {  	_ =	shalt  }
0x7a: {  	_ =	shalt  }
0x7b: {  	_ =	shalt  }
0x7c: {  	_ =	shalt  }
0x7d: {  	_ =	shalt  }
0x7e: {  	_ =	shalt  }
0x7f: {  	_ =	shalt  }
0x80: {  	_ =	shalt  }
0x81: {  	_ =	shalt  }
0x82: {  	_ =	shalt  }
0x83: {  	_ =	shalt  }
0x84: {  	_ =	shalt  }
0x85: {  	_ =	shalt  }
0x86: {  	_ =	shalt  }
0x87: {  	_ =	shalt  }
.Lfunc_end0:
.L_simem_size_0:
called_computation_lowered:
.L_overlay_start_0:
0x88: {  	s2 =	sld [smem:$0x3FD9]  }
0x89: {  	s3 =	sld [smem:$0x3FFE];
	_ =	sdelay $0x1  }
0x8a: {  	s1 =	srdreg.scid  }
0x8b: {  	s0 =	sand.u32 $0x1, s1  }
0x8c: {  	s17 =	sshll.u32 s0, $0xA;
	s2 =	sadd.s32 s3, s2  }
0x8d: {  	s2 =	sadd.s32 s2, s17  }
0x8e: {  	[smem:$0x3FB7] =	sst s2  }
0x8f: {  	_ = 	snop  }
0x90: {  	s2 =	sld [smem:$0x3FD0];
	(tm) =	ssettm $0x1  }
0x91: {  	s18 =	sld [smem:$0x3FFB];
	_ =	sdelay $0x3  }
0x92: {  	_ =	strace s18  }
0x93: {  	s3 =	sld [smem:$0x3FFC];
	_ =	sdelay $0x3  }
0x94: {  	_ =	strace s3  }
0x95: {  	s3 =	sld [smem:$0x3FFD];
	_ =	sdelay $0x3  }
0x96: {  	_ =	strace s3  }
0x97: {  	_ =	strace $0x8FFFFFFF  }
0x98: {  	s19 =	sld [smem:$0x3FDB];
	_ =	sdelay $0x1  }
0x99: {  	s4 =	simm.s32 $_scs_section_size  }
0x9a: {  	s5 =	simm.s32 $_size__tile_overlayer_lowered;
	s6 =	simm.s32 $_tile_overlayer_lowered  }
0x9b: {  	s22 =	simm.s32 $0x1BFF;
	s21 =	sshll.u32 s6, $0x1;
	s3 =	sadd.s32 s4, s19  }
0x9c: {  	s7 =	simm.s32 $0x0;
	s20 =	sshll.u32 s5, $0x1;
	s5 =	sadd.s32 s21, s3  }
0x9d: {  	[timem:s7], [sflag:s22] =	dma.local [hbm:s5], s20  }
0x9e: {  	_ =	swait.ge [sflag:s22], s20  }
0x9f: {  	s4 =	ssub.s32 $0x0, s20;
	[sflag:s22] =	ssyncset.done $0x0  }
0xa0: {  	[sflag:s22] =	ssyncadd.s32 s4;
	_ =	sdelay $0x1  }
0xa1: {  	s23 =	simm.s32 $0x1B8B  }
0xa2: {  	_ =	swait.ge [sflag:s23], $0x1  }
0xa3: {  	[sflag:s23] =	ssyncset.done $0x0  }
0xa4: {  	s25 =	simm.s32 $0x1B8E;
	s24 =	sld [smem:$0x3FFE];
	[sflag:s23] =	ssyncadd.s32 $0xFFFFFFFF  }
0xa5: {  	s26 =	simm.s32 $execute0_lowered;
	[smem:$0x3FD2] =	sst s25  }
0xa6: {  	s5 =	sshll.u32 s26, $0x1;
	_ =	strace $0x80000046;
	[dreg:$0x1] =	wrdreg $0xFFFFFFFF  }
0xa7: {  	s28 =	simm.s32 $_size_execute0_lowered;
	s3 =	sadd.s32 s3, s5;
	[dreg:$0x0] =	wrdreg $0x0  }
0xa8: {  	s5 =	sshll.u32 s28, $0x1;
	[dreg:$0x2] =	wrdreg s3  }
0xa9: {  	[dreg:$0x3] =	wrdreg s5  }
0xaa: {  	[dreg:$0x4] =	wrdreg $0xC0  }
0xab: {  	_ =	task [dreg:s7], $0x5FFFF  }
0xac: {  	[dreg:$0x1] =	wrdreg $0xFFFFFFFF  }
0xad: {  	[dreg:$0x0] =	wrdreg $0x60  }
0xae: {  	[dreg:$0x2] =	wrdreg s24  }
0xaf: {  	[dreg:$0x3] =	wrdreg s2  }
0xb0: {  	[dreg:$0x4] =	wrdreg $0x1C8000  }
0xb1: {  	[dreg:$0x5] =	wrdreg $0x128000  }
0xb2: {  	[dreg:$0x6] =	wrdreg $0x9  }
0xb3: {  	_ =	task.clear_ibuf [dreg:s7], $0x7FFFF;
	_ =	strace $0x90000046  }
0xb4: {  	s29 =	simm.s32 $0x9;
	_ =	strace $0x80000048  }
0xb5: {  	_ =	swait.ge [sflag:s29], $0x1  }
0xb6: {  	[sflag:s29] =	ssyncadd.s32 $0xFFFFFFFF  }
0xb7: {  	_ =	strace $0x90000048  }
0xb8: {  	_ =	sfence  }
0xb9: {  	s30 =	sld [smem:$0x0];
	_ =	sdelay $0x2  }
0xba: {  	s31 =	sshll.u32 s1, $0xD;
	s1 =	sshrl.u32 s1, $0x2  }
0xbb: {  	s3 =	sand.u32 $0x4000, s31;
	s1 =	sadd.s32 s1, s30  }
0xbc: {  	s0 =	sor.u32 s3, s0;
	s1 =	sshll.u32 s1, $0x11  }
0xbd: {  	s0 =	sor.u32 s1, s0  }
0xbe: {  	s0 =	sadd.s32 $0x8F2B, s0  }
0xbf: {  	[sflag:s0] =	ssyncadd.remote.s32 $0x1  }
0xc0: {  	_ =	sfence.sel $0xFFFF  }
0xc1: {  	[dreg:$0x0] =	wrdreg $0xFFFFFFFF;
	(pc) =	sbr.abs _section_cstart, $3  }
0xc2: {  	[dreg:$0x1] =	wrdreg $0xFFFFFFFF  }
0xc3: {  	_ =	task.clear_ibuf [dreg:s7], $0x2FFFF;
	_ =	strace $0x9FFFFFFF  }
0xc4: {  	(tm) =	ssettm $0x7FFFFFFF  }
0xc5: {  	_ =	shalt  }
tec
execute0_lowered:
.L_overlay_start_1:
0x0: {  	(tag) =	ssettag $0x1  }
0x1: {  	s0 =	rddreg [dreg:$0x0]  }
0x2: {  	s3 =	rddreg [dreg:$0x2]  }
0x3: {  	s4 =	rddreg [dreg:$0x3];
	s13 =	stileid.u32;
	s5 =	simm.s32 $0x0  }
0x4: {  	s2 =	srdreg.scid;
	s29 =	simm.s32 $0xF800;
	s1 =	smul.u32 $0x500, s13  }
0x5: {  	s31 =	simm.s32 $0x12000;
	s28 =	simm.s32 $0x7800;
	s7 =	smul.u32 $0x280, s13  }
0x6: {  	[smem:$0x7FF] =	sst s5;
	s2 =	sand.u32 $0x1, s2;
	s22 =	smul.u32 $0x2800, s13  }
0x7: {  	s6 =	sadd.s32 $0x1200, s0;
	s9 =	sadd.s32 $0xA7800, s0;
	s10 =	smul.u32 $0xA000, s13  }
0x8: {  	s21 =	sadd.s32 $0xA7600, s0;
	s25 =	smul.u32 $0x28000, s13;
	p1 =	seq.s32 s13, $0xF  }
0x9: {  	s13 =	simm.s32 $0x9800;
	_ =	strace $0x80000047;
	[dreg:$0x5] =	wrdreg s9  }
0xa: {  	s8 =	smul.u32 $0x4E20, s2;
	[dreg:$0x6] =	wrdreg s21;
	s23 =	ssub.s32 $0x2, s2  }
0xb: {  	s21 =	smul.u32 $0x9C40, s2;
	p0 =	sne.s32 s2, $0x0;
	s2 =	simm.s32 $0x6  }
0xc: {  	s1 =	sadd.s32 s1, s0;
	s11 =	sshrl.u32 s22, $0x3;
	s12 =	sshrl.u32 s23, $0x1  }
0xd: {  	s10 =	sshrl.u32 s10, $0x2;
	s26 =	sadd.s32 s22, s3;
	s15 =	sshrl.u32 s25, $0x2  }
0xe: {  	s7 =	sadd.s32 s7, s8;
	s11 =	sadd.s32 s11, s0;
	s9 =	ssub.s32 s23, s12  }
0xf: {  	s24 =	sadd.s32 $0xA2600, s1;
	s10 =	sadd.s32 s10, s3;
	[dreg:$0x9] =	wrdreg s26  }
0x10: {  	s1 =	sadd.s32 $0x9D600, s1;
	s26 =	simm.s32 $0x9;
	[dreg:$0x7] =	wrdreg s24  }
0x11: {  	s12 =	simm.s32 $0x8;
	[dreg:$0x8] =	wrdreg s1;
	s30 =	sadd.s32 $0x800, s10  }
0x12: {  	s7 =	sshll.u32 s7, $0x3;
	s8 =	sadd.s32 $0x1000, s10;
	[dreg:$0xa] =	wrdreg s30  }
0x13: {  	s14 =	sadd.s32 $0x1800, s10;
	s16 =	sadd.s32 $0x2000, s10;
	[dreg:$0xb] =	wrdreg s8  }
0x14: {  	s17 =	sadd.s32 $0xA7A00, s11;
	s1 =	simm.s32 $0x1;
	[dreg:$0xc] =	wrdreg s14  }
0x15: {  	s10 =	simm.s32 $0x5;
	s24 =	simm.s32 $0x7;
	[dreg:$0xd] =	wrdreg s16  }
0x16: {  	s7 =	sadd.s32 s7, s0;
	[dreg:$0xe] =	wrdreg s17;
	s17 =	sadd.s32 s15, s4  }
0x17: {  	s0 =	sadd.s32 $0xAC500, s0;
	s30 =	smax.u32 s9, $0x1;
	s14 =	sadd.s32 $0x2710, s21  }
0x18: {  	s15 =	simm.s32 $0xB800;
	s8 =	simm.s32 $0x3;
	s9 =	simm.s32 $0x4  }
0x19: {  	[dreg:$0xf] =	wrdreg s0;
	s18 =	sadd.s32 $0x2000, s17;
	s19 =	sadd.s32 $0x4000, s17  }
0x1a: {  	s20 =	sadd.s32 $0x6000, s17;
	s22 =	sadd.s32 $0xACA00, s7;
	[dreg:$0x13] =	wrdreg s30  }
0x1b: {  	s23 =	sadd.s32 $0xC0280, s7;
	s25 =	sadd.s32 $0x8000, s17;
	[dreg:$0x10] =	wrdreg s18  }
0x1c: {  	s0 =	simm.s32 $0x80;
	s7 =	simm.s32 $0x2;
	[dreg:$0x11] =	wrdreg s19  }
0x1d: {  	v0 =	vmov s21;
	v1 =	vmov s14;
	s14 =	simm.s32 $0x0;
	[dreg:$0x12] =	wrdreg s20;
	s18 =	simm.s32 $0xD800  }
.LBB2_1:
0x1e: {  	s11 =	rddreg [dreg:$0x7]  }
0x1f: {  	[tilespmem:s5], [sflag:$0x9] =	stream.linear.gather [hbm4b:s11+s5], $0x2800, $0x38;
	[tilespmem:$0x1F000] =	vst v63  }
0x20: {  	_ =	swait.ge [sflag:s26], $0x2800  }
0x21: {  	[sflag:s26] =	ssyncset.done $0x0  }
0x22: {  	s16 =	simm.s32 $0x5000;
	s30 =	rddreg [dreg:$0x8];
	[sflag:s26] =	ssyncadd.s32 $0xFFFFD800  }
0x23: {  	[tilespmem:s16], [sflag:$0x9] =	stream.linear.gather [hbm4b:s30+s5], $0x2800, $0x38;
	[tilespmem:$0x1F000] =	vst v63  }
0x24: {  	_ =	swait.ge [sflag:s26], $0x2800  }
0x25: {  	[sflag:s26] =	ssyncset.done $0x0  }
0x26: {  	[sflag:s26] =	ssyncadd.s32 $0xFFFFD800  }
0x27: {  	s19 =	rddreg [dreg:$0x1]  }
0x28: {  	[tilespmem:s29], [sflag:$0x9] =	stream.linear.gather [hbm4b:s19+s5], $0x2000, $0x38;
	[tilespmem:$0x1F000] =	vst v63  }
0x29: {  	_ =	swait.ge [sflag:s26], $0x2000  }
0x2a: {  	[sflag:s26] =	ssyncset.done $0x0  }
0x2b: {  	s21 =	simm.s32 $0x11800;
	s20 =	rddreg [dreg:$0x5];
	[sflag:s26] =	ssyncadd.s32 $0xFFFFE000  }
0x2c: {  	[tilespmem:s21], [sflag:$0x9] =	stream.linear.gather [hbm4b:s20+s5], $0x800, $0x38;
	[tilespmem:$0x1F000] =	vst v63  }
0x2d: {  	_ =	swait.ge [sflag:s26], $0x800  }
0x2e: {  	[sflag:s26] =	ssyncset.done $0x0  }
.Ltmp0:
0x2f: {  	s30 =	rddreg [dreg:$0x6];
	[sflag:s26] =	ssyncadd.s32 $0xFFFFF800;
	(pc) =	sbr.rel @p0 .LBB2_5-.Ltmp0, $4  }
0x30: {  	[tilespmem:s31], [sflag:$0x9] =	stream.linear.gather [hbm4b:s30+s5], $0x800, $0x38;
	[tilespmem:$0x1F000] =	vst v63  }
0x31: {  	s11 =	stileid.u32;
	_ =	swait.ge [sflag:s26], $0x800  }
0x32: {  	s11 =	sshll.u32 @!p1 s11, $0x6;
	[sflag:s26] =	ssyncset.done $0x0  }
0x33: {  	s16 =	sor.u32 @!p1 $0x1C09, s11;
	[sflag:s26] =	ssyncadd.s32 $0xFFFFF800  }
0x34: {  	s11 =	rddreg [dreg:$0x9];
	s19 =	simm.s32 $0x11800  }
0x35: {  	[spmem:s11] =	stream.linear.scatter [tilespmem:s19], [sflag:$0x9], $0x800, $0x38;
	[tilespmem:$0x1F000] =	vst v63  }
0x36: {  	_ =	swait.ge [sflag:s26], $0x800  }
0x37: {  	[sflag:s26] =	ssyncset.done $0x0  }
0x38: {  	s21 =	rddreg [dreg:$0xa];
	[sflag:s26] =	ssyncadd.s32 $0xFFFFF800  }
0x39: {  	[spmem:s21] =	stream.linear.scatter [tilespmem:s19], [sflag:$0x9], $0x800, $0x38;
	[tilespmem:$0x1F000] =	vst v63  }
0x3a: {  	_ =	swait.ge [sflag:s26], $0x800  }
0x3b: {  	[sflag:s26] =	ssyncset.done $0x0  }
0x3c: {  	s30 =	rddreg [dreg:$0xb];
	[sflag:s26] =	ssyncadd.s32 $0xFFFFF800  }
0x3d: {  	[spmem:s30] =	stream.linear.scatter [tilespmem:s19], [sflag:$0x9], $0x800, $0x38;
	[tilespmem:$0x1F000] =	vst v63  }
0x3e: {  	_ =	swait.ge [sflag:s26], $0x800  }
0x3f: {  	[sflag:s26] =	ssyncset.done $0x0  }
0x40: {  	s20 =	rddreg [dreg:$0xc];
	[sflag:s26] =	ssyncadd.s32 $0xFFFFF800  }
0x41: {  	[spmem:s20] =	stream.linear.scatter [tilespmem:s19], [sflag:$0x9], $0x800, $0x38;
	[tilespmem:$0x1F000] =	vst v63  }
0x42: {  	_ =	swait.ge [sflag:s26], $0x800  }
0x43: {  	[sflag:s26] =	ssyncset.done $0x0  }
0x44: {  	s21 =	rddreg [dreg:$0xd];
	[sflag:s26] =	ssyncadd.s32 $0xFFFFF800  }
0x45: {  	[spmem:s21] =	stream.linear.scatter [tilespmem:s19], [sflag:$0x9], $0x800, $0x38;
	[tilespmem:$0x1F000] =	vst v63  }
0x46: {  	_ =	swait.ge [sflag:s26], $0x800  }
0x47: {  	[sflag:s26] =	ssyncset.done $0x0  }
0x48: {  	[sflag:s26] =	ssyncadd.s32 $0xFFFFF800  }
0x49: {  	s30 =	simm.s32 $0x5000;
	[bflag:$0x0] =	sbarrier.arrive $0xFFFF  }
0x4a: {  	[spmem:s3] =	stream.indirect.scatter.add.f32 [tilespmem:s31], [sflag:$0x9], $0x10, s30, s0, $0xb8;
	[tilespmem:$0x1F000] =	vst v63  }
0x4b: {  	s11 =	simm.s32 $0x200;
	_ =	swait.ge [sflag:s26], $0x800  }
.LBB2_3:
0x4c: {  	s19 =	sshra.s32 s11, $0x2;
	[sflag:s26] =	ssyncset.done $0x0;
	p2 =	sne.s32 s11, $0x9E00  }
.Ltmp1:
0x4d: {  	s19 =	sadd.s32 $0x5000, s19;
	[sflag:s26] =	ssyncadd.s32 $0xFFFFF800;
	(pc) =	sbr.rel @p2 .LBB2_3-.Ltmp1, $3  }
0x4e: {  	[spmem:s3] =	stream.indirect.scatter.add.f32 [tilespmem:s31], [sflag:$0x9], $0x10, s19, s0, $0xb8;
	[tilespmem:$0x1F000] =	vst v63  }
0x4f: {  	s11 =	sadd.s32 $0x200, s11;
	_ =	sdelay $0x1  }
0x50: {  	_ =	swait.ge [sflag:s26], $0x800  }
0x51: {  	[sflag:s26] =	ssyncset.done $0x0  }
0x52: {  	[sflag:s26] =	ssyncadd.s32 $0xFFFFF800  }
0x53: {  	[bflag:$0x0] =	sbarrier.arrive $0xFFFF  }
0x54: {  	s20 =	rddreg [dreg:$0x9]  }
0x55: {  	s19 =	simm.s32 @p1 $0x1FC9;
	s21 =	rddreg [dreg:$0xf];
	s11 =	sshrl.u32 @p1 s20, $0x3  }
0x56: {  	[hbm:s21], [sflag:s19] =	dma.local @p1 [spmem:s11], $0x320  }
0x57: {  	s11 =	simm.s32 @p1 $0x9  }
0x58: {  	_ =	swait.ge @p1 [sflag:s11], $0x320  }
0x59: {  	[sflag:s11] =	ssyncset.done @p1 $0x0  }
0x5a: {  	s19 =	rddreg [dreg:$0xe];
	[sflag:s11] =	ssyncadd.s32 @p1 $0xFFFFFCE0;
	s11 =	sshrl.u32 @!p1 s20, $0x3  }
0x5b: {  	[hbm:s19], [sflag:s16] =	dma.local @!p1 [spmem:s11], $0x500  }
0x5c: {  	s11 =	simm.s32 @!p1 $0x9  }
0x5d: {  	_ =	swait.ge @!p1 [sflag:s11], $0x500  }
0x5e: {  	[sflag:s11] =	ssyncset.done @!p1 $0x0  }
0x5f: {  	[sflag:s11] =	ssyncadd.s32 @!p1 $0xFFFFFB00  }
.LBB2_5:
0x60: {  	[spmem:s17] =	stream.linear.scatter [tilespmem:s29], [sflag:$0x9], $0x2000, $0x38;
	[tilespmem:$0x1F000] =	vst v63  }
0x61: {  	_ =	swait.ge [sflag:s26], $0x2000  }
0x62: {  	[sflag:s26] =	ssyncset.done $0x0  }
0x63: {  	s11 =	rddreg [dreg:$0x10];
	[sflag:s26] =	ssyncadd.s32 $0xFFFFE000  }
0x64: {  	[spmem:s11] =	stream.linear.scatter [tilespmem:s29], [sflag:$0x9], $0x2000, $0x38;
	[tilespmem:$0x1F000] =	vst v63  }
0x65: {  	_ =	swait.ge [sflag:s26], $0x2000  }
0x66: {  	[sflag:s26] =	ssyncset.done $0x0  }
0x67: {  	s21 =	rddreg [dreg:$0x11];
	[sflag:s26] =	ssyncadd.s32 $0xFFFFE000  }
0x68: {  	[spmem:s21] =	stream.linear.scatter [tilespmem:s29], [sflag:$0x9], $0x2000, $0x38;
	[tilespmem:$0x1F000] =	vst v63  }
0x69: {  	_ =	swait.ge [sflag:s26], $0x2000  }
0x6a: {  	[sflag:s26] =	ssyncset.done $0x0  }
0x6b: {  	s30 =	rddreg [dreg:$0x12];
	[sflag:s26] =	ssyncadd.s32 $0xFFFFE000  }
0x6c: {  	[spmem:s30] =	stream.linear.scatter [tilespmem:s29], [sflag:$0x9], $0x2000, $0x38;
	[tilespmem:$0x1F000] =	vst v63  }
0x6d: {  	_ =	swait.ge [sflag:s26], $0x2000  }
0x6e: {  	[sflag:s26] =	ssyncset.done $0x0  }
0x6f: {  	[sflag:s26] =	ssyncadd.s32 $0xFFFFE000  }
0x70: {  	[spmem:s25] =	stream.linear.scatter [tilespmem:s29], [sflag:$0x9], $0x2000, $0x38;
	[tilespmem:$0x1F000] =	vst v63  }
0x71: {  	_ =	swait.ge [sflag:s26], $0x2000  }
0x72: {  	[sflag:s26] =	ssyncset.done $0x0  }
0x73: {  	s19 =	simm.s32 $0x0;
	[sflag:s26] =	ssyncadd.s32 $0xFFFFE000  }
0x74: {  	v3 =	vld [tilespmem:s19+$0x70]  }
0x75: {  	v6 =	vld [tilespmem:s19+$0x0]  }
0x76: {  	v7 =	vld [tilespmem:s19+$0x10]  }
0x77: {  	v5 =	vld [tilespmem:s19+$0x20]  }
0x78: {  	v4 =	vld [tilespmem:s19+$0x30]  }
0x79: {  	v2 =	vld [tilespmem:s19+$0x40];
	v8 =	vadd.s32 v0, v3  }
0x7a: {  	v3 =	vld [tilespmem:s19+$0x50];
	v6 =	vadd.s32 v0, v6;
	[tilespmem:s19+$0x2870] =	vst v8  }
0x7b: {  	s20 =	simm.s32 $0x400;
	s11 =	simm.s32 $0x80;
	v7 =	vadd.s32 v0, v7;
	[tilespmem:s19+$0x2800] =	vst v6;
	v6 =	vld [tilespmem:s19+$0x60]  }
.LBB2_6:
0x7c: {  	p2 =	sne.s32 s20, $0x9E00;
	v8 =	vld [tilespmem:s11+$0x70];
	[tilespmem:s19+$0x2810] =	vst v7;
	v5 =	vadd.s32 v0, v5  }
0x7d: {  	v7 =	vld [tilespmem:s11+$0x0];
	[tilespmem:s19+$0x2820] =	vst v5;
	v4 =	vadd.s32 v0, v4  }
0x7e: {  	v9 =	vld [tilespmem:s11+$0x10];
	[tilespmem:s19+$0x2830] =	vst v4;
	v2 =	vadd.s32 v0, v2  }
.Ltmp2:
0x7f: {  	v5 =	vld [tilespmem:s11+$0x20];
	[tilespmem:s19+$0x2840] =	vst v2;
	v2 =	vadd.s32 v0, v3;
	(pc) =	sbr.rel @p2 .LBB2_6-.Ltmp2, $4  }
0x80: {  	v4 =	vld [tilespmem:s11+$0x30];
	[tilespmem:s19+$0x2850] =	vst v2;
	v3 =	vadd.s32 v0, v6  }
0x81: {  	v2 =	vld [tilespmem:s11+$0x40];
	v6 =	vadd.s32 v0, v8;
	[tilespmem:s19+$0x2860] =	vst v3;
	s19 =	smov.u32 s11  }
0x82: {  	v7 =	vadd.s32 v0, v7;
	v3 =	vld [tilespmem:s19+$0x50];
	[tilespmem:s19+$0x2870] =	vst v6  }
0x83: {  	s11 =	sshra.s32 s20, $0x2;
	s20 =	sadd.s32 $0x200, s20;
	[tilespmem:s19+$0x2800] =	vst v7;
	v7 =	vadd.s32 v0, v9;
	v6 =	vld [tilespmem:s19+$0x60]  }
0x84: {  	v8 =	vld [tilespmem:s11+$0x70];
	[tilespmem:s19+$0x2810] =	vst v7;
	v5 =	vadd.s32 v0, v5  }
0x85: {  	v7 =	vld [tilespmem:s11+$0x0];
	[tilespmem:s19+$0x2820] =	vst v5;
	v4 =	vadd.s32 v0, v4  }
0x86: {  	v5 =	vld [tilespmem:s11+$0x10];
	[tilespmem:s19+$0x2830] =	vst v4;
	v2 =	vadd.s32 v0, v2  }
0x87: {  	v4 =	vld [tilespmem:s11+$0x20];
	[tilespmem:s19+$0x2840] =	vst v2;
	v2 =	vadd.s32 v0, v3  }
0x88: {  	v3 =	vld [tilespmem:s11+$0x30];
	[tilespmem:s19+$0x2850] =	vst v2;
	v2 =	vadd.s32 v0, v6  }
0x89: {  	v61 =	vld [tilespmem:s11+$0x40];
	[tilespmem:s19+$0x2860] =	vst v2;
	v2 =	vadd.s32 v0, v8  }
0x8a: {  	v62 =	vld [tilespmem:s11+$0x50];
	v7 =	vadd.s32 v0, v7;
	[tilespmem:s11+$0x2870] =	vst v2  }
0x8b: {  	v63 =	vld [tilespmem:s11+$0x60];
	[tilespmem:s11+$0x2800] =	vst v7;
	v2 =	vadd.s32 v0, v5  }
0x8c: {  	[tilespmem:s11+$0x2810] =	vst v2;
	v2 =	vadd.s32 v0, v4  }
0x8d: {  	[tilespmem:s11+$0x2820] =	vst v2;
	v2 =	vadd.s32 v0, v3  }
0x8e: {  	[tilespmem:s11+$0x2830] =	vst v2;
	v2 =	vadd.s32 v0, v61  }
0x8f: {  	[tilespmem:s11+$0x2840] =	vst v2;
	v2 =	vadd.s32 v0, v62  }
0x90: {  	[tilespmem:s11+$0x2850] =	vst v2;
	v2 =	vadd.s32 v0, v63  }
0x91: {  	[tilespmem:s11+$0x2860] =	vst v2  }
0x92: {  	s20 =	simm.s32 $0x2800;
	[bflag:$0x0] =	sbarrier.arrive $0xFFFF  }
0x93: {  	[tilespmem:s28], [sflag:$0x1] =	stream.indirect.gather [hbm4b:s6+s0], $0x40, s20, s0, $0xb8;
	[tilespmem:$0x1F000] =	vst v63  }
0x94: {  	s21 =	simm.s32 $0x2880  }
0x95: {  	[tilespmem:s13], [sflag:$0x2] =	stream.indirect.gather [hbm4b:s6+s0], $0x40, s21, s0, $0xb8;
	[tilespmem:$0x1F000] =	vst v63  }
0x96: {  	s30 =	simm.s32 $0x2900  }
0x97: {  	[tilespmem:s15], [sflag:$0x3] =	stream.indirect.gather [hbm4b:s6+s0], $0x40, s30, s0, $0xb8;
	[tilespmem:$0x1F000] =	vst v63  }
0x98: {  	s19 =	simm.s32 $0x2980  }
0x99: {  	[tilespmem:s18], [sflag:$0x4] =	stream.indirect.gather [hbm4b:s6+s0], $0x40, s19, s0, $0xb8;
	[tilespmem:$0x1F000] =	vst v63  }
0x9a: {  	_ =	swait.ge [sflag:s1], $0x2000  }
0x9b: {  	[sflag:s1] =	ssyncset.done $0x0  }
0x9c: {  	s20 =	simm.s32 $0x5000;
	[sflag:s1] =	ssyncadd.s32 $0xFFFFE000  }
0x9d: {  	[spmem:s4] =	stream.indirect.scatter.add.bf16 [tilespmem:s28], [sflag:$0x5], $0x40, s20, s0, $0xb8;
	[tilespmem:$0x1F000] =	vst v63  }
0x9e: {  	_ =	swait.ge [sflag:s7], $0x2000  }
0x9f: {  	[sflag:s7] =	ssyncset.done $0x0  }
0xa0: {  	s21 =	simm.s32 $0x5080;
	[sflag:s7] =	ssyncadd.s32 $0xFFFFE000  }
0xa1: {  	[spmem:s4] =	stream.indirect.scatter.add.bf16 [tilespmem:s13], [sflag:$0x6], $0x40, s21, s0, $0xb8;
	[tilespmem:$0x1F000] =	vst v63  }
0xa2: {  	_ =	swait.ge [sflag:s8], $0x2000  }
0xa3: {  	[sflag:s8] =	ssyncset.done $0x0  }
0xa4: {  	s30 =	simm.s32 $0x5100;
	[sflag:s8] =	ssyncadd.s32 $0xFFFFE000  }
0xa5: {  	[spmem:s4] =	stream.indirect.scatter.add.bf16 [tilespmem:s15], [sflag:$0x7], $0x40, s30, s0, $0xb8;
	[tilespmem:$0x1F000] =	vst v63  }
0xa6: {  	_ =	swait.ge [sflag:s9], $0x2000  }
0xa7: {  	[sflag:s9] =	ssyncset.done $0x0  }
0xa8: {  	s19 =	simm.s32 $0x5180;
	[sflag:s9] =	ssyncadd.s32 $0xFFFFE000  }
0xa9: {  	[spmem:s4] =	stream.indirect.scatter.add.bf16 [tilespmem:s18], [sflag:$0x8], $0x40, s19, s0, $0xb8;
	[tilespmem:$0x1F000] =	vst v63  }
0xaa: {  	_ =	swait.ge [sflag:s10], $0x2000  }
0xab: {  	[sflag:s10] =	ssyncset.done $0x0  }
0xac: {  	s20 =	simm.s32 $0x2A00;
	[sflag:s10] =	ssyncadd.s32 $0xFFFFE000  }
0xad: {  	[tilespmem:s28], [sflag:$0x1] =	stream.indirect.gather [hbm4b:s6+s0], $0x40, s20, s0, $0xb8;
	[tilespmem:$0x1F000] =	vst v63  }
0xae: {  	_ =	swait.ge [sflag:s2], $0x2000  }
0xaf: {  	[sflag:s2] =	ssyncset.done $0x0  }
0xb0: {  	s21 =	simm.s32 $0x2A80;
	[sflag:s2] =	ssyncadd.s32 $0xFFFFE000  }
0xb1: {  	[tilespmem:s13], [sflag:$0x2] =	stream.indirect.gather [hbm4b:s6+s0], $0x40, s21, s0, $0xb8;
	[tilespmem:$0x1F000] =	vst v63  }
0xb2: {  	_ =	swait.ge [sflag:s24], $0x2000  }
0xb3: {  	[sflag:s24] =	ssyncset.done $0x0  }
0xb4: {  	s30 =	simm.s32 $0x2B00;
	[sflag:s24] =	ssyncadd.s32 $0xFFFFE000  }
0xb5: {  	[tilespmem:s15], [sflag:$0x3] =	stream.indirect.gather [hbm4b:s6+s0], $0x40, s30, s0, $0xb8;
	[tilespmem:$0x1F000] =	vst v63  }
0xb6: {  	_ =	swait.ge [sflag:s12], $0x2000  }
0xb7: {  	[sflag:s12] =	ssyncset.done $0x0  }
0xb8: {  	s11 =	simm.s32 $0x800;
	s19 =	simm.s32 $0x2B80;
	[sflag:s12] =	ssyncadd.s32 $0xFFFFE000  }
.LBB2_8:
0xb9: {  	[tilespmem:s18], [sflag:$0x4] =	stream.indirect.gather [hbm4b:s6+s0], $0x40, s19, s0, $0xb8;
	[tilespmem:$0x1F000] =	vst v63  }
0xba: {  	s19 =	smov.u32 s11  }
0xbb: {  	p2 =	sne.s32 s11, $0x9000;
	s11 =	sadd.s32 $0x800, s11;
	_ =	swait.ge [sflag:s1], $0x2000  }
0xbc: {  	s19 =	sshra.s32 s19, $0x2;
	[sflag:s1] =	ssyncset.done $0x0  }
0xbd: {  	s20 =	sadd.s32 $0x5000, s19;
	[sflag:s1] =	ssyncadd.s32 $0xFFFFE000  }
0xbe: {  	[spmem:s4] =	stream.indirect.scatter.add.bf16 [tilespmem:s28], [sflag:$0x5], $0x40, s20, s0, $0xb8;
	[tilespmem:$0x1F000] =	vst v63  }
0xbf: {  	_ =	swait.ge [sflag:s7], $0x2000  }
0xc0: {  	[sflag:s7] =	ssyncset.done $0x0  }
0xc1: {  	s20 =	sadd.s32 $0x5080, s19;
	[sflag:s7] =	ssyncadd.s32 $0xFFFFE000  }
0xc2: {  	[spmem:s4] =	stream.indirect.scatter.add.bf16 [tilespmem:s13], [sflag:$0x6], $0x40, s20, s0, $0xb8;
	[tilespmem:$0x1F000] =	vst v63  }
0xc3: {  	_ =	swait.ge [sflag:s8], $0x2000  }
0xc4: {  	[sflag:s8] =	ssyncset.done $0x0  }
0xc5: {  	s20 =	sadd.s32 $0x5100, s19;
	[sflag:s8] =	ssyncadd.s32 $0xFFFFE000  }
0xc6: {  	[spmem:s4] =	stream.indirect.scatter.add.bf16 [tilespmem:s15], [sflag:$0x7], $0x40, s20, s0, $0xb8;
	[tilespmem:$0x1F000] =	vst v63  }
0xc7: {  	_ =	swait.ge [sflag:s9], $0x2000  }
0xc8: {  	[sflag:s9] =	ssyncset.done $0x0  }
0xc9: {  	s20 =	sadd.s32 $0x5180, s19;
	[sflag:s9] =	ssyncadd.s32 $0xFFFFE000  }
0xca: {  	[spmem:s4] =	stream.indirect.scatter.add.bf16 [tilespmem:s18], [sflag:$0x8], $0x40, s20, s0, $0xb8;
	[tilespmem:$0x1F000] =	vst v63  }
0xcb: {  	_ =	swait.ge [sflag:s10], $0x2000  }
0xcc: {  	[sflag:s10] =	ssyncset.done $0x0  }
0xcd: {  	s20 =	sadd.s32 $0x2A00, s19;
	[sflag:s10] =	ssyncadd.s32 $0xFFFFE000  }
0xce: {  	[tilespmem:s28], [sflag:$0x1] =	stream.indirect.gather [hbm4b:s6+s0], $0x40, s20, s0, $0xb8;
	[tilespmem:$0x1F000] =	vst v63  }
0xcf: {  	_ =	swait.ge [sflag:s2], $0x2000  }
0xd0: {  	[sflag:s2] =	ssyncset.done $0x0  }
0xd1: {  	s20 =	sadd.s32 $0x2A80, s19;
	[sflag:s2] =	ssyncadd.s32 $0xFFFFE000  }
0xd2: {  	[tilespmem:s13], [sflag:$0x2] =	stream.indirect.gather [hbm4b:s6+s0], $0x40, s20, s0, $0xb8;
	[tilespmem:$0x1F000] =	vst v63  }
0xd3: {  	_ =	swait.ge [sflag:s24], $0x2000  }
0xd4: {  	[sflag:s24] =	ssyncset.done $0x0  }
.Ltmp3:
0xd5: {  	s20 =	sadd.s32 $0x2B00, s19;
	[sflag:s24] =	ssyncadd.s32 $0xFFFFE000;
	(pc) =	sbr.rel @p2 .LBB2_8-.Ltmp3, $4  }
0xd6: {  	[tilespmem:s15], [sflag:$0x3] =	stream.indirect.gather [hbm4b:s6+s0], $0x40, s20, s0, $0xb8;
	[tilespmem:$0x1F000] =	vst v63  }
0xd7: {  	_ =	swait.ge [sflag:s12], $0x2000  }
0xd8: {  	[sflag:s12] =	ssyncset.done $0x0  }
0xd9: {  	s19 =	sadd.s32 $0x2B80, s19;
	[sflag:s12] =	ssyncadd.s32 $0xFFFFE000  }
0xda: {  	[tilespmem:s18], [sflag:$0x4] =	stream.indirect.gather [hbm4b:s6+s0], $0x40, s19, s0, $0xb8;
	[tilespmem:$0x1F000] =	vst v63  }
0xdb: {  	_ =	swait.ge [sflag:s1], $0x2000  }
0xdc: {  	[sflag:s1] =	ssyncset.done $0x0  }
0xdd: {  	s11 =	simm.s32 $0x7600;
	[sflag:s1] =	ssyncadd.s32 $0xFFFFE000  }
0xde: {  	[spmem:s4] =	stream.indirect.scatter.add.bf16 [tilespmem:s28], [sflag:$0x5], $0x40, s11, s0, $0xb8;
	[tilespmem:$0x1F000] =	vst v63  }
0xdf: {  	_ =	swait.ge [sflag:s7], $0x2000  }
0xe0: {  	[sflag:s7] =	ssyncset.done $0x0  }
0xe1: {  	s21 =	simm.s32 $0x7680;
	[sflag:s7] =	ssyncadd.s32 $0xFFFFE000  }
0xe2: {  	[spmem:s4] =	stream.indirect.scatter.add.bf16 [tilespmem:s13], [sflag:$0x6], $0x40, s21, s0, $0xb8;
	[tilespmem:$0x1F000] =	vst v63  }
0xe3: {  	_ =	swait.ge [sflag:s8], $0x2000  }
0xe4: {  	[sflag:s8] =	ssyncset.done $0x0  }
0xe5: {  	s19 =	simm.s32 $0x7700;
	[sflag:s8] =	ssyncadd.s32 $0xFFFFE000  }
0xe6: {  	[spmem:s4] =	stream.indirect.scatter.add.bf16 [tilespmem:s15], [sflag:$0x7], $0x40, s19, s0, $0xb8;
	[tilespmem:$0x1F000] =	vst v63  }
0xe7: {  	_ =	swait.ge [sflag:s9], $0x2000  }
0xe8: {  	[sflag:s9] =	ssyncset.done $0x0  }
0xe9: {  	s20 =	simm.s32 $0x7780;
	[sflag:s9] =	ssyncadd.s32 $0xFFFFE000  }
0xea: {  	[spmem:s4] =	stream.indirect.scatter.add.bf16 [tilespmem:s18], [sflag:$0x8], $0x40, s20, s0, $0xb8;
	[tilespmem:$0x1F000] =	vst v63  }
0xeb: {  	_ =	swait.ge [sflag:s10], $0x2000  }
0xec: {  	[sflag:s10] =	ssyncset.done $0x0  }
0xed: {  	[sflag:s10] =	ssyncadd.s32 $0xFFFFE000  }
0xee: {  	_ =	swait.ge [sflag:s2], $0x2000  }
0xef: {  	[sflag:s2] =	ssyncset.done $0x0  }
0xf0: {  	[sflag:s2] =	ssyncadd.s32 $0xFFFFE000  }
0xf1: {  	_ =	swait.ge [sflag:s24], $0x2000  }
0xf2: {  	[sflag:s24] =	ssyncset.done $0x0  }
0xf3: {  	[sflag:s24] =	ssyncadd.s32 $0xFFFFE000  }
0xf4: {  	_ =	swait.ge [sflag:s12], $0x2000  }
0xf5: {  	[sflag:s12] =	ssyncset.done $0x0  }
0xf6: {  	[sflag:s12] =	ssyncadd.s32 $0xFFFFE000  }
0xf7: {  	s11 =	sshrl.u32 @p1 s17, $0x3;
	s19 =	simm.s32 @p1 $0x1FC9;
	[bflag:$0x0] =	sbarrier.arrive $0xFFFF  }
0xf8: {  	[hbm:s22], [sflag:s19] =	dma.local @p1 [spmem:s11], $0xC80  }
0xf9: {  	s19 =	simm.s32 @p1 $0x9  }
0xfa: {  	_ =	swait.ge @p1 [sflag:s19], $0xC80  }
0xfb: {  	[sflag:s19] =	ssyncset.done @p1 $0x0  }
0xfc: {  	s30 =	sshrl.u32 @!p1 s17, $0x3;
	[sflag:s19] =	ssyncadd.s32 @p1 $0xFFFFF380;
	s19 =	simm.s32 @!p1 $0x9  }
0xfd: {  	[hbm:s22], [sflag:s16] =	dma.local @!p1 [spmem:s30], $0x1400  }
0xfe: {  	_ =	swait.ge @!p1 [sflag:s19], $0x1400  }
0xff: {  	[sflag:s19] =	ssyncset.done @!p1 $0x0  }
0x100: {  	[sflag:s19] =	ssyncadd.s32 @!p1 $0xFFFFEC00  }
0x101: {  	[bflag:$0x0] =	sbarrier.arrive $0xFFFF  }
0x102: {  	[spmem:s17] =	stream.linear.scatter [tilespmem:s29], [sflag:$0x9], $0x2000, $0x38;
	[tilespmem:$0x1F000] =	vst v63  }
0x103: {  	_ =	swait.ge [sflag:s26], $0x2000  }
0x104: {  	[sflag:s26] =	ssyncset.done $0x0  }
0x105: {  	s21 =	rddreg [dreg:$0x10];
	[sflag:s26] =	ssyncadd.s32 $0xFFFFE000  }
0x106: {  	[spmem:s21] =	stream.linear.scatter [tilespmem:s29], [sflag:$0x9], $0x2000, $0x38;
	[tilespmem:$0x1F000] =	vst v63  }
0x107: {  	_ =	swait.ge [sflag:s26], $0x2000  }
0x108: {  	[sflag:s26] =	ssyncset.done $0x0  }
0x109: {  	s20 =	rddreg [dreg:$0x11];
	[sflag:s26] =	ssyncadd.s32 $0xFFFFE000  }
0x10a: {  	[spmem:s20] =	stream.linear.scatter [tilespmem:s29], [sflag:$0x9], $0x2000, $0x38;
	[tilespmem:$0x1F000] =	vst v63  }
0x10b: {  	_ =	swait.ge [sflag:s26], $0x2000  }
0x10c: {  	[sflag:s26] =	ssyncset.done $0x0  }
0x10d: {  	s21 =	rddreg [dreg:$0x12];
	[sflag:s26] =	ssyncadd.s32 $0xFFFFE000  }
0x10e: {  	[spmem:s21] =	stream.linear.scatter [tilespmem:s29], [sflag:$0x9], $0x2000, $0x38;
	[tilespmem:$0x1F000] =	vst v63  }
0x10f: {  	_ =	swait.ge [sflag:s26], $0x2000  }
0x110: {  	[sflag:s26] =	ssyncset.done $0x0  }
0x111: {  	[sflag:s26] =	ssyncadd.s32 $0xFFFFE000  }
0x112: {  	[spmem:s25] =	stream.linear.scatter [tilespmem:s29], [sflag:$0x9], $0x2000, $0x38;
	[tilespmem:$0x1F000] =	vst v63  }
0x113: {  	_ =	swait.ge [sflag:s26], $0x2000  }
0x114: {  	[sflag:s26] =	ssyncset.done $0x0  }
0x115: {  	s20 =	simm.s32 $0x0;
	[sflag:s26] =	ssyncadd.s32 $0xFFFFE000  }
0x116: {  	v3 =	vld [tilespmem:s20+$0x70]  }
0x117: {  	v6 =	vld [tilespmem:s20+$0x0]  }
0x118: {  	v7 =	vld [tilespmem:s20+$0x10]  }
0x119: {  	v5 =	vld [tilespmem:s20+$0x20]  }
0x11a: {  	v4 =	vld [tilespmem:s20+$0x30]  }
0x11b: {  	v2 =	vld [tilespmem:s20+$0x40];
	v8 =	vadd.s32 v1, v3  }
0x11c: {  	v3 =	vld [tilespmem:s20+$0x50];
	v6 =	vadd.s32 v1, v6;
	[tilespmem:s20+$0x2870] =	vst v8  }
0x11d: {  	s19 =	simm.s32 $0x80;
	s21 =	simm.s32 $0x400;
	v7 =	vadd.s32 v1, v7;
	[tilespmem:s20+$0x2800] =	vst v6;
	v6 =	vld [tilespmem:s20+$0x60]  }
.LBB2_10:
0x11e: {  	p2 =	sne.s32 s21, $0x9E00;
	v8 =	vld [tilespmem:s19+$0x70];
	[tilespmem:s20+$0x2810] =	vst v7;
	v5 =	vadd.s32 v1, v5  }
0x11f: {  	v7 =	vld [tilespmem:s19+$0x0];
	[tilespmem:s20+$0x2820] =	vst v5;
	v4 =	vadd.s32 v1, v4  }
0x120: {  	v9 =	vld [tilespmem:s19+$0x10];
	[tilespmem:s20+$0x2830] =	vst v4;
	v2 =	vadd.s32 v1, v2  }
.Ltmp4:
0x121: {  	v5 =	vld [tilespmem:s19+$0x20];
	[tilespmem:s20+$0x2840] =	vst v2;
	v2 =	vadd.s32 v1, v3;
	(pc) =	sbr.rel @p2 .LBB2_10-.Ltmp4, $4  }
0x122: {  	v4 =	vld [tilespmem:s19+$0x30];
	[tilespmem:s20+$0x2850] =	vst v2;
	v3 =	vadd.s32 v1, v6  }
0x123: {  	v2 =	vld [tilespmem:s19+$0x40];
	v6 =	vadd.s32 v1, v8;
	[tilespmem:s20+$0x2860] =	vst v3;
	s20 =	smov.u32 s19  }
0x124: {  	v7 =	vadd.s32 v1, v7;
	v3 =	vld [tilespmem:s20+$0x50];
	[tilespmem:s20+$0x2870] =	vst v6  }
0x125: {  	s19 =	sshra.s32 s21, $0x2;
	s21 =	sadd.s32 $0x200, s21;
	[tilespmem:s20+$0x2800] =	vst v7;
	v7 =	vadd.s32 v1, v9;
	v6 =	vld [tilespmem:s20+$0x60]  }
0x126: {  	v8 =	vld [tilespmem:s19+$0x70];
	[tilespmem:s20+$0x2810] =	vst v7;
	v5 =	vadd.s32 v1, v5  }
0x127: {  	v7 =	vld [tilespmem:s19+$0x0];
	[tilespmem:s20+$0x2820] =	vst v5;
	v4 =	vadd.s32 v1, v4  }
0x128: {  	v5 =	vld [tilespmem:s19+$0x10];
	[tilespmem:s20+$0x2830] =	vst v4;
	v2 =	vadd.s32 v1, v2  }
0x129: {  	v4 =	vld [tilespmem:s19+$0x20];
	[tilespmem:s20+$0x2840] =	vst v2;
	v2 =	vadd.s32 v1, v3  }
0x12a: {  	v3 =	vld [tilespmem:s19+$0x30];
	[tilespmem:s20+$0x2850] =	vst v2;
	v2 =	vadd.s32 v1, v6  }
0x12b: {  	v61 =	vld [tilespmem:s19+$0x40];
	[tilespmem:s20+$0x2860] =	vst v2;
	v2 =	vadd.s32 v1, v8  }
0x12c: {  	v62 =	vld [tilespmem:s19+$0x50];
	v7 =	vadd.s32 v1, v7;
	[tilespmem:s19+$0x2870] =	vst v2  }
0x12d: {  	v63 =	vld [tilespmem:s19+$0x60];
	[tilespmem:s19+$0x2800] =	vst v7;
	v2 =	vadd.s32 v1, v5  }
0x12e: {  	[tilespmem:s19+$0x2810] =	vst v2;
	v2 =	vadd.s32 v1, v4  }
0x12f: {  	[tilespmem:s19+$0x2820] =	vst v2;
	v2 =	vadd.s32 v1, v3  }
0x130: {  	[tilespmem:s19+$0x2830] =	vst v2;
	v2 =	vadd.s32 v1, v61  }
0x131: {  	[tilespmem:s19+$0x2840] =	vst v2;
	v2 =	vadd.s32 v1, v62  }
0x132: {  	[tilespmem:s19+$0x2850] =	vst v2;
	v2 =	vadd.s32 v1, v63  }
0x133: {  	[tilespmem:s19+$0x2860] =	vst v2  }
0x134: {  	s21 =	simm.s32 $0x2800;
	[bflag:$0x0] =	sbarrier.arrive $0xFFFF  }
0x135: {  	[tilespmem:s28], [sflag:$0x1] =	stream.indirect.gather [hbm4b:s6+s0], $0x40, s21, s0, $0xb8;
	[tilespmem:$0x1F000] =	vst v63  }
0x136: {  	s20 =	simm.s32 $0x2880  }
0x137: {  	[tilespmem:s13], [sflag:$0x2] =	stream.indirect.gather [hbm4b:s6+s0], $0x40, s20, s0, $0xb8;
	[tilespmem:$0x1F000] =	vst v63  }
0x138: {  	s21 =	simm.s32 $0x2900  }
0x139: {  	[tilespmem:s15], [sflag:$0x3] =	stream.indirect.gather [hbm4b:s6+s0], $0x40, s21, s0, $0xb8;
	[tilespmem:$0x1F000] =	vst v63  }
0x13a: {  	s20 =	simm.s32 $0x2980  }
0x13b: {  	[tilespmem:s18], [sflag:$0x4] =	stream.indirect.gather [hbm4b:s6+s0], $0x40, s20, s0, $0xb8;
	[tilespmem:$0x1F000] =	vst v63  }
0x13c: {  	_ =	swait.ge [sflag:s1], $0x2000  }
0x13d: {  	[sflag:s1] =	ssyncset.done $0x0  }
0x13e: {  	s21 =	simm.s32 $0x5000;
	[sflag:s1] =	ssyncadd.s32 $0xFFFFE000  }
0x13f: {  	[spmem:s4] =	stream.indirect.scatter.add.bf16 [tilespmem:s28], [sflag:$0x5], $0x40, s21, s0, $0xb8;
	[tilespmem:$0x1F000] =	vst v63  }
0x140: {  	_ =	swait.ge [sflag:s7], $0x2000  }
0x141: {  	[sflag:s7] =	ssyncset.done $0x0  }
0x142: {  	s20 =	simm.s32 $0x5080;
	[sflag:s7] =	ssyncadd.s32 $0xFFFFE000  }
0x143: {  	[spmem:s4] =	stream.indirect.scatter.add.bf16 [tilespmem:s13], [sflag:$0x6], $0x40, s20, s0, $0xb8;
	[tilespmem:$0x1F000] =	vst v63  }
0x144: {  	_ =	swait.ge [sflag:s8], $0x2000  }
0x145: {  	[sflag:s8] =	ssyncset.done $0x0  }
0x146: {  	s21 =	simm.s32 $0x5100;
	[sflag:s8] =	ssyncadd.s32 $0xFFFFE000  }
0x147: {  	[spmem:s4] =	stream.indirect.scatter.add.bf16 [tilespmem:s15], [sflag:$0x7], $0x40, s21, s0, $0xb8;
	[tilespmem:$0x1F000] =	vst v63  }
0x148: {  	_ =	swait.ge [sflag:s9], $0x2000  }
0x149: {  	[sflag:s9] =	ssyncset.done $0x0  }
0x14a: {  	s20 =	simm.s32 $0x5180;
	[sflag:s9] =	ssyncadd.s32 $0xFFFFE000  }
0x14b: {  	[spmem:s4] =	stream.indirect.scatter.add.bf16 [tilespmem:s18], [sflag:$0x8], $0x40, s20, s0, $0xb8;
	[tilespmem:$0x1F000] =	vst v63  }
0x14c: {  	_ =	swait.ge [sflag:s10], $0x2000  }
0x14d: {  	[sflag:s10] =	ssyncset.done $0x0  }
0x14e: {  	s21 =	simm.s32 $0x2A00;
	[sflag:s10] =	ssyncadd.s32 $0xFFFFE000  }
0x14f: {  	[tilespmem:s28], [sflag:$0x1] =	stream.indirect.gather [hbm4b:s6+s0], $0x40, s21, s0, $0xb8;
	[tilespmem:$0x1F000] =	vst v63  }
0x150: {  	_ =	swait.ge [sflag:s2], $0x2000  }
0x151: {  	[sflag:s2] =	ssyncset.done $0x0  }
0x152: {  	s20 =	simm.s32 $0x2A80;
	[sflag:s2] =	ssyncadd.s32 $0xFFFFE000  }
0x153: {  	[tilespmem:s13], [sflag:$0x2] =	stream.indirect.gather [hbm4b:s6+s0], $0x40, s20, s0, $0xb8;
	[tilespmem:$0x1F000] =	vst v63  }
0x154: {  	_ =	swait.ge [sflag:s24], $0x2000  }
0x155: {  	[sflag:s24] =	ssyncset.done $0x0  }
0x156: {  	s21 =	simm.s32 $0x2B00;
	[sflag:s24] =	ssyncadd.s32 $0xFFFFE000  }
0x157: {  	[tilespmem:s15], [sflag:$0x3] =	stream.indirect.gather [hbm4b:s6+s0], $0x40, s21, s0, $0xb8;
	[tilespmem:$0x1F000] =	vst v63  }
0x158: {  	_ =	swait.ge [sflag:s12], $0x2000  }
0x159: {  	[sflag:s12] =	ssyncset.done $0x0  }
0x15a: {  	s19 =	simm.s32 $0x800;
	s20 =	simm.s32 $0x2B80;
	[sflag:s12] =	ssyncadd.s32 $0xFFFFE000  }
.LBB2_12:
0x15b: {  	[tilespmem:s18], [sflag:$0x4] =	stream.indirect.gather [hbm4b:s6+s0], $0x40, s20, s0, $0xb8;
	[tilespmem:$0x1F000] =	vst v63  }
0x15c: {  	s20 =	smov.u32 s19  }
0x15d: {  	p2 =	sne.s32 s19, $0x9000;
	s19 =	sadd.s32 $0x800, s19;
	_ =	swait.ge [sflag:s1], $0x2000  }
0x15e: {  	s20 =	sshra.s32 s20, $0x2;
	[sflag:s1] =	ssyncset.done $0x0  }
0x15f: {  	s21 =	sadd.s32 $0x5000, s20;
	[sflag:s1] =	ssyncadd.s32 $0xFFFFE000  }
0x160: {  	[spmem:s4] =	stream.indirect.scatter.add.bf16 [tilespmem:s28], [sflag:$0x5], $0x40, s21, s0, $0xb8;
	[tilespmem:$0x1F000] =	vst v63  }
0x161: {  	_ =	swait.ge [sflag:s7], $0x2000  }
0x162: {  	[sflag:s7] =	ssyncset.done $0x0  }
0x163: {  	s21 =	sadd.s32 $0x5080, s20;
	[sflag:s7] =	ssyncadd.s32 $0xFFFFE000  }
0x164: {  	[spmem:s4] =	stream.indirect.scatter.add.bf16 [tilespmem:s13], [sflag:$0x6], $0x40, s21, s0, $0xb8;
	[tilespmem:$0x1F000] =	vst v63  }
0x165: {  	_ =	swait.ge [sflag:s8], $0x2000  }
0x166: {  	[sflag:s8] =	ssyncset.done $0x0  }
0x167: {  	s21 =	sadd.s32 $0x5100, s20;
	[sflag:s8] =	ssyncadd.s32 $0xFFFFE000  }
0x168: {  	[spmem:s4] =	stream.indirect.scatter.add.bf16 [tilespmem:s15], [sflag:$0x7], $0x40, s21, s0, $0xb8;
	[tilespmem:$0x1F000] =	vst v63  }
0x169: {  	_ =	swait.ge [sflag:s9], $0x2000  }
0x16a: {  	[sflag:s9] =	ssyncset.done $0x0  }
0x16b: {  	s21 =	sadd.s32 $0x5180, s20;
	[sflag:s9] =	ssyncadd.s32 $0xFFFFE000  }
0x16c: {  	[spmem:s4] =	stream.indirect.scatter.add.bf16 [tilespmem:s18], [sflag:$0x8], $0x40, s21, s0, $0xb8;
	[tilespmem:$0x1F000] =	vst v63  }
0x16d: {  	_ =	swait.ge [sflag:s10], $0x2000  }
0x16e: {  	[sflag:s10] =	ssyncset.done $0x0  }
0x16f: {  	s21 =	sadd.s32 $0x2A00, s20;
	[sflag:s10] =	ssyncadd.s32 $0xFFFFE000  }
0x170: {  	[tilespmem:s28], [sflag:$0x1] =	stream.indirect.gather [hbm4b:s6+s0], $0x40, s21, s0, $0xb8;
	[tilespmem:$0x1F000] =	vst v63  }
0x171: {  	_ =	swait.ge [sflag:s2], $0x2000  }
0x172: {  	[sflag:s2] =	ssyncset.done $0x0  }
0x173: {  	s21 =	sadd.s32 $0x2A80, s20;
	[sflag:s2] =	ssyncadd.s32 $0xFFFFE000  }
0x174: {  	[tilespmem:s13], [sflag:$0x2] =	stream.indirect.gather [hbm4b:s6+s0], $0x40, s21, s0, $0xb8;
	[tilespmem:$0x1F000] =	vst v63  }
0x175: {  	_ =	swait.ge [sflag:s24], $0x2000  }
0x176: {  	[sflag:s24] =	ssyncset.done $0x0  }
.Ltmp5:
0x177: {  	s21 =	sadd.s32 $0x2B00, s20;
	[sflag:s24] =	ssyncadd.s32 $0xFFFFE000;
	(pc) =	sbr.rel @p2 .LBB2_12-.Ltmp5, $4  }
0x178: {  	[tilespmem:s15], [sflag:$0x3] =	stream.indirect.gather [hbm4b:s6+s0], $0x40, s21, s0, $0xb8;
	[tilespmem:$0x1F000] =	vst v63  }
0x179: {  	_ =	swait.ge [sflag:s12], $0x2000  }
0x17a: {  	[sflag:s12] =	ssyncset.done $0x0  }
0x17b: {  	s20 =	sadd.s32 $0x2B80, s20;
	[sflag:s12] =	ssyncadd.s32 $0xFFFFE000  }
0x17c: {  	[tilespmem:s18], [sflag:$0x4] =	stream.indirect.gather [hbm4b:s6+s0], $0x40, s20, s0, $0xb8;
	[tilespmem:$0x1F000] =	vst v63  }
0x17d: {  	_ =	swait.ge [sflag:s1], $0x2000  }
0x17e: {  	[sflag:s1] =	ssyncset.done $0x0  }
0x17f: {  	s19 =	simm.s32 $0x7600;
	[sflag:s1] =	ssyncadd.s32 $0xFFFFE000  }
0x180: {  	[spmem:s4] =	stream.indirect.scatter.add.bf16 [tilespmem:s28], [sflag:$0x5], $0x40, s19, s0, $0xb8;
	[tilespmem:$0x1F000] =	vst v63  }
0x181: {  	_ =	swait.ge [sflag:s7], $0x2000  }
0x182: {  	[sflag:s7] =	ssyncset.done $0x0  }
0x183: {  	s21 =	simm.s32 $0x7680;
	[sflag:s7] =	ssyncadd.s32 $0xFFFFE000  }
0x184: {  	[spmem:s4] =	stream.indirect.scatter.add.bf16 [tilespmem:s13], [sflag:$0x6], $0x40, s21, s0, $0xb8;
	[tilespmem:$0x1F000] =	vst v63  }
0x185: {  	_ =	swait.ge [sflag:s8], $0x2000  }
0x186: {  	[sflag:s8] =	ssyncset.done $0x0  }
0x187: {  	s20 =	simm.s32 $0x7700;
	[sflag:s8] =	ssyncadd.s32 $0xFFFFE000  }
0x188: {  	[spmem:s4] =	stream.indirect.scatter.add.bf16 [tilespmem:s15], [sflag:$0x7], $0x40, s20, s0, $0xb8;
	[tilespmem:$0x1F000] =	vst v63  }
0x189: {  	_ =	swait.ge [sflag:s9], $0x2000  }
0x18a: {  	[sflag:s9] =	ssyncset.done $0x0  }
0x18b: {  	s21 =	simm.s32 $0x7780;
	[sflag:s9] =	ssyncadd.s32 $0xFFFFE000  }
0x18c: {  	[spmem:s4] =	stream.indirect.scatter.add.bf16 [tilespmem:s18], [sflag:$0x8], $0x40, s21, s0, $0xb8;
	[tilespmem:$0x1F000] =	vst v63  }
0x18d: {  	_ =	swait.ge [sflag:s10], $0x2000  }
0x18e: {  	[sflag:s10] =	ssyncset.done $0x0  }
0x18f: {  	[sflag:s10] =	ssyncadd.s32 $0xFFFFE000  }
0x190: {  	_ =	swait.ge [sflag:s2], $0x2000  }
0x191: {  	[sflag:s2] =	ssyncset.done $0x0  }
0x192: {  	[sflag:s2] =	ssyncadd.s32 $0xFFFFE000  }
0x193: {  	_ =	swait.ge [sflag:s24], $0x2000  }
0x194: {  	[sflag:s24] =	ssyncset.done $0x0  }
0x195: {  	[sflag:s24] =	ssyncadd.s32 $0xFFFFE000  }
0x196: {  	_ =	swait.ge [sflag:s12], $0x2000  }
0x197: {  	[sflag:s12] =	ssyncset.done $0x0  }
0x198: {  	[sflag:s12] =	ssyncadd.s32 $0xFFFFE000  }
0x199: {  	s19 =	simm.s32 @p1 $0x1FC9;
	[bflag:$0x0] =	sbarrier.arrive $0xFFFF  }
0x19a: {  	[hbm:s23], [sflag:s19] =	dma.local @p1 [spmem:s11], $0xC80  }
0x19b: {  	s11 =	simm.s32 @p1 $0x9  }
0x19c: {  	_ =	swait.ge @p1 [sflag:s11], $0xC80  }
0x19d: {  	[sflag:s11] =	ssyncset.done @p1 $0x0  }
0x19e: {  	[sflag:s11] =	ssyncadd.s32 @p1 $0xFFFFF380;
	s11 =	simm.s32 @!p1 $0x9  }
0x19f: {  	[hbm:s23], [sflag:s16] =	dma.local @!p1 [spmem:s30], $0x1400  }
0x1a0: {  	_ =	swait.ge @!p1 [sflag:s11], $0x1400  }
0x1a1: {  	s14 =	sadd.s32 $0x1, s14;
	s30 =	rddreg [dreg:$0x13]  }
0x1a2: {  	p2 =	sne.s32 s14, s30  }
.Ltmp6:
0x1a3: {  	_ = 	snop;
	(pc) =	sbr.rel @p2 .LBB2_1-.Ltmp6, $3  }
0x1a4: {  	[sflag:s11] =	ssyncset.done @!p1 $0x0  }
0x1a5: {  	[sflag:s11] =	ssyncadd.s32 @!p1 $0xFFFFEC00  }
0x1a6: {  	[bflag:$0x0] =	sbarrier.arrive $0xFFFF;
	_ =	sdelay $0x1  }
0x1a7: {  	_ =	sfence.sel $0x180000  }
0x1a8: {  	[bflag:$0x0] =	sbarrier.arrive $0xFFFF  }
0x1a9: {  	_ =	strace $0x90000047  }
0x1aa: {  	s0 =	stileid.u32;
	[bflag:$0x2] =	sbarrier.arrive $0xFFFF  }
0x1ab: {  	p0 =	sne.s32 s0, $0x0;
	s0 =	rddreg [dreg:$0x4]  }
0x1ac: {  	s0 =	sadd.s32 @!p0 $0x100000, s0  }
0x1ad: {  	[sflag:s0] =	ssyncadd.tile.s32 @!p0 $0x1;
	_ =	shalt  }
.Lfunc_end2:
_tile_overlayer_lowered:
.L_overlay_start_2:
0x1ae: {  	(tag) =	ssettag $0x2  }
0x1af: {  	s0 =	rddreg [dreg:$0x0];
	s2 =	stileid.u32  }
0x1b0: {  	s1 =	rddreg [dreg:$0x1];
	p0 =	sne.s32 s2, $0x0  }
0x1b1: {  	s3 =	rddreg [dreg:$0x2];
	[bflag:$0x3] =	sbarrier.arrive $0xFFFF;
	s2 =	simm.s32 @!p0 $0x1C09  }
0x1b2: {  	[timem:s3], [sflag:s2] =	dma.local @!p0 [hbm:s0], s1  }
0x1b3: {  	s0 =	simm.s32 @!p0 $0x9  }
0x1b4: {  	_ =	swait.ge @!p0 [sflag:s0], s1  }
0x1b5: {  	s1 =	ssub.s32 @!p0 $0x0, s1;
	[sflag:s0] =	ssyncset.done @!p0 $0x0  }
0x1b6: {  	[sflag:s0] =	ssyncadd.s32 @!p0 s1  }
0x1b7: {  	[bflag:$0x3] =	sbarrier.arrive $0xFFFF  }
0x1b8: {  	_ =	shalt  }

</sc_bundles>
